<compile_context>
chip_gen: v7x
topology: tpu7x:2x2x1
jax: 0.10.2.dev20260603
libtpu: 0.0.44.dev20260713+nightly
codegen_flags: <defaults>
</compile_context>

<pallas_src>
import functools

import jax
import jax.numpy as jnp
from jax import lax
from jax.experimental import pallas as pl
from jax.experimental.pallas import tpu as pltpu
from jax.experimental.pallas import tpu_sc as plsc

N_NODES = 10000
N_EDGES = 320000
D = 128
N_LAYERS = 4
EPS_BN = 1e-5

NC, NS = 2, 16
NW = NC * NS
CH = 128
CPT = 80
E_PAD = NW * CPT * CH
N_ACC = N_NODES + CH
HALF = CPT // 2
RING = 2
R_CHUNK = 624
N_TRUNC = R_CHUNK * NS
R_TAIL = N_NODES - N_TRUNC


def _sc_segment_sum(h, src, dst, zinit):
    mesh = plsc.VectorSubcoreMesh(core_axis_name="c", subcore_axis_name="s")

    @functools.partial(
        pl.kernel,
        out_type=(jax.ShapeDtypeStruct((N_NODES, D), jnp.float32),
                  jax.ShapeDtypeStruct((N_NODES, D), jnp.float32)),
        mesh=mesh,
        scratch_types=[
            pltpu.VMEM_SHARED((N_ACC, D), jnp.float32),
            pltpu.VMEM((HALF, CH), jnp.int32),
            pltpu.VMEM((CPT, CH), jnp.int32),
            pltpu.VMEM((RING, CH, D), jnp.float32),
        ] + [pltpu.SemaphoreType.DMA] * RING,
    )
    def ksc(h_hbm, src_hbm, dst_hbm, zin_hbm, out0_hbm, out1_hbm,
            acc, sidx, didx, rows, *sems):
        c = lax.axis_index("c")
        s = lax.axis_index("s")
        r0 = s * R_CHUNK
        row0 = (c * NS + s) * CPT

        def fire(l, b):
            pltpu.async_copy(h_hbm.at[sidx.at[l]], rows.at[b], sems[b])

        pltpu.sync_copy(src_hbm.at[pl.ds(row0, HALF)], sidx)
        for b in range(RING):
            fire(b, b)

        pltpu.sync_copy(dst_hbm.at[pl.ds(row0, CPT)], didx)

        @pl.when(c == 0)
        def _():
            pltpu.sync_copy(h_hbm.at[pl.ds(r0, R_CHUNK)],
                            acc.at[pl.ds(r0, R_CHUNK)])

            @pl.when(s == 0)
            def _():
                pltpu.sync_copy(h_hbm.at[pl.ds(N_TRUNC, R_TAIL)],
                                acc.at[pl.ds(N_TRUNC, R_TAIL)])

        @pl.when(c != 0)
        def _():
            pltpu.sync_copy(zin_hbm.at[pl.ds(0, R_CHUNK)],
                            acc.at[pl.ds(r0, R_CHUNK)])

            @pl.when(s == 0)
            def _():
                pltpu.sync_copy(zin_hbm.at[pl.ds(0, R_TAIL)],
                                acc.at[pl.ds(N_TRUNC, R_TAIL)])

        plsc.subcore_barrier()

        for h in range(2):
            if h > 0:
                pltpu.sync_copy(src_hbm.at[pl.ds(row0 + h * HALF, HALF)],
                                sidx)
                for b in range(RING):
                    fire(b, b)

            @pl.loop(0, HALF, step=RING)
            def _(g):
                for b in range(RING):
                    l = g + b
                    pltpu.make_async_copy(h_hbm.at[sidx.at[l]],
                                          rows.at[b], sems[b]).wait()
                    pltpu.sync_copy(rows.at[b],
                                    acc.at[didx.at[h * HALF + l]], add=True)
                    nxt = l + RING

                    @pl.when(nxt < HALF)
                    def _():
                        fire(nxt, b)

        plsc.subcore_barrier()

        @pl.when(c == 0)
        def _():
            pltpu.sync_copy(acc.at[pl.ds(r0, R_CHUNK)],
                            out0_hbm.at[pl.ds(r0, R_CHUNK)])

            @pl.when(s == 0)
            def _():
                pltpu.sync_copy(acc.at[pl.ds(N_TRUNC, R_TAIL)],
                                out0_hbm.at[pl.ds(N_TRUNC, R_TAIL)])

        @pl.when(c != 0)
        def _():
            pltpu.sync_copy(acc.at[pl.ds(r0, R_CHUNK)],
                            out1_hbm.at[pl.ds(r0, R_CHUNK)])

            @pl.when(s == 0)
            def _():
                pltpu.sync_copy(acc.at[pl.ds(N_TRUNC, R_TAIL)],
                                out1_hbm.at[pl.ds(N_TRUNC, R_TAIL)])

    return ksc(h, src, dst, zinit)


def _tc_layer(p0, p1, W1, W2, g1, b1, g2, b2, pW, pb, score, last):
    if last:
        outs = jax.ShapeDtypeStruct((1, D), jnp.float32)
    else:
        outs = (jax.ShapeDtypeStruct((N_NODES, D), jnp.float32),
                jax.ShapeDtypeStruct((1, D), jnp.float32))

    def body(p0_r, p1_r, W1_r, W2_r, g1_r, b1_r, g2_r, b2_r, pW_r, pb_r,
             sc_r, *o):
        inv_n = 1.0 / N_NODES

        def bn_relu(t, g_r, b_r):
            mu = jnp.sum(t, axis=0, keepdims=True) * inv_n
            ex2 = jnp.sum(t * t, axis=0, keepdims=True) * inv_n
            a = g_r[...] * lax.rsqrt(ex2 - mu * mu + EPS_BN)
            return jnp.maximum(t * a + (b_r[...] - mu * a), 0.0)

        m = p0_r[...] + p1_r[...]
        y = jnp.dot(m, W1_r[...], preferred_element_type=jnp.float32)
        y = bn_relu(y, g1_r, b1_r)
        z = jnp.dot(y, W2_r[...], preferred_element_type=jnp.float32)
        hn = bn_relu(z, g2_r, b2_r)
        pooled = jnp.sum(hn, axis=0, keepdims=True)
        snew = (sc_r[...]
                + jnp.dot(pooled, pW_r[...], preferred_element_type=jnp.float32)
                + pb_r[...])
        if last:
            o[0][...] = snew
        else:
            o[0][...] = hn
            o[1][...] = snew

    return pl.pallas_call(body, out_shape=outs)(
        p0, p1, W1, W2, g1, b1, g2, b2, pW, pb, score)


def kernel(x, edge_index, fc1_W, fc2_W, bn1_gamma, bn1_beta,
           bn2_gamma, bn2_beta, pred_W, pred_b):
    pad_n = E_PAD - N_EDGES
    spread = jnp.arange(pad_n, dtype=jnp.int32) % CH
    src = jnp.concatenate(
        [edge_index[0].astype(jnp.int32), spread]).reshape(E_PAD // CH, CH)
    dst = jnp.concatenate(
        [edge_index[1].astype(jnp.int32),
         N_NODES + spread]).reshape(E_PAD // CH, CH)
    zinit = jnp.zeros((R_CHUNK, D), jnp.float32)
    score = jnp.zeros((1, D), jnp.float32)
    h = x
    for l in range(N_LAYERS):
        p0, p1 = _sc_segment_sum(h, src, dst, zinit)
        args = (p0, p1, fc1_W[l], fc2_W[l],
                bn1_gamma[l].reshape(1, D), bn1_beta[l].reshape(1, D),
                bn2_gamma[l].reshape(1, D), bn2_beta[l].reshape(1, D),
                pred_W[l], pred_b[l].reshape(1, D), score)
        if l < N_LAYERS - 1:
            h, score = _tc_layer(*args, last=False)
        else:
            score = _tc_layer(*args, last=True)
    return score

# --- scband reference (transcript-rebuilt; emitter-appended) ---
"""Pipeline reference for scband-gin-60997125538191 (READ-ONLY COPY).

The authoritative reference and input builder live on the scoring server;
editing this copy changes nothing except your own understanding.
"""

import jax, jax.numpy as jnp
import numpy as np

N_NODES = 10000
N_EDGES = 320000
D = 128
N_GIN_LAYERS = 4  # n_layers - 1
EPS_BN = 1e-5


def _batchnorm(h, gamma, beta):
    mu = jnp.mean(h, axis=0)
    var = jnp.var(h, axis=0)
    return gamma * (h - mu) / jnp.sqrt(var + EPS_BN) + beta


def setup_inputs(seed: int = 0) -> dict:
    key = jax.random.key(seed)
    ks = jax.random.split(key, 8)
    x = jax.random.normal(ks[0], (N_NODES, D), dtype=jnp.float32)
    edge_index = jax.random.randint(ks[1], (2, N_EDGES), 0, N_NODES, dtype=jnp.int64)
    fc1_W = jax.random.normal(ks[2], (N_GIN_LAYERS, D, D), dtype=jnp.float32) * 0.05
    fc2_W = jax.random.normal(ks[3], (N_GIN_LAYERS, D, D), dtype=jnp.float32) * 0.05
    bn1_gamma = jnp.ones((N_GIN_LAYERS, D), dtype=jnp.float32)
    bn1_beta = jnp.zeros((N_GIN_LAYERS, D), dtype=jnp.float32)
    bn2_gamma = jnp.ones((N_GIN_LAYERS, D), dtype=jnp.float32)
    bn2_beta = jnp.zeros((N_GIN_LAYERS, D), dtype=jnp.float32)
    pred_W = jax.random.normal(ks[4], (N_GIN_LAYERS, D, D), dtype=jnp.float32) * 0.05
    pred_b = jnp.zeros((N_GIN_LAYERS, D), dtype=jnp.float32)
    return {
        "x": x,
        "edge_index": edge_index,
        "fc1_W": fc1_W,
        "fc2_W": fc2_W,
        "bn1_gamma": bn1_gamma,
        "bn1_beta": bn1_beta,
        "bn2_gamma": bn2_gamma,
        "bn2_beta": bn2_beta,
        "pred_W": pred_W,
        "pred_b": pred_b,
    }


def reference(x, edge_index, fc1_W, fc2_W, bn1_gamma, bn1_beta, bn2_gamma, bn2_beta, pred_W, pred_b):
    N = x.shape[0]
    src = edge_index[0]
    dst = edge_index[1]
    h = x
    hidden_rep = []
    for l in range(N_GIN_LAYERS):
        # GINConv, learn_eps=False (eps=0), sum aggregation:
        # h_i' = MLP(h_i + sum_{j in N(i)} h_j)
        agg = jax.ops.segment_sum(h[src], dst, num_segments=N)
        m = h + agg
        # _MLP: fc1 (no bias) -> BN -> relu -> fc2 (no bias)
        m = m @ fc1_W[l]
        m = jnp.maximum(_batchnorm(m, bn1_gamma[l], bn1_beta[l]), 0.0)
        m = m @ fc2_W[l]
        # outer batch_norms[i] + relu
        h = jnp.maximum(_batchnorm(m, bn2_gamma[l], bn2_beta[l]), 0.0)
        hidden_rep.append(h)
    # score over layers: i > 0 only (hidden_rep here already excludes input h)
    score = jnp.zeros((1, pred_W.shape[2]), dtype=x.dtype)
    for i in range(N_GIN_LAYERS):
        pooled = jnp.sum(hidden_rep[i], axis=0, keepdims=True)  # SumPooling, single graph
        score = score + (pooled @ pred_W[i] + pred_b[i])  # dropout: eval-mode identity
    return score

if __name__ == "__main__":
    import jax
    _d = setup_inputs()
    print(jax.jit(kernel)(*tuple(_d.values())))

</pallas_src>

<mosaic_0001>
#map = affine_map<(d0, d1) -> (0, 0)>
module attributes {stable_mosaic.version = 14 : i64} {
  func.func @ksc(%arg0: i32, %arg1: i32, %arg2: memref<10000x128xf32, #tpu.memory_space<hbm>>, %arg3: memref<2560x128xi32, #tpu.memory_space<hbm>>, %arg4: memref<2560x128xi32, #tpu.memory_space<hbm>>, %arg5: memref<624x128xf32, #tpu.memory_space<hbm>>, %arg6: memref<10000x128xf32, #tpu.memory_space<hbm>>, %arg7: memref<10000x128xf32, #tpu.memory_space<hbm>>, %arg8: memref<10128x128xf32, #tpu.memory_space<vmem_shared>>, %arg9: memref<40x128xi32, #tpu.memory_space<vmem>>, %arg10: memref<80x128xi32, #tpu.memory_space<vmem>>, %arg11: memref<2x128x128xf32, #tpu.memory_space<vmem>>, %arg12: memref<!tpu.dma_semaphore, #tpu.memory_space<semaphore_mem>>, %arg13: memref<!tpu.dma_semaphore, #tpu.memory_space<semaphore_mem>>) attributes {dimension_semantics = [#tpu.dimension_semantics<core_parallel>, #tpu.dimension_semantics<subcore_parallel>], iteration_bounds = array<i64: 2, 16>, scalar_prefetch = 0 : i64, scratch_operands = 6 : i64, tpu.core_type = #tpu.core_type<sc_vector_subcore>, window_params = [{transform_indices = #map}, {transform_indices = #map}, {transform_indices = #map}, {transform_indices = #map}, {transform_indices = #map}, {transform_indices = #map}]} {
    %mul3A = arith.constant 624 : i32
    %mul3A_0 = arith.muli %arg1, %mul3A : i32
    %mul3A_1 = arith.constant 16 : i32
    %mul3A_2 = arith.muli %arg0, %mul3A_1 : i32
    %add3A = arith.addi %mul3A_2, %arg1 : i32
    %mul3A_3 = arith.constant 80 : i32
    %mul3A_4 = arith.muli %add3A, %mul3A_3 : i32
    "tpu.region"() ({
      %run_scoped3A = tpu.sem_alloc : memref<!tpu.dma_semaphore, #tpu.memory_space<semaphore_mem>>
      %dma_start3A_80 = arith.constant 0 : i32
      %dma_start3A_81 = tpu.memref_slice %arg3[%mul3A_4, %dma_start3A_80] : memref<2560x128xi32, #tpu.memory_space<hbm>> -> memref<40x128xi32, #tpu.memory_space<hbm>>
      %dma_start3A_82 = arith.constant 0 : i32
      %dma_start3A_83 = tpu.memref_slice %arg3[%mul3A_4, %dma_start3A_82] : memref<2560x128xi32, #tpu.memory_space<hbm>> -> memref<40x128xi32, #tpu.memory_space<hbm>>
      tpu.enqueue_dma source(%dma_start3A_83 : memref<40x128xi32, #tpu.memory_space<hbm>>) target(%arg9 : memref<40x128xi32, #tpu.memory_space<vmem>>) target_semaphore(%run_scoped3A : memref<!tpu.dma_semaphore, #tpu.memory_space<semaphore_mem>>)
      %dma_wait3A = arith.constant 0 : i32
      %dma_wait3A_84 = tpu.memref_slice %arg3[%mul3A_4, %dma_wait3A] : memref<2560x128xi32, #tpu.memory_space<hbm>> -> memref<40x128xi32, #tpu.memory_space<hbm>>
      %dma_wait3A_85 = arith.constant 0 : i32
      %dma_wait3A_86 = tpu.memref_slice %arg3[%mul3A_4, %dma_wait3A_85] : memref<2560x128xi32, #tpu.memory_space<hbm>> -> memref<40x128xi32, #tpu.memory_space<hbm>>
      tpu.wait_dma2 semaphore(%run_scoped3A : memref<!tpu.dma_semaphore, #tpu.memory_space<semaphore_mem>>) src(%dma_wait3A_86 : memref<40x128xi32, #tpu.memory_space<hbm>>) dst(%arg9 : memref<40x128xi32, #tpu.memory_space<vmem>>)
      tpu.yield
    }) : () -> ()
    %dma_start3A = arith.constant 0 : i32
    %dma_start3A_5 = arith.constant 0 : i32
    %dma_start3A_6 = arith.constant 0 : i32
    %dma_start3A_7 = arith.constant 0 : i32
    %dma_start3A_8 = tpu.memref_slice %arg11[%dma_start3A_5, %dma_start3A_6, %dma_start3A_7] : memref<2x128x128xf32, #tpu.memory_space<vmem>> -> memref<1x128x128xf32, #tpu.memory_space<vmem>>
    %dma_start3A_9 = tpu.memref_squeeze %dma_start3A_8 : memref<1x128x128xf32, #tpu.memory_space<vmem>> -> memref<128x128xf32, #tpu.memory_space<vmem>>
    %dma_start3A_10 = arith.constant 0 : i32
    %dma_start3A_11 = tpu.memref_slice %arg9[%dma_start3A, %dma_start3A_10] : memref<40x128xi32, #tpu.memory_space<vmem>> -> memref<1x128xi32, #tpu.memory_space<vmem>>
    %dma_start3A_12 = tpu.memref_squeeze %dma_start3A_11 : memref<1x128xi32, #tpu.memory_space<vmem>> -> memref<128xi32, #tpu.memory_space<vmem>>
    %dma_start3A_13 = arith.constant 0 : i32
    %dma_start3A_14 = arith.constant 0 : i32
    %dma_start3A_15 = tpu.memref_slice %arg2[%dma_start3A_13, %dma_start3A_14] : memref<10000x128xf32, #tpu.memory_space<hbm>> -> memref<10000x128xf32, #tpu.memory_space<hbm>>
    tpu.enqueue_indirect_dma source(%dma_start3A_15 : memref<10000x128xf32, #tpu.memory_space<hbm>>) target(%dma_start3A_9 : memref<128x128xf32, #tpu.memory_space<vmem>>) offsets(%dma_start3A_12 : memref<128xi32, #tpu.memory_space<vmem>>) semaphore(%arg12 : memref<!tpu.dma_semaphore, #tpu.memory_space<semaphore_mem>>)
    %dma_start3A_16 = arith.constant 1 : i32
    %dma_start3A_17 = arith.constant 1 : i32
    %dma_start3A_18 = arith.constant 0 : i32
    %dma_start3A_19 = arith.constant 0 : i32
    %dma_start3A_20 = tpu.memref_slice %arg11[%dma_start3A_17, %dma_start3A_18, %dma_start3A_19] : memref<2x128x128xf32, #tpu.memory_space<vmem>> -> memref<1x128x128xf32, #tpu.memory_space<vmem>>
    %dma_start3A_21 = tpu.memref_squeeze %dma_start3A_20 : memref<1x128x128xf32, #tpu.memory_space<vmem>> -> memref<128x128xf32, #tpu.memory_space<vmem>>
    %dma_start3A_22 = arith.constant 0 : i32
    %dma_start3A_23 = tpu.memref_slice %arg9[%dma_start3A_16, %dma_start3A_22] : memref<40x128xi32, #tpu.memory_space<vmem>> -> memref<1x128xi32, #tpu.memory_space<vmem>>
    %dma_start3A_24 = tpu.memref_squeeze %dma_start3A_23 : memref<1x128xi32, #tpu.memory_space<vmem>> -> memref<128xi32, #tpu.memory_space<vmem>>
    %dma_start3A_25 = arith.constant 0 : i32
    %dma_start3A_26 = arith.constant 0 : i32
    %dma_start3A_27 = tpu.memref_slice %arg2[%dma_start3A_25, %dma_start3A_26] : memref<10000x128xf32, #tpu.memory_space<hbm>> -> memref<10000x128xf32, #tpu.memory_space<hbm>>
    tpu.enqueue_indirect_dma source(%dma_start3A_27 : memref<10000x128xf32, #tpu.memory_space<hbm>>) target(%dma_start3A_21 : memref<128x128xf32, #tpu.memory_space<vmem>>) offsets(%dma_start3A_24 : memref<128xi32, #tpu.memory_space<vmem>>) semaphore(%arg13 : memref<!tpu.dma_semaphore, #tpu.memory_space<semaphore_mem>>)
    "tpu.region"() ({
      %run_scoped3A = tpu.sem_alloc : memref<!tpu.dma_semaphore, #tpu.memory_space<semaphore_mem>>
      %dma_start3A_80 = arith.constant 0 : i32
      %dma_start3A_81 = tpu.memref_slice %arg4[%mul3A_4, %dma_start3A_80] : memref<2560x128xi32, #tpu.memory_space<hbm>> -> memref<80x128xi32, #tpu.memory_space<hbm>>
      %dma_start3A_82 = arith.constant 0 : i32
      %dma_start3A_83 = tpu.memref_slice %arg4[%mul3A_4, %dma_start3A_82] : memref<2560x128xi32, #tpu.memory_space<hbm>> -> memref<80x128xi32, #tpu.memory_space<hbm>>
      tpu.enqueue_dma source(%dma_start3A_83 : memref<80x128xi32, #tpu.memory_space<hbm>>) target(%arg10 : memref<80x128xi32, #tpu.memory_space<vmem>>) target_semaphore(%run_scoped3A : memref<!tpu.dma_semaphore, #tpu.memory_space<semaphore_mem>>)
      %dma_wait3A = arith.constant 0 : i32
      %dma_wait3A_84 = tpu.memref_slice %arg4[%mul3A_4, %dma_wait3A] : memref<2560x128xi32, #tpu.memory_space<hbm>> -> memref<80x128xi32, #tpu.memory_space<hbm>>
      %dma_wait3A_85 = arith.constant 0 : i32
      %dma_wait3A_86 = tpu.memref_slice %arg4[%mul3A_4, %dma_wait3A_85] : memref<2560x128xi32, #tpu.memory_space<hbm>> -> memref<80x128xi32, #tpu.memory_space<hbm>>
      tpu.wait_dma2 semaphore(%run_scoped3A : memref<!tpu.dma_semaphore, #tpu.memory_space<semaphore_mem>>) src(%dma_wait3A_86 : memref<80x128xi32, #tpu.memory_space<hbm>>) dst(%arg10 : memref<80x128xi32, #tpu.memory_space<vmem>>)
      tpu.yield
    }) : () -> ()
    %eq3A = arith.constant 0 : i32
    %eq3A_28 = arith.cmpi eq, %arg0, %eq3A : i32
    %convert_element_type3A = arith.extui %eq3A_28 : i1 to i32
    %cond3A = arith.constant 0 : i32
    %cond3A_29 = arith.cmpi ne, %convert_element_type3A, %cond3A : i32
    scf.if %cond3A_29 {
      "tpu.region"() ({
        %run_scoped3A = tpu.sem_alloc : memref<!tpu.dma_semaphore, #tpu.memory_space<semaphore_mem>>
        %dma_start3A_85 = arith.constant 0 : i32
        %dma_start3A_86 = tpu.memref_slice %arg8[%mul3A_0, %dma_start3A_85] : memref<10128x128xf32, #tpu.memory_space<vmem_shared>> -> memref<624x128xf32, #tpu.memory_space<vmem_shared>>
        %dma_start3A_87 = arith.constant 0 : i32
        %dma_start3A_88 = tpu.memref_slice %arg2[%mul3A_0, %dma_start3A_87] : memref<10000x128xf32, #tpu.memory_space<hbm>> -> memref<624x128xf32, #tpu.memory_space<hbm>>
        tpu.enqueue_dma source(%dma_start3A_88 : memref<624x128xf32, #tpu.memory_space<hbm>>) target(%dma_start3A_86 : memref<624x128xf32, #tpu.memory_space<vmem_shared>>) target_semaphore(%run_scoped3A : memref<!tpu.dma_semaphore, #tpu.memory_space<semaphore_mem>>)
        %dma_wait3A = arith.constant 0 : i32
        %dma_wait3A_89 = tpu.memref_slice %arg8[%mul3A_0, %dma_wait3A] : memref<10128x128xf32, #tpu.memory_space<vmem_shared>> -> memref<624x128xf32, #tpu.memory_space<vmem_shared>>
        %dma_wait3A_90 = arith.constant 0 : i32
        %dma_wait3A_91 = tpu.memref_slice %arg2[%mul3A_0, %dma_wait3A_90] : memref<10000x128xf32, #tpu.memory_space<hbm>> -> memref<624x128xf32, #tpu.memory_space<hbm>>
        tpu.wait_dma2 semaphore(%run_scoped3A : memref<!tpu.dma_semaphore, #tpu.memory_space<semaphore_mem>>) src(%dma_wait3A_91 : memref<624x128xf32, #tpu.memory_space<hbm>>) dst(%dma_wait3A_89 : memref<624x128xf32, #tpu.memory_space<vmem_shared>>)
        tpu.yield
      }) : () -> ()
      %eq3A_80 = arith.constant 0 : i32
      %eq3A_81 = arith.cmpi eq, %arg1, %eq3A_80 : i32
      %convert_element_type3A_82 = arith.extui %eq3A_81 : i1 to i32
      %cond3A_83 = arith.constant 0 : i32
      %cond3A_84 = arith.cmpi ne, %convert_element_type3A_82, %cond3A_83 : i32
      scf.if %cond3A_84 {
        "tpu.region"() ({
          %run_scoped3A = tpu.sem_alloc : memref<!tpu.dma_semaphore, #tpu.memory_space<semaphore_mem>>
          %dma_start3A_85 = arith.constant 9984 : i32
          %dma_start3A_86 = arith.constant 0 : i32
          %dma_start3A_87 = tpu.memref_slice %arg8[%dma_start3A_85, %dma_start3A_86] : memref<10128x128xf32, #tpu.memory_space<vmem_shared>> -> memref<16x128xf32, #tpu.memory_space<vmem_shared>>
          %dma_start3A_88 = arith.constant 9984 : i32
          %dma_start3A_89 = arith.constant 0 : i32
          %dma_start3A_90 = tpu.memref_slice %arg2[%dma_start3A_88, %dma_start3A_89] : memref<10000x128xf32, #tpu.memory_space<hbm>> -> memref<16x128xf32, #tpu.memory_space<hbm>>
          tpu.enqueue_dma source(%dma_start3A_90 : memref<16x128xf32, #tpu.memory_space<hbm>>) target(%dma_start3A_87 : memref<16x128xf32, #tpu.memory_space<vmem_shared>>) target_semaphore(%run_scoped3A : memref<!tpu.dma_semaphore, #tpu.memory_space<semaphore_mem>>)
          %dma_wait3A = arith.constant 9984 : i32
          %dma_wait3A_91 = arith.constant 0 : i32
          %dma_wait3A_92 = tpu.memref_slice %arg8[%dma_wait3A, %dma_wait3A_91] : memref<10128x128xf32, #tpu.memory_space<vmem_shared>> -> memref<16x128xf32, #tpu.memory_space<vmem_shared>>
          %dma_wait3A_93 = arith.constant 9984 : i32
          %dma_wait3A_94 = arith.constant 0 : i32
          %dma_wait3A_95 = tpu.memref_slice %arg2[%dma_wait3A_93, %dma_wait3A_94] : memref<10000x128xf32, #tpu.memory_space<hbm>> -> memref<16x128xf32, #tpu.memory_space<hbm>>
          tpu.wait_dma2 semaphore(%run_scoped3A : memref<!tpu.dma_semaphore, #tpu.memory_space<semaphore_mem>>) src(%dma_wait3A_95 : memref<16x128xf32, #tpu.memory_space<hbm>>) dst(%dma_wait3A_92 : memref<16x128xf32, #tpu.memory_space<vmem_shared>>)
          tpu.yield
        }) : () -> ()
      } else {
      }
    } else {
    }
    %ne3A = arith.constant 0 : i32
    %ne3A_30 = arith.cmpi ne, %arg0, %ne3A : i32
    %convert_element_type3A_31 = arith.extui %ne3A_30 : i1 to i32
    %cond3A_32 = arith.constant 0 : i32
    %cond3A_33 = arith.cmpi ne, %convert_element_type3A_31, %cond3A_32 : i32
    scf.if %cond3A_33 {
      "tpu.region"() ({
        %run_scoped3A = tpu.sem_alloc : memref<!tpu.dma_semaphore, #tpu.memory_space<semaphore_mem>>
        %dma_start3A_85 = arith.constant 0 : i32
        %dma_start3A_86 = tpu.memref_slice %arg8[%mul3A_0, %dma_start3A_85] : memref<10128x128xf32, #tpu.memory_space<vmem_shared>> -> memref<624x128xf32, #tpu.memory_space<vmem_shared>>
        %dma_start3A_87 = arith.constant 0 : i32
        %dma_start3A_88 = arith.constant 0 : i32
        %dma_start3A_89 = tpu.memref_slice %arg5[%dma_start3A_87, %dma_start3A_88] : memref<624x128xf32, #tpu.memory_space<hbm>> -> memref<624x128xf32, #tpu.memory_space<hbm>>
        tpu.enqueue_dma source(%dma_start3A_89 : memref<624x128xf32, #tpu.memory_space<hbm>>) target(%dma_start3A_86 : memref<624x128xf32, #tpu.memory_space<vmem_shared>>) target_semaphore(%run_scoped3A : memref<!tpu.dma_semaphore, #tpu.memory_space<semaphore_mem>>)
        %dma_wait3A = arith.constant 0 : i32
        %dma_wait3A_90 = tpu.memref_slice %arg8[%mul3A_0, %dma_wait3A] : memref<10128x128xf32, #tpu.memory_space<vmem_shared>> -> memref<624x128xf32, #tpu.memory_space<vmem_shared>>
        %dma_wait3A_91 = arith.constant 0 : i32
        %dma_wait3A_92 = arith.constant 0 : i32
        %dma_wait3A_93 = tpu.memref_slice %arg5[%dma_wait3A_91, %dma_wait3A_92] : memref<624x128xf32, #tpu.memory_space<hbm>> -> memref<624x128xf32, #tpu.memory_space<hbm>>
        tpu.wait_dma2 semaphore(%run_scoped3A : memref<!tpu.dma_semaphore, #tpu.memory_space<semaphore_mem>>) src(%dma_wait3A_93 : memref<624x128xf32, #tpu.memory_space<hbm>>) dst(%dma_wait3A_90 : memref<624x128xf32, #tpu.memory_space<vmem_shared>>)
        tpu.yield
      }) : () -> ()
      %eq3A_80 = arith.constant 0 : i32
      %eq3A_81 = arith.cmpi eq, %arg1, %eq3A_80 : i32
      %convert_element_type3A_82 = arith.extui %eq3A_81 : i1 to i32
      %cond3A_83 = arith.constant 0 : i32
      %cond3A_84 = arith.cmpi ne, %convert_element_type3A_82, %cond3A_83 : i32
      scf.if %cond3A_84 {
        "tpu.region"() ({
          %run_scoped3A = tpu.sem_alloc : memref<!tpu.dma_semaphore, #tpu.memory_space<semaphore_mem>>
          %dma_start3A_85 = arith.constant 9984 : i32
          %dma_start3A_86 = arith.constant 0 : i32
          %dma_start3A_87 = tpu.memref_slice %arg8[%dma_start3A_85, %dma_start3A_86] : memref<10128x128xf32, #tpu.memory_space<vmem_shared>> -> memref<16x128xf32, #tpu.memory_space<vmem_shared>>
          %dma_start3A_88 = arith.constant 0 : i32
          %dma_start3A_89 = arith.constant 0 : i32
          %dma_start3A_90 = tpu.memref_slice %arg5[%dma_start3A_88, %dma_start3A_89] : memref<624x128xf32, #tpu.memory_space<hbm>> -> memref<16x128xf32, #tpu.memory_space<hbm>>
          tpu.enqueue_dma source(%dma_start3A_90 : memref<16x128xf32, #tpu.memory_space<hbm>>) target(%dma_start3A_87 : memref<16x128xf32, #tpu.memory_space<vmem_shared>>) target_semaphore(%run_scoped3A : memref<!tpu.dma_semaphore, #tpu.memory_space<semaphore_mem>>)
          %dma_wait3A = arith.constant 9984 : i32
          %dma_wait3A_91 = arith.constant 0 : i32
          %dma_wait3A_92 = tpu.memref_slice %arg8[%dma_wait3A, %dma_wait3A_91] : memref<10128x128xf32, #tpu.memory_space<vmem_shared>> -> memref<16x128xf32, #tpu.memory_space<vmem_shared>>
          %dma_wait3A_93 = arith.constant 0 : i32
          %dma_wait3A_94 = arith.constant 0 : i32
          %dma_wait3A_95 = tpu.memref_slice %arg5[%dma_wait3A_93, %dma_wait3A_94] : memref<624x128xf32, #tpu.memory_space<hbm>> -> memref<16x128xf32, #tpu.memory_space<hbm>>
          tpu.wait_dma2 semaphore(%run_scoped3A : memref<!tpu.dma_semaphore, #tpu.memory_space<semaphore_mem>>) src(%dma_wait3A_95 : memref<16x128xf32, #tpu.memory_space<hbm>>) dst(%dma_wait3A_92 : memref<16x128xf32, #tpu.memory_space<vmem_shared>>)
          tpu.yield
        }) : () -> ()
      } else {
      }
    } else {
    }
    %barrier3A = arith.constant 0 : index
    tpu.barrier barrier_id(%barrier3A)
    %scan3A = arith.constant 0 : i32
    %scan3A_34 = arith.constant 20 : i32
    %scan3A_35 = arith.addi %scan3A, %scan3A_34 : i32
    %scan3A_36 = arith.constant 1 : i32
    scf.for %scan3A_80 = %scan3A to %scan3A_35 step %scan3A_36  : i32 {
      %mul3A_81 = arith.constant 2 : i32
      %mul3A_82 = arith.muli %scan3A_80, %mul3A_81 : i32
      %add3A_83 = arith.constant 0 : i32
      %add3A_84 = arith.addi %add3A_83, %mul3A_82 : i32
      %add3A_85 = arith.constant 0 : i32
      %add3A_86 = arith.addi %add3A_84, %add3A_85 : i32
      %dma_wait3A = arith.constant 0 : i32
      %dma_wait3A_87 = arith.constant 0 : i32
      %dma_wait3A_88 = arith.constant 0 : i32
      %dma_wait3A_89 = tpu.memref_slice %arg11[%dma_wait3A, %dma_wait3A_87, %dma_wait3A_88] : memref<2x128x128xf32, #tpu.memory_space<vmem>> -> memref<1x128x128xf32, #tpu.memory_space<vmem>>
      %dma_wait3A_90 = tpu.memref_squeeze %dma_wait3A_89 : memref<1x128x128xf32, #tpu.memory_space<vmem>> -> memref<128x128xf32, #tpu.memory_space<vmem>>
      %dma_wait3A_91 = arith.constant 0 : i32
      %dma_wait3A_92 = tpu.memref_slice %arg9[%add3A_86, %dma_wait3A_91] : memref<40x128xi32, #tpu.memory_space<vmem>> -> memref<1x128xi32, #tpu.memory_space<vmem>>
      %dma_wait3A_93 = tpu.memref_squeeze %dma_wait3A_92 : memref<1x128xi32, #tpu.memory_space<vmem>> -> memref<128xi32, #tpu.memory_space<vmem>>
      %dma_wait3A_94 = arith.constant 0 : i32
      %dma_wait3A_95 = arith.constant 0 : i32
      %dma_wait3A_96 = tpu.memref_slice %arg2[%dma_wait3A_94, %dma_wait3A_95] : memref<10000x128xf32, #tpu.memory_space<hbm>> -> memref<10000x128xf32, #tpu.memory_space<hbm>>
      tpu.wait_indirect_dma semaphore(%arg12 : memref<!tpu.dma_semaphore, #tpu.memory_space<semaphore_mem>>) src(%dma_wait3A_96 : memref<10000x128xf32, #tpu.memory_space<hbm>>) dst(%dma_wait3A_90 : memref<128x128xf32, #tpu.memory_space<vmem>>)
      %add3A_97 = arith.constant 0 : i32
      %add3A_98 = arith.addi %add3A_97, %add3A_86 : i32
      %run_scoped3A = arith.constant 0 : i32
      "tpu.region"() ({
        %run_scoped3A_128 = tpu.sem_alloc : memref<!tpu.dma_semaphore, #tpu.memory_space<semaphore_mem>>
        %dma_start3A_129 = arith.constant 0 : i32
        %dma_start3A_130 = arith.constant 0 : i32
        %dma_start3A_131 = tpu.memref_slice %arg11[%run_scoped3A, %dma_start3A_129, %dma_start3A_130] : memref<2x128x128xf32, #tpu.memory_space<vmem>> -> memref<1x128x128xf32, #tpu.memory_space<vmem>>
        %dma_start3A_132 = tpu.memref_squeeze %dma_start3A_131 : memref<1x128x128xf32, #tpu.memory_space<vmem>> -> memref<128x128xf32, #tpu.memory_space<vmem>>
        %dma_start3A_133 = arith.constant 0 : i32
        %dma_start3A_134 = tpu.memref_slice %arg10[%add3A_98, %dma_start3A_133] : memref<80x128xi32, #tpu.memory_space<vmem>> -> memref<1x128xi32, #tpu.memory_space<vmem>>
        %dma_start3A_135 = tpu.memref_squeeze %dma_start3A_134 : memref<1x128xi32, #tpu.memory_space<vmem>> -> memref<128xi32, #tpu.memory_space<vmem>>
        %dma_start3A_136 = arith.constant 0 : i32
        %dma_start3A_137 = arith.constant 0 : i32
        %dma_start3A_138 = tpu.memref_slice %arg8[%dma_start3A_136, %dma_start3A_137] : memref<10128x128xf32, #tpu.memory_space<vmem_shared>> -> memref<10128x128xf32, #tpu.memory_space<vmem_shared>>
        tpu.enqueue_indirect_dma source(%dma_start3A_132 : memref<128x128xf32, #tpu.memory_space<vmem>>) target(%dma_start3A_138 : memref<10128x128xf32, #tpu.memory_space<vmem_shared>>) offsets(%dma_start3A_135 : memref<128xi32, #tpu.memory_space<vmem>>) semaphore(%run_scoped3A_128 : memref<!tpu.dma_semaphore, #tpu.memory_space<semaphore_mem>>) {add = true}
        %dma_wait3A_139 = arith.constant 0 : i32
        %dma_wait3A_140 = arith.constant 0 : i32
        %dma_wait3A_141 = tpu.memref_slice %arg11[%run_scoped3A, %dma_wait3A_139, %dma_wait3A_140] : memref<2x128x128xf32, #tpu.memory_space<vmem>> -> memref<1x128x128xf32, #tpu.memory_space<vmem>>
        %dma_wait3A_142 = tpu.memref_squeeze %dma_wait3A_141 : memref<1x128x128xf32, #tpu.memory_space<vmem>> -> memref<128x128xf32, #tpu.memory_space<vmem>>
        %dma_wait3A_143 = arith.constant 0 : i32
        %dma_wait3A_144 = tpu.memref_slice %arg10[%add3A_98, %dma_wait3A_143] : memref<80x128xi32, #tpu.memory_space<vmem>> -> memref<1x128xi32, #tpu.memory_space<vmem>>
        %dma_wait3A_145 = tpu.memref_squeeze %dma_wait3A_144 : memref<1x128xi32, #tpu.memory_space<vmem>> -> memref<128xi32, #tpu.memory_space<vmem>>
        %dma_wait3A_146 = arith.constant 0 : i32
        %dma_wait3A_147 = arith.constant 0 : i32
        %dma_wait3A_148 = tpu.memref_slice %arg8[%dma_wait3A_146, %dma_wait3A_147] : memref<10128x128xf32, #tpu.memory_space<vmem_shared>> -> memref<10128x128xf32, #tpu.memory_space<vmem_shared>>
        tpu.wait_indirect_dma semaphore(%run_scoped3A_128 : memref<!tpu.dma_semaphore, #tpu.memory_space<semaphore_mem>>) src(%dma_wait3A_142 : memref<128x128xf32, #tpu.memory_space<vmem>>) dst(%dma_wait3A_148 : memref<10128x128xf32, #tpu.memory_space<vmem_shared>>)
        tpu.yield
      }) : () -> ()
      %add3A_99 = arith.constant 2 : i32
      %add3A_100 = arith.addi %add3A_86, %add3A_99 : i32
      %lt3A = arith.constant 40 : i32
      %lt3A_101 = arith.cmpi slt, %add3A_100, %lt3A : i32
      %convert_element_type3A_102 = arith.extui %lt3A_101 : i1 to i32
      %cond3A_103 = arith.constant 0 : i32
      %cond3A_104 = arith.cmpi ne, %convert_element_type3A_102, %cond3A_103 : i32
      scf.if %cond3A_104 {
        %dma_start3A_128 = arith.constant 0 : i32
        %dma_start3A_129 = arith.constant 0 : i32
        %dma_start3A_130 = arith.constant 0 : i32
        %dma_start3A_131 = tpu.memref_slice %arg11[%dma_start3A_128, %dma_start3A_129, %dma_start3A_130] : memref<2x128x128xf32, #tpu.memory_space<vmem>> -> memref<1x128x128xf32, #tpu.memory_space<vmem>>
        %dma_start3A_132 = tpu.memref_squeeze %dma_start3A_131 : memref<1x128x128xf32, #tpu.memory_space<vmem>> -> memref<128x128xf32, #tpu.memory_space<vmem>>
        %dma_start3A_133 = arith.constant 0 : i32
        %dma_start3A_134 = tpu.memref_slice %arg9[%add3A_100, %dma_start3A_133] : memref<40x128xi32, #tpu.memory_space<vmem>> -> memref<1x128xi32, #tpu.memory_space<vmem>>
        %dma_start3A_135 = tpu.memref_squeeze %dma_start3A_134 : memref<1x128xi32, #tpu.memory_space<vmem>> -> memref<128xi32, #tpu.memory_space<vmem>>
        %dma_start3A_136 = arith.constant 0 : i32
        %dma_start3A_137 = arith.constant 0 : i32
        %dma_start3A_138 = tpu.memref_slice %arg2[%dma_start3A_136, %dma_start3A_137] : memref<10000x128xf32, #tpu.memory_space<hbm>> -> memref<10000x128xf32, #tpu.memory_space<hbm>>
        tpu.enqueue_indirect_dma source(%dma_start3A_138 : memref<10000x128xf32, #tpu.memory_space<hbm>>) target(%dma_start3A_132 : memref<128x128xf32, #tpu.memory_space<vmem>>) offsets(%dma_start3A_135 : memref<128xi32, #tpu.memory_space<vmem>>) semaphore(%arg12 : memref<!tpu.dma_semaphore, #tpu.memory_space<semaphore_mem>>)
      } else {
      }
      %add3A_105 = arith.constant 1 : i32
      %add3A_106 = arith.addi %add3A_84, %add3A_105 : i32
      %dma_wait3A_107 = arith.constant 1 : i32
      %dma_wait3A_108 = arith.constant 0 : i32
      %dma_wait3A_109 = arith.constant 0 : i32
      %dma_wait3A_110 = tpu.memref_slice %arg11[%dma_wait3A_107, %dma_wait3A_108, %dma_wait3A_109] : memref<2x128x128xf32, #tpu.memory_space<vmem>> -> memref<1x128x128xf32, #tpu.memory_space<vmem>>
      %dma_wait3A_111 = tpu.memref_squeeze %dma_wait3A_110 : memref<1x128x128xf32, #tpu.memory_space<vmem>> -> memref<128x128xf32, #tpu.memory_space<vmem>>
      %dma_wait3A_112 = arith.constant 0 : i32
      %dma_wait3A_113 = tpu.memref_slice %arg9[%add3A_106, %dma_wait3A_112] : memref<40x128xi32, #tpu.memory_space<vmem>> -> memref<1x128xi32, #tpu.memory_space<vmem>>
      %dma_wait3A_114 = tpu.memref_squeeze %dma_wait3A_113 : memref<1x128xi32, #tpu.memory_space<vmem>> -> memref<128xi32, #tpu.memory_space<vmem>>
      %dma_wait3A_115 = arith.constant 0 : i32
      %dma_wait3A_116 = arith.constant 0 : i32
      %dma_wait3A_117 = tpu.memref_slice %arg2[%dma_wait3A_115, %dma_wait3A_116] : memref<10000x128xf32, #tpu.memory_space<hbm>> -> memref<10000x128xf32, #tpu.memory_space<hbm>>
      tpu.wait_indirect_dma semaphore(%arg13 : memref<!tpu.dma_semaphore, #tpu.memory_space<semaphore_mem>>) src(%dma_wait3A_117 : memref<10000x128xf32, #tpu.memory_space<hbm>>) dst(%dma_wait3A_111 : memref<128x128xf32, #tpu.memory_space<vmem>>)
      %add3A_118 = arith.constant 0 : i32
      %add3A_119 = arith.addi %add3A_118, %add3A_106 : i32
      %run_scoped3A_120 = arith.constant 1 : i32
      "tpu.region"() ({
        %run_scoped3A_128 = tpu.sem_alloc : memref<!tpu.dma_semaphore, #tpu.memory_space<semaphore_mem>>
        %dma_start3A_129 = arith.constant 0 : i32
        %dma_start3A_130 = arith.constant 0 : i32
        %dma_start3A_131 = tpu.memref_slice %arg11[%run_scoped3A_120, %dma_start3A_129, %dma_start3A_130] : memref<2x128x128xf32, #tpu.memory_space<vmem>> -> memref<1x128x128xf32, #tpu.memory_space<vmem>>
        %dma_start3A_132 = tpu.memref_squeeze %dma_start3A_131 : memref<1x128x128xf32, #tpu.memory_space<vmem>> -> memref<128x128xf32, #tpu.memory_space<vmem>>
        %dma_start3A_133 = arith.constant 0 : i32
        %dma_start3A_134 = tpu.memref_slice %arg10[%add3A_119, %dma_start3A_133] : memref<80x128xi32, #tpu.memory_space<vmem>> -> memref<1x128xi32, #tpu.memory_space<vmem>>
        %dma_start3A_135 = tpu.memref_squeeze %dma_start3A_134 : memref<1x128xi32, #tpu.memory_space<vmem>> -> memref<128xi32, #tpu.memory_space<vmem>>
        %dma_start3A_136 = arith.constant 0 : i32
        %dma_start3A_137 = arith.constant 0 : i32
        %dma_start3A_138 = tpu.memref_slice %arg8[%dma_start3A_136, %dma_start3A_137] : memref<10128x128xf32, #tpu.memory_space<vmem_shared>> -> memref<10128x128xf32, #tpu.memory_space<vmem_shared>>
        tpu.enqueue_indirect_dma source(%dma_start3A_132 : memref<128x128xf32, #tpu.memory_space<vmem>>) target(%dma_start3A_138 : memref<10128x128xf32, #tpu.memory_space<vmem_shared>>) offsets(%dma_start3A_135 : memref<128xi32, #tpu.memory_space<vmem>>) semaphore(%run_scoped3A_128 : memref<!tpu.dma_semaphore, #tpu.memory_space<semaphore_mem>>) {add = true}
        %dma_wait3A_139 = arith.constant 0 : i32
        %dma_wait3A_140 = arith.constant 0 : i32
        %dma_wait3A_141 = tpu.memref_slice %arg11[%run_scoped3A_120, %dma_wait3A_139, %dma_wait3A_140] : memref<2x128x128xf32, #tpu.memory_space<vmem>> -> memref<1x128x128xf32, #tpu.memory_space<vmem>>
        %dma_wait3A_142 = tpu.memref_squeeze %dma_wait3A_141 : memref<1x128x128xf32, #tpu.memory_space<vmem>> -> memref<128x128xf32, #tpu.memory_space<vmem>>
        %dma_wait3A_143 = arith.constant 0 : i32
        %dma_wait3A_144 = tpu.memref_slice %arg10[%add3A_119, %dma_wait3A_143] : memref<80x128xi32, #tpu.memory_space<vmem>> -> memref<1x128xi32, #tpu.memory_space<vmem>>
        %dma_wait3A_145 = tpu.memref_squeeze %dma_wait3A_144 : memref<1x128xi32, #tpu.memory_space<vmem>> -> memref<128xi32, #tpu.memory_space<vmem>>
        %dma_wait3A_146 = arith.constant 0 : i32
        %dma_wait3A_147 = arith.constant 0 : i32
        %dma_wait3A_148 = tpu.memref_slice %arg8[%dma_wait3A_146, %dma_wait3A_147] : memref<10128x128xf32, #tpu.memory_space<vmem_shared>> -> memref<10128x128xf32, #tpu.memory_space<vmem_shared>>
        tpu.wait_indirect_dma semaphore(%run_scoped3A_128 : memref<!tpu.dma_semaphore, #tpu.memory_space<semaphore_mem>>) src(%dma_wait3A_142 : memref<128x128xf32, #tpu.memory_space<vmem>>) dst(%dma_wait3A_148 : memref<10128x128xf32, #tpu.memory_space<vmem_shared>>)
        tpu.yield
      }) : () -> ()
      %add3A_121 = arith.constant 2 : i32
      %add3A_122 = arith.addi %add3A_106, %add3A_121 : i32
      %lt3A_123 = arith.constant 40 : i32
      %lt3A_124 = arith.cmpi slt, %add3A_122, %lt3A_123 : i32
      %convert_element_type3A_125 = arith.extui %lt3A_124 : i1 to i32
      %cond3A_126 = arith.constant 0 : i32
      %cond3A_127 = arith.cmpi ne, %convert_element_type3A_125, %cond3A_126 : i32
      scf.if %cond3A_127 {
        %dma_start3A_128 = arith.constant 1 : i32
        %dma_start3A_129 = arith.constant 0 : i32
        %dma_start3A_130 = arith.constant 0 : i32
        %dma_start3A_131 = tpu.memref_slice %arg11[%dma_start3A_128, %dma_start3A_129, %dma_start3A_130] : memref<2x128x128xf32, #tpu.memory_space<vmem>> -> memref<1x128x128xf32, #tpu.memory_space<vmem>>
        %dma_start3A_132 = tpu.memref_squeeze %dma_start3A_131 : memref<1x128x128xf32, #tpu.memory_space<vmem>> -> memref<128x128xf32, #tpu.memory_space<vmem>>
        %dma_start3A_133 = arith.constant 0 : i32
        %dma_start3A_134 = tpu.memref_slice %arg9[%add3A_122, %dma_start3A_133] : memref<40x128xi32, #tpu.memory_space<vmem>> -> memref<1x128xi32, #tpu.memory_space<vmem>>
        %dma_start3A_135 = tpu.memref_squeeze %dma_start3A_134 : memref<1x128xi32, #tpu.memory_space<vmem>> -> memref<128xi32, #tpu.memory_space<vmem>>
        %dma_start3A_136 = arith.constant 0 : i32
        %dma_start3A_137 = arith.constant 0 : i32
        %dma_start3A_138 = tpu.memref_slice %arg2[%dma_start3A_136, %dma_start3A_137] : memref<10000x128xf32, #tpu.memory_space<hbm>> -> memref<10000x128xf32, #tpu.memory_space<hbm>>
        tpu.enqueue_indirect_dma source(%dma_start3A_138 : memref<10000x128xf32, #tpu.memory_space<hbm>>) target(%dma_start3A_132 : memref<128x128xf32, #tpu.memory_space<vmem>>) offsets(%dma_start3A_135 : memref<128xi32, #tpu.memory_space<vmem>>) semaphore(%arg13 : memref<!tpu.dma_semaphore, #tpu.memory_space<semaphore_mem>>)
      } else {
      }
    }
    %scan3A_37 = arith.constant 20 : i32
    %add3A_38 = arith.constant 40 : i32
    %add3A_39 = arith.addi %mul3A_4, %add3A_38 : i32
    "tpu.region"() ({
      %run_scoped3A = tpu.sem_alloc : memref<!tpu.dma_semaphore, #tpu.memory_space<semaphore_mem>>
      %dma_start3A_80 = arith.constant 0 : i32
      %dma_start3A_81 = tpu.memref_slice %arg3[%add3A_39, %dma_start3A_80] : memref<2560x128xi32, #tpu.memory_space<hbm>> -> memref<40x128xi32, #tpu.memory_space<hbm>>
      %dma_start3A_82 = arith.constant 0 : i32
      %dma_start3A_83 = tpu.memref_slice %arg3[%add3A_39, %dma_start3A_82] : memref<2560x128xi32, #tpu.memory_space<hbm>> -> memref<40x128xi32, #tpu.memory_space<hbm>>
      tpu.enqueue_dma source(%dma_start3A_83 : memref<40x128xi32, #tpu.memory_space<hbm>>) target(%arg9 : memref<40x128xi32, #tpu.memory_space<vmem>>) target_semaphore(%run_scoped3A : memref<!tpu.dma_semaphore, #tpu.memory_space<semaphore_mem>>)
      %dma_wait3A = arith.constant 0 : i32
      %dma_wait3A_84 = tpu.memref_slice %arg3[%add3A_39, %dma_wait3A] : memref<2560x128xi32, #tpu.memory_space<hbm>> -> memref<40x128xi32, #tpu.memory_space<hbm>>
      %dma_wait3A_85 = arith.constant 0 : i32
      %dma_wait3A_86 = tpu.memref_slice %arg3[%add3A_39, %dma_wait3A_85] : memref<2560x128xi32, #tpu.memory_space<hbm>> -> memref<40x128xi32, #tpu.memory_space<hbm>>
      tpu.wait_dma2 semaphore(%run_scoped3A : memref<!tpu.dma_semaphore, #tpu.memory_space<semaphore_mem>>) src(%dma_wait3A_86 : memref<40x128xi32, #tpu.memory_space<hbm>>) dst(%arg9 : memref<40x128xi32, #tpu.memory_space<vmem>>)
      tpu.yield
    }) : () -> ()
    %dma_start3A_40 = arith.constant 0 : i32
    %dma_start3A_41 = arith.constant 0 : i32
    %dma_start3A_42 = arith.constant 0 : i32
    %dma_start3A_43 = arith.constant 0 : i32
    %dma_start3A_44 = tpu.memref_slice %arg11[%dma_start3A_41, %dma_start3A_42, %dma_start3A_43] : memref<2x128x128xf32, #tpu.memory_space<vmem>> -> memref<1x128x128xf32, #tpu.memory_space<vmem>>
    %dma_start3A_45 = tpu.memref_squeeze %dma_start3A_44 : memref<1x128x128xf32, #tpu.memory_space<vmem>> -> memref<128x128xf32, #tpu.memory_space<vmem>>
    %dma_start3A_46 = arith.constant 0 : i32
    %dma_start3A_47 = tpu.memref_slice %arg9[%dma_start3A_40, %dma_start3A_46] : memref<40x128xi32, #tpu.memory_space<vmem>> -> memref<1x128xi32, #tpu.memory_space<vmem>>
    %dma_start3A_48 = tpu.memref_squeeze %dma_start3A_47 : memref<1x128xi32, #tpu.memory_space<vmem>> -> memref<128xi32, #tpu.memory_space<vmem>>
    %dma_start3A_49 = arith.constant 0 : i32
    %dma_start3A_50 = arith.constant 0 : i32
    %dma_start3A_51 = tpu.memref_slice %arg2[%dma_start3A_49, %dma_start3A_50] : memref<10000x128xf32, #tpu.memory_space<hbm>> -> memref<10000x128xf32, #tpu.memory_space<hbm>>
    tpu.enqueue_indirect_dma source(%dma_start3A_51 : memref<10000x128xf32, #tpu.memory_space<hbm>>) target(%dma_start3A_45 : memref<128x128xf32, #tpu.memory_space<vmem>>) offsets(%dma_start3A_48 : memref<128xi32, #tpu.memory_space<vmem>>) semaphore(%arg12 : memref<!tpu.dma_semaphore, #tpu.memory_space<semaphore_mem>>)
    %dma_start3A_52 = arith.constant 1 : i32
    %dma_start3A_53 = arith.constant 1 : i32
    %dma_start3A_54 = arith.constant 0 : i32
    %dma_start3A_55 = arith.constant 0 : i32
    %dma_start3A_56 = tpu.memref_slice %arg11[%dma_start3A_53, %dma_start3A_54, %dma_start3A_55] : memref<2x128x128xf32, #tpu.memory_space<vmem>> -> memref<1x128x128xf32, #tpu.memory_space<vmem>>
    %dma_start3A_57 = tpu.memref_squeeze %dma_start3A_56 : memref<1x128x128xf32, #tpu.memory_space<vmem>> -> memref<128x128xf32, #tpu.memory_space<vmem>>
    %dma_start3A_58 = arith.constant 0 : i32
    %dma_start3A_59 = tpu.memref_slice %arg9[%dma_start3A_52, %dma_start3A_58] : memref<40x128xi32, #tpu.memory_space<vmem>> -> memref<1x128xi32, #tpu.memory_space<vmem>>
    %dma_start3A_60 = tpu.memref_squeeze %dma_start3A_59 : memref<1x128xi32, #tpu.memory_space<vmem>> -> memref<128xi32, #tpu.memory_space<vmem>>
    %dma_start3A_61 = arith.constant 0 : i32
    %dma_start3A_62 = arith.constant 0 : i32
    %dma_start3A_63 = tpu.memref_slice %arg2[%dma_start3A_61, %dma_start3A_62] : memref<10000x128xf32, #tpu.memory_space<hbm>> -> memref<10000x128xf32, #tpu.memory_space<hbm>>
    tpu.enqueue_indirect_dma source(%dma_start3A_63 : memref<10000x128xf32, #tpu.memory_space<hbm>>) target(%dma_start3A_57 : memref<128x128xf32, #tpu.memory_space<vmem>>) offsets(%dma_start3A_60 : memref<128xi32, #tpu.memory_space<vmem>>) semaphore(%arg13 : memref<!tpu.dma_semaphore, #tpu.memory_space<semaphore_mem>>)
    %scan3A_64 = arith.constant 0 : i32
    %scan3A_65 = arith.constant 20 : i32
    %scan3A_66 = arith.addi %scan3A_64, %scan3A_65 : i32
    %scan3A_67 = arith.constant 1 : i32
    scf.for %scan3A_80 = %scan3A_64 to %scan3A_66 step %scan3A_67  : i32 {
      %mul3A_81 = arith.constant 2 : i32
      %mul3A_82 = arith.muli %scan3A_80, %mul3A_81 : i32
      %add3A_83 = arith.constant 0 : i32
      %add3A_84 = arith.addi %add3A_83, %mul3A_82 : i32
      %add3A_85 = arith.constant 0 : i32
      %add3A_86 = arith.addi %add3A_84, %add3A_85 : i32
      %dma_wait3A = arith.constant 0 : i32
      %dma_wait3A_87 = arith.constant 0 : i32
      %dma_wait3A_88 = arith.constant 0 : i32
      %dma_wait3A_89 = tpu.memref_slice %arg11[%dma_wait3A, %dma_wait3A_87, %dma_wait3A_88] : memref<2x128x128xf32, #tpu.memory_space<vmem>> -> memref<1x128x128xf32, #tpu.memory_space<vmem>>
      %dma_wait3A_90 = tpu.memref_squeeze %dma_wait3A_89 : memref<1x128x128xf32, #tpu.memory_space<vmem>> -> memref<128x128xf32, #tpu.memory_space<vmem>>
      %dma_wait3A_91 = arith.constant 0 : i32
      %dma_wait3A_92 = tpu.memref_slice %arg9[%add3A_86, %dma_wait3A_91] : memref<40x128xi32, #tpu.memory_space<vmem>> -> memref<1x128xi32, #tpu.memory_space<vmem>>
      %dma_wait3A_93 = tpu.memref_squeeze %dma_wait3A_92 : memref<1x128xi32, #tpu.memory_space<vmem>> -> memref<128xi32, #tpu.memory_space<vmem>>
      %dma_wait3A_94 = arith.constant 0 : i32
      %dma_wait3A_95 = arith.constant 0 : i32
      %dma_wait3A_96 = tpu.memref_slice %arg2[%dma_wait3A_94, %dma_wait3A_95] : memref<10000x128xf32, #tpu.memory_space<hbm>> -> memref<10000x128xf32, #tpu.memory_space<hbm>>
      tpu.wait_indirect_dma semaphore(%arg12 : memref<!tpu.dma_semaphore, #tpu.memory_space<semaphore_mem>>) src(%dma_wait3A_96 : memref<10000x128xf32, #tpu.memory_space<hbm>>) dst(%dma_wait3A_90 : memref<128x128xf32, #tpu.memory_space<vmem>>)
      %add3A_97 = arith.constant 40 : i32
      %add3A_98 = arith.addi %add3A_97, %add3A_86 : i32
      %run_scoped3A = arith.constant 0 : i32
      "tpu.region"() ({
        %run_scoped3A_128 = tpu.sem_alloc : memref<!tpu.dma_semaphore, #tpu.memory_space<semaphore_mem>>
        %dma_start3A_129 = arith.constant 0 : i32
        %dma_start3A_130 = arith.constant 0 : i32
        %dma_start3A_131 = tpu.memref_slice %arg11[%run_scoped3A, %dma_start3A_129, %dma_start3A_130] : memref<2x128x128xf32, #tpu.memory_space<vmem>> -> memref<1x128x128xf32, #tpu.memory_space<vmem>>
        %dma_start3A_132 = tpu.memref_squeeze %dma_start3A_131 : memref<1x128x128xf32, #tpu.memory_space<vmem>> -> memref<128x128xf32, #tpu.memory_space<vmem>>
        %dma_start3A_133 = arith.constant 0 : i32
        %dma_start3A_134 = tpu.memref_slice %arg10[%add3A_98, %dma_start3A_133] : memref<80x128xi32, #tpu.memory_space<vmem>> -> memref<1x128xi32, #tpu.memory_space<vmem>>
        %dma_start3A_135 = tpu.memref_squeeze %dma_start3A_134 : memref<1x128xi32, #tpu.memory_space<vmem>> -> memref<128xi32, #tpu.memory_space<vmem>>
        %dma_start3A_136 = arith.constant 0 : i32
        %dma_start3A_137 = arith.constant 0 : i32
        %dma_start3A_138 = tpu.memref_slice %arg8[%dma_start3A_136, %dma_start3A_137] : memref<10128x128xf32, #tpu.memory_space<vmem_shared>> -> memref<10128x128xf32, #tpu.memory_space<vmem_shared>>
        tpu.enqueue_indirect_dma source(%dma_start3A_132 : memref<128x128xf32, #tpu.memory_space<vmem>>) target(%dma_start3A_138 : memref<10128x128xf32, #tpu.memory_space<vmem_shared>>) offsets(%dma_start3A_135 : memref<128xi32, #tpu.memory_space<vmem>>) semaphore(%run_scoped3A_128 : memref<!tpu.dma_semaphore, #tpu.memory_space<semaphore_mem>>) {add = true}
        %dma_wait3A_139 = arith.constant 0 : i32
        %dma_wait3A_140 = arith.constant 0 : i32
        %dma_wait3A_141 = tpu.memref_slice %arg11[%run_scoped3A, %dma_wait3A_139, %dma_wait3A_140] : memref<2x128x128xf32, #tpu.memory_space<vmem>> -> memref<1x128x128xf32, #tpu.memory_space<vmem>>
        %dma_wait3A_142 = tpu.memref_squeeze %dma_wait3A_141 : memref<1x128x128xf32, #tpu.memory_space<vmem>> -> memref<128x128xf32, #tpu.memory_space<vmem>>
        %dma_wait3A_143 = arith.constant 0 : i32
        %dma_wait3A_144 = tpu.memref_slice %arg10[%add3A_98, %dma_wait3A_143] : memref<80x128xi32, #tpu.memory_space<vmem>> -> memref<1x128xi32, #tpu.memory_space<vmem>>
        %dma_wait3A_145 = tpu.memref_squeeze %dma_wait3A_144 : memref<1x128xi32, #tpu.memory_space<vmem>> -> memref<128xi32, #tpu.memory_space<vmem>>
        %dma_wait3A_146 = arith.constant 0 : i32
        %dma_wait3A_147 = arith.constant 0 : i32
        %dma_wait3A_148 = tpu.memref_slice %arg8[%dma_wait3A_146, %dma_wait3A_147] : memref<10128x128xf32, #tpu.memory_space<vmem_shared>> -> memref<10128x128xf32, #tpu.memory_space<vmem_shared>>
        tpu.wait_indirect_dma semaphore(%run_scoped3A_128 : memref<!tpu.dma_semaphore, #tpu.memory_space<semaphore_mem>>) src(%dma_wait3A_142 : memref<128x128xf32, #tpu.memory_space<vmem>>) dst(%dma_wait3A_148 : memref<10128x128xf32, #tpu.memory_space<vmem_shared>>)
        tpu.yield
      }) : () -> ()
      %add3A_99 = arith.constant 2 : i32
      %add3A_100 = arith.addi %add3A_86, %add3A_99 : i32
      %lt3A = arith.constant 40 : i32
      %lt3A_101 = arith.cmpi slt, %add3A_100, %lt3A : i32
      %convert_element_type3A_102 = arith.extui %lt3A_101 : i1 to i32
      %cond3A_103 = arith.constant 0 : i32
      %cond3A_104 = arith.cmpi ne, %convert_element_type3A_102, %cond3A_103 : i32
      scf.if %cond3A_104 {
        %dma_start3A_128 = arith.constant 0 : i32
        %dma_start3A_129 = arith.constant 0 : i32
        %dma_start3A_130 = arith.constant 0 : i32
        %dma_start3A_131 = tpu.memref_slice %arg11[%dma_start3A_128, %dma_start3A_129, %dma_start3A_130] : memref<2x128x128xf32, #tpu.memory_space<vmem>> -> memref<1x128x128xf32, #tpu.memory_space<vmem>>
        %dma_start3A_132 = tpu.memref_squeeze %dma_start3A_131 : memref<1x128x128xf32, #tpu.memory_space<vmem>> -> memref<128x128xf32, #tpu.memory_space<vmem>>
        %dma_start3A_133 = arith.constant 0 : i32
        %dma_start3A_134 = tpu.memref_slice %arg9[%add3A_100, %dma_start3A_133] : memref<40x128xi32, #tpu.memory_space<vmem>> -> memref<1x128xi32, #tpu.memory_space<vmem>>
        %dma_start3A_135 = tpu.memref_squeeze %dma_start3A_134 : memref<1x128xi32, #tpu.memory_space<vmem>> -> memref<128xi32, #tpu.memory_space<vmem>>
        %dma_start3A_136 = arith.constant 0 : i32
        %dma_start3A_137 = arith.constant 0 : i32
        %dma_start3A_138 = tpu.memref_slice %arg2[%dma_start3A_136, %dma_start3A_137] : memref<10000x128xf32, #tpu.memory_space<hbm>> -> memref<10000x128xf32, #tpu.memory_space<hbm>>
        tpu.enqueue_indirect_dma source(%dma_start3A_138 : memref<10000x128xf32, #tpu.memory_space<hbm>>) target(%dma_start3A_132 : memref<128x128xf32, #tpu.memory_space<vmem>>) offsets(%dma_start3A_135 : memref<128xi32, #tpu.memory_space<vmem>>) semaphore(%arg12 : memref<!tpu.dma_semaphore, #tpu.memory_space<semaphore_mem>>)
      } else {
      }
      %add3A_105 = arith.constant 1 : i32
      %add3A_106 = arith.addi %add3A_84, %add3A_105 : i32
      %dma_wait3A_107 = arith.constant 1 : i32
      %dma_wait3A_108 = arith.constant 0 : i32
      %dma_wait3A_109 = arith.constant 0 : i32
      %dma_wait3A_110 = tpu.memref_slice %arg11[%dma_wait3A_107, %dma_wait3A_108, %dma_wait3A_109] : memref<2x128x128xf32, #tpu.memory_space<vmem>> -> memref<1x128x128xf32, #tpu.memory_space<vmem>>
      %dma_wait3A_111 = tpu.memref_squeeze %dma_wait3A_110 : memref<1x128x128xf32, #tpu.memory_space<vmem>> -> memref<128x128xf32, #tpu.memory_space<vmem>>
      %dma_wait3A_112 = arith.constant 0 : i32
      %dma_wait3A_113 = tpu.memref_slice %arg9[%add3A_106, %dma_wait3A_112] : memref<40x128xi32, #tpu.memory_space<vmem>> -> memref<1x128xi32, #tpu.memory_space<vmem>>
      %dma_wait3A_114 = tpu.memref_squeeze %dma_wait3A_113 : memref<1x128xi32, #tpu.memory_space<vmem>> -> memref<128xi32, #tpu.memory_space<vmem>>
      %dma_wait3A_115 = arith.constant 0 : i32
      %dma_wait3A_116 = arith.constant 0 : i32
      %dma_wait3A_117 = tpu.memref_slice %arg2[%dma_wait3A_115, %dma_wait3A_116] : memref<10000x128xf32, #tpu.memory_space<hbm>> -> memref<10000x128xf32, #tpu.memory_space<hbm>>
      tpu.wait_indirect_dma semaphore(%arg13 : memref<!tpu.dma_semaphore, #tpu.memory_space<semaphore_mem>>) src(%dma_wait3A_117 : memref<10000x128xf32, #tpu.memory_space<hbm>>) dst(%dma_wait3A_111 : memref<128x128xf32, #tpu.memory_space<vmem>>)
      %add3A_118 = arith.constant 40 : i32
      %add3A_119 = arith.addi %add3A_118, %add3A_106 : i32
      %run_scoped3A_120 = arith.constant 1 : i32
      "tpu.region"() ({
        %run_scoped3A_128 = tpu.sem_alloc : memref<!tpu.dma_semaphore, #tpu.memory_space<semaphore_mem>>
        %dma_start3A_129 = arith.constant 0 : i32
        %dma_start3A_130 = arith.constant 0 : i32
        %dma_start3A_131 = tpu.memref_slice %arg11[%run_scoped3A_120, %dma_start3A_129, %dma_start3A_130] : memref<2x128x128xf32, #tpu.memory_space<vmem>> -> memref<1x128x128xf32, #tpu.memory_space<vmem>>
        %dma_start3A_132 = tpu.memref_squeeze %dma_start3A_131 : memref<1x128x128xf32, #tpu.memory_space<vmem>> -> memref<128x128xf32, #tpu.memory_space<vmem>>
        %dma_start3A_133 = arith.constant 0 : i32
        %dma_start3A_134 = tpu.memref_slice %arg10[%add3A_119, %dma_start3A_133] : memref<80x128xi32, #tpu.memory_space<vmem>> -> memref<1x128xi32, #tpu.memory_space<vmem>>
        %dma_start3A_135 = tpu.memref_squeeze %dma_start3A_134 : memref<1x128xi32, #tpu.memory_space<vmem>> -> memref<128xi32, #tpu.memory_space<vmem>>
        %dma_start3A_136 = arith.constant 0 : i32
        %dma_start3A_137 = arith.constant 0 : i32
        %dma_start3A_138 = tpu.memref_slice %arg8[%dma_start3A_136, %dma_start3A_137] : memref<10128x128xf32, #tpu.memory_space<vmem_shared>> -> memref<10128x128xf32, #tpu.memory_space<vmem_shared>>
        tpu.enqueue_indirect_dma source(%dma_start3A_132 : memref<128x128xf32, #tpu.memory_space<vmem>>) target(%dma_start3A_138 : memref<10128x128xf32, #tpu.memory_space<vmem_shared>>) offsets(%dma_start3A_135 : memref<128xi32, #tpu.memory_space<vmem>>) semaphore(%run_scoped3A_128 : memref<!tpu.dma_semaphore, #tpu.memory_space<semaphore_mem>>) {add = true}
        %dma_wait3A_139 = arith.constant 0 : i32
        %dma_wait3A_140 = arith.constant 0 : i32
        %dma_wait3A_141 = tpu.memref_slice %arg11[%run_scoped3A_120, %dma_wait3A_139, %dma_wait3A_140] : memref<2x128x128xf32, #tpu.memory_space<vmem>> -> memref<1x128x128xf32, #tpu.memory_space<vmem>>
        %dma_wait3A_142 = tpu.memref_squeeze %dma_wait3A_141 : memref<1x128x128xf32, #tpu.memory_space<vmem>> -> memref<128x128xf32, #tpu.memory_space<vmem>>
        %dma_wait3A_143 = arith.constant 0 : i32
        %dma_wait3A_144 = tpu.memref_slice %arg10[%add3A_119, %dma_wait3A_143] : memref<80x128xi32, #tpu.memory_space<vmem>> -> memref<1x128xi32, #tpu.memory_space<vmem>>
        %dma_wait3A_145 = tpu.memref_squeeze %dma_wait3A_144 : memref<1x128xi32, #tpu.memory_space<vmem>> -> memref<128xi32, #tpu.memory_space<vmem>>
        %dma_wait3A_146 = arith.constant 0 : i32
        %dma_wait3A_147 = arith.constant 0 : i32
        %dma_wait3A_148 = tpu.memref_slice %arg8[%dma_wait3A_146, %dma_wait3A_147] : memref<10128x128xf32, #tpu.memory_space<vmem_shared>> -> memref<10128x128xf32, #tpu.memory_space<vmem_shared>>
        tpu.wait_indirect_dma semaphore(%run_scoped3A_128 : memref<!tpu.dma_semaphore, #tpu.memory_space<semaphore_mem>>) src(%dma_wait3A_142 : memref<128x128xf32, #tpu.memory_space<vmem>>) dst(%dma_wait3A_148 : memref<10128x128xf32, #tpu.memory_space<vmem_shared>>)
        tpu.yield
      }) : () -> ()
      %add3A_121 = arith.constant 2 : i32
      %add3A_122 = arith.addi %add3A_106, %add3A_121 : i32
      %lt3A_123 = arith.constant 40 : i32
      %lt3A_124 = arith.cmpi slt, %add3A_122, %lt3A_123 : i32
      %convert_element_type3A_125 = arith.extui %lt3A_124 : i1 to i32
      %cond3A_126 = arith.constant 0 : i32
      %cond3A_127 = arith.cmpi ne, %convert_element_type3A_125, %cond3A_126 : i32
      scf.if %cond3A_127 {
        %dma_start3A_128 = arith.constant 1 : i32
        %dma_start3A_129 = arith.constant 0 : i32
        %dma_start3A_130 = arith.constant 0 : i32
        %dma_start3A_131 = tpu.memref_slice %arg11[%dma_start3A_128, %dma_start3A_129, %dma_start3A_130] : memref<2x128x128xf32, #tpu.memory_space<vmem>> -> memref<1x128x128xf32, #tpu.memory_space<vmem>>
        %dma_start3A_132 = tpu.memref_squeeze %dma_start3A_131 : memref<1x128x128xf32, #tpu.memory_space<vmem>> -> memref<128x128xf32, #tpu.memory_space<vmem>>
        %dma_start3A_133 = arith.constant 0 : i32
        %dma_start3A_134 = tpu.memref_slice %arg9[%add3A_122, %dma_start3A_133] : memref<40x128xi32, #tpu.memory_space<vmem>> -> memref<1x128xi32, #tpu.memory_space<vmem>>
        %dma_start3A_135 = tpu.memref_squeeze %dma_start3A_134 : memref<1x128xi32, #tpu.memory_space<vmem>> -> memref<128xi32, #tpu.memory_space<vmem>>
        %dma_start3A_136 = arith.constant 0 : i32
        %dma_start3A_137 = arith.constant 0 : i32
        %dma_start3A_138 = tpu.memref_slice %arg2[%dma_start3A_136, %dma_start3A_137] : memref<10000x128xf32, #tpu.memory_space<hbm>> -> memref<10000x128xf32, #tpu.memory_space<hbm>>
        tpu.enqueue_indirect_dma source(%dma_start3A_138 : memref<10000x128xf32, #tpu.memory_space<hbm>>) target(%dma_start3A_132 : memref<128x128xf32, #tpu.memory_space<vmem>>) offsets(%dma_start3A_135 : memref<128xi32, #tpu.memory_space<vmem>>) semaphore(%arg13 : memref<!tpu.dma_semaphore, #tpu.memory_space<semaphore_mem>>)
      } else {
      }
    }
    %scan3A_68 = arith.constant 20 : i32
    %barrier3A_69 = arith.constant 0 : index
    tpu.barrier barrier_id(%barrier3A_69)
    %eq3A_70 = arith.constant 0 : i32
    %eq3A_71 = arith.cmpi eq, %arg0, %eq3A_70 : i32
    %convert_element_type3A_72 = arith.extui %eq3A_71 : i1 to i32
    %cond3A_73 = arith.constant 0 : i32
    %cond3A_74 = arith.cmpi ne, %convert_element_type3A_72, %cond3A_73 : i32
    scf.if %cond3A_74 {
      "tpu.region"() ({
        %run_scoped3A = tpu.sem_alloc : memref<!tpu.dma_semaphore, #tpu.memory_space<semaphore_mem>>
        %dma_start3A_85 = arith.constant 0 : i32
        %dma_start3A_86 = tpu.memref_slice %arg6[%mul3A_0, %dma_start3A_85] : memref<10000x128xf32, #tpu.memory_space<hbm>> -> memref<624x128xf32, #tpu.memory_space<hbm>>
        %dma_start3A_87 = arith.constant 0 : i32
        %dma_start3A_88 = tpu.memref_slice %arg8[%mul3A_0, %dma_start3A_87] : memref<10128x128xf32, #tpu.memory_space<vmem_shared>> -> memref<624x128xf32, #tpu.memory_space<vmem_shared>>
        tpu.enqueue_dma source(%dma_start3A_88 : memref<624x128xf32, #tpu.memory_space<vmem_shared>>) target(%dma_start3A_86 : memref<624x128xf32, #tpu.memory_space<hbm>>) target_semaphore(%run_scoped3A : memref<!tpu.dma_semaphore, #tpu.memory_space<semaphore_mem>>)
        %dma_wait3A = arith.constant 0 : i32
        %dma_wait3A_89 = tpu.memref_slice %arg6[%mul3A_0, %dma_wait3A] : memref<10000x128xf32, #tpu.memory_space<hbm>> -> memref<624x128xf32, #tpu.memory_space<hbm>>
        %dma_wait3A_90 = arith.constant 0 : i32
        %dma_wait3A_91 = tpu.memref_slice %arg8[%mul3A_0, %dma_wait3A_90] : memref<10128x128xf32, #tpu.memory_space<vmem_shared>> -> memref<624x128xf32, #tpu.memory_space<vmem_shared>>
        tpu.wait_dma2 semaphore(%run_scoped3A : memref<!tpu.dma_semaphore, #tpu.memory_space<semaphore_mem>>) src(%dma_wait3A_91 : memref<624x128xf32, #tpu.memory_space<vmem_shared>>) dst(%dma_wait3A_89 : memref<624x128xf32, #tpu.memory_space<hbm>>)
        tpu.yield
      }) : () -> ()
      %eq3A_80 = arith.constant 0 : i32
      %eq3A_81 = arith.cmpi eq, %arg1, %eq3A_80 : i32
      %convert_element_type3A_82 = arith.extui %eq3A_81 : i1 to i32
      %cond3A_83 = arith.constant 0 : i32
      %cond3A_84 = arith.cmpi ne, %convert_element_type3A_82, %cond3A_83 : i32
      scf.if %cond3A_84 {
        "tpu.region"() ({
          %run_scoped3A = tpu.sem_alloc : memref<!tpu.dma_semaphore, #tpu.memory_space<semaphore_mem>>
          %dma_start3A_85 = arith.constant 9984 : i32
          %dma_start3A_86 = arith.constant 0 : i32
          %dma_start3A_87 = tpu.memref_slice %arg6[%dma_start3A_85, %dma_start3A_86] : memref<10000x128xf32, #tpu.memory_space<hbm>> -> memref<16x128xf32, #tpu.memory_space<hbm>>
          %dma_start3A_88 = arith.constant 9984 : i32
          %dma_start3A_89 = arith.constant 0 : i32
          %dma_start3A_90 = tpu.memref_slice %arg8[%dma_start3A_88, %dma_start3A_89] : memref<10128x128xf32, #tpu.memory_space<vmem_shared>> -> memref<16x128xf32, #tpu.memory_space<vmem_shared>>
          tpu.enqueue_dma source(%dma_start3A_90 : memref<16x128xf32, #tpu.memory_space<vmem_shared>>) target(%dma_start3A_87 : memref<16x128xf32, #tpu.memory_space<hbm>>) target_semaphore(%run_scoped3A : memref<!tpu.dma_semaphore, #tpu.memory_space<semaphore_mem>>)
          %dma_wait3A = arith.constant 9984 : i32
          %dma_wait3A_91 = arith.constant 0 : i32
          %dma_wait3A_92 = tpu.memref_slice %arg6[%dma_wait3A, %dma_wait3A_91] : memref<10000x128xf32, #tpu.memory_space<hbm>> -> memref<16x128xf32, #tpu.memory_space<hbm>>
          %dma_wait3A_93 = arith.constant 9984 : i32
          %dma_wait3A_94 = arith.constant 0 : i32
          %dma_wait3A_95 = tpu.memref_slice %arg8[%dma_wait3A_93, %dma_wait3A_94] : memref<10128x128xf32, #tpu.memory_space<vmem_shared>> -> memref<16x128xf32, #tpu.memory_space<vmem_shared>>
          tpu.wait_dma2 semaphore(%run_scoped3A : memref<!tpu.dma_semaphore, #tpu.memory_space<semaphore_mem>>) src(%dma_wait3A_95 : memref<16x128xf32, #tpu.memory_space<vmem_shared>>) dst(%dma_wait3A_92 : memref<16x128xf32, #tpu.memory_space<hbm>>)
          tpu.yield
        }) : () -> ()
      } else {
      }
    } else {
    }
    %ne3A_75 = arith.constant 0 : i32
    %ne3A_76 = arith.cmpi ne, %arg0, %ne3A_75 : i32
    %convert_element_type3A_77 = arith.extui %ne3A_76 : i1 to i32
    %cond3A_78 = arith.constant 0 : i32
    %cond3A_79 = arith.cmpi ne, %convert_element_type3A_77, %cond3A_78 : i32
    scf.if %cond3A_79 {
      "tpu.region"() ({
        %run_scoped3A = tpu.sem_alloc : memref<!tpu.dma_semaphore, #tpu.memory_space<semaphore_mem>>
        %dma_start3A_85 = arith.constant 0 : i32
        %dma_start3A_86 = tpu.memref_slice %arg7[%mul3A_0, %dma_start3A_85] : memref<10000x128xf32, #tpu.memory_space<hbm>> -> memref<624x128xf32, #tpu.memory_space<hbm>>
        %dma_start3A_87 = arith.constant 0 : i32
        %dma_start3A_88 = tpu.memref_slice %arg8[%mul3A_0, %dma_start3A_87] : memref<10128x128xf32, #tpu.memory_space<vmem_shared>> -> memref<624x128xf32, #tpu.memory_space<vmem_shared>>
        tpu.enqueue_dma source(%dma_start3A_88 : memref<624x128xf32, #tpu.memory_space<vmem_shared>>) target(%dma_start3A_86 : memref<624x128xf32, #tpu.memory_space<hbm>>) target_semaphore(%run_scoped3A : memref<!tpu.dma_semaphore, #tpu.memory_space<semaphore_mem>>)
        %dma_wait3A = arith.constant 0 : i32
        %dma_wait3A_89 = tpu.memref_slice %arg7[%mul3A_0, %dma_wait3A] : memref<10000x128xf32, #tpu.memory_space<hbm>> -> memref<624x128xf32, #tpu.memory_space<hbm>>
        %dma_wait3A_90 = arith.constant 0 : i32
        %dma_wait3A_91 = tpu.memref_slice %arg8[%mul3A_0, %dma_wait3A_90] : memref<10128x128xf32, #tpu.memory_space<vmem_shared>> -> memref<624x128xf32, #tpu.memory_space<vmem_shared>>
        tpu.wait_dma2 semaphore(%run_scoped3A : memref<!tpu.dma_semaphore, #tpu.memory_space<semaphore_mem>>) src(%dma_wait3A_91 : memref<624x128xf32, #tpu.memory_space<vmem_shared>>) dst(%dma_wait3A_89 : memref<624x128xf32, #tpu.memory_space<hbm>>)
        tpu.yield
      }) : () -> ()
      %eq3A_80 = arith.constant 0 : i32
      %eq3A_81 = arith.cmpi eq, %arg1, %eq3A_80 : i32
      %convert_element_type3A_82 = arith.extui %eq3A_81 : i1 to i32
      %cond3A_83 = arith.constant 0 : i32
      %cond3A_84 = arith.cmpi ne, %convert_element_type3A_82, %cond3A_83 : i32
      scf.if %cond3A_84 {
        "tpu.region"() ({
          %run_scoped3A = tpu.sem_alloc : memref<!tpu.dma_semaphore, #tpu.memory_space<semaphore_mem>>
          %dma_start3A_85 = arith.constant 9984 : i32
          %dma_start3A_86 = arith.constant 0 : i32
          %dma_start3A_87 = tpu.memref_slice %arg7[%dma_start3A_85, %dma_start3A_86] : memref<10000x128xf32, #tpu.memory_space<hbm>> -> memref<16x128xf32, #tpu.memory_space<hbm>>
          %dma_start3A_88 = arith.constant 9984 : i32
          %dma_start3A_89 = arith.constant 0 : i32
          %dma_start3A_90 = tpu.memref_slice %arg8[%dma_start3A_88, %dma_start3A_89] : memref<10128x128xf32, #tpu.memory_space<vmem_shared>> -> memref<16x128xf32, #tpu.memory_space<vmem_shared>>
          tpu.enqueue_dma source(%dma_start3A_90 : memref<16x128xf32, #tpu.memory_space<vmem_shared>>) target(%dma_start3A_87 : memref<16x128xf32, #tpu.memory_space<hbm>>) target_semaphore(%run_scoped3A : memref<!tpu.dma_semaphore, #tpu.memory_space<semaphore_mem>>)
          %dma_wait3A = arith.constant 9984 : i32
          %dma_wait3A_91 = arith.constant 0 : i32
          %dma_wait3A_92 = tpu.memref_slice %arg7[%dma_wait3A, %dma_wait3A_91] : memref<10000x128xf32, #tpu.memory_space<hbm>> -> memref<16x128xf32, #tpu.memory_space<hbm>>
          %dma_wait3A_93 = arith.constant 9984 : i32
          %dma_wait3A_94 = arith.constant 0 : i32
          %dma_wait3A_95 = tpu.memref_slice %arg8[%dma_wait3A_93, %dma_wait3A_94] : memref<10128x128xf32, #tpu.memory_space<vmem_shared>> -> memref<16x128xf32, #tpu.memory_space<vmem_shared>>
          tpu.wait_dma2 semaphore(%run_scoped3A : memref<!tpu.dma_semaphore, #tpu.memory_space<semaphore_mem>>) src(%dma_wait3A_95 : memref<16x128xf32, #tpu.memory_space<vmem_shared>>) dst(%dma_wait3A_92 : memref<16x128xf32, #tpu.memory_space<hbm>>)
          tpu.yield
        }) : () -> ()
      } else {
      }
    } else {
    }
    return
  }
}

#map = affine_map<(d0, d1) -> (0, 0)>
module attributes {stable_mosaic.version = 14 : i64} {
  func.func @ksc(%arg0: i32, %arg1: i32, %arg2: memref<10000x128xf32, #tpu.memory_space<hbm>>, %arg3: memref<2560x128xi32, #tpu.memory_space<hbm>>, %arg4: memref<2560x128xi32, #tpu.memory_space<hbm>>, %arg5: memref<624x128xf32, #tpu.memory_space<hbm>>, %arg6: memref<10000x128xf32, #tpu.memory_space<hbm>>, %arg7: memref<10000x128xf32, #tpu.memory_space<hbm>>, %arg8: memref<10128x128xf32, #tpu.memory_space<vmem_shared>>, %arg9: memref<40x128xi32, #tpu.memory_space<vmem>>, %arg10: memref<80x128xi32, #tpu.memory_space<vmem>>, %arg11: memref<2x128x128xf32, #tpu.memory_space<vmem>>, %arg12: memref<!tpu.dma_semaphore, #tpu.memory_space<semaphore_mem>>, %arg13: memref<!tpu.dma_semaphore, #tpu.memory_space<semaphore_mem>>) attributes {dimension_semantics = [#tpu.dimension_semantics<core_parallel>, #tpu.dimension_semantics<subcore_parallel>], iteration_bounds = array<i64: 2, 16>, scalar_prefetch = 0 : i64, scratch_operands = 6 : i64, tpu.core_type = #tpu.core_type<sc_vector_subcore>, window_params = [{transform_indices = #map}, {transform_indices = #map}, {transform_indices = #map}, {transform_indices = #map}, {transform_indices = #map}, {transform_indices = #map}]} {
    %mul3A = arith.constant 624 : i32
    %mul3A_0 = arith.muli %arg1, %mul3A : i32
    %mul3A_1 = arith.constant 16 : i32
    %mul3A_2 = arith.muli %arg0, %mul3A_1 : i32
    %add3A = arith.addi %mul3A_2, %arg1 : i32
    %mul3A_3 = arith.constant 80 : i32
    %mul3A_4 = arith.muli %add3A, %mul3A_3 : i32
    "tpu.region"() ({
      %run_scoped3A = tpu.sem_alloc : memref<!tpu.dma_semaphore, #tpu.memory_space<semaphore_mem>>
      %dma_start3A_80 = arith.constant 0 : i32
      %dma_start3A_81 = tpu.memref_slice %arg3[%mul3A_4, %dma_start3A_80] : memref<2560x128xi32, #tpu.memory_space<hbm>> -> memref<40x128xi32, #tpu.memory_space<hbm>>
      %dma_start3A_82 = arith.constant 0 : i32
      %dma_start3A_83 = tpu.memref_slice %arg3[%mul3A_4, %dma_start3A_82] : memref<2560x128xi32, #tpu.memory_space<hbm>> -> memref<40x128xi32, #tpu.memory_space<hbm>>
      tpu.enqueue_dma source(%dma_start3A_83 : memref<40x128xi32, #tpu.memory_space<hbm>>) target(%arg9 : memref<40x128xi32, #tpu.memory_space<vmem>>) target_semaphore(%run_scoped3A : memref<!tpu.dma_semaphore, #tpu.memory_space<semaphore_mem>>)
      %dma_wait3A = arith.constant 0 : i32
      %dma_wait3A_84 = tpu.memref_slice %arg3[%mul3A_4, %dma_wait3A] : memref<2560x128xi32, #tpu.memory_space<hbm>> -> memref<40x128xi32, #tpu.memory_space<hbm>>
      %dma_wait3A_85 = arith.constant 0 : i32
      %dma_wait3A_86 = tpu.memref_slice %arg3[%mul3A_4, %dma_wait3A_85] : memref<2560x128xi32, #tpu.memory_space<hbm>> -> memref<40x128xi32, #tpu.memory_space<hbm>>
      tpu.wait_dma2 semaphore(%run_scoped3A : memref<!tpu.dma_semaphore, #tpu.memory_space<semaphore_mem>>) src(%dma_wait3A_86 : memref<40x128xi32, #tpu.memory_space<hbm>>) dst(%arg9 : memref<40x128xi32, #tpu.memory_space<vmem>>)
      tpu.yield
    }) : () -> ()
    %dma_start3A = arith.constant 0 : i32
    %dma_start3A_5 = arith.constant 0 : i32
    %dma_start3A_6 = arith.constant 0 : i32
    %dma_start3A_7 = arith.constant 0 : i32
    %dma_start3A_8 = tpu.memref_slice %arg11[%dma_start3A_5, %dma_start3A_6, %dma_start3A_7] : memref<2x128x128xf32, #tpu.memory_space<vmem>> -> memref<1x128x128xf32, #tpu.memory_space<vmem>>
    %dma_start3A_9 = tpu.memref_squeeze %dma_start3A_8 : memref<1x128x128xf32, #tpu.memory_space<vmem>> -> memref<128x128xf32, #tpu.memory_space<vmem>>
    %dma_start3A_10 = arith.constant 0 : i32
    %dma_start3A_11 = tpu.memref_slice %arg9[%dma_start3A, %dma_start3A_10] : memref<40x128xi32, #tpu.memory_space<vmem>> -> memref<1x128xi32, #tpu.memory_space<vmem>>
    %dma_start3A_12 = tpu.memref_squeeze %dma_start3A_11 : memref<1x128xi32, #tpu.memory_space<vmem>> -> memref<128xi32, #tpu.memory_space<vmem>>
    %dma_start3A_13 = arith.constant 0 : i32
    %dma_start3A_14 = arith.constant 0 : i32
    %dma_start3A_15 = tpu.memref_slice %arg2[%dma_start3A_13, %dma_start3A_14] : memref<10000x128xf32, #tpu.memory_space<hbm>> -> memref<10000x128xf32, #tpu.memory_space<hbm>>
    tpu.enqueue_indirect_dma source(%dma_start3A_15 : memref<10000x128xf32, #tpu.memory_space<hbm>>) target(%dma_start3A_9 : memref<128x128xf32, #tpu.memory_space<vmem>>) offsets(%dma_start3A_12 : memref<128xi32, #tpu.memory_space<vmem>>) semaphore(%arg12 : memref<!tpu.dma_semaphore, #tpu.memory_space<semaphore_mem>>)
    %dma_start3A_16 = arith.constant 1 : i32
    %dma_start3A_17 = arith.constant 1 : i32
    %dma_start3A_18 = arith.constant 0 : i32
    %dma_start3A_19 = arith.constant 0 : i32
    %dma_start3A_20 = tpu.memref_slice %arg11[%dma_start3A_17, %dma_start3A_18, %dma_start3A_19] : memref<2x128x128xf32, #tpu.memory_space<vmem>> -> memref<1x128x128xf32, #tpu.memory_space<vmem>>
    %dma_start3A_21 = tpu.memref_squeeze %dma_start3A_20 : memref<1x128x128xf32, #tpu.memory_space<vmem>> -> memref<128x128xf32, #tpu.memory_space<vmem>>
    %dma_start3A_22 = arith.constant 0 : i32
    %dma_start3A_23 = tpu.memref_slice %arg9[%dma_start3A_16, %dma_start3A_22] : memref<40x128xi32, #tpu.memory_space<vmem>> -> memref<1x128xi32, #tpu.memory_space<vmem>>
    %dma_start3A_24 = tpu.memref_squeeze %dma_start3A_23 : memref<1x128xi32, #tpu.memory_space<vmem>> -> memref<128xi32, #tpu.memory_space<vmem>>
    %dma_start3A_25 = arith.constant 0 : i32
    %dma_start3A_26 = arith.constant 0 : i32
    %dma_start3A_27 = tpu.memref_slice %arg2[%dma_start3A_25, %dma_start3A_26] : memref<10000x128xf32, #tpu.memory_space<hbm>> -> memref<10000x128xf32, #tpu.memory_space<hbm>>
    tpu.enqueue_indirect_dma source(%dma_start3A_27 : memref<10000x128xf32, #tpu.memory_space<hbm>>) target(%dma_start3A_21 : memref<128x128xf32, #tpu.memory_space<vmem>>) offsets(%dma_start3A_24 : memref<128xi32, #tpu.memory_space<vmem>>) semaphore(%arg13 : memref<!tpu.dma_semaphore, #tpu.memory_space<semaphore_mem>>)
    "tpu.region"() ({
      %run_scoped3A = tpu.sem_alloc : memref<!tpu.dma_semaphore, #tpu.memory_space<semaphore_mem>>
      %dma_start3A_80 = arith.constant 0 : i32
      %dma_start3A_81 = tpu.memref_slice %arg4[%mul3A_4, %dma_start3A_80] : memref<2560x128xi32, #tpu.memory_space<hbm>> -> memref<80x128xi32, #tpu.memory_space<hbm>>
      %dma_start3A_82 = arith.constant 0 : i32
      %dma_start3A_83 = tpu.memref_slice %arg4[%mul3A_4, %dma_start3A_82] : memref<2560x128xi32, #tpu.memory_space<hbm>> -> memref<80x128xi32, #tpu.memory_space<hbm>>
      tpu.enqueue_dma source(%dma_start3A_83 : memref<80x128xi32, #tpu.memory_space<hbm>>) target(%arg10 : memref<80x128xi32, #tpu.memory_space<vmem>>) target_semaphore(%run_scoped3A : memref<!tpu.dma_semaphore, #tpu.memory_space<semaphore_mem>>)
      %dma_wait3A = arith.constant 0 : i32
      %dma_wait3A_84 = tpu.memref_slice %arg4[%mul3A_4, %dma_wait3A] : memref<2560x128xi32, #tpu.memory_space<hbm>> -> memref<80x128xi32, #tpu.memory_space<hbm>>
      %dma_wait3A_85 = arith.constant 0 : i32
      %dma_wait3A_86 = tpu.memref_slice %arg4[%mul3A_4, %dma_wait3A_85] : memref<2560x128xi32, #tpu.memory_space<hbm>> -> memref<80x128xi32, #tpu.memory_space<hbm>>
      tpu.wait_dma2 semaphore(%run_scoped3A : memref<!tpu.dma_semaphore, #tpu.memory_space<semaphore_mem>>) src(%dma_wait3A_86 : memref<80x128xi32, #tpu.memory_space<hbm>>) dst(%arg10 : memref<80x128xi32, #tpu.memory_space<vmem>>)
      tpu.yield
    }) : () -> ()
    %eq3A = arith.constant 0 : i32
    %eq3A_28 = arith.cmpi eq, %arg0, %eq3A : i32
    %convert_element_type3A = arith.extui %eq3A_28 : i1 to i32
    %cond3A = arith.constant 0 : i32
    %cond3A_29 = arith.cmpi ne, %convert_element_type3A, %cond3A : i32
    scf.if %cond3A_29 {
      "tpu.region"() ({
        %run_scoped3A = tpu.sem_alloc : memref<!tpu.dma_semaphore, #tpu.memory_space<semaphore_mem>>
        %dma_start3A_85 = arith.constant 0 : i32
        %dma_start3A_86 = tpu.memref_slice %arg8[%mul3A_0, %dma_start3A_85] : memref<10128x128xf32, #tpu.memory_space<vmem_shared>> -> memref<624x128xf32, #tpu.memory_space<vmem_shared>>
        %dma_start3A_87 = arith.constant 0 : i32
        %dma_start3A_88 = tpu.memref_slice %arg2[%mul3A_0, %dma_start3A_87] : memref<10000x128xf32, #tpu.memory_space<hbm>> -> memref<624x128xf32, #tpu.memory_space<hbm>>
        tpu.enqueue_dma source(%dma_start3A_88 : memref<624x128xf32, #tpu.memory_space<hbm>>) target(%dma_start3A_86 : memref<624x128xf32, #tpu.memory_space<vmem_shared>>) target_semaphore(%run_scoped3A : memref<!tpu.dma_semaphore, #tpu.memory_space<semaphore_mem>>)
        %dma_wait3A = arith.constant 0 : i32
        %dma_wait3A_89 = tpu.memref_slice %arg8[%mul3A_0, %dma_wait3A] : memref<10128x128xf32, #tpu.memory_space<vmem_shared>> -> memref<624x128xf32, #tpu.memory_space<vmem_shared>>
        %dma_wait3A_90 = arith.constant 0 : i32
        %dma_wait3A_91 = tpu.memref_slice %arg2[%mul3A_0, %dma_wait3A_90] : memref<10000x128xf32, #tpu.memory_space<hbm>> -> memref<624x128xf32, #tpu.memory_space<hbm>>
        tpu.wait_dma2 semaphore(%run_scoped3A : memref<!tpu.dma_semaphore, #tpu.memory_space<semaphore_mem>>) src(%dma_wait3A_91 : memref<624x128xf32, #tpu.memory_space<hbm>>) dst(%dma_wait3A_89 : memref<624x128xf32, #tpu.memory_space<vmem_shared>>)
        tpu.yield
      }) : () -> ()
      %eq3A_80 = arith.constant 0 : i32
      %eq3A_81 = arith.cmpi eq, %arg1, %eq3A_80 : i32
      %convert_element_type3A_82 = arith.extui %eq3A_81 : i1 to i32
      %cond3A_83 = arith.constant 0 : i32
      %cond3A_84 = arith.cmpi ne, %convert_element_type3A_82, %cond3A_83 : i32
      scf.if %cond3A_84 {
        "tpu.region"() ({
          %run_scoped3A = tpu.sem_alloc : memref<!tpu.dma_semaphore, #tpu.memory_space<semaphore_mem>>
          %dma_start3A_85 = arith.constant 9984 : i32
          %dma_start3A_86 = arith.constant 0 : i32
          %dma_start3A_87 = tpu.memref_slice %arg8[%dma_start3A_85, %dma_start3A_86] : memref<10128x128xf32, #tpu.memory_space<vmem_shared>> -> memref<16x128xf32, #tpu.memory_space<vmem_shared>>
          %dma_start3A_88 = arith.constant 9984 : i32
          %dma_start3A_89 = arith.constant 0 : i32
          %dma_start3A_90 = tpu.memref_slice %arg2[%dma_start3A_88, %dma_start3A_89] : memref<10000x128xf32, #tpu.memory_space<hbm>> -> memref<16x128xf32, #tpu.memory_space<hbm>>
          tpu.enqueue_dma source(%dma_start3A_90 : memref<16x128xf32, #tpu.memory_space<hbm>>) target(%dma_start3A_87 : memref<16x128xf32, #tpu.memory_space<vmem_shared>>) target_semaphore(%run_scoped3A : memref<!tpu.dma_semaphore, #tpu.memory_space<semaphore_mem>>)
          %dma_wait3A = arith.constant 9984 : i32
          %dma_wait3A_91 = arith.constant 0 : i32
          %dma_wait3A_92 = tpu.memref_slice %arg8[%dma_wait3A, %dma_wait3A_91] : memref<10128x128xf32, #tpu.memory_space<vmem_shared>> -> memref<16x128xf32, #tpu.memory_space<vmem_shared>>
          %dma_wait3A_93 = arith.constant 9984 : i32
          %dma_wait3A_94 = arith.constant 0 : i32
          %dma_wait3A_95 = tpu.memref_slice %arg2[%dma_wait3A_93, %dma_wait3A_94] : memref<10000x128xf32, #tpu.memory_space<hbm>> -> memref<16x128xf32, #tpu.memory_space<hbm>>
          tpu.wait_dma2 semaphore(%run_scoped3A : memref<!tpu.dma_semaphore, #tpu.memory_space<semaphore_mem>>) src(%dma_wait3A_95 : memref<16x128xf32, #tpu.memory_space<hbm>>) dst(%dma_wait3A_92 : memref<16x128xf32, #tpu.memory_space<vmem_shared>>)
          tpu.yield
        }) : () -> ()
      } else {
      }
    } else {
    }
    %ne3A = arith.constant 0 : i32
    %ne3A_30 = arith.cmpi ne, %arg0, %ne3A : i32
    %convert_element_type3A_31 = arith.extui %ne3A_30 : i1 to i32
    %cond3A_32 = arith.constant 0 : i32
    %cond3A_33 = arith.cmpi ne, %convert_element_type3A_31, %cond3A_32 : i32
    scf.if %cond3A_33 {
      "tpu.region"() ({
        %run_scoped3A = tpu.sem_alloc : memref<!tpu.dma_semaphore, #tpu.memory_space<semaphore_mem>>
        %dma_start3A_85 = arith.constant 0 : i32
        %dma_start3A_86 = tpu.memref_slice %arg8[%mul3A_0, %dma_start3A_85] : memref<10128x128xf32, #tpu.memory_space<vmem_shared>> -> memref<624x128xf32, #tpu.memory_space<vmem_shared>>
        %dma_start3A_87 = arith.constant 0 : i32
        %dma_start3A_88 = arith.constant 0 : i32
        %dma_start3A_89 = tpu.memref_slice %arg5[%dma_start3A_87, %dma_start3A_88] : memref<624x128xf32, #tpu.memory_space<hbm>> -> memref<624x128xf32, #tpu.memory_space<hbm>>
        tpu.enqueue_dma source(%dma_start3A_89 : memref<624x128xf32, #tpu.memory_space<hbm>>) target(%dma_start3A_86 : memref<624x128xf32, #tpu.memory_space<vmem_shared>>) target_semaphore(%run_scoped3A : memref<!tpu.dma_semaphore, #tpu.memory_space<semaphore_mem>>)
        %dma_wait3A = arith.constant 0 : i32
        %dma_wait3A_90 = tpu.memref_slice %arg8[%mul3A_0, %dma_wait3A] : memref<10128x128xf32, #tpu.memory_space<vmem_shared>> -> memref<624x128xf32, #tpu.memory_space<vmem_shared>>
        %dma_wait3A_91 = arith.constant 0 : i32
        %dma_wait3A_92 = arith.constant 0 : i32
        %dma_wait3A_93 = tpu.memref_slice %arg5[%dma_wait3A_91, %dma_wait3A_92] : memref<624x128xf32, #tpu.memory_space<hbm>> -> memref<624x128xf32, #tpu.memory_space<hbm>>
        tpu.wait_dma2 semaphore(%run_scoped3A : memref<!tpu.dma_semaphore, #tpu.memory_space<semaphore_mem>>) src(%dma_wait3A_93 : memref<624x128xf32, #tpu.memory_space<hbm>>) dst(%dma_wait3A_90 : memref<624x128xf32, #tpu.memory_space<vmem_shared>>)
        tpu.yield
      }) : () -> ()
      %eq3A_80 = arith.constant 0 : i32
      %eq3A_81 = arith.cmpi eq, %arg1, %eq3A_80 : i32
      %convert_element_type3A_82 = arith.extui %eq3A_81 : i1 to i32
      %cond3A_83 = arith.constant 0 : i32
      %cond3A_84 = arith.cmpi ne, %convert_element_type3A_82, %cond3A_83 : i32
      scf.if %cond3A_84 {
        "tpu.region"() ({
          %run_scoped3A = tpu.sem_alloc : memref<!tpu.dma_semaphore, #tpu.memory_space<semaphore_mem>>
          %dma_start3A_85 = arith.constant 9984 : i32
          %dma_start3A_86 = arith.constant 0 : i32
          %dma_start3A_87 = tpu.memref_slice %arg8[%dma_start3A_85, %dma_start3A_86] : memref<10128x128xf32, #tpu.memory_space<vmem_shared>> -> memref<16x128xf32, #tpu.memory_space<vmem_shared>>
          %dma_start3A_88 = arith.constant 0 : i32
          %dma_start3A_89 = arith.constant 0 : i32
          %dma_start3A_90 = tpu.memref_slice %arg5[%dma_start3A_88, %dma_start3A_89] : memref<624x128xf32, #tpu.memory_space<hbm>> -> memref<16x128xf32, #tpu.memory_space<hbm>>
          tpu.enqueue_dma source(%dma_start3A_90 : memref<16x128xf32, #tpu.memory_space<hbm>>) target(%dma_start3A_87 : memref<16x128xf32, #tpu.memory_space<vmem_shared>>) target_semaphore(%run_scoped3A : memref<!tpu.dma_semaphore, #tpu.memory_space<semaphore_mem>>)
          %dma_wait3A = arith.constant 9984 : i32
          %dma_wait3A_91 = arith.constant 0 : i32
          %dma_wait3A_92 = tpu.memref_slice %arg8[%dma_wait3A, %dma_wait3A_91] : memref<10128x128xf32, #tpu.memory_space<vmem_shared>> -> memref<16x128xf32, #tpu.memory_space<vmem_shared>>
          %dma_wait3A_93 = arith.constant 0 : i32
          %dma_wait3A_94 = arith.constant 0 : i32
          %dma_wait3A_95 = tpu.memref_slice %arg5[%dma_wait3A_93, %dma_wait3A_94] : memref<624x128xf32, #tpu.memory_space<hbm>> -> memref<16x128xf32, #tpu.memory_space<hbm>>
          tpu.wait_dma2 semaphore(%run_scoped3A : memref<!tpu.dma_semaphore, #tpu.memory_space<semaphore_mem>>) src(%dma_wait3A_95 : memref<16x128xf32, #tpu.memory_space<hbm>>) dst(%dma_wait3A_92 : memref<16x128xf32, #tpu.memory_space<vmem_shared>>)
          tpu.yield
        }) : () -> ()
      } else {
      }
    } else {
    }
    %barrier3A = arith.constant 0 : index
    tpu.barrier barrier_id(%barrier3A)
    %scan3A = arith.constant 0 : i32
    %scan3A_34 = arith.constant 20 : i32
    %scan3A_35 = arith.addi %scan3A, %scan3A_34 : i32
    %scan3A_36 = arith.constant 1 : i32
    scf.for %scan3A_80 = %scan3A to %scan3A_35 step %scan3A_36  : i32 {
      %mul3A_81 = arith.constant 2 : i32
      %mul3A_82 = arith.muli %scan3A_80, %mul3A_81 : i32
      %add3A_83 = arith.constant 0 : i32
      %add3A_84 = arith.addi %add3A_83, %mul3A_82 : i32
      %add3A_85 = arith.constant 0 : i32
      %add3A_86 = arith.addi %add3A_84, %add3A_85 : i32
      %dma_wait3A = arith.constant 0 : i32
      %dma_wait3A_87 = arith.constant 0 : i32
      %dma_wait3A_88 = arith.constant 0 : i32
      %dma_wait3A_89 = tpu.memref_slice %arg11[%dma_wait3A, %dma_wait3A_87, %dma_wait3A_88] : memref<2x128x128xf32, #tpu.memory_space<vmem>> -> memref<1x128x128xf32, #tpu.memory_space<vmem>>
      %dma_wait3A_90 = tpu.memref_squeeze %dma_wait3A_89 : memref<1x128x128xf32, #tpu.memory_space<vmem>> -> memref<128x128xf32, #tpu.memory_space<vmem>>
      %dma_wait3A_91 = arith.constant 0 : i32
      %dma_wait3A_92 = tpu.memref_slice %arg9[%add3A_86, %dma_wait3A_91] : memref<40x128xi32, #tpu.memory_space<vmem>> -> memref<1x128xi32, #tpu.memory_space<vmem>>
      %dma_wait3A_93 = tpu.memref_squeeze %dma_wait3A_92 : memref<1x128xi32, #tpu.memory_space<vmem>> -> memref<128xi32, #tpu.memory_space<vmem>>
      %dma_wait3A_94 = arith.constant 0 : i32
      %dma_wait3A_95 = arith.constant 0 : i32
      %dma_wait3A_96 = tpu.memref_slice %arg2[%dma_wait3A_94, %dma_wait3A_95] : memref<10000x128xf32, #tpu.memory_space<hbm>> -> memref<10000x128xf32, #tpu.memory_space<hbm>>
      tpu.wait_indirect_dma semaphore(%arg12 : memref<!tpu.dma_semaphore, #tpu.memory_space<semaphore_mem>>) src(%dma_wait3A_96 : memref<10000x128xf32, #tpu.memory_space<hbm>>) dst(%dma_wait3A_90 : memref<128x128xf32, #tpu.memory_space<vmem>>)
      %add3A_97 = arith.constant 0 : i32
      %add3A_98 = arith.addi %add3A_97, %add3A_86 : i32
      %run_scoped3A = arith.constant 0 : i32
      "tpu.region"() ({
        %run_scoped3A_128 = tpu.sem_alloc : memref<!tpu.dma_semaphore, #tpu.memory_space<semaphore_mem>>
        %dma_start3A_129 = arith.constant 0 : i32
        %dma_start3A_130 = arith.constant 0 : i32
        %dma_start3A_131 = tpu.memref_slice %arg11[%run_scoped3A, %dma_start3A_129, %dma_start3A_130] : memref<2x128x128xf32, #tpu.memory_space<vmem>> -> memref<1x128x128xf32, #tpu.memory_space<vmem>>
        %dma_start3A_132 = tpu.memref_squeeze %dma_start3A_131 : memref<1x128x128xf32, #tpu.memory_space<vmem>> -> memref<128x128xf32, #tpu.memory_space<vmem>>
        %dma_start3A_133 = arith.constant 0 : i32
        %dma_start3A_134 = tpu.memref_slice %arg10[%add3A_98, %dma_start3A_133] : memref<80x128xi32, #tpu.memory_space<vmem>> -> memref<1x128xi32, #tpu.memory_space<vmem>>
        %dma_start3A_135 = tpu.memref_squeeze %dma_start3A_134 : memref<1x128xi32, #tpu.memory_space<vmem>> -> memref<128xi32, #tpu.memory_space<vmem>>
        %dma_start3A_136 = arith.constant 0 : i32
        %dma_start3A_137 = arith.constant 0 : i32
        %dma_start3A_138 = tpu.memref_slice %arg8[%dma_start3A_136, %dma_start3A_137] : memref<10128x128xf32, #tpu.memory_space<vmem_shared>> -> memref<10128x128xf32, #tpu.memory_space<vmem_shared>>
        tpu.enqueue_indirect_dma source(%dma_start3A_132 : memref<128x128xf32, #tpu.memory_space<vmem>>) target(%dma_start3A_138 : memref<10128x128xf32, #tpu.memory_space<vmem_shared>>) offsets(%dma_start3A_135 : memref<128xi32, #tpu.memory_space<vmem>>) semaphore(%run_scoped3A_128 : memref<!tpu.dma_semaphore, #tpu.memory_space<semaphore_mem>>) {add = true}
        %dma_wait3A_139 = arith.constant 0 : i32
        %dma_wait3A_140 = arith.constant 0 : i32
        %dma_wait3A_141 = tpu.memref_slice %arg11[%run_scoped3A, %dma_wait3A_139, %dma_wait3A_140] : memref<2x128x128xf32, #tpu.memory_space<vmem>> -> memref<1x128x128xf32, #tpu.memory_space<vmem>>
        %dma_wait3A_142 = tpu.memref_squeeze %dma_wait3A_141 : memref<1x128x128xf32, #tpu.memory_space<vmem>> -> memref<128x128xf32, #tpu.memory_space<vmem>>
        %dma_wait3A_143 = arith.constant 0 : i32
        %dma_wait3A_144 = tpu.memref_slice %arg10[%add3A_98, %dma_wait3A_143] : memref<80x128xi32, #tpu.memory_space<vmem>> -> memref<1x128xi32, #tpu.memory_space<vmem>>
        %dma_wait3A_145 = tpu.memref_squeeze %dma_wait3A_144 : memref<1x128xi32, #tpu.memory_space<vmem>> -> memref<128xi32, #tpu.memory_space<vmem>>
        %dma_wait3A_146 = arith.constant 0 : i32
        %dma_wait3A_147 = arith.constant 0 : i32
        %dma_wait3A_148 = tpu.memref_slice %arg8[%dma_wait3A_146, %dma_wait3A_147] : memref<10128x128xf32, #tpu.memory_space<vmem_shared>> -> memref<10128x128xf32, #tpu.memory_space<vmem_shared>>
        tpu.wait_indirect_dma semaphore(%run_scoped3A_128 : memref<!tpu.dma_semaphore, #tpu.memory_space<semaphore_mem>>) src(%dma_wait3A_142 : memref<128x128xf32, #tpu.memory_space<vmem>>) dst(%dma_wait3A_148 : memref<10128x128xf32, #tpu.memory_space<vmem_shared>>)
        tpu.yield
      }) : () -> ()
      %add3A_99 = arith.constant 2 : i32
      %add3A_100 = arith.addi %add3A_86, %add3A_99 : i32
      %lt3A = arith.constant 40 : i32
      %lt3A_101 = arith.cmpi slt, %add3A_100, %lt3A : i32
      %convert_element_type3A_102 = arith.extui %lt3A_101 : i1 to i32
      %cond3A_103 = arith.constant 0 : i32
      %cond3A_104 = arith.cmpi ne, %convert_element_type3A_102, %cond3A_103 : i32
      scf.if %cond3A_104 {
        %dma_start3A_128 = arith.constant 0 : i32
        %dma_start3A_129 = arith.constant 0 : i32
        %dma_start3A_130 = arith.constant 0 : i32
        %dma_start3A_131 = tpu.memref_slice %arg11[%dma_start3A_128, %dma_start3A_129, %dma_start3A_130] : memref<2x128x128xf32, #tpu.memory_space<vmem>> -> memref<1x128x128xf32, #tpu.memory_space<vmem>>
        %dma_start3A_132 = tpu.memref_squeeze %dma_start3A_131 : memref<1x128x128xf32, #tpu.memory_space<vmem>> -> memref<128x128xf32, #tpu.memory_space<vmem>>
        %dma_start3A_133 = arith.constant 0 : i32
        %dma_start3A_134 = tpu.memref_slice %arg9[%add3A_100, %dma_start3A_133] : memref<40x128xi32, #tpu.memory_space<vmem>> -> memref<1x128xi32, #tpu.memory_space<vmem>>
        %dma_start3A_135 = tpu.memref_squeeze %dma_start3A_134 : memref<1x128xi32, #tpu.memory_space<vmem>> -> memref<128xi32, #tpu.memory_space<vmem>>
        %dma_start3A_136 = arith.constant 0 : i32
        %dma_start3A_137 = arith.constant 0 : i32
        %dma_start3A_138 = tpu.memref_slice %arg2[%dma_start3A_136, %dma_start3A_137] : memref<10000x128xf32, #tpu.memory_space<hbm>> -> memref<10000x128xf32, #tpu.memory_space<hbm>>
        tpu.enqueue_indirect_dma source(%dma_start3A_138 : memref<10000x128xf32, #tpu.memory_space<hbm>>) target(%dma_start3A_132 : memref<128x128xf32, #tpu.memory_space<vmem>>) offsets(%dma_start3A_135 : memref<128xi32, #tpu.memory_space<vmem>>) semaphore(%arg12 : memref<!tpu.dma_semaphore, #tpu.memory_space<semaphore_mem>>)
      } else {
      }
      %add3A_105 = arith.constant 1 : i32
      %add3A_106 = arith.addi %add3A_84, %add3A_105 : i32
      %dma_wait3A_107 = arith.constant 1 : i32
      %dma_wait3A_108 = arith.constant 0 : i32
      %dma_wait3A_109 = arith.constant 0 : i32
      %dma_wait3A_110 = tpu.memref_slice %arg11[%dma_wait3A_107, %dma_wait3A_108, %dma_wait3A_109] : memref<2x128x128xf32, #tpu.memory_space<vmem>> -> memref<1x128x128xf32, #tpu.memory_space<vmem>>
      %dma_wait3A_111 = tpu.memref_squeeze %dma_wait3A_110 : memref<1x128x128xf32, #tpu.memory_space<vmem>> -> memref<128x128xf32, #tpu.memory_space<vmem>>
      %dma_wait3A_112 = arith.constant 0 : i32
      %dma_wait3A_113 = tpu.memref_slice %arg9[%add3A_106, %dma_wait3A_112] : memref<40x128xi32, #tpu.memory_space<vmem>> -> memref<1x128xi32, #tpu.memory_space<vmem>>
      %dma_wait3A_114 = tpu.memref_squeeze %dma_wait3A_113 : memref<1x128xi32, #tpu.memory_space<vmem>> -> memref<128xi32, #tpu.memory_space<vmem>>
      %dma_wait3A_115 = arith.constant 0 : i32
      %dma_wait3A_116 = arith.constant 0 : i32
      %dma_wait3A_117 = tpu.memref_slice %arg2[%dma_wait3A_115, %dma_wait3A_116] : memref<10000x128xf32, #tpu.memory_space<hbm>> -> memref<10000x128xf32, #tpu.memory_space<hbm>>
      tpu.wait_indirect_dma semaphore(%arg13 : memref<!tpu.dma_semaphore, #tpu.memory_space<semaphore_mem>>) src(%dma_wait3A_117 : memref<10000x128xf32, #tpu.memory_space<hbm>>) dst(%dma_wait3A_111 : memref<128x128xf32, #tpu.memory_space<vmem>>)
      %add3A_118 = arith.constant 0 : i32
      %add3A_119 = arith.addi %add3A_118, %add3A_106 : i32
      %run_scoped3A_120 = arith.constant 1 : i32
      "tpu.region"() ({
        %run_scoped3A_128 = tpu.sem_alloc : memref<!tpu.dma_semaphore, #tpu.memory_space<semaphore_mem>>
        %dma_start3A_129 = arith.constant 0 : i32
        %dma_start3A_130 = arith.constant 0 : i32
        %dma_start3A_131 = tpu.memref_slice %arg11[%run_scoped3A_120, %dma_start3A_129, %dma_start3A_130] : memref<2x128x128xf32, #tpu.memory_space<vmem>> -> memref<1x128x128xf32, #tpu.memory_space<vmem>>
        %dma_start3A_132 = tpu.memref_squeeze %dma_start3A_131 : memref<1x128x128xf32, #tpu.memory_space<vmem>> -> memref<128x128xf32, #tpu.memory_space<vmem>>
        %dma_start3A_133 = arith.constant 0 : i32
        %dma_start3A_134 = tpu.memref_slice %arg10[%add3A_119, %dma_start3A_133] : memref<80x128xi32, #tpu.memory_space<vmem>> -> memref<1x128xi32, #tpu.memory_space<vmem>>
        %dma_start3A_135 = tpu.memref_squeeze %dma_start3A_134 : memref<1x128xi32, #tpu.memory_space<vmem>> -> memref<128xi32, #tpu.memory_space<vmem>>
        %dma_start3A_136 = arith.constant 0 : i32
        %dma_start3A_137 = arith.constant 0 : i32
        %dma_start3A_138 = tpu.memref_slice %arg8[%dma_start3A_136, %dma_start3A_137] : memref<10128x128xf32, #tpu.memory_space<vmem_shared>> -> memref<10128x128xf32, #tpu.memory_space<vmem_shared>>
        tpu.enqueue_indirect_dma source(%dma_start3A_132 : memref<128x128xf32, #tpu.memory_space<vmem>>) target(%dma_start3A_138 : memref<10128x128xf32, #tpu.memory_space<vmem_shared>>) offsets(%dma_start3A_135 : memref<128xi32, #tpu.memory_space<vmem>>) semaphore(%run_scoped3A_128 : memref<!tpu.dma_semaphore, #tpu.memory_space<semaphore_mem>>) {add = true}
        %dma_wait3A_139 = arith.constant 0 : i32
        %dma_wait3A_140 = arith.constant 0 : i32
        %dma_wait3A_141 = tpu.memref_slice %arg11[%run_scoped3A_120, %dma_wait3A_139, %dma_wait3A_140] : memref<2x128x128xf32, #tpu.memory_space<vmem>> -> memref<1x128x128xf32, #tpu.memory_space<vmem>>
        %dma_wait3A_142 = tpu.memref_squeeze %dma_wait3A_141 : memref<1x128x128xf32, #tpu.memory_space<vmem>> -> memref<128x128xf32, #tpu.memory_space<vmem>>
        %dma_wait3A_143 = arith.constant 0 : i32
        %dma_wait3A_144 = tpu.memref_slice %arg10[%add3A_119, %dma_wait3A_143] : memref<80x128xi32, #tpu.memory_space<vmem>> -> memref<1x128xi32, #tpu.memory_space<vmem>>
        %dma_wait3A_145 = tpu.memref_squeeze %dma_wait3A_144 : memref<1x128xi32, #tpu.memory_space<vmem>> -> memref<128xi32, #tpu.memory_space<vmem>>
        %dma_wait3A_146 = arith.constant 0 : i32
        %dma_wait3A_147 = arith.constant 0 : i32
        %dma_wait3A_148 = tpu.memref_slice %arg8[%dma_wait3A_146, %dma_wait3A_147] : memref<10128x128xf32, #tpu.memory_space<vmem_shared>> -> memref<10128x128xf32, #tpu.memory_space<vmem_shared>>
        tpu.wait_indirect_dma semaphore(%run_scoped3A_128 : memref<!tpu.dma_semaphore, #tpu.memory_space<semaphore_mem>>) src(%dma_wait3A_142 : memref<128x128xf32, #tpu.memory_space<vmem>>) dst(%dma_wait3A_148 : memref<10128x128xf32, #tpu.memory_space<vmem_shared>>)
        tpu.yield
      }) : () -> ()
      %add3A_121 = arith.constant 2 : i32
      %add3A_122 = arith.addi %add3A_106, %add3A_121 : i32
      %lt3A_123 = arith.constant 40 : i32
      %lt3A_124 = arith.cmpi slt, %add3A_122, %lt3A_123 : i32
      %convert_element_type3A_125 = arith.extui %lt3A_124 : i1 to i32
      %cond3A_126 = arith.constant 0 : i32
      %cond3A_127 = arith.cmpi ne, %convert_element_type3A_125, %cond3A_126 : i32
      scf.if %cond3A_127 {
        %dma_start3A_128 = arith.constant 1 : i32
        %dma_start3A_129 = arith.constant 0 : i32
        %dma_start3A_130 = arith.constant 0 : i32
        %dma_start3A_131 = tpu.memref_slice %arg11[%dma_start3A_128, %dma_start3A_129, %dma_start3A_130] : memref<2x128x128xf32, #tpu.memory_space<vmem>> -> memref<1x128x128xf32, #tpu.memory_space<vmem>>
        %dma_start3A_132 = tpu.memref_squeeze %dma_start3A_131 : memref<1x128x128xf32, #tpu.memory_space<vmem>> -> memref<128x128xf32, #tpu.memory_space<vmem>>
        %dma_start3A_133 = arith.constant 0 : i32
        %dma_start3A_134 = tpu.memref_slice %arg9[%add3A_122, %dma_start3A_133] : memref<40x128xi32, #tpu.memory_space<vmem>> -> memref<1x128xi32, #tpu.memory_space<vmem>>
        %dma_start3A_135 = tpu.memref_squeeze %dma_start3A_134 : memref<1x128xi32, #tpu.memory_space<vmem>> -> memref<128xi32, #tpu.memory_space<vmem>>
        %dma_start3A_136 = arith.constant 0 : i32
        %dma_start3A_137 = arith.constant 0 : i32
        %dma_start3A_138 = tpu.memref_slice %arg2[%dma_start3A_136, %dma_start3A_137] : memref<10000x128xf32, #tpu.memory_space<hbm>> -> memref<10000x128xf32, #tpu.memory_space<hbm>>
        tpu.enqueue_indirect_dma source(%dma_start3A_138 : memref<10000x128xf32, #tpu.memory_space<hbm>>) target(%dma_start3A_132 : memref<128x128xf32, #tpu.memory_space<vmem>>) offsets(%dma_start3A_135 : memref<128xi32, #tpu.memory_space<vmem>>) semaphore(%arg13 : memref<!tpu.dma_semaphore, #tpu.memory_space<semaphore_mem>>)
      } else {
      }
    }
    %scan3A_37 = arith.constant 20 : i32
    %add3A_38 = arith.constant 40 : i32
    %add3A_39 = arith.addi %mul3A_4, %add3A_38 : i32
    "tpu.region"() ({
      %run_scoped3A = tpu.sem_alloc : memref<!tpu.dma_semaphore, #tpu.memory_space<semaphore_mem>>
      %dma_start3A_80 = arith.constant 0 : i32
      %dma_start3A_81 = tpu.memref_slice %arg3[%add3A_39, %dma_start3A_80] : memref<2560x128xi32, #tpu.memory_space<hbm>> -> memref<40x128xi32, #tpu.memory_space<hbm>>
      %dma_start3A_82 = arith.constant 0 : i32
      %dma_start3A_83 = tpu.memref_slice %arg3[%add3A_39, %dma_start3A_82] : memref<2560x128xi32, #tpu.memory_space<hbm>> -> memref<40x128xi32, #tpu.memory_space<hbm>>
      tpu.enqueue_dma source(%dma_start3A_83 : memref<40x128xi32, #tpu.memory_space<hbm>>) target(%arg9 : memref<40x128xi32, #tpu.memory_space<vmem>>) target_semaphore(%run_scoped3A : memref<!tpu.dma_semaphore, #tpu.memory_space<semaphore_mem>>)
      %dma_wait3A = arith.constant 0 : i32
      %dma_wait3A_84 = tpu.memref_slice %arg3[%add3A_39, %dma_wait3A] : memref<2560x128xi32, #tpu.memory_space<hbm>> -> memref<40x128xi32, #tpu.memory_space<hbm>>
      %dma_wait3A_85 = arith.constant 0 : i32
      %dma_wait3A_86 = tpu.memref_slice %arg3[%add3A_39, %dma_wait3A_85] : memref<2560x128xi32, #tpu.memory_space<hbm>> -> memref<40x128xi32, #tpu.memory_space<hbm>>
      tpu.wait_dma2 semaphore(%run_scoped3A : memref<!tpu.dma_semaphore, #tpu.memory_space<semaphore_mem>>) src(%dma_wait3A_86 : memref<40x128xi32, #tpu.memory_space<hbm>>) dst(%arg9 : memref<40x128xi32, #tpu.memory_space<vmem>>)
      tpu.yield
    }) : () -> ()
    %dma_start3A_40 = arith.constant 0 : i32
    %dma_start3A_41 = arith.constant 0 : i32
    %dma_start3A_42 = arith.constant 0 : i32
    %dma_start3A_43 = arith.constant 0 : i32
    %dma_start3A_44 = tpu.memref_slice %arg11[%dma_start3A_41, %dma_start3A_42, %dma_start3A_43] : memref<2x128x128xf32, #tpu.memory_space<vmem>> -> memref<1x128x128xf32, #tpu.memory_space<vmem>>
    %dma_start3A_45 = tpu.memref_squeeze %dma_start3A_44 : memref<1x128x128xf32, #tpu.memory_space<vmem>> -> memref<128x128xf32, #tpu.memory_space<vmem>>
    %dma_start3A_46 = arith.constant 0 : i32
    %dma_start3A_47 = tpu.memref_slice %arg9[%dma_start3A_40, %dma_start3A_46] : memref<40x128xi32, #tpu.memory_space<vmem>> -> memref<1x128xi32, #tpu.memory_space<vmem>>
    %dma_start3A_48 = tpu.memref_squeeze %dma_start3A_47 : memref<1x128xi32, #tpu.memory_space<vmem>> -> memref<128xi32, #tpu.memory_space<vmem>>
    %dma_start3A_49 = arith.constant 0 : i32
    %dma_start3A_50 = arith.constant 0 : i32
    %dma_start3A_51 = tpu.memref_slice %arg2[%dma_start3A_49, %dma_start3A_50] : memref<10000x128xf32, #tpu.memory_space<hbm>> -> memref<10000x128xf32, #tpu.memory_space<hbm>>
    tpu.enqueue_indirect_dma source(%dma_start3A_51 : memref<10000x128xf32, #tpu.memory_space<hbm>>) target(%dma_start3A_45 : memref<128x128xf32, #tpu.memory_space<vmem>>) offsets(%dma_start3A_48 : memref<128xi32, #tpu.memory_space<vmem>>) semaphore(%arg12 : memref<!tpu.dma_semaphore, #tpu.memory_space<semaphore_mem>>)
    %dma_start3A_52 = arith.constant 1 : i32
    %dma_start3A_53 = arith.constant 1 : i32
    %dma_start3A_54 = arith.constant 0 : i32
    %dma_start3A_55 = arith.constant 0 : i32
    %dma_start3A_56 = tpu.memref_slice %arg11[%dma_start3A_53, %dma_start3A_54, %dma_start3A_55] : memref<2x128x128xf32, #tpu.memory_space<vmem>> -> memref<1x128x128xf32, #tpu.memory_space<vmem>>
    %dma_start3A_57 = tpu.memref_squeeze %dma_start3A_56 : memref<1x128x128xf32, #tpu.memory_space<vmem>> -> memref<128x128xf32, #tpu.memory_space<vmem>>
    %dma_start3A_58 = arith.constant 0 : i32
    %dma_start3A_59 = tpu.memref_slice %arg9[%dma_start3A_52, %dma_start3A_58] : memref<40x128xi32, #tpu.memory_space<vmem>> -> memref<1x128xi32, #tpu.memory_space<vmem>>
    %dma_start3A_60 = tpu.memref_squeeze %dma_start3A_59 : memref<1x128xi32, #tpu.memory_space<vmem>> -> memref<128xi32, #tpu.memory_space<vmem>>
    %dma_start3A_61 = arith.constant 0 : i32
    %dma_start3A_62 = arith.constant 0 : i32
    %dma_start3A_63 = tpu.memref_slice %arg2[%dma_start3A_61, %dma_start3A_62] : memref<10000x128xf32, #tpu.memory_space<hbm>> -> memref<10000x128xf32, #tpu.memory_space<hbm>>
    tpu.enqueue_indirect_dma source(%dma_start3A_63 : memref<10000x128xf32, #tpu.memory_space<hbm>>) target(%dma_start3A_57 : memref<128x128xf32, #tpu.memory_space<vmem>>) offsets(%dma_start3A_60 : memref<128xi32, #tpu.memory_space<vmem>>) semaphore(%arg13 : memref<!tpu.dma_semaphore, #tpu.memory_space<semaphore_mem>>)
    %scan3A_64 = arith.constant 0 : i32
    %scan3A_65 = arith.constant 20 : i32
    %scan3A_66 = arith.addi %scan3A_64, %scan3A_65 : i32
    %scan3A_67 = arith.constant 1 : i32
    scf.for %scan3A_80 = %scan3A_64 to %scan3A_66 step %scan3A_67  : i32 {
      %mul3A_81 = arith.constant 2 : i32
      %mul3A_82 = arith.muli %scan3A_80, %mul3A_81 : i32
      %add3A_83 = arith.constant 0 : i32
      %add3A_84 = arith.addi %add3A_83, %mul3A_82 : i32
      %add3A_85 = arith.constant 0 : i32
      %add3A_86 = arith.addi %add3A_84, %add3A_85 : i32
      %dma_wait3A = arith.constant 0 : i32
      %dma_wait3A_87 = arith.constant 0 : i32
      %dma_wait3A_88 = arith.constant 0 : i32
      %dma_wait3A_89 = tpu.memref_slice %arg11[%dma_wait3A, %dma_wait3A_87, %dma_wait3A_88] : memref<2x128x128xf32, #tpu.memory_space<vmem>> -> memref<1x128x128xf32, #tpu.memory_space<vmem>>
      %dma_wait3A_90 = tpu.memref_squeeze %dma_wait3A_89 : memref<1x128x128xf32, #tpu.memory_space<vmem>> -> memref<128x128xf32, #tpu.memory_space<vmem>>
      %dma_wait3A_91 = arith.constant 0 : i32
      %dma_wait3A_92 = tpu.memref_slice %arg9[%add3A_86, %dma_wait3A_91] : memref<40x128xi32, #tpu.memory_space<vmem>> -> memref<1x128xi32, #tpu.memory_space<vmem>>
      %dma_wait3A_93 = tpu.memref_squeeze %dma_wait3A_92 : memref<1x128xi32, #tpu.memory_space<vmem>> -> memref<128xi32, #tpu.memory_space<vmem>>
      %dma_wait3A_94 = arith.constant 0 : i32
      %dma_wait3A_95 = arith.constant 0 : i32
      %dma_wait3A_96 = tpu.memref_slice %arg2[%dma_wait3A_94, %dma_wait3A_95] : memref<10000x128xf32, #tpu.memory_space<hbm>> -> memref<10000x128xf32, #tpu.memory_space<hbm>>
      tpu.wait_indirect_dma semaphore(%arg12 : memref<!tpu.dma_semaphore, #tpu.memory_space<semaphore_mem>>) src(%dma_wait3A_96 : memref<10000x128xf32, #tpu.memory_space<hbm>>) dst(%dma_wait3A_90 : memref<128x128xf32, #tpu.memory_space<vmem>>)
      %add3A_97 = arith.constant 40 : i32
      %add3A_98 = arith.addi %add3A_97, %add3A_86 : i32
      %run_scoped3A = arith.constant 0 : i32
      "tpu.region"() ({
        %run_scoped3A_128 = tpu.sem_alloc : memref<!tpu.dma_semaphore, #tpu.memory_space<semaphore_mem>>
        %dma_start3A_129 = arith.constant 0 : i32
        %dma_start3A_130 = arith.constant 0 : i32
        %dma_start3A_131 = tpu.memref_slice %arg11[%run_scoped3A, %dma_start3A_129, %dma_start3A_130] : memref<2x128x128xf32, #tpu.memory_space<vmem>> -> memref<1x128x128xf32, #tpu.memory_space<vmem>>
        %dma_start3A_132 = tpu.memref_squeeze %dma_start3A_131 : memref<1x128x128xf32, #tpu.memory_space<vmem>> -> memref<128x128xf32, #tpu.memory_space<vmem>>
        %dma_start3A_133 = arith.constant 0 : i32
        %dma_start3A_134 = tpu.memref_slice %arg10[%add3A_98, %dma_start3A_133] : memref<80x128xi32, #tpu.memory_space<vmem>> -> memref<1x128xi32, #tpu.memory_space<vmem>>
        %dma_start3A_135 = tpu.memref_squeeze %dma_start3A_134 : memref<1x128xi32, #tpu.memory_space<vmem>> -> memref<128xi32, #tpu.memory_space<vmem>>
        %dma_start3A_136 = arith.constant 0 : i32
        %dma_start3A_137 = arith.constant 0 : i32
        %dma_start3A_138 = tpu.memref_slice %arg8[%dma_start3A_136, %dma_start3A_137] : memref<10128x128xf32, #tpu.memory_space<vmem_shared>> -> memref<10128x128xf32, #tpu.memory_space<vmem_shared>>
        tpu.enqueue_indirect_dma source(%dma_start3A_132 : memref<128x128xf32, #tpu.memory_space<vmem>>) target(%dma_start3A_138 : memref<10128x128xf32, #tpu.memory_space<vmem_shared>>) offsets(%dma_start3A_135 : memref<128xi32, #tpu.memory_space<vmem>>) semaphore(%run_scoped3A_128 : memref<!tpu.dma_semaphore, #tpu.memory_space<semaphore_mem>>) {add = true}
        %dma_wait3A_139 = arith.constant 0 : i32
        %dma_wait3A_140 = arith.constant 0 : i32
        %dma_wait3A_141 = tpu.memref_slice %arg11[%run_scoped3A, %dma_wait3A_139, %dma_wait3A_140] : memref<2x128x128xf32, #tpu.memory_space<vmem>> -> memref<1x128x128xf32, #tpu.memory_space<vmem>>
        %dma_wait3A_142 = tpu.memref_squeeze %dma_wait3A_141 : memref<1x128x128xf32, #tpu.memory_space<vmem>> -> memref<128x128xf32, #tpu.memory_space<vmem>>
        %dma_wait3A_143 = arith.constant 0 : i32
        %dma_wait3A_144 = tpu.memref_slice %arg10[%add3A_98, %dma_wait3A_143] : memref<80x128xi32, #tpu.memory_space<vmem>> -> memref<1x128xi32, #tpu.memory_space<vmem>>
        %dma_wait3A_145 = tpu.memref_squeeze %dma_wait3A_144 : memref<1x128xi32, #tpu.memory_space<vmem>> -> memref<128xi32, #tpu.memory_space<vmem>>
        %dma_wait3A_146 = arith.constant 0 : i32
        %dma_wait3A_147 = arith.constant 0 : i32
        %dma_wait3A_148 = tpu.memref_slice %arg8[%dma_wait3A_146, %dma_wait3A_147] : memref<10128x128xf32, #tpu.memory_space<vmem_shared>> -> memref<10128x128xf32, #tpu.memory_space<vmem_shared>>
        tpu.wait_indirect_dma semaphore(%run_scoped3A_128 : memref<!tpu.dma_semaphore, #tpu.memory_space<semaphore_mem>>) src(%dma_wait3A_142 : memref<128x128xf32, #tpu.memory_space<vmem>>) dst(%dma_wait3A_148 : memref<10128x128xf32, #tpu.memory_space<vmem_shared>>)
        tpu.yield
      }) : () -> ()
      %add3A_99 = arith.constant 2 : i32
      %add3A_100 = arith.addi %add3A_86, %add3A_99 : i32
      %lt3A = arith.constant 40 : i32
      %lt3A_101 = arith.cmpi slt, %add3A_100, %lt3A : i32
      %convert_element_type3A_102 = arith.extui %lt3A_101 : i1 to i32
      %cond3A_103 = arith.constant 0 : i32
      %cond3A_104 = arith.cmpi ne, %convert_element_type3A_102, %cond3A_103 : i32
      scf.if %cond3A_104 {
        %dma_start3A_128 = arith.constant 0 : i32
        %dma_start3A_129 = arith.constant 0 : i32
        %dma_start3A_130 = arith.constant 0 : i32
        %dma_start3A_131 = tpu.memref_slice %arg11[%dma_start3A_128, %dma_start3A_129, %dma_start3A_130] : memref<2x128x128xf32, #tpu.memory_space<vmem>> -> memref<1x128x128xf32, #tpu.memory_space<vmem>>
        %dma_start3A_132 = tpu.memref_squeeze %dma_start3A_131 : memref<1x128x128xf32, #tpu.memory_space<vmem>> -> memref<128x128xf32, #tpu.memory_space<vmem>>
        %dma_start3A_133 = arith.constant 0 : i32
        %dma_start3A_134 = tpu.memref_slice %arg9[%add3A_100, %dma_start3A_133] : memref<40x128xi32, #tpu.memory_space<vmem>> -> memref<1x128xi32, #tpu.memory_space<vmem>>
        %dma_start3A_135 = tpu.memref_squeeze %dma_start3A_134 : memref<1x128xi32, #tpu.memory_space<vmem>> -> memref<128xi32, #tpu.memory_space<vmem>>
        %dma_start3A_136 = arith.constant 0 : i32
        %dma_start3A_137 = arith.constant 0 : i32
        %dma_start3A_138 = tpu.memref_slice %arg2[%dma_start3A_136, %dma_start3A_137] : memref<10000x128xf32, #tpu.memory_space<hbm>> -> memref<10000x128xf32, #tpu.memory_space<hbm>>
        tpu.enqueue_indirect_dma source(%dma_start3A_138 : memref<10000x128xf32, #tpu.memory_space<hbm>>) target(%dma_start3A_132 : memref<128x128xf32, #tpu.memory_space<vmem>>) offsets(%dma_start3A_135 : memref<128xi32, #tpu.memory_space<vmem>>) semaphore(%arg12 : memref<!tpu.dma_semaphore, #tpu.memory_space<semaphore_mem>>)
      } else {
      }
      %add3A_105 = arith.constant 1 : i32
      %add3A_106 = arith.addi %add3A_84, %add3A_105 : i32
      %dma_wait3A_107 = arith.constant 1 : i32
      %dma_wait3A_108 = arith.constant 0 : i32
      %dma_wait3A_109 = arith.constant 0 : i32
      %dma_wait3A_110 = tpu.memref_slice %arg11[%dma_wait3A_107, %dma_wait3A_108, %dma_wait3A_109] : memref<2x128x128xf32, #tpu.memory_space<vmem>> -> memref<1x128x128xf32, #tpu.memory_space<vmem>>
      %dma_wait3A_111 = tpu.memref_squeeze %dma_wait3A_110 : memref<1x128x128xf32, #tpu.memory_space<vmem>> -> memref<128x128xf32, #tpu.memory_space<vmem>>
      %dma_wait3A_112 = arith.constant 0 : i32
      %dma_wait3A_113 = tpu.memref_slice %arg9[%add3A_106, %dma_wait3A_112] : memref<40x128xi32, #tpu.memory_space<vmem>> -> memref<1x128xi32, #tpu.memory_space<vmem>>
      %dma_wait3A_114 = tpu.memref_squeeze %dma_wait3A_113 : memref<1x128xi32, #tpu.memory_space<vmem>> -> memref<128xi32, #tpu.memory_space<vmem>>
      %dma_wait3A_115 = arith.constant 0 : i32
      %dma_wait3A_116 = arith.constant 0 : i32
      %dma_wait3A_117 = tpu.memref_slice %arg2[%dma_wait3A_115, %dma_wait3A_116] : memref<10000x128xf32, #tpu.memory_space<hbm>> -> memref<10000x128xf32, #tpu.memory_space<hbm>>
      tpu.wait_indirect_dma semaphore(%arg13 : memref<!tpu.dma_semaphore, #tpu.memory_space<semaphore_mem>>) src(%dma_wait3A_117 : memref<10000x128xf32, #tpu.memory_space<hbm>>) dst(%dma_wait3A_111 : memref<128x128xf32, #tpu.memory_space<vmem>>)
      %add3A_118 = arith.constant 40 : i32
      %add3A_119 = arith.addi %add3A_118, %add3A_106 : i32
      %run_scoped3A_120 = arith.constant 1 : i32
      "tpu.region"() ({
        %run_scoped3A_128 = tpu.sem_alloc : memref<!tpu.dma_semaphore, #tpu.memory_space<semaphore_mem>>
        %dma_start3A_129 = arith.constant 0 : i32
        %dma_start3A_130 = arith.constant 0 : i32
        %dma_start3A_131 = tpu.memref_slice %arg11[%run_scoped3A_120, %dma_start3A_129, %dma_start3A_130] : memref<2x128x128xf32, #tpu.memory_space<vmem>> -> memref<1x128x128xf32, #tpu.memory_space<vmem>>
        %dma_start3A_132 = tpu.memref_squeeze %dma_start3A_131 : memref<1x128x128xf32, #tpu.memory_space<vmem>> -> memref<128x128xf32, #tpu.memory_space<vmem>>
        %dma_start3A_133 = arith.constant 0 : i32
        %dma_start3A_134 = tpu.memref_slice %arg10[%add3A_119, %dma_start3A_133] : memref<80x128xi32, #tpu.memory_space<vmem>> -> memref<1x128xi32, #tpu.memory_space<vmem>>
        %dma_start3A_135 = tpu.memref_squeeze %dma_start3A_134 : memref<1x128xi32, #tpu.memory_space<vmem>> -> memref<128xi32, #tpu.memory_space<vmem>>
        %dma_start3A_136 = arith.constant 0 : i32
        %dma_start3A_137 = arith.constant 0 : i32
        %dma_start3A_138 = tpu.memref_slice %arg8[%dma_start3A_136, %dma_start3A_137] : memref<10128x128xf32, #tpu.memory_space<vmem_shared>> -> memref<10128x128xf32, #tpu.memory_space<vmem_shared>>
        tpu.enqueue_indirect_dma source(%dma_start3A_132 : memref<128x128xf32, #tpu.memory_space<vmem>>) target(%dma_start3A_138 : memref<10128x128xf32, #tpu.memory_space<vmem_shared>>) offsets(%dma_start3A_135 : memref<128xi32, #tpu.memory_space<vmem>>) semaphore(%run_scoped3A_128 : memref<!tpu.dma_semaphore, #tpu.memory_space<semaphore_mem>>) {add = true}
        %dma_wait3A_139 = arith.constant 0 : i32
        %dma_wait3A_140 = arith.constant 0 : i32
        %dma_wait3A_141 = tpu.memref_slice %arg11[%run_scoped3A_120, %dma_wait3A_139, %dma_wait3A_140] : memref<2x128x128xf32, #tpu.memory_space<vmem>> -> memref<1x128x128xf32, #tpu.memory_space<vmem>>
        %dma_wait3A_142 = tpu.memref_squeeze %dma_wait3A_141 : memref<1x128x128xf32, #tpu.memory_space<vmem>> -> memref<128x128xf32, #tpu.memory_space<vmem>>
        %dma_wait3A_143 = arith.constant 0 : i32
        %dma_wait3A_144 = tpu.memref_slice %arg10[%add3A_119, %dma_wait3A_143] : memref<80x128xi32, #tpu.memory_space<vmem>> -> memref<1x128xi32, #tpu.memory_space<vmem>>
        %dma_wait3A_145 = tpu.memref_squeeze %dma_wait3A_144 : memref<1x128xi32, #tpu.memory_space<vmem>> -> memref<128xi32, #tpu.memory_space<vmem>>
        %dma_wait3A_146 = arith.constant 0 : i32
        %dma_wait3A_147 = arith.constant 0 : i32
        %dma_wait3A_148 = tpu.memref_slice %arg8[%dma_wait3A_146, %dma_wait3A_147] : memref<10128x128xf32, #tpu.memory_space<vmem_shared>> -> memref<10128x128xf32, #tpu.memory_space<vmem_shared>>
        tpu.wait_indirect_dma semaphore(%run_scoped3A_128 : memref<!tpu.dma_semaphore, #tpu.memory_space<semaphore_mem>>) src(%dma_wait3A_142 : memref<128x128xf32, #tpu.memory_space<vmem>>) dst(%dma_wait3A_148 : memref<10128x128xf32, #tpu.memory_space<vmem_shared>>)
        tpu.yield
      }) : () -> ()
      %add3A_121 = arith.constant 2 : i32
      %add3A_122 = arith.addi %add3A_106, %add3A_121 : i32
      %lt3A_123 = arith.constant 40 : i32
      %lt3A_124 = arith.cmpi slt, %add3A_122, %lt3A_123 : i32
      %convert_element_type3A_125 = arith.extui %lt3A_124 : i1 to i32
      %cond3A_126 = arith.constant 0 : i32
      %cond3A_127 = arith.cmpi ne, %convert_element_type3A_125, %cond3A_126 : i32
      scf.if %cond3A_127 {
        %dma_start3A_128 = arith.constant 1 : i32
        %dma_start3A_129 = arith.constant 0 : i32
        %dma_start3A_130 = arith.constant 0 : i32
        %dma_start3A_131 = tpu.memref_slice %arg11[%dma_start3A_128, %dma_start3A_129, %dma_start3A_130] : memref<2x128x128xf32, #tpu.memory_space<vmem>> -> memref<1x128x128xf32, #tpu.memory_space<vmem>>
        %dma_start3A_132 = tpu.memref_squeeze %dma_start3A_131 : memref<1x128x128xf32, #tpu.memory_space<vmem>> -> memref<128x128xf32, #tpu.memory_space<vmem>>
        %dma_start3A_133 = arith.constant 0 : i32
        %dma_start3A_134 = tpu.memref_slice %arg9[%add3A_122, %dma_start3A_133] : memref<40x128xi32, #tpu.memory_space<vmem>> -> memref<1x128xi32, #tpu.memory_space<vmem>>
        %dma_start3A_135 = tpu.memref_squeeze %dma_start3A_134 : memref<1x128xi32, #tpu.memory_space<vmem>> -> memref<128xi32, #tpu.memory_space<vmem>>
        %dma_start3A_136 = arith.constant 0 : i32
        %dma_start3A_137 = arith.constant 0 : i32
        %dma_start3A_138 = tpu.memref_slice %arg2[%dma_start3A_136, %dma_start3A_137] : memref<10000x128xf32, #tpu.memory_space<hbm>> -> memref<10000x128xf32, #tpu.memory_space<hbm>>
        tpu.enqueue_indirect_dma source(%dma_start3A_138 : memref<10000x128xf32, #tpu.memory_space<hbm>>) target(%dma_start3A_132 : memref<128x128xf32, #tpu.memory_space<vmem>>) offsets(%dma_start3A_135 : memref<128xi32, #tpu.memory_space<vmem>>) semaphore(%arg13 : memref<!tpu.dma_semaphore, #tpu.memory_space<semaphore_mem>>)
      } else {
      }
    }
    %scan3A_68 = arith.constant 20 : i32
    %barrier3A_69 = arith.constant 0 : index
    tpu.barrier barrier_id(%barrier3A_69)
    %eq3A_70 = arith.constant 0 : i32
    %eq3A_71 = arith.cmpi eq, %arg0, %eq3A_70 : i32
    %convert_element_type3A_72 = arith.extui %eq3A_71 : i1 to i32
    %cond3A_73 = arith.constant 0 : i32
    %cond3A_74 = arith.cmpi ne, %convert_element_type3A_72, %cond3A_73 : i32
    scf.if %cond3A_74 {
      "tpu.region"() ({
        %run_scoped3A = tpu.sem_alloc : memref<!tpu.dma_semaphore, #tpu.memory_space<semaphore_mem>>
        %dma_start3A_85 = arith.constant 0 : i32
        %dma_start3A_86 = tpu.memref_slice %arg6[%mul3A_0, %dma_start3A_85] : memref<10000x128xf32, #tpu.memory_space<hbm>> -> memref<624x128xf32, #tpu.memory_space<hbm>>
        %dma_start3A_87 = arith.constant 0 : i32
        %dma_start3A_88 = tpu.memref_slice %arg8[%mul3A_0, %dma_start3A_87] : memref<10128x128xf32, #tpu.memory_space<vmem_shared>> -> memref<624x128xf32, #tpu.memory_space<vmem_shared>>
        tpu.enqueue_dma source(%dma_start3A_88 : memref<624x128xf32, #tpu.memory_space<vmem_shared>>) target(%dma_start3A_86 : memref<624x128xf32, #tpu.memory_space<hbm>>) target_semaphore(%run_scoped3A : memref<!tpu.dma_semaphore, #tpu.memory_space<semaphore_mem>>)
        %dma_wait3A = arith.constant 0 : i32
        %dma_wait3A_89 = tpu.memref_slice %arg6[%mul3A_0, %dma_wait3A] : memref<10000x128xf32, #tpu.memory_space<hbm>> -> memref<624x128xf32, #tpu.memory_space<hbm>>
        %dma_wait3A_90 = arith.constant 0 : i32
        %dma_wait3A_91 = tpu.memref_slice %arg8[%mul3A_0, %dma_wait3A_90] : memref<10128x128xf32, #tpu.memory_space<vmem_shared>> -> memref<624x128xf32, #tpu.memory_space<vmem_shared>>
        tpu.wait_dma2 semaphore(%run_scoped3A : memref<!tpu.dma_semaphore, #tpu.memory_space<semaphore_mem>>) src(%dma_wait3A_91 : memref<624x128xf32, #tpu.memory_space<vmem_shared>>) dst(%dma_wait3A_89 : memref<624x128xf32, #tpu.memory_space<hbm>>)
        tpu.yield
      }) : () -> ()
      %eq3A_80 = arith.constant 0 : i32
      %eq3A_81 = arith.cmpi eq, %arg1, %eq3A_80 : i32
      %convert_element_type3A_82 = arith.extui %eq3A_81 : i1 to i32
      %cond3A_83 = arith.constant 0 : i32
      %cond3A_84 = arith.cmpi ne, %convert_element_type3A_82, %cond3A_83 : i32
      scf.if %cond3A_84 {
        "tpu.region"() ({
          %run_scoped3A = tpu.sem_alloc : memref<!tpu.dma_semaphore, #tpu.memory_space<semaphore_mem>>
          %dma_start3A_85 = arith.constant 9984 : i32
          %dma_start3A_86 = arith.constant 0 : i32
          %dma_start3A_87 = tpu.memref_slice %arg6[%dma_start3A_85, %dma_start3A_86] : memref<10000x128xf32, #tpu.memory_space<hbm>> -> memref<16x128xf32, #tpu.memory_space<hbm>>
          %dma_start3A_88 = arith.constant 9984 : i32
          %dma_start3A_89 = arith.constant 0 : i32
          %dma_start3A_90 = tpu.memref_slice %arg8[%dma_start3A_88, %dma_start3A_89] : memref<10128x128xf32, #tpu.memory_space<vmem_shared>> -> memref<16x128xf32, #tpu.memory_space<vmem_shared>>
          tpu.enqueue_dma source(%dma_start3A_90 : memref<16x128xf32, #tpu.memory_space<vmem_shared>>) target(%dma_start3A_87 : memref<16x128xf32, #tpu.memory_space<hbm>>) target_semaphore(%run_scoped3A : memref<!tpu.dma_semaphore, #tpu.memory_space<semaphore_mem>>)
          %dma_wait3A = arith.constant 9984 : i32
          %dma_wait3A_91 = arith.constant 0 : i32
          %dma_wait3A_92 = tpu.memref_slice %arg6[%dma_wait3A, %dma_wait3A_91] : memref<10000x128xf32, #tpu.memory_space<hbm>> -> memref<16x128xf32, #tpu.memory_space<hbm>>
          %dma_wait3A_93 = arith.constant 9984 : i32
          %dma_wait3A_94 = arith.constant 0 : i32
          %dma_wait3A_95 = tpu.memref_slice %arg8[%dma_wait3A_93, %dma_wait3A_94] : memref<10128x128xf32, #tpu.memory_space<vmem_shared>> -> memref<16x128xf32, #tpu.memory_space<vmem_shared>>
          tpu.wait_dma2 semaphore(%run_scoped3A : memref<!tpu.dma_semaphore, #tpu.memory_space<semaphore_mem>>) src(%dma_wait3A_95 : memref<16x128xf32, #tpu.memory_space<vmem_shared>>) dst(%dma_wait3A_92 : memref<16x128xf32, #tpu.memory_space<hbm>>)
          tpu.yield
        }) : () -> ()
      } else {
      }
    } else {
    }
    %ne3A_75 = arith.constant 0 : i32
    %ne3A_76 = arith.cmpi ne, %arg0, %ne3A_75 : i32
    %convert_element_type3A_77 = arith.extui %ne3A_76 : i1 to i32
    %cond3A_78 = arith.constant 0 : i32
    %cond3A_79 = arith.cmpi ne, %convert_element_type3A_77, %cond3A_78 : i32
    scf.if %cond3A_79 {
      "tpu.region"() ({
        %run_scoped3A = tpu.sem_alloc : memref<!tpu.dma_semaphore, #tpu.memory_space<semaphore_mem>>
        %dma_start3A_85 = arith.constant 0 : i32
        %dma_start3A_86 = tpu.memref_slice %arg7[%mul3A_0, %dma_start3A_85] : memref<10000x128xf32, #tpu.memory_space<hbm>> -> memref<624x128xf32, #tpu.memory_space<hbm>>
        %dma_start3A_87 = arith.constant 0 : i32
        %dma_start3A_88 = tpu.memref_slice %arg8[%mul3A_0, %dma_start3A_87] : memref<10128x128xf32, #tpu.memory_space<vmem_shared>> -> memref<624x128xf32, #tpu.memory_space<vmem_shared>>
        tpu.enqueue_dma source(%dma_start3A_88 : memref<624x128xf32, #tpu.memory_space<vmem_shared>>) target(%dma_start3A_86 : memref<624x128xf32, #tpu.memory_space<hbm>>) target_semaphore(%run_scoped3A : memref<!tpu.dma_semaphore, #tpu.memory_space<semaphore_mem>>)
        %dma_wait3A = arith.constant 0 : i32
        %dma_wait3A_89 = tpu.memref_slice %arg7[%mul3A_0, %dma_wait3A] : memref<10000x128xf32, #tpu.memory_space<hbm>> -> memref<624x128xf32, #tpu.memory_space<hbm>>
        %dma_wait3A_90 = arith.constant 0 : i32
        %dma_wait3A_91 = tpu.memref_slice %arg8[%mul3A_0, %dma_wait3A_90] : memref<10128x128xf32, #tpu.memory_space<vmem_shared>> -> memref<624x128xf32, #tpu.memory_space<vmem_shared>>
        tpu.wait_dma2 semaphore(%run_scoped3A : memref<!tpu.dma_semaphore, #tpu.memory_space<semaphore_mem>>) src(%dma_wait3A_91 : memref<624x128xf32, #tpu.memory_space<vmem_shared>>) dst(%dma_wait3A_89 : memref<624x128xf32, #tpu.memory_space<hbm>>)
        tpu.yield
      }) : () -> ()
      %eq3A_80 = arith.constant 0 : i32
      %eq3A_81 = arith.cmpi eq, %arg1, %eq3A_80 : i32
      %convert_element_type3A_82 = arith.extui %eq3A_81 : i1 to i32
      %cond3A_83 = arith.constant 0 : i32
      %cond3A_84 = arith.cmpi ne, %convert_element_type3A_82, %cond3A_83 : i32
      scf.if %cond3A_84 {
        "tpu.region"() ({
          %run_scoped3A = tpu.sem_alloc : memref<!tpu.dma_semaphore, #tpu.memory_space<semaphore_mem>>
          %dma_start3A_85 = arith.constant 9984 : i32
          %dma_start3A_86 = arith.constant 0 : i32
          %dma_start3A_87 = tpu.memref_slice %arg7[%dma_start3A_85, %dma_start3A_86] : memref<10000x128xf32, #tpu.memory_space<hbm>> -> memref<16x128xf32, #tpu.memory_space<hbm>>
          %dma_start3A_88 = arith.constant 9984 : i32
          %dma_start3A_89 = arith.constant 0 : i32
          %dma_start3A_90 = tpu.memref_slice %arg8[%dma_start3A_88, %dma_start3A_89] : memref<10128x128xf32, #tpu.memory_space<vmem_shared>> -> memref<16x128xf32, #tpu.memory_space<vmem_shared>>
          tpu.enqueue_dma source(%dma_start3A_90 : memref<16x128xf32, #tpu.memory_space<vmem_shared>>) target(%dma_start3A_87 : memref<16x128xf32, #tpu.memory_space<hbm>>) target_semaphore(%run_scoped3A : memref<!tpu.dma_semaphore, #tpu.memory_space<semaphore_mem>>)
          %dma_wait3A = arith.constant 9984 : i32
          %dma_wait3A_91 = arith.constant 0 : i32
          %dma_wait3A_92 = tpu.memref_slice %arg7[%dma_wait3A, %dma_wait3A_91] : memref<10000x128xf32, #tpu.memory_space<hbm>> -> memref<16x128xf32, #tpu.memory_space<hbm>>
          %dma_wait3A_93 = arith.constant 9984 : i32
          %dma_wait3A_94 = arith.constant 0 : i32
          %dma_wait3A_95 = tpu.memref_slice %arg8[%dma_wait3A_93, %dma_wait3A_94] : memref<10128x128xf32, #tpu.memory_space<vmem_shared>> -> memref<16x128xf32, #tpu.memory_space<vmem_shared>>
          tpu.wait_dma2 semaphore(%run_scoped3A : memref<!tpu.dma_semaphore, #tpu.memory_space<semaphore_mem>>) src(%dma_wait3A_95 : memref<16x128xf32, #tpu.memory_space<vmem_shared>>) dst(%dma_wait3A_92 : memref<16x128xf32, #tpu.memory_space<hbm>>)
          tpu.yield
        }) : () -> ()
      } else {
      }
    } else {
    }
    return
  }
}

#map = affine_map<(d0, d1) -> (0, 0)>
module attributes {stable_mosaic.version = 14 : i64} {
  func.func @ksc(%arg0: i32, %arg1: i32, %arg2: memref<10000x128xf32, #tpu.memory_space<hbm>>, %arg3: memref<2560x128xi32, #tpu.memory_space<hbm>>, %arg4: memref<2560x128xi32, #tpu.memory_space<hbm>>, %arg5: memref<624x128xf32, #tpu.memory_space<hbm>>, %arg6: memref<10000x128xf32, #tpu.memory_space<hbm>>, %arg7: memref<10000x128xf32, #tpu.memory_space<hbm>>, %arg8: memref<10128x128xf32, #tpu.memory_space<vmem_shared>>, %arg9: memref<40x128xi32, #tpu.memory_space<vmem>>, %arg10: memref<80x128xi32, #tpu.memory_space<vmem>>, %arg11: memref<2x128x128xf32, #tpu.memory_space<vmem>>, %arg12: memref<!tpu.dma_semaphore, #tpu.memory_space<semaphore_mem>>, %arg13: memref<!tpu.dma_semaphore, #tpu.memory_space<semaphore_mem>>) attributes {dimension_semantics = [#tpu.dimension_semantics<core_parallel>, #tpu.dimension_semantics<subcore_parallel>], iteration_bounds = array<i64: 2, 16>, scalar_prefetch = 0 : i64, scratch_operands = 6 : i64, tpu.core_type = #tpu.core_type<sc_vector_subcore>, window_params = [{transform_indices = #map}, {transform_indices = #map}, {transform_indices = #map}, {transform_indices = #map}, {transform_indices = #map}, {transform_indices = #map}]} {
    %mul3A = arith.constant 624 : i32
    %mul3A_0 = arith.muli %arg1, %mul3A : i32
    %mul3A_1 = arith.constant 16 : i32
    %mul3A_2 = arith.muli %arg0, %mul3A_1 : i32
    %add3A = arith.addi %mul3A_2, %arg1 : i32
    %mul3A_3 = arith.constant 80 : i32
    %mul3A_4 = arith.muli %add3A, %mul3A_3 : i32
    "tpu.region"() ({
      %run_scoped3A = tpu.sem_alloc : memref<!tpu.dma_semaphore, #tpu.memory_space<semaphore_mem>>
      %dma_start3A_80 = arith.constant 0 : i32
      %dma_start3A_81 = tpu.memref_slice %arg3[%mul3A_4, %dma_start3A_80] : memref<2560x128xi32, #tpu.memory_space<hbm>> -> memref<40x128xi32, #tpu.memory_space<hbm>>
      %dma_start3A_82 = arith.constant 0 : i32
      %dma_start3A_83 = tpu.memref_slice %arg3[%mul3A_4, %dma_start3A_82] : memref<2560x128xi32, #tpu.memory_space<hbm>> -> memref<40x128xi32, #tpu.memory_space<hbm>>
      tpu.enqueue_dma source(%dma_start3A_83 : memref<40x128xi32, #tpu.memory_space<hbm>>) target(%arg9 : memref<40x128xi32, #tpu.memory_space<vmem>>) target_semaphore(%run_scoped3A : memref<!tpu.dma_semaphore, #tpu.memory_space<semaphore_mem>>)
      %dma_wait3A = arith.constant 0 : i32
      %dma_wait3A_84 = tpu.memref_slice %arg3[%mul3A_4, %dma_wait3A] : memref<2560x128xi32, #tpu.memory_space<hbm>> -> memref<40x128xi32, #tpu.memory_space<hbm>>
      %dma_wait3A_85 = arith.constant 0 : i32
      %dma_wait3A_86 = tpu.memref_slice %arg3[%mul3A_4, %dma_wait3A_85] : memref<2560x128xi32, #tpu.memory_space<hbm>> -> memref<40x128xi32, #tpu.memory_space<hbm>>
      tpu.wait_dma2 semaphore(%run_scoped3A : memref<!tpu.dma_semaphore, #tpu.memory_space<semaphore_mem>>) src(%dma_wait3A_86 : memref<40x128xi32, #tpu.memory_space<hbm>>) dst(%arg9 : memref<40x128xi32, #tpu.memory_space<vmem>>)
      tpu.yield
    }) : () -> ()
    %dma_start3A = arith.constant 0 : i32
    %dma_start3A_5 = arith.constant 0 : i32
    %dma_start3A_6 = arith.constant 0 : i32
    %dma_start3A_7 = arith.constant 0 : i32
    %dma_start3A_8 = tpu.memref_slice %arg11[%dma_start3A_5, %dma_start3A_6, %dma_start3A_7] : memref<2x128x128xf32, #tpu.memory_space<vmem>> -> memref<1x128x128xf32, #tpu.memory_space<vmem>>
    %dma_start3A_9 = tpu.memref_squeeze %dma_start3A_8 : memref<1x128x128xf32, #tpu.memory_space<vmem>> -> memref<128x128xf32, #tpu.memory_space<vmem>>
    %dma_start3A_10 = arith.constant 0 : i32
    %dma_start3A_11 = tpu.memref_slice %arg9[%dma_start3A, %dma_start3A_10] : memref<40x128xi32, #tpu.memory_space<vmem>> -> memref<1x128xi32, #tpu.memory_space<vmem>>
    %dma_start3A_12 = tpu.memref_squeeze %dma_start3A_11 : memref<1x128xi32, #tpu.memory_space<vmem>> -> memref<128xi32, #tpu.memory_space<vmem>>
    %dma_start3A_13 = arith.constant 0 : i32
    %dma_start3A_14 = arith.constant 0 : i32
    %dma_start3A_15 = tpu.memref_slice %arg2[%dma_start3A_13, %dma_start3A_14] : memref<10000x128xf32, #tpu.memory_space<hbm>> -> memref<10000x128xf32, #tpu.memory_space<hbm>>
    tpu.enqueue_indirect_dma source(%dma_start3A_15 : memref<10000x128xf32, #tpu.memory_space<hbm>>) target(%dma_start3A_9 : memref<128x128xf32, #tpu.memory_space<vmem>>) offsets(%dma_start3A_12 : memref<128xi32, #tpu.memory_space<vmem>>) semaphore(%arg12 : memref<!tpu.dma_semaphore, #tpu.memory_space<semaphore_mem>>)
    %dma_start3A_16 = arith.constant 1 : i32
    %dma_start3A_17 = arith.constant 1 : i32
    %dma_start3A_18 = arith.constant 0 : i32
    %dma_start3A_19 = arith.constant 0 : i32
    %dma_start3A_20 = tpu.memref_slice %arg11[%dma_start3A_17, %dma_start3A_18, %dma_start3A_19] : memref<2x128x128xf32, #tpu.memory_space<vmem>> -> memref<1x128x128xf32, #tpu.memory_space<vmem>>
    %dma_start3A_21 = tpu.memref_squeeze %dma_start3A_20 : memref<1x128x128xf32, #tpu.memory_space<vmem>> -> memref<128x128xf32, #tpu.memory_space<vmem>>
    %dma_start3A_22 = arith.constant 0 : i32
    %dma_start3A_23 = tpu.memref_slice %arg9[%dma_start3A_16, %dma_start3A_22] : memref<40x128xi32, #tpu.memory_space<vmem>> -> memref<1x128xi32, #tpu.memory_space<vmem>>
    %dma_start3A_24 = tpu.memref_squeeze %dma_start3A_23 : memref<1x128xi32, #tpu.memory_space<vmem>> -> memref<128xi32, #tpu.memory_space<vmem>>
    %dma_start3A_25 = arith.constant 0 : i32
    %dma_start3A_26 = arith.constant 0 : i32
    %dma_start3A_27 = tpu.memref_slice %arg2[%dma_start3A_25, %dma_start3A_26] : memref<10000x128xf32, #tpu.memory_space<hbm>> -> memref<10000x128xf32, #tpu.memory_space<hbm>>
    tpu.enqueue_indirect_dma source(%dma_start3A_27 : memref<10000x128xf32, #tpu.memory_space<hbm>>) target(%dma_start3A_21 : memref<128x128xf32, #tpu.memory_space<vmem>>) offsets(%dma_start3A_24 : memref<128xi32, #tpu.memory_space<vmem>>) semaphore(%arg13 : memref<!tpu.dma_semaphore, #tpu.memory_space<semaphore_mem>>)
    "tpu.region"() ({
      %run_scoped3A = tpu.sem_alloc : memref<!tpu.dma_semaphore, #tpu.memory_space<semaphore_mem>>
      %dma_start3A_80 = arith.constant 0 : i32
      %dma_start3A_81 = tpu.memref_slice %arg4[%mul3A_4, %dma_start3A_80] : memref<2560x128xi32, #tpu.memory_space<hbm>> -> memref<80x128xi32, #tpu.memory_space<hbm>>
      %dma_start3A_82 = arith.constant 0 : i32
      %dma_start3A_83 = tpu.memref_slice %arg4[%mul3A_4, %dma_start3A_82] : memref<2560x128xi32, #tpu.memory_space<hbm>> -> memref<80x128xi32, #tpu.memory_space<hbm>>
      tpu.enqueue_dma source(%dma_start3A_83 : memref<80x128xi32, #tpu.memory_space<hbm>>) target(%arg10 : memref<80x128xi32, #tpu.memory_space<vmem>>) target_semaphore(%run_scoped3A : memref<!tpu.dma_semaphore, #tpu.memory_space<semaphore_mem>>)
      %dma_wait3A = arith.constant 0 : i32
      %dma_wait3A_84 = tpu.memref_slice %arg4[%mul3A_4, %dma_wait3A] : memref<2560x128xi32, #tpu.memory_space<hbm>> -> memref<80x128xi32, #tpu.memory_space<hbm>>
      %dma_wait3A_85 = arith.constant 0 : i32
      %dma_wait3A_86 = tpu.memref_slice %arg4[%mul3A_4, %dma_wait3A_85] : memref<2560x128xi32, #tpu.memory_space<hbm>> -> memref<80x128xi32, #tpu.memory_space<hbm>>
      tpu.wait_dma2 semaphore(%run_scoped3A : memref<!tpu.dma_semaphore, #tpu.memory_space<semaphore_mem>>) src(%dma_wait3A_86 : memref<80x128xi32, #tpu.memory_space<hbm>>) dst(%arg10 : memref<80x128xi32, #tpu.memory_space<vmem>>)
      tpu.yield
    }) : () -> ()
    %eq3A = arith.constant 0 : i32
    %eq3A_28 = arith.cmpi eq, %arg0, %eq3A : i32
    %convert_element_type3A = arith.extui %eq3A_28 : i1 to i32
    %cond3A = arith.constant 0 : i32
    %cond3A_29 = arith.cmpi ne, %convert_element_type3A, %cond3A : i32
    scf.if %cond3A_29 {
      "tpu.region"() ({
        %run_scoped3A = tpu.sem_alloc : memref<!tpu.dma_semaphore, #tpu.memory_space<semaphore_mem>>
        %dma_start3A_85 = arith.constant 0 : i32
        %dma_start3A_86 = tpu.memref_slice %arg8[%mul3A_0, %dma_start3A_85] : memref<10128x128xf32, #tpu.memory_space<vmem_shared>> -> memref<624x128xf32, #tpu.memory_space<vmem_shared>>
        %dma_start3A_87 = arith.constant 0 : i32
        %dma_start3A_88 = tpu.memref_slice %arg2[%mul3A_0, %dma_start3A_87] : memref<10000x128xf32, #tpu.memory_space<hbm>> -> memref<624x128xf32, #tpu.memory_space<hbm>>
        tpu.enqueue_dma source(%dma_start3A_88 : memref<624x128xf32, #tpu.memory_space<hbm>>) target(%dma_start3A_86 : memref<624x128xf32, #tpu.memory_space<vmem_shared>>) target_semaphore(%run_scoped3A : memref<!tpu.dma_semaphore, #tpu.memory_space<semaphore_mem>>)
        %dma_wait3A = arith.constant 0 : i32
        %dma_wait3A_89 = tpu.memref_slice %arg8[%mul3A_0, %dma_wait3A] : memref<10128x128xf32, #tpu.memory_space<vmem_shared>> -> memref<624x128xf32, #tpu.memory_space<vmem_shared>>
        %dma_wait3A_90 = arith.constant 0 : i32
        %dma_wait3A_91 = tpu.memref_slice %arg2[%mul3A_0, %dma_wait3A_90] : memref<10000x128xf32, #tpu.memory_space<hbm>> -> memref<624x128xf32, #tpu.memory_space<hbm>>
        tpu.wait_dma2 semaphore(%run_scoped3A : memref<!tpu.dma_semaphore, #tpu.memory_space<semaphore_mem>>) src(%dma_wait3A_91 : memref<624x128xf32, #tpu.memory_space<hbm>>) dst(%dma_wait3A_89 : memref<624x128xf32, #tpu.memory_space<vmem_shared>>)
        tpu.yield
      }) : () -> ()
      %eq3A_80 = arith.constant 0 : i32
      %eq3A_81 = arith.cmpi eq, %arg1, %eq3A_80 : i32
      %convert_element_type3A_82 = arith.extui %eq3A_81 : i1 to i32
      %cond3A_83 = arith.constant 0 : i32
      %cond3A_84 = arith.cmpi ne, %convert_element_type3A_82, %cond3A_83 : i32
      scf.if %cond3A_84 {
        "tpu.region"() ({
          %run_scoped3A = tpu.sem_alloc : memref<!tpu.dma_semaphore, #tpu.memory_space<semaphore_mem>>
          %dma_start3A_85 = arith.constant 9984 : i32
          %dma_start3A_86 = arith.constant 0 : i32
          %dma_start3A_87 = tpu.memref_slice %arg8[%dma_start3A_85, %dma_start3A_86] : memref<10128x128xf32, #tpu.memory_space<vmem_shared>> -> memref<16x128xf32, #tpu.memory_space<vmem_shared>>
          %dma_start3A_88 = arith.constant 9984 : i32
          %dma_start3A_89 = arith.constant 0 : i32
          %dma_start3A_90 = tpu.memref_slice %arg2[%dma_start3A_88, %dma_start3A_89] : memref<10000x128xf32, #tpu.memory_space<hbm>> -> memref<16x128xf32, #tpu.memory_space<hbm>>
          tpu.enqueue_dma source(%dma_start3A_90 : memref<16x128xf32, #tpu.memory_space<hbm>>) target(%dma_start3A_87 : memref<16x128xf32, #tpu.memory_space<vmem_shared>>) target_semaphore(%run_scoped3A : memref<!tpu.dma_semaphore, #tpu.memory_space<semaphore_mem>>)
          %dma_wait3A = arith.constant 9984 : i32
          %dma_wait3A_91 = arith.constant 0 : i32
          %dma_wait3A_92 = tpu.memref_slice %arg8[%dma_wait3A, %dma_wait3A_91] : memref<10128x128xf32, #tpu.memory_space<vmem_shared>> -> memref<16x128xf32, #tpu.memory_space<vmem_shared>>
          %dma_wait3A_93 = arith.constant 9984 : i32
          %dma_wait3A_94 = arith.constant 0 : i32
          %dma_wait3A_95 = tpu.memref_slice %arg2[%dma_wait3A_93, %dma_wait3A_94] : memref<10000x128xf32, #tpu.memory_space<hbm>> -> memref<16x128xf32, #tpu.memory_space<hbm>>
          tpu.wait_dma2 semaphore(%run_scoped3A : memref<!tpu.dma_semaphore, #tpu.memory_space<semaphore_mem>>) src(%dma_wait3A_95 : memref<16x128xf32, #tpu.memory_space<hbm>>) dst(%dma_wait3A_92 : memref<16x128xf32, #tpu.memory_space<vmem_shared>>)
          tpu.yield
        }) : () -> ()
      } else {
      }
    } else {
    }
    %ne3A = arith.constant 0 : i32
    %ne3A_30 = arith.cmpi ne, %arg0, %ne3A : i32
    %convert_element_type3A_31 = arith.extui %ne3A_30 : i1 to i32
    %cond3A_32 = arith.constant 0 : i32
    %cond3A_33 = arith.cmpi ne, %convert_element_type3A_31, %cond3A_32 : i32
    scf.if %cond3A_33 {
      "tpu.region"() ({
        %run_scoped3A = tpu.sem_alloc : memref<!tpu.dma_semaphore, #tpu.memory_space<semaphore_mem>>
        %dma_start3A_85 = arith.constant 0 : i32
        %dma_start3A_86 = tpu.memref_slice %arg8[%mul3A_0, %dma_start3A_85] : memref<10128x128xf32, #tpu.memory_space<vmem_shared>> -> memref<624x128xf32, #tpu.memory_space<vmem_shared>>
        %dma_start3A_87 = arith.constant 0 : i32
        %dma_start3A_88 = arith.constant 0 : i32
        %dma_start3A_89 = tpu.memref_slice %arg5[%dma_start3A_87, %dma_start3A_88] : memref<624x128xf32, #tpu.memory_space<hbm>> -> memref<624x128xf32, #tpu.memory_space<hbm>>
        tpu.enqueue_dma source(%dma_start3A_89 : memref<624x128xf32, #tpu.memory_space<hbm>>) target(%dma_start3A_86 : memref<624x128xf32, #tpu.memory_space<vmem_shared>>) target_semaphore(%run_scoped3A : memref<!tpu.dma_semaphore, #tpu.memory_space<semaphore_mem>>)
        %dma_wait3A = arith.constant 0 : i32
        %dma_wait3A_90 = tpu.memref_slice %arg8[%mul3A_0, %dma_wait3A] : memref<10128x128xf32, #tpu.memory_space<vmem_shared>> -> memref<624x128xf32, #tpu.memory_space<vmem_shared>>
        %dma_wait3A_91 = arith.constant 0 : i32
        %dma_wait3A_92 = arith.constant 0 : i32
        %dma_wait3A_93 = tpu.memref_slice %arg5[%dma_wait3A_91, %dma_wait3A_92] : memref<624x128xf32, #tpu.memory_space<hbm>> -> memref<624x128xf32, #tpu.memory_space<hbm>>
        tpu.wait_dma2 semaphore(%run_scoped3A : memref<!tpu.dma_semaphore, #tpu.memory_space<semaphore_mem>>) src(%dma_wait3A_93 : memref<624x128xf32, #tpu.memory_space<hbm>>) dst(%dma_wait3A_90 : memref<624x128xf32, #tpu.memory_space<vmem_shared>>)
        tpu.yield
      }) : () -> ()
      %eq3A_80 = arith.constant 0 : i32
      %eq3A_81 = arith.cmpi eq, %arg1, %eq3A_80 : i32
      %convert_element_type3A_82 = arith.extui %eq3A_81 : i1 to i32
      %cond3A_83 = arith.constant 0 : i32
      %cond3A_84 = arith.cmpi ne, %convert_element_type3A_82, %cond3A_83 : i32
      scf.if %cond3A_84 {
        "tpu.region"() ({
          %run_scoped3A = tpu.sem_alloc : memref<!tpu.dma_semaphore, #tpu.memory_space<semaphore_mem>>
          %dma_start3A_85 = arith.constant 9984 : i32
          %dma_start3A_86 = arith.constant 0 : i32
          %dma_start3A_87 = tpu.memref_slice %arg8[%dma_start3A_85, %dma_start3A_86] : memref<10128x128xf32, #tpu.memory_space<vmem_shared>> -> memref<16x128xf32, #tpu.memory_space<vmem_shared>>
          %dma_start3A_88 = arith.constant 0 : i32
          %dma_start3A_89 = arith.constant 0 : i32
          %dma_start3A_90 = tpu.memref_slice %arg5[%dma_start3A_88, %dma_start3A_89] : memref<624x128xf32, #tpu.memory_space<hbm>> -> memref<16x128xf32, #tpu.memory_space<hbm>>
          tpu.enqueue_dma source(%dma_start3A_90 : memref<16x128xf32, #tpu.memory_space<hbm>>) target(%dma_start3A_87 : memref<16x128xf32, #tpu.memory_space<vmem_shared>>) target_semaphore(%run_scoped3A : memref<!tpu.dma_semaphore, #tpu.memory_space<semaphore_mem>>)
          %dma_wait3A = arith.constant 9984 : i32
          %dma_wait3A_91 = arith.constant 0 : i32
          %dma_wait3A_92 = tpu.memref_slice %arg8[%dma_wait3A, %dma_wait3A_91] : memref<10128x128xf32, #tpu.memory_space<vmem_shared>> -> memref<16x128xf32, #tpu.memory_space<vmem_shared>>
          %dma_wait3A_93 = arith.constant 0 : i32
          %dma_wait3A_94 = arith.constant 0 : i32
          %dma_wait3A_95 = tpu.memref_slice %arg5[%dma_wait3A_93, %dma_wait3A_94] : memref<624x128xf32, #tpu.memory_space<hbm>> -> memref<16x128xf32, #tpu.memory_space<hbm>>
          tpu.wait_dma2 semaphore(%run_scoped3A : memref<!tpu.dma_semaphore, #tpu.memory_space<semaphore_mem>>) src(%dma_wait3A_95 : memref<16x128xf32, #tpu.memory_space<hbm>>) dst(%dma_wait3A_92 : memref<16x128xf32, #tpu.memory_space<vmem_shared>>)
          tpu.yield
        }) : () -> ()
      } else {
      }
    } else {
    }
    %barrier3A = arith.constant 0 : index
    tpu.barrier barrier_id(%barrier3A)
    %scan3A = arith.constant 0 : i32
    %scan3A_34 = arith.constant 20 : i32
    %scan3A_35 = arith.addi %scan3A, %scan3A_34 : i32
    %scan3A_36 = arith.constant 1 : i32
    scf.for %scan3A_80 = %scan3A to %scan3A_35 step %scan3A_36  : i32 {
      %mul3A_81 = arith.constant 2 : i32
      %mul3A_82 = arith.muli %scan3A_80, %mul3A_81 : i32
      %add3A_83 = arith.constant 0 : i32
      %add3A_84 = arith.addi %add3A_83, %mul3A_82 : i32
      %add3A_85 = arith.constant 0 : i32
      %add3A_86 = arith.addi %add3A_84, %add3A_85 : i32
      %dma_wait3A = arith.constant 0 : i32
      %dma_wait3A_87 = arith.constant 0 : i32
      %dma_wait3A_88 = arith.constant 0 : i32
      %dma_wait3A_89 = tpu.memref_slice %arg11[%dma_wait3A, %dma_wait3A_87, %dma_wait3A_88] : memref<2x128x128xf32, #tpu.memory_space<vmem>> -> memref<1x128x128xf32, #tpu.memory_space<vmem>>
      %dma_wait3A_90 = tpu.memref_squeeze %dma_wait3A_89 : memref<1x128x128xf32, #tpu.memory_space<vmem>> -> memref<128x128xf32, #tpu.memory_space<vmem>>
      %dma_wait3A_91 = arith.constant 0 : i32
      %dma_wait3A_92 = tpu.memref_slice %arg9[%add3A_86, %dma_wait3A_91] : memref<40x128xi32, #tpu.memory_space<vmem>> -> memref<1x128xi32, #tpu.memory_space<vmem>>
      %dma_wait3A_93 = tpu.memref_squeeze %dma_wait3A_92 : memref<1x128xi32, #tpu.memory_space<vmem>> -> memref<128xi32, #tpu.memory_space<vmem>>
      %dma_wait3A_94 = arith.constant 0 : i32
      %dma_wait3A_95 = arith.constant 0 : i32
      %dma_wait3A_96 = tpu.memref_slice %arg2[%dma_wait3A_94, %dma_wait3A_95] : memref<10000x128xf32, #tpu.memory_space<hbm>> -> memref<10000x128xf32, #tpu.memory_space<hbm>>
      tpu.wait_indirect_dma semaphore(%arg12 : memref<!tpu.dma_semaphore, #tpu.memory_space<semaphore_mem>>) src(%dma_wait3A_96 : memref<10000x128xf32, #tpu.memory_space<hbm>>) dst(%dma_wait3A_90 : memref<128x128xf32, #tpu.memory_space<vmem>>)
      %add3A_97 = arith.constant 0 : i32
      %add3A_98 = arith.addi %add3A_97, %add3A_86 : i32
      %run_scoped3A = arith.constant 0 : i32
      "tpu.region"() ({
        %run_scoped3A_128 = tpu.sem_alloc : memref<!tpu.dma_semaphore, #tpu.memory_space<semaphore_mem>>
        %dma_start3A_129 = arith.constant 0 : i32
        %dma_start3A_130 = arith.constant 0 : i32
        %dma_start3A_131 = tpu.memref_slice %arg11[%run_scoped3A, %dma_start3A_129, %dma_start3A_130] : memref<2x128x128xf32, #tpu.memory_space<vmem>> -> memref<1x128x128xf32, #tpu.memory_space<vmem>>
        %dma_start3A_132 = tpu.memref_squeeze %dma_start3A_131 : memref<1x128x128xf32, #tpu.memory_space<vmem>> -> memref<128x128xf32, #tpu.memory_space<vmem>>
        %dma_start3A_133 = arith.constant 0 : i32
        %dma_start3A_134 = tpu.memref_slice %arg10[%add3A_98, %dma_start3A_133] : memref<80x128xi32, #tpu.memory_space<vmem>> -> memref<1x128xi32, #tpu.memory_space<vmem>>
        %dma_start3A_135 = tpu.memref_squeeze %dma_start3A_134 : memref<1x128xi32, #tpu.memory_space<vmem>> -> memref<128xi32, #tpu.memory_space<vmem>>
        %dma_start3A_136 = arith.constant 0 : i32
        %dma_start3A_137 = arith.constant 0 : i32
        %dma_start3A_138 = tpu.memref_slice %arg8[%dma_start3A_136, %dma_start3A_137] : memref<10128x128xf32, #tpu.memory_space<vmem_shared>> -> memref<10128x128xf32, #tpu.memory_space<vmem_shared>>
        tpu.enqueue_indirect_dma source(%dma_start3A_132 : memref<128x128xf32, #tpu.memory_space<vmem>>) target(%dma_start3A_138 : memref<10128x128xf32, #tpu.memory_space<vmem_shared>>) offsets(%dma_start3A_135 : memref<128xi32, #tpu.memory_space<vmem>>) semaphore(%run_scoped3A_128 : memref<!tpu.dma_semaphore, #tpu.memory_space<semaphore_mem>>) {add = true}
        %dma_wait3A_139 = arith.constant 0 : i32
        %dma_wait3A_140 = arith.constant 0 : i32
        %dma_wait3A_141 = tpu.memref_slice %arg11[%run_scoped3A, %dma_wait3A_139, %dma_wait3A_140] : memref<2x128x128xf32, #tpu.memory_space<vmem>> -> memref<1x128x128xf32, #tpu.memory_space<vmem>>
        %dma_wait3A_142 = tpu.memref_squeeze %dma_wait3A_141 : memref<1x128x128xf32, #tpu.memory_space<vmem>> -> memref<128x128xf32, #tpu.memory_space<vmem>>
        %dma_wait3A_143 = arith.constant 0 : i32
        %dma_wait3A_144 = tpu.memref_slice %arg10[%add3A_98, %dma_wait3A_143] : memref<80x128xi32, #tpu.memory_space<vmem>> -> memref<1x128xi32, #tpu.memory_space<vmem>>
        %dma_wait3A_145 = tpu.memref_squeeze %dma_wait3A_144 : memref<1x128xi32, #tpu.memory_space<vmem>> -> memref<128xi32, #tpu.memory_space<vmem>>
        %dma_wait3A_146 = arith.constant 0 : i32
        %dma_wait3A_147 = arith.constant 0 : i32
        %dma_wait3A_148 = tpu.memref_slice %arg8[%dma_wait3A_146, %dma_wait3A_147] : memref<10128x128xf32, #tpu.memory_space<vmem_shared>> -> memref<10128x128xf32, #tpu.memory_space<vmem_shared>>
        tpu.wait_indirect_dma semaphore(%run_scoped3A_128 : memref<!tpu.dma_semaphore, #tpu.memory_space<semaphore_mem>>) src(%dma_wait3A_142 : memref<128x128xf32, #tpu.memory_space<vmem>>) dst(%dma_wait3A_148 : memref<10128x128xf32, #tpu.memory_space<vmem_shared>>)
        tpu.yield
      }) : () -> ()
      %add3A_99 = arith.constant 2 : i32
      %add3A_100 = arith.addi %add3A_86, %add3A_99 : i32
      %lt3A = arith.constant 40 : i32
      %lt3A_101 = arith.cmpi slt, %add3A_100, %lt3A : i32
      %convert_element_type3A_102 = arith.extui %lt3A_101 : i1 to i32
      %cond3A_103 = arith.constant 0 : i32
      %cond3A_104 = arith.cmpi ne, %convert_element_type3A_102, %cond3A_103 : i32
      scf.if %cond3A_104 {
        %dma_start3A_128 = arith.constant 0 : i32
        %dma_start3A_129 = arith.constant 0 : i32
        %dma_start3A_130 = arith.constant 0 : i32
        %dma_start3A_131 = tpu.memref_slice %arg11[%dma_start3A_128, %dma_start3A_129, %dma_start3A_130] : memref<2x128x128xf32, #tpu.memory_space<vmem>> -> memref<1x128x128xf32, #tpu.memory_space<vmem>>
        %dma_start3A_132 = tpu.memref_squeeze %dma_start3A_131 : memref<1x128x128xf32, #tpu.memory_space<vmem>> -> memref<128x128xf32, #tpu.memory_space<vmem>>
        %dma_start3A_133 = arith.constant 0 : i32
        %dma_start3A_134 = tpu.memref_slice %arg9[%add3A_100, %dma_start3A_133] : memref<40x128xi32, #tpu.memory_space<vmem>> -> memref<1x128xi32, #tpu.memory_space<vmem>>
        %dma_start3A_135 = tpu.memref_squeeze %dma_start3A_134 : memref<1x128xi32, #tpu.memory_space<vmem>> -> memref<128xi32, #tpu.memory_space<vmem>>
        %dma_start3A_136 = arith.constant 0 : i32
        %dma_start3A_137 = arith.constant 0 : i32
        %dma_start3A_138 = tpu.memref_slice %arg2[%dma_start3A_136, %dma_start3A_137] : memref<10000x128xf32, #tpu.memory_space<hbm>> -> memref<10000x128xf32, #tpu.memory_space<hbm>>
        tpu.enqueue_indirect_dma source(%dma_start3A_138 : memref<10000x128xf32, #tpu.memory_space<hbm>>) target(%dma_start3A_132 : memref<128x128xf32, #tpu.memory_space<vmem>>) offsets(%dma_start3A_135 : memref<128xi32, #tpu.memory_space<vmem>>) semaphore(%arg12 : memref<!tpu.dma_semaphore, #tpu.memory_space<semaphore_mem>>)
      } else {
      }
      %add3A_105 = arith.constant 1 : i32
      %add3A_106 = arith.addi %add3A_84, %add3A_105 : i32
      %dma_wait3A_107 = arith.constant 1 : i32
      %dma_wait3A_108 = arith.constant 0 : i32
      %dma_wait3A_109 = arith.constant 0 : i32
      %dma_wait3A_110 = tpu.memref_slice %arg11[%dma_wait3A_107, %dma_wait3A_108, %dma_wait3A_109] : memref<2x128x128xf32, #tpu.memory_space<vmem>> -> memref<1x128x128xf32, #tpu.memory_space<vmem>>
      %dma_wait3A_111 = tpu.memref_squeeze %dma_wait3A_110 : memref<1x128x128xf32, #tpu.memory_space<vmem>> -> memref<128x128xf32, #tpu.memory_space<vmem>>
      %dma_wait3A_112 = arith.constant 0 : i32
      %dma_wait3A_113 = tpu.memref_slice %arg9[%add3A_106, %dma_wait3A_112] : memref<40x128xi32, #tpu.memory_space<vmem>> -> memref<1x128xi32, #tpu.memory_space<vmem>>
      %dma_wait3A_114 = tpu.memref_squeeze %dma_wait3A_113 : memref<1x128xi32, #tpu.memory_space<vmem>> -> memref<128xi32, #tpu.memory_space<vmem>>
      %dma_wait3A_115 = arith.constant 0 : i32
      %dma_wait3A_116 = arith.constant 0 : i32
      %dma_wait3A_117 = tpu.memref_slice %arg2[%dma_wait3A_115, %dma_wait3A_116] : memref<10000x128xf32, #tpu.memory_space<hbm>> -> memref<10000x128xf32, #tpu.memory_space<hbm>>
      tpu.wait_indirect_dma semaphore(%arg13 : memref<!tpu.dma_semaphore, #tpu.memory_space<semaphore_mem>>) src(%dma_wait3A_117 : memref<10000x128xf32, #tpu.memory_space<hbm>>) dst(%dma_wait3A_111 : memref<128x128xf32, #tpu.memory_space<vmem>>)
      %add3A_118 = arith.constant 0 : i32
      %add3A_119 = arith.addi %add3A_118, %add3A_106 : i32
      %run_scoped3A_120 = arith.constant 1 : i32
      "tpu.region"() ({
        %run_scoped3A_128 = tpu.sem_alloc : memref<!tpu.dma_semaphore, #tpu.memory_space<semaphore_mem>>
        %dma_start3A_129 = arith.constant 0 : i32
        %dma_start3A_130 = arith.constant 0 : i32
        %dma_start3A_131 = tpu.memref_slice %arg11[%run_scoped3A_120, %dma_start3A_129, %dma_start3A_130] : memref<2x128x128xf32, #tpu.memory_space<vmem>> -> memref<1x128x128xf32, #tpu.memory_space<vmem>>
        %dma_start3A_132 = tpu.memref_squeeze %dma_start3A_131 : memref<1x128x128xf32, #tpu.memory_space<vmem>> -> memref<128x128xf32, #tpu.memory_space<vmem>>
        %dma_start3A_133 = arith.constant 0 : i32
        %dma_start3A_134 = tpu.memref_slice %arg10[%add3A_119, %dma_start3A_133] : memref<80x128xi32, #tpu.memory_space<vmem>> -> memref<1x128xi32, #tpu.memory_space<vmem>>
        %dma_start3A_135 = tpu.memref_squeeze %dma_start3A_134 : memref<1x128xi32, #tpu.memory_space<vmem>> -> memref<128xi32, #tpu.memory_space<vmem>>
        %dma_start3A_136 = arith.constant 0 : i32
        %dma_start3A_137 = arith.constant 0 : i32
        %dma_start3A_138 = tpu.memref_slice %arg8[%dma_start3A_136, %dma_start3A_137] : memref<10128x128xf32, #tpu.memory_space<vmem_shared>> -> memref<10128x128xf32, #tpu.memory_space<vmem_shared>>
        tpu.enqueue_indirect_dma source(%dma_start3A_132 : memref<128x128xf32, #tpu.memory_space<vmem>>) target(%dma_start3A_138 : memref<10128x128xf32, #tpu.memory_space<vmem_shared>>) offsets(%dma_start3A_135 : memref<128xi32, #tpu.memory_space<vmem>>) semaphore(%run_scoped3A_128 : memref<!tpu.dma_semaphore, #tpu.memory_space<semaphore_mem>>) {add = true}
        %dma_wait3A_139 = arith.constant 0 : i32
        %dma_wait3A_140 = arith.constant 0 : i32
        %dma_wait3A_141 = tpu.memref_slice %arg11[%run_scoped3A_120, %dma_wait3A_139, %dma_wait3A_140] : memref<2x128x128xf32, #tpu.memory_space<vmem>> -> memref<1x128x128xf32, #tpu.memory_space<vmem>>
        %dma_wait3A_142 = tpu.memref_squeeze %dma_wait3A_141 : memref<1x128x128xf32, #tpu.memory_space<vmem>> -> memref<128x128xf32, #tpu.memory_space<vmem>>
        %dma_wait3A_143 = arith.constant 0 : i32
        %dma_wait3A_144 = tpu.memref_slice %arg10[%add3A_119, %dma_wait3A_143] : memref<80x128xi32, #tpu.memory_space<vmem>> -> memref<1x128xi32, #tpu.memory_space<vmem>>
        %dma_wait3A_145 = tpu.memref_squeeze %dma_wait3A_144 : memref<1x128xi32, #tpu.memory_space<vmem>> -> memref<128xi32, #tpu.memory_space<vmem>>
        %dma_wait3A_146 = arith.constant 0 : i32
        %dma_wait3A_147 = arith.constant 0 : i32
        %dma_wait3A_148 = tpu.memref_slice %arg8[%dma_wait3A_146, %dma_wait3A_147] : memref<10128x128xf32, #tpu.memory_space<vmem_shared>> -> memref<10128x128xf32, #tpu.memory_space<vmem_shared>>
        tpu.wait_indirect_dma semaphore(%run_scoped3A_128 : memref<!tpu.dma_semaphore, #tpu.memory_space<semaphore_mem>>) src(%dma_wait3A_142 : memref<128x128xf32, #tpu.memory_space<vmem>>) dst(%dma_wait3A_148 : memref<10128x128xf32, #tpu.memory_space<vmem_shared>>)
        tpu.yield
      }) : () -> ()
      %add3A_121 = arith.constant 2 : i32
      %add3A_122 = arith.addi %add3A_106, %add3A_121 : i32
      %lt3A_123 = arith.constant 40 : i32
      %lt3A_124 = arith.cmpi slt, %add3A_122, %lt3A_123 : i32
      %convert_element_type3A_125 = arith.extui %lt3A_124 : i1 to i32
      %cond3A_126 = arith.constant 0 : i32
      %cond3A_127 = arith.cmpi ne, %convert_element_type3A_125, %cond3A_126 : i32
      scf.if %cond3A_127 {
        %dma_start3A_128 = arith.constant 1 : i32
        %dma_start3A_129 = arith.constant 0 : i32
        %dma_start3A_130 = arith.constant 0 : i32
        %dma_start3A_131 = tpu.memref_slice %arg11[%dma_start3A_128, %dma_start3A_129, %dma_start3A_130] : memref<2x128x128xf32, #tpu.memory_space<vmem>> -> memref<1x128x128xf32, #tpu.memory_space<vmem>>
        %dma_start3A_132 = tpu.memref_squeeze %dma_start3A_131 : memref<1x128x128xf32, #tpu.memory_space<vmem>> -> memref<128x128xf32, #tpu.memory_space<vmem>>
        %dma_start3A_133 = arith.constant 0 : i32
        %dma_start3A_134 = tpu.memref_slice %arg9[%add3A_122, %dma_start3A_133] : memref<40x128xi32, #tpu.memory_space<vmem>> -> memref<1x128xi32, #tpu.memory_space<vmem>>
        %dma_start3A_135 = tpu.memref_squeeze %dma_start3A_134 : memref<1x128xi32, #tpu.memory_space<vmem>> -> memref<128xi32, #tpu.memory_space<vmem>>
        %dma_start3A_136 = arith.constant 0 : i32
        %dma_start3A_137 = arith.constant 0 : i32
        %dma_start3A_138 = tpu.memref_slice %arg2[%dma_start3A_136, %dma_start3A_137] : memref<10000x128xf32, #tpu.memory_space<hbm>> -> memref<10000x128xf32, #tpu.memory_space<hbm>>
        tpu.enqueue_indirect_dma source(%dma_start3A_138 : memref<10000x128xf32, #tpu.memory_space<hbm>>) target(%dma_start3A_132 : memref<128x128xf32, #tpu.memory_space<vmem>>) offsets(%dma_start3A_135 : memref<128xi32, #tpu.memory_space<vmem>>) semaphore(%arg13 : memref<!tpu.dma_semaphore, #tpu.memory_space<semaphore_mem>>)
      } else {
      }
    }
    %scan3A_37 = arith.constant 20 : i32
    %add3A_38 = arith.constant 40 : i32
    %add3A_39 = arith.addi %mul3A_4, %add3A_38 : i32
    "tpu.region"() ({
      %run_scoped3A = tpu.sem_alloc : memref<!tpu.dma_semaphore, #tpu.memory_space<semaphore_mem>>
      %dma_start3A_80 = arith.constant 0 : i32
      %dma_start3A_81 = tpu.memref_slice %arg3[%add3A_39, %dma_start3A_80] : memref<2560x128xi32, #tpu.memory_space<hbm>> -> memref<40x128xi32, #tpu.memory_space<hbm>>
      %dma_start3A_82 = arith.constant 0 : i32
      %dma_start3A_83 = tpu.memref_slice %arg3[%add3A_39, %dma_start3A_82] : memref<2560x128xi32, #tpu.memory_space<hbm>> -> memref<40x128xi32, #tpu.memory_space<hbm>>
      tpu.enqueue_dma source(%dma_start3A_83 : memref<40x128xi32, #tpu.memory_space<hbm>>) target(%arg9 : memref<40x128xi32, #tpu.memory_space<vmem>>) target_semaphore(%run_scoped3A : memref<!tpu.dma_semaphore, #tpu.memory_space<semaphore_mem>>)
      %dma_wait3A = arith.constant 0 : i32
      %dma_wait3A_84 = tpu.memref_slice %arg3[%add3A_39, %dma_wait3A] : memref<2560x128xi32, #tpu.memory_space<hbm>> -> memref<40x128xi32, #tpu.memory_space<hbm>>
      %dma_wait3A_85 = arith.constant 0 : i32
      %dma_wait3A_86 = tpu.memref_slice %arg3[%add3A_39, %dma_wait3A_85] : memref<2560x128xi32, #tpu.memory_space<hbm>> -> memref<40x128xi32, #tpu.memory_space<hbm>>
      tpu.wait_dma2 semaphore(%run_scoped3A : memref<!tpu.dma_semaphore, #tpu.memory_space<semaphore_mem>>) src(%dma_wait3A_86 : memref<40x128xi32, #tpu.memory_space<hbm>>) dst(%arg9 : memref<40x128xi32, #tpu.memory_space<vmem>>)
      tpu.yield
    }) : () -> ()
    %dma_start3A_40 = arith.constant 0 : i32
    %dma_start3A_41 = arith.constant 0 : i32
    %dma_start3A_42 = arith.constant 0 : i32
    %dma_start3A_43 = arith.constant 0 : i32
    %dma_start3A_44 = tpu.memref_slice %arg11[%dma_start3A_41, %dma_start3A_42, %dma_start3A_43] : memref<2x128x128xf32, #tpu.memory_space<vmem>> -> memref<1x128x128xf32, #tpu.memory_space<vmem>>
    %dma_start3A_45 = tpu.memref_squeeze %dma_start3A_44 : memref<1x128x128xf32, #tpu.memory_space<vmem>> -> memref<128x128xf32, #tpu.memory_space<vmem>>
    %dma_start3A_46 = arith.constant 0 : i32
    %dma_start3A_47 = tpu.memref_slice %arg9[%dma_start3A_40, %dma_start3A_46] : memref<40x128xi32, #tpu.memory_space<vmem>> -> memref<1x128xi32, #tpu.memory_space<vmem>>
    %dma_start3A_48 = tpu.memref_squeeze %dma_start3A_47 : memref<1x128xi32, #tpu.memory_space<vmem>> -> memref<128xi32, #tpu.memory_space<vmem>>
    %dma_start3A_49 = arith.constant 0 : i32
    %dma_start3A_50 = arith.constant 0 : i32
    %dma_start3A_51 = tpu.memref_slice %arg2[%dma_start3A_49, %dma_start3A_50] : memref<10000x128xf32, #tpu.memory_space<hbm>> -> memref<10000x128xf32, #tpu.memory_space<hbm>>
    tpu.enqueue_indirect_dma source(%dma_start3A_51 : memref<10000x128xf32, #tpu.memory_space<hbm>>) target(%dma_start3A_45 : memref<128x128xf32, #tpu.memory_space<vmem>>) offsets(%dma_start3A_48 : memref<128xi32, #tpu.memory_space<vmem>>) semaphore(%arg12 : memref<!tpu.dma_semaphore, #tpu.memory_space<semaphore_mem>>)
    %dma_start3A_52 = arith.constant 1 : i32
    %dma_start3A_53 = arith.constant 1 : i32
    %dma_start3A_54 = arith.constant 0 : i32
    %dma_start3A_55 = arith.constant 0 : i32
    %dma_start3A_56 = tpu.memref_slice %arg11[%dma_start3A_53, %dma_start3A_54, %dma_start3A_55] : memref<2x128x128xf32, #tpu.memory_space<vmem>> -> memref<1x128x128xf32, #tpu.memory_space<vmem>>
    %dma_start3A_57 = tpu.memref_squeeze %dma_start3A_56 : memref<1x128x128xf32, #tpu.memory_space<vmem>> -> memref<128x128xf32, #tpu.memory_space<vmem>>
    %dma_start3A_58 = arith.constant 0 : i32
    %dma_start3A_59 = tpu.memref_slice %arg9[%dma_start3A_52, %dma_start3A_58] : memref<40x128xi32, #tpu.memory_space<vmem>> -> memref<1x128xi32, #tpu.memory_space<vmem>>
    %dma_start3A_60 = tpu.memref_squeeze %dma_start3A_59 : memref<1x128xi32, #tpu.memory_space<vmem>> -> memref<128xi32, #tpu.memory_space<vmem>>
    %dma_start3A_61 = arith.constant 0 : i32
    %dma_start3A_62 = arith.constant 0 : i32
    %dma_start3A_63 = tpu.memref_slice %arg2[%dma_start3A_61, %dma_start3A_62] : memref<10000x128xf32, #tpu.memory_space<hbm>> -> memref<10000x128xf32, #tpu.memory_space<hbm>>
    tpu.enqueue_indirect_dma source(%dma_start3A_63 : memref<10000x128xf32, #tpu.memory_space<hbm>>) target(%dma_start3A_57 : memref<128x128xf32, #tpu.memory_space<vmem>>) offsets(%dma_start3A_60 : memref<128xi32, #tpu.memory_space<vmem>>) semaphore(%arg13 : memref<!tpu.dma_semaphore, #tpu.memory_space<semaphore_mem>>)
    %scan3A_64 = arith.constant 0 : i32
    %scan3A_65 = arith.constant 20 : i32
    %scan3A_66 = arith.addi %scan3A_64, %scan3A_65 : i32
    %scan3A_67 = arith.constant 1 : i32
    scf.for %scan3A_80 = %scan3A_64 to %scan3A_66 step %scan3A_67  : i32 {
      %mul3A_81 = arith.constant 2 : i32
      %mul3A_82 = arith.muli %scan3A_80, %mul3A_81 : i32
      %add3A_83 = arith.constant 0 : i32
      %add3A_84 = arith.addi %add3A_83, %mul3A_82 : i32
      %add3A_85 = arith.constant 0 : i32
      %add3A_86 = arith.addi %add3A_84, %add3A_85 : i32
      %dma_wait3A = arith.constant 0 : i32
      %dma_wait3A_87 = arith.constant 0 : i32
      %dma_wait3A_88 = arith.constant 0 : i32
      %dma_wait3A_89 = tpu.memref_slice %arg11[%dma_wait3A, %dma_wait3A_87, %dma_wait3A_88] : memref<2x128x128xf32, #tpu.memory_space<vmem>> -> memref<1x128x128xf32, #tpu.memory_space<vmem>>
      %dma_wait3A_90 = tpu.memref_squeeze %dma_wait3A_89 : memref<1x128x128xf32, #tpu.memory_space<vmem>> -> memref<128x128xf32, #tpu.memory_space<vmem>>
      %dma_wait3A_91 = arith.constant 0 : i32
      %dma_wait3A_92 = tpu.memref_slice %arg9[%add3A_86, %dma_wait3A_91] : memref<40x128xi32, #tpu.memory_space<vmem>> -> memref<1x128xi32, #tpu.memory_space<vmem>>
      %dma_wait3A_93 = tpu.memref_squeeze %dma_wait3A_92 : memref<1x128xi32, #tpu.memory_space<vmem>> -> memref<128xi32, #tpu.memory_space<vmem>>
      %dma_wait3A_94 = arith.constant 0 : i32
      %dma_wait3A_95 = arith.constant 0 : i32
      %dma_wait3A_96 = tpu.memref_slice %arg2[%dma_wait3A_94, %dma_wait3A_95] : memref<10000x128xf32, #tpu.memory_space<hbm>> -> memref<10000x128xf32, #tpu.memory_space<hbm>>
      tpu.wait_indirect_dma semaphore(%arg12 : memref<!tpu.dma_semaphore, #tpu.memory_space<semaphore_mem>>) src(%dma_wait3A_96 : memref<10000x128xf32, #tpu.memory_space<hbm>>) dst(%dma_wait3A_90 : memref<128x128xf32, #tpu.memory_space<vmem>>)
      %add3A_97 = arith.constant 40 : i32
      %add3A_98 = arith.addi %add3A_97, %add3A_86 : i32
      %run_scoped3A = arith.constant 0 : i32
      "tpu.region"() ({
        %run_scoped3A_128 = tpu.sem_alloc : memref<!tpu.dma_semaphore, #tpu.memory_space<semaphore_mem>>
        %dma_start3A_129 = arith.constant 0 : i32
        %dma_start3A_130 = arith.constant 0 : i32
        %dma_start3A_131 = tpu.memref_slice %arg11[%run_scoped3A, %dma_start3A_129, %dma_start3A_130] : memref<2x128x128xf32, #tpu.memory_space<vmem>> -> memref<1x128x128xf32, #tpu.memory_space<vmem>>
        %dma_start3A_132 = tpu.memref_squeeze %dma_start3A_131 : memref<1x128x128xf32, #tpu.memory_space<vmem>> -> memref<128x128xf32, #tpu.memory_space<vmem>>
        %dma_start3A_133 = arith.constant 0 : i32
        %dma_start3A_134 = tpu.memref_slice %arg10[%add3A_98, %dma_start3A_133] : memref<80x128xi32, #tpu.memory_space<vmem>> -> memref<1x128xi32, #tpu.memory_space<vmem>>
        %dma_start3A_135 = tpu.memref_squeeze %dma_start3A_134 : memref<1x128xi32, #tpu.memory_space<vmem>> -> memref<128xi32, #tpu.memory_space<vmem>>
        %dma_start3A_136 = arith.constant 0 : i32
        %dma_start3A_137 = arith.constant 0 : i32
        %dma_start3A_138 = tpu.memref_slice %arg8[%dma_start3A_136, %dma_start3A_137] : memref<10128x128xf32, #tpu.memory_space<vmem_shared>> -> memref<10128x128xf32, #tpu.memory_space<vmem_shared>>
        tpu.enqueue_indirect_dma source(%dma_start3A_132 : memref<128x128xf32, #tpu.memory_space<vmem>>) target(%dma_start3A_138 : memref<10128x128xf32, #tpu.memory_space<vmem_shared>>) offsets(%dma_start3A_135 : memref<128xi32, #tpu.memory_space<vmem>>) semaphore(%run_scoped3A_128 : memref<!tpu.dma_semaphore, #tpu.memory_space<semaphore_mem>>) {add = true}
        %dma_wait3A_139 = arith.constant 0 : i32
        %dma_wait3A_140 = arith.constant 0 : i32
        %dma_wait3A_141 = tpu.memref_slice %arg11[%run_scoped3A, %dma_wait3A_139, %dma_wait3A_140] : memref<2x128x128xf32, #tpu.memory_space<vmem>> -> memref<1x128x128xf32, #tpu.memory_space<vmem>>
        %dma_wait3A_142 = tpu.memref_squeeze %dma_wait3A_141 : memref<1x128x128xf32, #tpu.memory_space<vmem>> -> memref<128x128xf32, #tpu.memory_space<vmem>>
        %dma_wait3A_143 = arith.constant 0 : i32
        %dma_wait3A_144 = tpu.memref_slice %arg10[%add3A_98, %dma_wait3A_143] : memref<80x128xi32, #tpu.memory_space<vmem>> -> memref<1x128xi32, #tpu.memory_space<vmem>>
        %dma_wait3A_145 = tpu.memref_squeeze %dma_wait3A_144 : memref<1x128xi32, #tpu.memory_space<vmem>> -> memref<128xi32, #tpu.memory_space<vmem>>
        %dma_wait3A_146 = arith.constant 0 : i32
        %dma_wait3A_147 = arith.constant 0 : i32
        %dma_wait3A_148 = tpu.memref_slice %arg8[%dma_wait3A_146, %dma_wait3A_147] : memref<10128x128xf32, #tpu.memory_space<vmem_shared>> -> memref<10128x128xf32, #tpu.memory_space<vmem_shared>>
        tpu.wait_indirect_dma semaphore(%run_scoped3A_128 : memref<!tpu.dma_semaphore, #tpu.memory_space<semaphore_mem>>) src(%dma_wait3A_142 : memref<128x128xf32, #tpu.memory_space<vmem>>) dst(%dma_wait3A_148 : memref<10128x128xf32, #tpu.memory_space<vmem_shared>>)
        tpu.yield
      }) : () -> ()
      %add3A_99 = arith.constant 2 : i32
      %add3A_100 = arith.addi %add3A_86, %add3A_99 : i32
      %lt3A = arith.constant 40 : i32
      %lt3A_101 = arith.cmpi slt, %add3A_100, %lt3A : i32
      %convert_element_type3A_102 = arith.extui %lt3A_101 : i1 to i32
      %cond3A_103 = arith.constant 0 : i32
      %cond3A_104 = arith.cmpi ne, %convert_element_type3A_102, %cond3A_103 : i32
      scf.if %cond3A_104 {
        %dma_start3A_128 = arith.constant 0 : i32
        %dma_start3A_129 = arith.constant 0 : i32
        %dma_start3A_130 = arith.constant 0 : i32
        %dma_start3A_131 = tpu.memref_slice %arg11[%dma_start3A_128, %dma_start3A_129, %dma_start3A_130] : memref<2x128x128xf32, #tpu.memory_space<vmem>> -> memref<1x128x128xf32, #tpu.memory_space<vmem>>
        %dma_start3A_132 = tpu.memref_squeeze %dma_start3A_131 : memref<1x128x128xf32, #tpu.memory_space<vmem>> -> memref<128x128xf32, #tpu.memory_space<vmem>>
        %dma_start3A_133 = arith.constant 0 : i32
        %dma_start3A_134 = tpu.memref_slice %arg9[%add3A_100, %dma_start3A_133] : memref<40x128xi32, #tpu.memory_space<vmem>> -> memref<1x128xi32, #tpu.memory_space<vmem>>
        %dma_start3A_135 = tpu.memref_squeeze %dma_start3A_134 : memref<1x128xi32, #tpu.memory_space<vmem>> -> memref<128xi32, #tpu.memory_space<vmem>>
        %dma_start3A_136 = arith.constant 0 : i32
        %dma_start3A_137 = arith.constant 0 : i32
        %dma_start3A_138 = tpu.memref_slice %arg2[%dma_start3A_136, %dma_start3A_137] : memref<10000x128xf32, #tpu.memory_space<hbm>> -> memref<10000x128xf32, #tpu.memory_space<hbm>>
        tpu.enqueue_indirect_dma source(%dma_start3A_138 : memref<10000x128xf32, #tpu.memory_space<hbm>>) target(%dma_start3A_132 : memref<128x128xf32, #tpu.memory_space<vmem>>) offsets(%dma_start3A_135 : memref<128xi32, #tpu.memory_space<vmem>>) semaphore(%arg12 : memref<!tpu.dma_semaphore, #tpu.memory_space<semaphore_mem>>)
      } else {
      }
      %add3A_105 = arith.constant 1 : i32
      %add3A_106 = arith.addi %add3A_84, %add3A_105 : i32
      %dma_wait3A_107 = arith.constant 1 : i32
      %dma_wait3A_108 = arith.constant 0 : i32
      %dma_wait3A_109 = arith.constant 0 : i32
      %dma_wait3A_110 = tpu.memref_slice %arg11[%dma_wait3A_107, %dma_wait3A_108, %dma_wait3A_109] : memref<2x128x128xf32, #tpu.memory_space<vmem>> -> memref<1x128x128xf32, #tpu.memory_space<vmem>>
      %dma_wait3A_111 = tpu.memref_squeeze %dma_wait3A_110 : memref<1x128x128xf32, #tpu.memory_space<vmem>> -> memref<128x128xf32, #tpu.memory_space<vmem>>
      %dma_wait3A_112 = arith.constant 0 : i32
      %dma_wait3A_113 = tpu.memref_slice %arg9[%add3A_106, %dma_wait3A_112] : memref<40x128xi32, #tpu.memory_space<vmem>> -> memref<1x128xi32, #tpu.memory_space<vmem>>
      %dma_wait3A_114 = tpu.memref_squeeze %dma_wait3A_113 : memref<1x128xi32, #tpu.memory_space<vmem>> -> memref<128xi32, #tpu.memory_space<vmem>>
      %dma_wait3A_115 = arith.constant 0 : i32
      %dma_wait3A_116 = arith.constant 0 : i32
      %dma_wait3A_117 = tpu.memref_slice %arg2[%dma_wait3A_115, %dma_wait3A_116] : memref<10000x128xf32, #tpu.memory_space<hbm>> -> memref<10000x128xf32, #tpu.memory_space<hbm>>
      tpu.wait_indirect_dma semaphore(%arg13 : memref<!tpu.dma_semaphore, #tpu.memory_space<semaphore_mem>>) src(%dma_wait3A_117 : memref<10000x128xf32, #tpu.memory_space<hbm>>) dst(%dma_wait3A_111 : memref<128x128xf32, #tpu.memory_space<vmem>>)
      %add3A_118 = arith.constant 40 : i32
      %add3A_119 = arith.addi %add3A_118, %add3A_106 : i32
      %run_scoped3A_120 = arith.constant 1 : i32
      "tpu.region"() ({
        %run_scoped3A_128 = tpu.sem_alloc : memref<!tpu.dma_semaphore, #tpu.memory_space<semaphore_mem>>
        %dma_start3A_129 = arith.constant 0 : i32
        %dma_start3A_130 = arith.constant 0 : i32
        %dma_start3A_131 = tpu.memref_slice %arg11[%run_scoped3A_120, %dma_start3A_129, %dma_start3A_130] : memref<2x128x128xf32, #tpu.memory_space<vmem>> -> memref<1x128x128xf32, #tpu.memory_space<vmem>>
        %dma_start3A_132 = tpu.memref_squeeze %dma_start3A_131 : memref<1x128x128xf32, #tpu.memory_space<vmem>> -> memref<128x128xf32, #tpu.memory_space<vmem>>
        %dma_start3A_133 = arith.constant 0 : i32
        %dma_start3A_134 = tpu.memref_slice %arg10[%add3A_119, %dma_start3A_133] : memref<80x128xi32, #tpu.memory_space<vmem>> -> memref<1x128xi32, #tpu.memory_space<vmem>>
        %dma_start3A_135 = tpu.memref_squeeze %dma_start3A_134 : memref<1x128xi32, #tpu.memory_space<vmem>> -> memref<128xi32, #tpu.memory_space<vmem>>
        %dma_start3A_136 = arith.constant 0 : i32
        %dma_start3A_137 = arith.constant 0 : i32
        %dma_start3A_138 = tpu.memref_slice %arg8[%dma_start3A_136, %dma_start3A_137] : memref<10128x128xf32, #tpu.memory_space<vmem_shared>> -> memref<10128x128xf32, #tpu.memory_space<vmem_shared>>
        tpu.enqueue_indirect_dma source(%dma_start3A_132 : memref<128x128xf32, #tpu.memory_space<vmem>>) target(%dma_start3A_138 : memref<10128x128xf32, #tpu.memory_space<vmem_shared>>) offsets(%dma_start3A_135 : memref<128xi32, #tpu.memory_space<vmem>>) semaphore(%run_scoped3A_128 : memref<!tpu.dma_semaphore, #tpu.memory_space<semaphore_mem>>) {add = true}
        %dma_wait3A_139 = arith.constant 0 : i32
        %dma_wait3A_140 = arith.constant 0 : i32
        %dma_wait3A_141 = tpu.memref_slice %arg11[%run_scoped3A_120, %dma_wait3A_139, %dma_wait3A_140] : memref<2x128x128xf32, #tpu.memory_space<vmem>> -> memref<1x128x128xf32, #tpu.memory_space<vmem>>
        %dma_wait3A_142 = tpu.memref_squeeze %dma_wait3A_141 : memref<1x128x128xf32, #tpu.memory_space<vmem>> -> memref<128x128xf32, #tpu.memory_space<vmem>>
        %dma_wait3A_143 = arith.constant 0 : i32
        %dma_wait3A_144 = tpu.memref_slice %arg10[%add3A_119, %dma_wait3A_143] : memref<80x128xi32, #tpu.memory_space<vmem>> -> memref<1x128xi32, #tpu.memory_space<vmem>>
        %dma_wait3A_145 = tpu.memref_squeeze %dma_wait3A_144 : memref<1x128xi32, #tpu.memory_space<vmem>> -> memref<128xi32, #tpu.memory_space<vmem>>
        %dma_wait3A_146 = arith.constant 0 : i32
        %dma_wait3A_147 = arith.constant 0 : i32
        %dma_wait3A_148 = tpu.memref_slice %arg8[%dma_wait3A_146, %dma_wait3A_147] : memref<10128x128xf32, #tpu.memory_space<vmem_shared>> -> memref<10128x128xf32, #tpu.memory_space<vmem_shared>>
        tpu.wait_indirect_dma semaphore(%run_scoped3A_128 : memref<!tpu.dma_semaphore, #tpu.memory_space<semaphore_mem>>) src(%dma_wait3A_142 : memref<128x128xf32, #tpu.memory_space<vmem>>) dst(%dma_wait3A_148 : memref<10128x128xf32, #tpu.memory_space<vmem_shared>>)
        tpu.yield
      }) : () -> ()
      %add3A_121 = arith.constant 2 : i32
      %add3A_122 = arith.addi %add3A_106, %add3A_121 : i32
      %lt3A_123 = arith.constant 40 : i32
      %lt3A_124 = arith.cmpi slt, %add3A_122, %lt3A_123 : i32
      %convert_element_type3A_125 = arith.extui %lt3A_124 : i1 to i32
      %cond3A_126 = arith.constant 0 : i32
      %cond3A_127 = arith.cmpi ne, %convert_element_type3A_125, %cond3A_126 : i32
      scf.if %cond3A_127 {
        %dma_start3A_128 = arith.constant 1 : i32
        %dma_start3A_129 = arith.constant 0 : i32
        %dma_start3A_130 = arith.constant 0 : i32
        %dma_start3A_131 = tpu.memref_slice %arg11[%dma_start3A_128, %dma_start3A_129, %dma_start3A_130] : memref<2x128x128xf32, #tpu.memory_space<vmem>> -> memref<1x128x128xf32, #tpu.memory_space<vmem>>
        %dma_start3A_132 = tpu.memref_squeeze %dma_start3A_131 : memref<1x128x128xf32, #tpu.memory_space<vmem>> -> memref<128x128xf32, #tpu.memory_space<vmem>>
        %dma_start3A_133 = arith.constant 0 : i32
        %dma_start3A_134 = tpu.memref_slice %arg9[%add3A_122, %dma_start3A_133] : memref<40x128xi32, #tpu.memory_space<vmem>> -> memref<1x128xi32, #tpu.memory_space<vmem>>
        %dma_start3A_135 = tpu.memref_squeeze %dma_start3A_134 : memref<1x128xi32, #tpu.memory_space<vmem>> -> memref<128xi32, #tpu.memory_space<vmem>>
        %dma_start3A_136 = arith.constant 0 : i32
        %dma_start3A_137 = arith.constant 0 : i32
        %dma_start3A_138 = tpu.memref_slice %arg2[%dma_start3A_136, %dma_start3A_137] : memref<10000x128xf32, #tpu.memory_space<hbm>> -> memref<10000x128xf32, #tpu.memory_space<hbm>>
        tpu.enqueue_indirect_dma source(%dma_start3A_138 : memref<10000x128xf32, #tpu.memory_space<hbm>>) target(%dma_start3A_132 : memref<128x128xf32, #tpu.memory_space<vmem>>) offsets(%dma_start3A_135 : memref<128xi32, #tpu.memory_space<vmem>>) semaphore(%arg13 : memref<!tpu.dma_semaphore, #tpu.memory_space<semaphore_mem>>)
      } else {
      }
    }
    %scan3A_68 = arith.constant 20 : i32
    %barrier3A_69 = arith.constant 0 : index
    tpu.barrier barrier_id(%barrier3A_69)
    %eq3A_70 = arith.constant 0 : i32
    %eq3A_71 = arith.cmpi eq, %arg0, %eq3A_70 : i32
    %convert_element_type3A_72 = arith.extui %eq3A_71 : i1 to i32
    %cond3A_73 = arith.constant 0 : i32
    %cond3A_74 = arith.cmpi ne, %convert_element_type3A_72, %cond3A_73 : i32
    scf.if %cond3A_74 {
      "tpu.region"() ({
        %run_scoped3A = tpu.sem_alloc : memref<!tpu.dma_semaphore, #tpu.memory_space<semaphore_mem>>
        %dma_start3A_85 = arith.constant 0 : i32
        %dma_start3A_86 = tpu.memref_slice %arg6[%mul3A_0, %dma_start3A_85] : memref<10000x128xf32, #tpu.memory_space<hbm>> -> memref<624x128xf32, #tpu.memory_space<hbm>>
        %dma_start3A_87 = arith.constant 0 : i32
        %dma_start3A_88 = tpu.memref_slice %arg8[%mul3A_0, %dma_start3A_87] : memref<10128x128xf32, #tpu.memory_space<vmem_shared>> -> memref<624x128xf32, #tpu.memory_space<vmem_shared>>
        tpu.enqueue_dma source(%dma_start3A_88 : memref<624x128xf32, #tpu.memory_space<vmem_shared>>) target(%dma_start3A_86 : memref<624x128xf32, #tpu.memory_space<hbm>>) target_semaphore(%run_scoped3A : memref<!tpu.dma_semaphore, #tpu.memory_space<semaphore_mem>>)
        %dma_wait3A = arith.constant 0 : i32
        %dma_wait3A_89 = tpu.memref_slice %arg6[%mul3A_0, %dma_wait3A] : memref<10000x128xf32, #tpu.memory_space<hbm>> -> memref<624x128xf32, #tpu.memory_space<hbm>>
        %dma_wait3A_90 = arith.constant 0 : i32
        %dma_wait3A_91 = tpu.memref_slice %arg8[%mul3A_0, %dma_wait3A_90] : memref<10128x128xf32, #tpu.memory_space<vmem_shared>> -> memref<624x128xf32, #tpu.memory_space<vmem_shared>>
        tpu.wait_dma2 semaphore(%run_scoped3A : memref<!tpu.dma_semaphore, #tpu.memory_space<semaphore_mem>>) src(%dma_wait3A_91 : memref<624x128xf32, #tpu.memory_space<vmem_shared>>) dst(%dma_wait3A_89 : memref<624x128xf32, #tpu.memory_space<hbm>>)
        tpu.yield
      }) : () -> ()
      %eq3A_80 = arith.constant 0 : i32
      %eq3A_81 = arith.cmpi eq, %arg1, %eq3A_80 : i32
      %convert_element_type3A_82 = arith.extui %eq3A_81 : i1 to i32
      %cond3A_83 = arith.constant 0 : i32
      %cond3A_84 = arith.cmpi ne, %convert_element_type3A_82, %cond3A_83 : i32
      scf.if %cond3A_84 {
        "tpu.region"() ({
          %run_scoped3A = tpu.sem_alloc : memref<!tpu.dma_semaphore, #tpu.memory_space<semaphore_mem>>
          %dma_start3A_85 = arith.constant 9984 : i32
          %dma_start3A_86 = arith.constant 0 : i32
          %dma_start3A_87 = tpu.memref_slice %arg6[%dma_start3A_85, %dma_start3A_86] : memref<10000x128xf32, #tpu.memory_space<hbm>> -> memref<16x128xf32, #tpu.memory_space<hbm>>
          %dma_start3A_88 = arith.constant 9984 : i32
          %dma_start3A_89 = arith.constant 0 : i32
          %dma_start3A_90 = tpu.memref_slice %arg8[%dma_start3A_88, %dma_start3A_89] : memref<10128x128xf32, #tpu.memory_space<vmem_shared>> -> memref<16x128xf32, #tpu.memory_space<vmem_shared>>
          tpu.enqueue_dma source(%dma_start3A_90 : memref<16x128xf32, #tpu.memory_space<vmem_shared>>) target(%dma_start3A_87 : memref<16x128xf32, #tpu.memory_space<hbm>>) target_semaphore(%run_scoped3A : memref<!tpu.dma_semaphore, #tpu.memory_space<semaphore_mem>>)
          %dma_wait3A = arith.constant 9984 : i32
          %dma_wait3A_91 = arith.constant 0 : i32
          %dma_wait3A_92 = tpu.memref_slice %arg6[%dma_wait3A, %dma_wait3A_91] : memref<10000x128xf32, #tpu.memory_space<hbm>> -> memref<16x128xf32, #tpu.memory_space<hbm>>
          %dma_wait3A_93 = arith.constant 9984 : i32
          %dma_wait3A_94 = arith.constant 0 : i32
          %dma_wait3A_95 = tpu.memref_slice %arg8[%dma_wait3A_93, %dma_wait3A_94] : memref<10128x128xf32, #tpu.memory_space<vmem_shared>> -> memref<16x128xf32, #tpu.memory_space<vmem_shared>>
          tpu.wait_dma2 semaphore(%run_scoped3A : memref<!tpu.dma_semaphore, #tpu.memory_space<semaphore_mem>>) src(%dma_wait3A_95 : memref<16x128xf32, #tpu.memory_space<vmem_shared>>) dst(%dma_wait3A_92 : memref<16x128xf32, #tpu.memory_space<hbm>>)
          tpu.yield
        }) : () -> ()
      } else {
      }
    } else {
    }
    %ne3A_75 = arith.constant 0 : i32
    %ne3A_76 = arith.cmpi ne, %arg0, %ne3A_75 : i32
    %convert_element_type3A_77 = arith.extui %ne3A_76 : i1 to i32
    %cond3A_78 = arith.constant 0 : i32
    %cond3A_79 = arith.cmpi ne, %convert_element_type3A_77, %cond3A_78 : i32
    scf.if %cond3A_79 {
      "tpu.region"() ({
        %run_scoped3A = tpu.sem_alloc : memref<!tpu.dma_semaphore, #tpu.memory_space<semaphore_mem>>
        %dma_start3A_85 = arith.constant 0 : i32
        %dma_start3A_86 = tpu.memref_slice %arg7[%mul3A_0, %dma_start3A_85] : memref<10000x128xf32, #tpu.memory_space<hbm>> -> memref<624x128xf32, #tpu.memory_space<hbm>>
        %dma_start3A_87 = arith.constant 0 : i32
        %dma_start3A_88 = tpu.memref_slice %arg8[%mul3A_0, %dma_start3A_87] : memref<10128x128xf32, #tpu.memory_space<vmem_shared>> -> memref<624x128xf32, #tpu.memory_space<vmem_shared>>
        tpu.enqueue_dma source(%dma_start3A_88 : memref<624x128xf32, #tpu.memory_space<vmem_shared>>) target(%dma_start3A_86 : memref<624x128xf32, #tpu.memory_space<hbm>>) target_semaphore(%run_scoped3A : memref<!tpu.dma_semaphore, #tpu.memory_space<semaphore_mem>>)
        %dma_wait3A = arith.constant 0 : i32
        %dma_wait3A_89 = tpu.memref_slice %arg7[%mul3A_0, %dma_wait3A] : memref<10000x128xf32, #tpu.memory_space<hbm>> -> memref<624x128xf32, #tpu.memory_space<hbm>>
        %dma_wait3A_90 = arith.constant 0 : i32
        %dma_wait3A_91 = tpu.memref_slice %arg8[%mul3A_0, %dma_wait3A_90] : memref<10128x128xf32, #tpu.memory_space<vmem_shared>> -> memref<624x128xf32, #tpu.memory_space<vmem_shared>>
        tpu.wait_dma2 semaphore(%run_scoped3A : memref<!tpu.dma_semaphore, #tpu.memory_space<semaphore_mem>>) src(%dma_wait3A_91 : memref<624x128xf32, #tpu.memory_space<vmem_shared>>) dst(%dma_wait3A_89 : memref<624x128xf32, #tpu.memory_space<hbm>>)
        tpu.yield
      }) : () -> ()
      %eq3A_80 = arith.constant 0 : i32
      %eq3A_81 = arith.cmpi eq, %arg1, %eq3A_80 : i32
      %convert_element_type3A_82 = arith.extui %eq3A_81 : i1 to i32
      %cond3A_83 = arith.constant 0 : i32
      %cond3A_84 = arith.cmpi ne, %convert_element_type3A_82, %cond3A_83 : i32
      scf.if %cond3A_84 {
        "tpu.region"() ({
          %run_scoped3A = tpu.sem_alloc : memref<!tpu.dma_semaphore, #tpu.memory_space<semaphore_mem>>
          %dma_start3A_85 = arith.constant 9984 : i32
          %dma_start3A_86 = arith.constant 0 : i32
          %dma_start3A_87 = tpu.memref_slice %arg7[%dma_start3A_85, %dma_start3A_86] : memref<10000x128xf32, #tpu.memory_space<hbm>> -> memref<16x128xf32, #tpu.memory_space<hbm>>
          %dma_start3A_88 = arith.constant 9984 : i32
          %dma_start3A_89 = arith.constant 0 : i32
          %dma_start3A_90 = tpu.memref_slice %arg8[%dma_start3A_88, %dma_start3A_89] : memref<10128x128xf32, #tpu.memory_space<vmem_shared>> -> memref<16x128xf32, #tpu.memory_space<vmem_shared>>
          tpu.enqueue_dma source(%dma_start3A_90 : memref<16x128xf32, #tpu.memory_space<vmem_shared>>) target(%dma_start3A_87 : memref<16x128xf32, #tpu.memory_space<hbm>>) target_semaphore(%run_scoped3A : memref<!tpu.dma_semaphore, #tpu.memory_space<semaphore_mem>>)
          %dma_wait3A = arith.constant 9984 : i32
          %dma_wait3A_91 = arith.constant 0 : i32
          %dma_wait3A_92 = tpu.memref_slice %arg7[%dma_wait3A, %dma_wait3A_91] : memref<10000x128xf32, #tpu.memory_space<hbm>> -> memref<16x128xf32, #tpu.memory_space<hbm>>
          %dma_wait3A_93 = arith.constant 9984 : i32
          %dma_wait3A_94 = arith.constant 0 : i32
          %dma_wait3A_95 = tpu.memref_slice %arg8[%dma_wait3A_93, %dma_wait3A_94] : memref<10128x128xf32, #tpu.memory_space<vmem_shared>> -> memref<16x128xf32, #tpu.memory_space<vmem_shared>>
          tpu.wait_dma2 semaphore(%run_scoped3A : memref<!tpu.dma_semaphore, #tpu.memory_space<semaphore_mem>>) src(%dma_wait3A_95 : memref<16x128xf32, #tpu.memory_space<vmem_shared>>) dst(%dma_wait3A_92 : memref<16x128xf32, #tpu.memory_space<hbm>>)
          tpu.yield
        }) : () -> ()
      } else {
      }
    } else {
    }
    return
  }
}

#map = affine_map<(d0, d1) -> (0, 0)>
module attributes {stable_mosaic.version = 14 : i64} {
  func.func @ksc(%arg0: i32, %arg1: i32, %arg2: memref<10000x128xf32, #tpu.memory_space<hbm>>, %arg3: memref<2560x128xi32, #tpu.memory_space<hbm>>, %arg4: memref<2560x128xi32, #tpu.memory_space<hbm>>, %arg5: memref<624x128xf32, #tpu.memory_space<hbm>>, %arg6: memref<10000x128xf32, #tpu.memory_space<hbm>>, %arg7: memref<10000x128xf32, #tpu.memory_space<hbm>>, %arg8: memref<10128x128xf32, #tpu.memory_space<vmem_shared>>, %arg9: memref<40x128xi32, #tpu.memory_space<vmem>>, %arg10: memref<80x128xi32, #tpu.memory_space<vmem>>, %arg11: memref<2x128x128xf32, #tpu.memory_space<vmem>>, %arg12: memref<!tpu.dma_semaphore, #tpu.memory_space<semaphore_mem>>, %arg13: memref<!tpu.dma_semaphore, #tpu.memory_space<semaphore_mem>>) attributes {dimension_semantics = [#tpu.dimension_semantics<core_parallel>, #tpu.dimension_semantics<subcore_parallel>], iteration_bounds = array<i64: 2, 16>, scalar_prefetch = 0 : i64, scratch_operands = 6 : i64, tpu.core_type = #tpu.core_type<sc_vector_subcore>, window_params = [{transform_indices = #map}, {transform_indices = #map}, {transform_indices = #map}, {transform_indices = #map}, {transform_indices = #map}, {transform_indices = #map}]} {
    %mul3A = arith.constant 624 : i32
    %mul3A_0 = arith.muli %arg1, %mul3A : i32
    %mul3A_1 = arith.constant 16 : i32
    %mul3A_2 = arith.muli %arg0, %mul3A_1 : i32
    %add3A = arith.addi %mul3A_2, %arg1 : i32
    %mul3A_3 = arith.constant 80 : i32
    %mul3A_4 = arith.muli %add3A, %mul3A_3 : i32
    "tpu.region"() ({
      %run_scoped3A = tpu.sem_alloc : memref<!tpu.dma_semaphore, #tpu.memory_space<semaphore_mem>>
      %dma_start3A_80 = arith.constant 0 : i32
      %dma_start3A_81 = tpu.memref_slice %arg3[%mul3A_4, %dma_start3A_80] : memref<2560x128xi32, #tpu.memory_space<hbm>> -> memref<40x128xi32, #tpu.memory_space<hbm>>
      %dma_start3A_82 = arith.constant 0 : i32
      %dma_start3A_83 = tpu.memref_slice %arg3[%mul3A_4, %dma_start3A_82] : memref<2560x128xi32, #tpu.memory_space<hbm>> -> memref<40x128xi32, #tpu.memory_space<hbm>>
      tpu.enqueue_dma source(%dma_start3A_83 : memref<40x128xi32, #tpu.memory_space<hbm>>) target(%arg9 : memref<40x128xi32, #tpu.memory_space<vmem>>) target_semaphore(%run_scoped3A : memref<!tpu.dma_semaphore, #tpu.memory_space<semaphore_mem>>)
      %dma_wait3A = arith.constant 0 : i32
      %dma_wait3A_84 = tpu.memref_slice %arg3[%mul3A_4, %dma_wait3A] : memref<2560x128xi32, #tpu.memory_space<hbm>> -> memref<40x128xi32, #tpu.memory_space<hbm>>
      %dma_wait3A_85 = arith.constant 0 : i32
      %dma_wait3A_86 = tpu.memref_slice %arg3[%mul3A_4, %dma_wait3A_85] : memref<2560x128xi32, #tpu.memory_space<hbm>> -> memref<40x128xi32, #tpu.memory_space<hbm>>
      tpu.wait_dma2 semaphore(%run_scoped3A : memref<!tpu.dma_semaphore, #tpu.memory_space<semaphore_mem>>) src(%dma_wait3A_86 : memref<40x128xi32, #tpu.memory_space<hbm>>) dst(%arg9 : memref<40x128xi32, #tpu.memory_space<vmem>>)
      tpu.yield
    }) : () -> ()
    %dma_start3A = arith.constant 0 : i32
    %dma_start3A_5 = arith.constant 0 : i32
    %dma_start3A_6 = arith.constant 0 : i32
    %dma_start3A_7 = arith.constant 0 : i32
    %dma_start3A_8 = tpu.memref_slice %arg11[%dma_start3A_5, %dma_start3A_6, %dma_start3A_7] : memref<2x128x128xf32, #tpu.memory_space<vmem>> -> memref<1x128x128xf32, #tpu.memory_space<vmem>>
    %dma_start3A_9 = tpu.memref_squeeze %dma_start3A_8 : memref<1x128x128xf32, #tpu.memory_space<vmem>> -> memref<128x128xf32, #tpu.memory_space<vmem>>
    %dma_start3A_10 = arith.constant 0 : i32
    %dma_start3A_11 = tpu.memref_slice %arg9[%dma_start3A, %dma_start3A_10] : memref<40x128xi32, #tpu.memory_space<vmem>> -> memref<1x128xi32, #tpu.memory_space<vmem>>
    %dma_start3A_12 = tpu.memref_squeeze %dma_start3A_11 : memref<1x128xi32, #tpu.memory_space<vmem>> -> memref<128xi32, #tpu.memory_space<vmem>>
    %dma_start3A_13 = arith.constant 0 : i32
    %dma_start3A_14 = arith.constant 0 : i32
    %dma_start3A_15 = tpu.memref_slice %arg2[%dma_start3A_13, %dma_start3A_14] : memref<10000x128xf32, #tpu.memory_space<hbm>> -> memref<10000x128xf32, #tpu.memory_space<hbm>>
    tpu.enqueue_indirect_dma source(%dma_start3A_15 : memref<10000x128xf32, #tpu.memory_space<hbm>>) target(%dma_start3A_9 : memref<128x128xf32, #tpu.memory_space<vmem>>) offsets(%dma_start3A_12 : memref<128xi32, #tpu.memory_space<vmem>>) semaphore(%arg12 : memref<!tpu.dma_semaphore, #tpu.memory_space<semaphore_mem>>)
    %dma_start3A_16 = arith.constant 1 : i32
    %dma_start3A_17 = arith.constant 1 : i32
    %dma_start3A_18 = arith.constant 0 : i32
    %dma_start3A_19 = arith.constant 0 : i32
    %dma_start3A_20 = tpu.memref_slice %arg11[%dma_start3A_17, %dma_start3A_18, %dma_start3A_19] : memref<2x128x128xf32, #tpu.memory_space<vmem>> -> memref<1x128x128xf32, #tpu.memory_space<vmem>>
    %dma_start3A_21 = tpu.memref_squeeze %dma_start3A_20 : memref<1x128x128xf32, #tpu.memory_space<vmem>> -> memref<128x128xf32, #tpu.memory_space<vmem>>
    %dma_start3A_22 = arith.constant 0 : i32
    %dma_start3A_23 = tpu.memref_slice %arg9[%dma_start3A_16, %dma_start3A_22] : memref<40x128xi32, #tpu.memory_space<vmem>> -> memref<1x128xi32, #tpu.memory_space<vmem>>
    %dma_start3A_24 = tpu.memref_squeeze %dma_start3A_23 : memref<1x128xi32, #tpu.memory_space<vmem>> -> memref<128xi32, #tpu.memory_space<vmem>>
    %dma_start3A_25 = arith.constant 0 : i32
    %dma_start3A_26 = arith.constant 0 : i32
    %dma_start3A_27 = tpu.memref_slice %arg2[%dma_start3A_25, %dma_start3A_26] : memref<10000x128xf32, #tpu.memory_space<hbm>> -> memref<10000x128xf32, #tpu.memory_space<hbm>>
    tpu.enqueue_indirect_dma source(%dma_start3A_27 : memref<10000x128xf32, #tpu.memory_space<hbm>>) target(%dma_start3A_21 : memref<128x128xf32, #tpu.memory_space<vmem>>) offsets(%dma_start3A_24 : memref<128xi32, #tpu.memory_space<vmem>>) semaphore(%arg13 : memref<!tpu.dma_semaphore, #tpu.memory_space<semaphore_mem>>)
    "tpu.region"() ({
      %run_scoped3A = tpu.sem_alloc : memref<!tpu.dma_semaphore, #tpu.memory_space<semaphore_mem>>
      %dma_start3A_80 = arith.constant 0 : i32
      %dma_start3A_81 = tpu.memref_slice %arg4[%mul3A_4, %dma_start3A_80] : memref<2560x128xi32, #tpu.memory_space<hbm>> -> memref<80x128xi32, #tpu.memory_space<hbm>>
      %dma_start3A_82 = arith.constant 0 : i32
      %dma_start3A_83 = tpu.memref_slice %arg4[%mul3A_4, %dma_start3A_82] : memref<2560x128xi32, #tpu.memory_space<hbm>> -> memref<80x128xi32, #tpu.memory_space<hbm>>
      tpu.enqueue_dma source(%dma_start3A_83 : memref<80x128xi32, #tpu.memory_space<hbm>>) target(%arg10 : memref<80x128xi32, #tpu.memory_space<vmem>>) target_semaphore(%run_scoped3A : memref<!tpu.dma_semaphore, #tpu.memory_space<semaphore_mem>>)
      %dma_wait3A = arith.constant 0 : i32
      %dma_wait3A_84 = tpu.memref_slice %arg4[%mul3A_4, %dma_wait3A] : memref<2560x128xi32, #tpu.memory_space<hbm>> -> memref<80x128xi32, #tpu.memory_space<hbm>>
      %dma_wait3A_85 = arith.constant 0 : i32
      %dma_wait3A_86 = tpu.memref_slice %arg4[%mul3A_4, %dma_wait3A_85] : memref<2560x128xi32, #tpu.memory_space<hbm>> -> memref<80x128xi32, #tpu.memory_space<hbm>>
      tpu.wait_dma2 semaphore(%run_scoped3A : memref<!tpu.dma_semaphore, #tpu.memory_space<semaphore_mem>>) src(%dma_wait3A_86 : memref<80x128xi32, #tpu.memory_space<hbm>>) dst(%arg10 : memref<80x128xi32, #tpu.memory_space<vmem>>)
      tpu.yield
    }) : () -> ()
    %eq3A = arith.constant 0 : i32
    %eq3A_28 = arith.cmpi eq, %arg0, %eq3A : i32
    %convert_element_type3A = arith.extui %eq3A_28 : i1 to i32
    %cond3A = arith.constant 0 : i32
    %cond3A_29 = arith.cmpi ne, %convert_element_type3A, %cond3A : i32
    scf.if %cond3A_29 {
      "tpu.region"() ({
        %run_scoped3A = tpu.sem_alloc : memref<!tpu.dma_semaphore, #tpu.memory_space<semaphore_mem>>
        %dma_start3A_85 = arith.constant 0 : i32
        %dma_start3A_86 = tpu.memref_slice %arg8[%mul3A_0, %dma_start3A_85] : memref<10128x128xf32, #tpu.memory_space<vmem_shared>> -> memref<624x128xf32, #tpu.memory_space<vmem_shared>>
        %dma_start3A_87 = arith.constant 0 : i32
        %dma_start3A_88 = tpu.memref_slice %arg2[%mul3A_0, %dma_start3A_87] : memref<10000x128xf32, #tpu.memory_space<hbm>> -> memref<624x128xf32, #tpu.memory_space<hbm>>
        tpu.enqueue_dma source(%dma_start3A_88 : memref<624x128xf32, #tpu.memory_space<hbm>>) target(%dma_start3A_86 : memref<624x128xf32, #tpu.memory_space<vmem_shared>>) target_semaphore(%run_scoped3A : memref<!tpu.dma_semaphore, #tpu.memory_space<semaphore_mem>>)
        %dma_wait3A = arith.constant 0 : i32
        %dma_wait3A_89 = tpu.memref_slice %arg8[%mul3A_0, %dma_wait3A] : memref<10128x128xf32, #tpu.memory_space<vmem_shared>> -> memref<624x128xf32, #tpu.memory_space<vmem_shared>>
        %dma_wait3A_90 = arith.constant 0 : i32
        %dma_wait3A_91 = tpu.memref_slice %arg2[%mul3A_0, %dma_wait3A_90] : memref<10000x128xf32, #tpu.memory_space<hbm>> -> memref<624x128xf32, #tpu.memory_space<hbm>>
        tpu.wait_dma2 semaphore(%run_scoped3A : memref<!tpu.dma_semaphore, #tpu.memory_space<semaphore_mem>>) src(%dma_wait3A_91 : memref<624x128xf32, #tpu.memory_space<hbm>>) dst(%dma_wait3A_89 : memref<624x128xf32, #tpu.memory_space<vmem_shared>>)
        tpu.yield
      }) : () -> ()
      %eq3A_80 = arith.constant 0 : i32
      %eq3A_81 = arith.cmpi eq, %arg1, %eq3A_80 : i32
      %convert_element_type3A_82 = arith.extui %eq3A_81 : i1 to i32
      %cond3A_83 = arith.constant 0 : i32
      %cond3A_84 = arith.cmpi ne, %convert_element_type3A_82, %cond3A_83 : i32
      scf.if %cond3A_84 {
        "tpu.region"() ({
          %run_scoped3A = tpu.sem_alloc : memref<!tpu.dma_semaphore, #tpu.memory_space<semaphore_mem>>
          %dma_start3A_85 = arith.constant 9984 : i32
          %dma_start3A_86 = arith.constant 0 : i32
          %dma_start3A_87 = tpu.memref_slice %arg8[%dma_start3A_85, %dma_start3A_86] : memref<10128x128xf32, #tpu.memory_space<vmem_shared>> -> memref<16x128xf32, #tpu.memory_space<vmem_shared>>
          %dma_start3A_88 = arith.constant 9984 : i32
          %dma_start3A_89 = arith.constant 0 : i32
          %dma_start3A_90 = tpu.memref_slice %arg2[%dma_start3A_88, %dma_start3A_89] : memref<10000x128xf32, #tpu.memory_space<hbm>> -> memref<16x128xf32, #tpu.memory_space<hbm>>
          tpu.enqueue_dma source(%dma_start3A_90 : memref<16x128xf32, #tpu.memory_space<hbm>>) target(%dma_start3A_87 : memref<16x128xf32, #tpu.memory_space<vmem_shared>>) target_semaphore(%run_scoped3A : memref<!tpu.dma_semaphore, #tpu.memory_space<semaphore_mem>>)
          %dma_wait3A = arith.constant 9984 : i32
          %dma_wait3A_91 = arith.constant 0 : i32
          %dma_wait3A_92 = tpu.memref_slice %arg8[%dma_wait3A, %dma_wait3A_91] : memref<10128x128xf32, #tpu.memory_space<vmem_shared>> -> memref<16x128xf32, #tpu.memory_space<vmem_shared>>
          %dma_wait3A_93 = arith.constant 9984 : i32
          %dma_wait3A_94 = arith.constant 0 : i32
          %dma_wait3A_95 = tpu.memref_slice %arg2[%dma_wait3A_93, %dma_wait3A_94] : memref<10000x128xf32, #tpu.memory_space<hbm>> -> memref<16x128xf32, #tpu.memory_space<hbm>>
          tpu.wait_dma2 semaphore(%run_scoped3A : memref<!tpu.dma_semaphore, #tpu.memory_space<semaphore_mem>>) src(%dma_wait3A_95 : memref<16x128xf32, #tpu.memory_space<hbm>>) dst(%dma_wait3A_92 : memref<16x128xf32, #tpu.memory_space<vmem_shared>>)
          tpu.yield
        }) : () -> ()
      } else {
      }
    } else {
    }
    %ne3A = arith.constant 0 : i32
    %ne3A_30 = arith.cmpi ne, %arg0, %ne3A : i32
    %convert_element_type3A_31 = arith.extui %ne3A_30 : i1 to i32
    %cond3A_32 = arith.constant 0 : i32
    %cond3A_33 = arith.cmpi ne, %convert_element_type3A_31, %cond3A_32 : i32
    scf.if %cond3A_33 {
      "tpu.region"() ({
        %run_scoped3A = tpu.sem_alloc : memref<!tpu.dma_semaphore, #tpu.memory_space<semaphore_mem>>
        %dma_start3A_85 = arith.constant 0 : i32
        %dma_start3A_86 = tpu.memref_slice %arg8[%mul3A_0, %dma_start3A_85] : memref<10128x128xf32, #tpu.memory_space<vmem_shared>> -> memref<624x128xf32, #tpu.memory_space<vmem_shared>>
        %dma_start3A_87 = arith.constant 0 : i32
        %dma_start3A_88 = arith.constant 0 : i32
        %dma_start3A_89 = tpu.memref_slice %arg5[%dma_start3A_87, %dma_start3A_88] : memref<624x128xf32, #tpu.memory_space<hbm>> -> memref<624x128xf32, #tpu.memory_space<hbm>>
        tpu.enqueue_dma source(%dma_start3A_89 : memref<624x128xf32, #tpu.memory_space<hbm>>) target(%dma_start3A_86 : memref<624x128xf32, #tpu.memory_space<vmem_shared>>) target_semaphore(%run_scoped3A : memref<!tpu.dma_semaphore, #tpu.memory_space<semaphore_mem>>)
        %dma_wait3A = arith.constant 0 : i32
        %dma_wait3A_90 = tpu.memref_slice %arg8[%mul3A_0, %dma_wait3A] : memref<10128x128xf32, #tpu.memory_space<vmem_shared>> -> memref<624x128xf32, #tpu.memory_space<vmem_shared>>
        %dma_wait3A_91 = arith.constant 0 : i32
        %dma_wait3A_92 = arith.constant 0 : i32
        %dma_wait3A_93 = tpu.memref_slice %arg5[%dma_wait3A_91, %dma_wait3A_92] : memref<624x128xf32, #tpu.memory_space<hbm>> -> memref<624x128xf32, #tpu.memory_space<hbm>>
        tpu.wait_dma2 semaphore(%run_scoped3A : memref<!tpu.dma_semaphore, #tpu.memory_space<semaphore_mem>>) src(%dma_wait3A_93 : memref<624x128xf32, #tpu.memory_space<hbm>>) dst(%dma_wait3A_90 : memref<624x128xf32, #tpu.memory_space<vmem_shared>>)
        tpu.yield
      }) : () -> ()
      %eq3A_80 = arith.constant 0 : i32
      %eq3A_81 = arith.cmpi eq, %arg1, %eq3A_80 : i32
      %convert_element_type3A_82 = arith.extui %eq3A_81 : i1 to i32
      %cond3A_83 = arith.constant 0 : i32
      %cond3A_84 = arith.cmpi ne, %convert_element_type3A_82, %cond3A_83 : i32
      scf.if %cond3A_84 {
        "tpu.region"() ({
          %run_scoped3A = tpu.sem_alloc : memref<!tpu.dma_semaphore, #tpu.memory_space<semaphore_mem>>
          %dma_start3A_85 = arith.constant 9984 : i32
          %dma_start3A_86 = arith.constant 0 : i32
          %dma_start3A_87 = tpu.memref_slice %arg8[%dma_start3A_85, %dma_start3A_86] : memref<10128x128xf32, #tpu.memory_space<vmem_shared>> -> memref<16x128xf32, #tpu.memory_space<vmem_shared>>
          %dma_start3A_88 = arith.constant 0 : i32
          %dma_start3A_89 = arith.constant 0 : i32
          %dma_start3A_90 = tpu.memref_slice %arg5[%dma_start3A_88, %dma_start3A_89] : memref<624x128xf32, #tpu.memory_space<hbm>> -> memref<16x128xf32, #tpu.memory_space<hbm>>
          tpu.enqueue_dma source(%dma_start3A_90 : memref<16x128xf32, #tpu.memory_space<hbm>>) target(%dma_start3A_87 : memref<16x128xf32, #tpu.memory_space<vmem_shared>>) target_semaphore(%run_scoped3A : memref<!tpu.dma_semaphore, #tpu.memory_space<semaphore_mem>>)
          %dma_wait3A = arith.constant 9984 : i32
          %dma_wait3A_91 = arith.constant 0 : i32
          %dma_wait3A_92 = tpu.memref_slice %arg8[%dma_wait3A, %dma_wait3A_91] : memref<10128x128xf32, #tpu.memory_space<vmem_shared>> -> memref<16x128xf32, #tpu.memory_space<vmem_shared>>
          %dma_wait3A_93 = arith.constant 0 : i32
          %dma_wait3A_94 = arith.constant 0 : i32
          %dma_wait3A_95 = tpu.memref_slice %arg5[%dma_wait3A_93, %dma_wait3A_94] : memref<624x128xf32, #tpu.memory_space<hbm>> -> memref<16x128xf32, #tpu.memory_space<hbm>>
          tpu.wait_dma2 semaphore(%run_scoped3A : memref<!tpu.dma_semaphore, #tpu.memory_space<semaphore_mem>>) src(%dma_wait3A_95 : memref<16x128xf32, #tpu.memory_space<hbm>>) dst(%dma_wait3A_92 : memref<16x128xf32, #tpu.memory_space<vmem_shared>>)
          tpu.yield
        }) : () -> ()
      } else {
      }
    } else {
    }
    %barrier3A = arith.constant 0 : index
    tpu.barrier barrier_id(%barrier3A)
    %scan3A = arith.constant 0 : i32
    %scan3A_34 = arith.constant 20 : i32
    %scan3A_35 = arith.addi %scan3A, %scan3A_34 : i32
    %scan3A_36 = arith.constant 1 : i32
    scf.for %scan3A_80 = %scan3A to %scan3A_35 step %scan3A_36  : i32 {
      %mul3A_81 = arith.constant 2 : i32
      %mul3A_82 = arith.muli %scan3A_80, %mul3A_81 : i32
      %add3A_83 = arith.constant 0 : i32
      %add3A_84 = arith.addi %add3A_83, %mul3A_82 : i32
      %add3A_85 = arith.constant 0 : i32
      %add3A_86 = arith.addi %add3A_84, %add3A_85 : i32
      %dma_wait3A = arith.constant 0 : i32
      %dma_wait3A_87 = arith.constant 0 : i32
      %dma_wait3A_88 = arith.constant 0 : i32
      %dma_wait3A_89 = tpu.memref_slice %arg11[%dma_wait3A, %dma_wait3A_87, %dma_wait3A_88] : memref<2x128x128xf32, #tpu.memory_space<vmem>> -> memref<1x128x128xf32, #tpu.memory_space<vmem>>
      %dma_wait3A_90 = tpu.memref_squeeze %dma_wait3A_89 : memref<1x128x128xf32, #tpu.memory_space<vmem>> -> memref<128x128xf32, #tpu.memory_space<vmem>>
      %dma_wait3A_91 = arith.constant 0 : i32
      %dma_wait3A_92 = tpu.memref_slice %arg9[%add3A_86, %dma_wait3A_91] : memref<40x128xi32, #tpu.memory_space<vmem>> -> memref<1x128xi32, #tpu.memory_space<vmem>>
      %dma_wait3A_93 = tpu.memref_squeeze %dma_wait3A_92 : memref<1x128xi32, #tpu.memory_space<vmem>> -> memref<128xi32, #tpu.memory_space<vmem>>
      %dma_wait3A_94 = arith.constant 0 : i32
      %dma_wait3A_95 = arith.constant 0 : i32
      %dma_wait3A_96 = tpu.memref_slice %arg2[%dma_wait3A_94, %dma_wait3A_95] : memref<10000x128xf32, #tpu.memory_space<hbm>> -> memref<10000x128xf32, #tpu.memory_space<hbm>>
      tpu.wait_indirect_dma semaphore(%arg12 : memref<!tpu.dma_semaphore, #tpu.memory_space<semaphore_mem>>) src(%dma_wait3A_96 : memref<10000x128xf32, #tpu.memory_space<hbm>>) dst(%dma_wait3A_90 : memref<128x128xf32, #tpu.memory_space<vmem>>)
      %add3A_97 = arith.constant 0 : i32
      %add3A_98 = arith.addi %add3A_97, %add3A_86 : i32
      %run_scoped3A = arith.constant 0 : i32
      "tpu.region"() ({
        %run_scoped3A_128 = tpu.sem_alloc : memref<!tpu.dma_semaphore, #tpu.memory_space<semaphore_mem>>
        %dma_start3A_129 = arith.constant 0 : i32
        %dma_start3A_130 = arith.constant 0 : i32
        %dma_start3A_131 = tpu.memref_slice %arg11[%run_scoped3A, %dma_start3A_129, %dma_start3A_130] : memref<2x128x128xf32, #tpu.memory_space<vmem>> -> memref<1x128x128xf32, #tpu.memory_space<vmem>>
        %dma_start3A_132 = tpu.memref_squeeze %dma_start3A_131 : memref<1x128x128xf32, #tpu.memory_space<vmem>> -> memref<128x128xf32, #tpu.memory_space<vmem>>
        %dma_start3A_133 = arith.constant 0 : i32
        %dma_start3A_134 = tpu.memref_slice %arg10[%add3A_98, %dma_start3A_133] : memref<80x128xi32, #tpu.memory_space<vmem>> -> memref<1x128xi32, #tpu.memory_space<vmem>>
        %dma_start3A_135 = tpu.memref_squeeze %dma_start3A_134 : memref<1x128xi32, #tpu.memory_space<vmem>> -> memref<128xi32, #tpu.memory_space<vmem>>
        %dma_start3A_136 = arith.constant 0 : i32
        %dma_start3A_137 = arith.constant 0 : i32
        %dma_start3A_138 = tpu.memref_slice %arg8[%dma_start3A_136, %dma_start3A_137] : memref<10128x128xf32, #tpu.memory_space<vmem_shared>> -> memref<10128x128xf32, #tpu.memory_space<vmem_shared>>
        tpu.enqueue_indirect_dma source(%dma_start3A_132 : memref<128x128xf32, #tpu.memory_space<vmem>>) target(%dma_start3A_138 : memref<10128x128xf32, #tpu.memory_space<vmem_shared>>) offsets(%dma_start3A_135 : memref<128xi32, #tpu.memory_space<vmem>>) semaphore(%run_scoped3A_128 : memref<!tpu.dma_semaphore, #tpu.memory_space<semaphore_mem>>) {add = true}
        %dma_wait3A_139 = arith.constant 0 : i32
        %dma_wait3A_140 = arith.constant 0 : i32
        %dma_wait3A_141 = tpu.memref_slice %arg11[%run_scoped3A, %dma_wait3A_139, %dma_wait3A_140] : memref<2x128x128xf32, #tpu.memory_space<vmem>> -> memref<1x128x128xf32, #tpu.memory_space<vmem>>
        %dma_wait3A_142 = tpu.memref_squeeze %dma_wait3A_141 : memref<1x128x128xf32, #tpu.memory_space<vmem>> -> memref<128x128xf32, #tpu.memory_space<vmem>>
        %dma_wait3A_143 = arith.constant 0 : i32
        %dma_wait3A_144 = tpu.memref_slice %arg10[%add3A_98, %dma_wait3A_143] : memref<80x128xi32, #tpu.memory_space<vmem>> -> memref<1x128xi32, #tpu.memory_space<vmem>>
        %dma_wait3A_145 = tpu.memref_squeeze %dma_wait3A_144 : memref<1x128xi32, #tpu.memory_space<vmem>> -> memref<128xi32, #tpu.memory_space<vmem>>
        %dma_wait3A_146 = arith.constant 0 : i32
        %dma_wait3A_147 = arith.constant 0 : i32
        %dma_wait3A_148 = tpu.memref_slice %arg8[%dma_wait3A_146, %dma_wait3A_147] : memref<10128x128xf32, #tpu.memory_space<vmem_shared>> -> memref<10128x128xf32, #tpu.memory_space<vmem_shared>>
        tpu.wait_indirect_dma semaphore(%run_scoped3A_128 : memref<!tpu.dma_semaphore, #tpu.memory_space<semaphore_mem>>) src(%dma_wait3A_142 : memref<128x128xf32, #tpu.memory_space<vmem>>) dst(%dma_wait3A_148 : memref<10128x128xf32, #tpu.memory_space<vmem_shared>>)
        tpu.yield
      }) : () -> ()
      %add3A_99 = arith.constant 2 : i32
      %add3A_100 = arith.addi %add3A_86, %add3A_99 : i32
      %lt3A = arith.constant 40 : i32
      %lt3A_101 = arith.cmpi slt, %add3A_100, %lt3A : i32
      %convert_element_type3A_102 = arith.extui %lt3A_101 : i1 to i32
      %cond3A_103 = arith.constant 0 : i32
      %cond3A_104 = arith.cmpi ne, %convert_element_type3A_102, %cond3A_103 : i32
      scf.if %cond3A_104 {
        %dma_start3A_128 = arith.constant 0 : i32
        %dma_start3A_129 = arith.constant 0 : i32
        %dma_start3A_130 = arith.constant 0 : i32
        %dma_start3A_131 = tpu.memref_slice %arg11[%dma_start3A_128, %dma_start3A_129, %dma_start3A_130] : memref<2x128x128xf32, #tpu.memory_space<vmem>> -> memref<1x128x128xf32, #tpu.memory_space<vmem>>
        %dma_start3A_132 = tpu.memref_squeeze %dma_start3A_131 : memref<1x128x128xf32, #tpu.memory_space<vmem>> -> memref<128x128xf32, #tpu.memory_space<vmem>>
        %dma_start3A_133 = arith.constant 0 : i32
        %dma_start3A_134 = tpu.memref_slice %arg9[%add3A_100, %dma_start3A_133] : memref<40x128xi32, #tpu.memory_space<vmem>> -> memref<1x128xi32, #tpu.memory_space<vmem>>
        %dma_start3A_135 = tpu.memref_squeeze %dma_start3A_134 : memref<1x128xi32, #tpu.memory_space<vmem>> -> memref<128xi32, #tpu.memory_space<vmem>>
        %dma_start3A_136 = arith.constant 0 : i32
        %dma_start3A_137 = arith.constant 0 : i32
        %dma_start3A_138 = tpu.memref_slice %arg2[%dma_start3A_136, %dma_start3A_137] : memref<10000x128xf32, #tpu.memory_space<hbm>> -> memref<10000x128xf32, #tpu.memory_space<hbm>>
        tpu.enqueue_indirect_dma source(%dma_start3A_138 : memref<10000x128xf32, #tpu.memory_space<hbm>>) target(%dma_start3A_132 : memref<128x128xf32, #tpu.memory_space<vmem>>) offsets(%dma_start3A_135 : memref<128xi32, #tpu.memory_space<vmem>>) semaphore(%arg12 : memref<!tpu.dma_semaphore, #tpu.memory_space<semaphore_mem>>)
      } else {
      }
      %add3A_105 = arith.constant 1 : i32
      %add3A_106 = arith.addi %add3A_84, %add3A_105 : i32
      %dma_wait3A_107 = arith.constant 1 : i32
      %dma_wait3A_108 = arith.constant 0 : i32
      %dma_wait3A_109 = arith.constant 0 : i32
      %dma_wait3A_110 = tpu.memref_slice %arg11[%dma_wait3A_107, %dma_wait3A_108, %dma_wait3A_109] : memref<2x128x128xf32, #tpu.memory_space<vmem>> -> memref<1x128x128xf32, #tpu.memory_space<vmem>>
      %dma_wait3A_111 = tpu.memref_squeeze %dma_wait3A_110 : memref<1x128x128xf32, #tpu.memory_space<vmem>> -> memref<128x128xf32, #tpu.memory_space<vmem>>
      %dma_wait3A_112 = arith.constant 0 : i32
      %dma_wait3A_113 = tpu.memref_slice %arg9[%add3A_106, %dma_wait3A_112] : memref<40x128xi32, #tpu.memory_space<vmem>> -> memref<1x128xi32, #tpu.memory_space<vmem>>
      %dma_wait3A_114 = tpu.memref_squeeze %dma_wait3A_113 : memref<1x128xi32, #tpu.memory_space<vmem>> -> memref<128xi32, #tpu.memory_space<vmem>>
      %dma_wait3A_115 = arith.constant 0 : i32
      %dma_wait3A_116 = arith.constant 0 : i32
      %dma_wait3A_117 = tpu.memref_slice %arg2[%dma_wait3A_115, %dma_wait3A_116] : memref<10000x128xf32, #tpu.memory_space<hbm>> -> memref<10000x128xf32, #tpu.memory_space<hbm>>
      tpu.wait_indirect_dma semaphore(%arg13 : memref<!tpu.dma_semaphore, #tpu.memory_space<semaphore_mem>>) src(%dma_wait3A_117 : memref<10000x128xf32, #tpu.memory_space<hbm>>) dst(%dma_wait3A_111 : memref<128x128xf32, #tpu.memory_space<vmem>>)
      %add3A_118 = arith.constant 0 : i32
      %add3A_119 = arith.addi %add3A_118, %add3A_106 : i32
      %run_scoped3A_120 = arith.constant 1 : i32
      "tpu.region"() ({
        %run_scoped3A_128 = tpu.sem_alloc : memref<!tpu.dma_semaphore, #tpu.memory_space<semaphore_mem>>
        %dma_start3A_129 = arith.constant 0 : i32
        %dma_start3A_130 = arith.constant 0 : i32
        %dma_start3A_131 = tpu.memref_slice %arg11[%run_scoped3A_120, %dma_start3A_129, %dma_start3A_130] : memref<2x128x128xf32, #tpu.memory_space<vmem>> -> memref<1x128x128xf32, #tpu.memory_space<vmem>>
        %dma_start3A_132 = tpu.memref_squeeze %dma_start3A_131 : memref<1x128x128xf32, #tpu.memory_space<vmem>> -> memref<128x128xf32, #tpu.memory_space<vmem>>
        %dma_start3A_133 = arith.constant 0 : i32
        %dma_start3A_134 = tpu.memref_slice %arg10[%add3A_119, %dma_start3A_133] : memref<80x128xi32, #tpu.memory_space<vmem>> -> memref<1x128xi32, #tpu.memory_space<vmem>>
        %dma_start3A_135 = tpu.memref_squeeze %dma_start3A_134 : memref<1x128xi32, #tpu.memory_space<vmem>> -> memref<128xi32, #tpu.memory_space<vmem>>
        %dma_start3A_136 = arith.constant 0 : i32
        %dma_start3A_137 = arith.constant 0 : i32
        %dma_start3A_138 = tpu.memref_slice %arg8[%dma_start3A_136, %dma_start3A_137] : memref<10128x128xf32, #tpu.memory_space<vmem_shared>> -> memref<10128x128xf32, #tpu.memory_space<vmem_shared>>
        tpu.enqueue_indirect_dma source(%dma_start3A_132 : memref<128x128xf32, #tpu.memory_space<vmem>>) target(%dma_start3A_138 : memref<10128x128xf32, #tpu.memory_space<vmem_shared>>) offsets(%dma_start3A_135 : memref<128xi32, #tpu.memory_space<vmem>>) semaphore(%run_scoped3A_128 : memref<!tpu.dma_semaphore, #tpu.memory_space<semaphore_mem>>) {add = true}
        %dma_wait3A_139 = arith.constant 0 : i32
        %dma_wait3A_140 = arith.constant 0 : i32
        %dma_wait3A_141 = tpu.memref_slice %arg11[%run_scoped3A_120, %dma_wait3A_139, %dma_wait3A_140] : memref<2x128x128xf32, #tpu.memory_space<vmem>> -> memref<1x128x128xf32, #tpu.memory_space<vmem>>
        %dma_wait3A_142 = tpu.memref_squeeze %dma_wait3A_141 : memref<1x128x128xf32, #tpu.memory_space<vmem>> -> memref<128x128xf32, #tpu.memory_space<vmem>>
        %dma_wait3A_143 = arith.constant 0 : i32
        %dma_wait3A_144 = tpu.memref_slice %arg10[%add3A_119, %dma_wait3A_143] : memref<80x128xi32, #tpu.memory_space<vmem>> -> memref<1x128xi32, #tpu.memory_space<vmem>>
        %dma_wait3A_145 = tpu.memref_squeeze %dma_wait3A_144 : memref<1x128xi32, #tpu.memory_space<vmem>> -> memref<128xi32, #tpu.memory_space<vmem>>
        %dma_wait3A_146 = arith.constant 0 : i32
        %dma_wait3A_147 = arith.constant 0 : i32
        %dma_wait3A_148 = tpu.memref_slice %arg8[%dma_wait3A_146, %dma_wait3A_147] : memref<10128x128xf32, #tpu.memory_space<vmem_shared>> -> memref<10128x128xf32, #tpu.memory_space<vmem_shared>>
        tpu.wait_indirect_dma semaphore(%run_scoped3A_128 : memref<!tpu.dma_semaphore, #tpu.memory_space<semaphore_mem>>) src(%dma_wait3A_142 : memref<128x128xf32, #tpu.memory_space<vmem>>) dst(%dma_wait3A_148 : memref<10128x128xf32, #tpu.memory_space<vmem_shared>>)
        tpu.yield
      }) : () -> ()
      %add3A_121 = arith.constant 2 : i32
      %add3A_122 = arith.addi %add3A_106, %add3A_121 : i32
      %lt3A_123 = arith.constant 40 : i32
      %lt3A_124 = arith.cmpi slt, %add3A_122, %lt3A_123 : i32
      %convert_element_type3A_125 = arith.extui %lt3A_124 : i1 to i32
      %cond3A_126 = arith.constant 0 : i32
      %cond3A_127 = arith.cmpi ne, %convert_element_type3A_125, %cond3A_126 : i32
      scf.if %cond3A_127 {
        %dma_start3A_128 = arith.constant 1 : i32
        %dma_start3A_129 = arith.constant 0 : i32
        %dma_start3A_130 = arith.constant 0 : i32
        %dma_start3A_131 = tpu.memref_slice %arg11[%dma_start3A_128, %dma_start3A_129, %dma_start3A_130] : memref<2x128x128xf32, #tpu.memory_space<vmem>> -> memref<1x128x128xf32, #tpu.memory_space<vmem>>
        %dma_start3A_132 = tpu.memref_squeeze %dma_start3A_131 : memref<1x128x128xf32, #tpu.memory_space<vmem>> -> memref<128x128xf32, #tpu.memory_space<vmem>>
        %dma_start3A_133 = arith.constant 0 : i32
        %dma_start3A_134 = tpu.memref_slice %arg9[%add3A_122, %dma_start3A_133] : memref<40x128xi32, #tpu.memory_space<vmem>> -> memref<1x128xi32, #tpu.memory_space<vmem>>
        %dma_start3A_135 = tpu.memref_squeeze %dma_start3A_134 : memref<1x128xi32, #tpu.memory_space<vmem>> -> memref<128xi32, #tpu.memory_space<vmem>>
        %dma_start3A_136 = arith.constant 0 : i32
        %dma_start3A_137 = arith.constant 0 : i32
        %dma_start3A_138 = tpu.memref_slice %arg2[%dma_start3A_136, %dma_start3A_137] : memref<10000x128xf32, #tpu.memory_space<hbm>> -> memref<10000x128xf32, #tpu.memory_space<hbm>>
        tpu.enqueue_indirect_dma source(%dma_start3A_138 : memref<10000x128xf32, #tpu.memory_space<hbm>>) target(%dma_start3A_132 : memref<128x128xf32, #tpu.memory_space<vmem>>) offsets(%dma_start3A_135 : memref<128xi32, #tpu.memory_space<vmem>>) semaphore(%arg13 : memref<!tpu.dma_semaphore, #tpu.memory_space<semaphore_mem>>)
      } else {
      }
    }
    %scan3A_37 = arith.constant 20 : i32
    %add3A_38 = arith.constant 40 : i32
    %add3A_39 = arith.addi %mul3A_4, %add3A_38 : i32
    "tpu.region"() ({
      %run_scoped3A = tpu.sem_alloc : memref<!tpu.dma_semaphore, #tpu.memory_space<semaphore_mem>>
      %dma_start3A_80 = arith.constant 0 : i32
      %dma_start3A_81 = tpu.memref_slice %arg3[%add3A_39, %dma_start3A_80] : memref<2560x128xi32, #tpu.memory_space<hbm>> -> memref<40x128xi32, #tpu.memory_space<hbm>>
      %dma_start3A_82 = arith.constant 0 : i32
      %dma_start3A_83 = tpu.memref_slice %arg3[%add3A_39, %dma_start3A_82] : memref<2560x128xi32, #tpu.memory_space<hbm>> -> memref<40x128xi32, #tpu.memory_space<hbm>>
      tpu.enqueue_dma source(%dma_start3A_83 : memref<40x128xi32, #tpu.memory_space<hbm>>) target(%arg9 : memref<40x128xi32, #tpu.memory_space<vmem>>) target_semaphore(%run_scoped3A : memref<!tpu.dma_semaphore, #tpu.memory_space<semaphore_mem>>)
      %dma_wait3A = arith.constant 0 : i32
      %dma_wait3A_84 = tpu.memref_slice %arg3[%add3A_39, %dma_wait3A] : memref<2560x128xi32, #tpu.memory_space<hbm>> -> memref<40x128xi32, #tpu.memory_space<hbm>>
      %dma_wait3A_85 = arith.constant 0 : i32
      %dma_wait3A_86 = tpu.memref_slice %arg3[%add3A_39, %dma_wait3A_85] : memref<2560x128xi32, #tpu.memory_space<hbm>> -> memref<40x128xi32, #tpu.memory_space<hbm>>
      tpu.wait_dma2 semaphore(%run_scoped3A : memref<!tpu.dma_semaphore, #tpu.memory_space<semaphore_mem>>) src(%dma_wait3A_86 : memref<40x128xi32, #tpu.memory_space<hbm>>) dst(%arg9 : memref<40x128xi32, #tpu.memory_space<vmem>>)
      tpu.yield
    }) : () -> ()
    %dma_start3A_40 = arith.constant 0 : i32
    %dma_start3A_41 = arith.constant 0 : i32
    %dma_start3A_42 = arith.constant 0 : i32
    %dma_start3A_43 = arith.constant 0 : i32
    %dma_start3A_44 = tpu.memref_slice %arg11[%dma_start3A_41, %dma_start3A_42, %dma_start3A_43] : memref<2x128x128xf32, #tpu.memory_space<vmem>> -> memref<1x128x128xf32, #tpu.memory_space<vmem>>
    %dma_start3A_45 = tpu.memref_squeeze %dma_start3A_44 : memref<1x128x128xf32, #tpu.memory_space<vmem>> -> memref<128x128xf32, #tpu.memory_space<vmem>>
    %dma_start3A_46 = arith.constant 0 : i32
    %dma_start3A_47 = tpu.memref_slice %arg9[%dma_start3A_40, %dma_start3A_46] : memref<40x128xi32, #tpu.memory_space<vmem>> -> memref<1x128xi32, #tpu.memory_space<vmem>>
    %dma_start3A_48 = tpu.memref_squeeze %dma_start3A_47 : memref<1x128xi32, #tpu.memory_space<vmem>> -> memref<128xi32, #tpu.memory_space<vmem>>
    %dma_start3A_49 = arith.constant 0 : i32
    %dma_start3A_50 = arith.constant 0 : i32
    %dma_start3A_51 = tpu.memref_slice %arg2[%dma_start3A_49, %dma_start3A_50] : memref<10000x128xf32, #tpu.memory_space<hbm>> -> memref<10000x128xf32, #tpu.memory_space<hbm>>
    tpu.enqueue_indirect_dma source(%dma_start3A_51 : memref<10000x128xf32, #tpu.memory_space<hbm>>) target(%dma_start3A_45 : memref<128x128xf32, #tpu.memory_space<vmem>>) offsets(%dma_start3A_48 : memref<128xi32, #tpu.memory_space<vmem>>) semaphore(%arg12 : memref<!tpu.dma_semaphore, #tpu.memory_space<semaphore_mem>>)
    %dma_start3A_52 = arith.constant 1 : i32
    %dma_start3A_53 = arith.constant 1 : i32
    %dma_start3A_54 = arith.constant 0 : i32
    %dma_start3A_55 = arith.constant 0 : i32
    %dma_start3A_56 = tpu.memref_slice %arg11[%dma_start3A_53, %dma_start3A_54, %dma_start3A_55] : memref<2x128x128xf32, #tpu.memory_space<vmem>> -> memref<1x128x128xf32, #tpu.memory_space<vmem>>
    %dma_start3A_57 = tpu.memref_squeeze %dma_start3A_56 : memref<1x128x128xf32, #tpu.memory_space<vmem>> -> memref<128x128xf32, #tpu.memory_space<vmem>>
    %dma_start3A_58 = arith.constant 0 : i32
    %dma_start3A_59 = tpu.memref_slice %arg9[%dma_start3A_52, %dma_start3A_58] : memref<40x128xi32, #tpu.memory_space<vmem>> -> memref<1x128xi32, #tpu.memory_space<vmem>>
    %dma_start3A_60 = tpu.memref_squeeze %dma_start3A_59 : memref<1x128xi32, #tpu.memory_space<vmem>> -> memref<128xi32, #tpu.memory_space<vmem>>
    %dma_start3A_61 = arith.constant 0 : i32
    %dma_start3A_62 = arith.constant 0 : i32
    %dma_start3A_63 = tpu.memref_slice %arg2[%dma_start3A_61, %dma_start3A_62] : memref<10000x128xf32, #tpu.memory_space<hbm>> -> memref<10000x128xf32, #tpu.memory_space<hbm>>
    tpu.enqueue_indirect_dma source(%dma_start3A_63 : memref<10000x128xf32, #tpu.memory_space<hbm>>) target(%dma_start3A_57 : memref<128x128xf32, #tpu.memory_space<vmem>>) offsets(%dma_start3A_60 : memref<128xi32, #tpu.memory_space<vmem>>) semaphore(%arg13 : memref<!tpu.dma_semaphore, #tpu.memory_space<semaphore_mem>>)
    %scan3A_64 = arith.constant 0 : i32
    %scan3A_65 = arith.constant 20 : i32
    %scan3A_66 = arith.addi %scan3A_64, %scan3A_65 : i32
    %scan3A_67 = arith.constant 1 : i32
    scf.for %scan3A_80 = %scan3A_64 to %scan3A_66 step %scan3A_67  : i32 {
      %mul3A_81 = arith.constant 2 : i32
      %mul3A_82 = arith.muli %scan3A_80, %mul3A_81 : i32
      %add3A_83 = arith.constant 0 : i32
      %add3A_84 = arith.addi %add3A_83, %mul3A_82 : i32
      %add3A_85 = arith.constant 0 : i32
      %add3A_86 = arith.addi %add3A_84, %add3A_85 : i32
      %dma_wait3A = arith.constant 0 : i32
      %dma_wait3A_87 = arith.constant 0 : i32
      %dma_wait3A_88 = arith.constant 0 : i32
      %dma_wait3A_89 = tpu.memref_slice %arg11[%dma_wait3A, %dma_wait3A_87, %dma_wait3A_88] : memref<2x128x128xf32, #tpu.memory_space<vmem>> -> memref<1x128x128xf32, #tpu.memory_space<vmem>>
      %dma_wait3A_90 = tpu.memref_squeeze %dma_wait3A_89 : memref<1x128x128xf32, #tpu.memory_space<vmem>> -> memref<128x128xf32, #tpu.memory_space<vmem>>
      %dma_wait3A_91 = arith.constant 0 : i32
      %dma_wait3A_92 = tpu.memref_slice %arg9[%add3A_86, %dma_wait3A_91] : memref<40x128xi32, #tpu.memory_space<vmem>> -> memref<1x128xi32, #tpu.memory_space<vmem>>
      %dma_wait3A_93 = tpu.memref_squeeze %dma_wait3A_92 : memref<1x128xi32, #tpu.memory_space<vmem>> -> memref<128xi32, #tpu.memory_space<vmem>>
      %dma_wait3A_94 = arith.constant 0 : i32
      %dma_wait3A_95 = arith.constant 0 : i32
      %dma_wait3A_96 = tpu.memref_slice %arg2[%dma_wait3A_94, %dma_wait3A_95] : memref<10000x128xf32, #tpu.memory_space<hbm>> -> memref<10000x128xf32, #tpu.memory_space<hbm>>
      tpu.wait_indirect_dma semaphore(%arg12 : memref<!tpu.dma_semaphore, #tpu.memory_space<semaphore_mem>>) src(%dma_wait3A_96 : memref<10000x128xf32, #tpu.memory_space<hbm>>) dst(%dma_wait3A_90 : memref<128x128xf32, #tpu.memory_space<vmem>>)
      %add3A_97 = arith.constant 40 : i32
      %add3A_98 = arith.addi %add3A_97, %add3A_86 : i32
      %run_scoped3A = arith.constant 0 : i32
      "tpu.region"() ({
        %run_scoped3A_128 = tpu.sem_alloc : memref<!tpu.dma_semaphore, #tpu.memory_space<semaphore_mem>>
        %dma_start3A_129 = arith.constant 0 : i32
        %dma_start3A_130 = arith.constant 0 : i32
        %dma_start3A_131 = tpu.memref_slice %arg11[%run_scoped3A, %dma_start3A_129, %dma_start3A_130] : memref<2x128x128xf32, #tpu.memory_space<vmem>> -> memref<1x128x128xf32, #tpu.memory_space<vmem>>
        %dma_start3A_132 = tpu.memref_squeeze %dma_start3A_131 : memref<1x128x128xf32, #tpu.memory_space<vmem>> -> memref<128x128xf32, #tpu.memory_space<vmem>>
        %dma_start3A_133 = arith.constant 0 : i32
        %dma_start3A_134 = tpu.memref_slice %arg10[%add3A_98, %dma_start3A_133] : memref<80x128xi32, #tpu.memory_space<vmem>> -> memref<1x128xi32, #tpu.memory_space<vmem>>
        %dma_start3A_135 = tpu.memref_squeeze %dma_start3A_134 : memref<1x128xi32, #tpu.memory_space<vmem>> -> memref<128xi32, #tpu.memory_space<vmem>>
        %dma_start3A_136 = arith.constant 0 : i32
        %dma_start3A_137 = arith.constant 0 : i32
        %dma_start3A_138 = tpu.memref_slice %arg8[%dma_start3A_136, %dma_start3A_137] : memref<10128x128xf32, #tpu.memory_space<vmem_shared>> -> memref<10128x128xf32, #tpu.memory_space<vmem_shared>>
        tpu.enqueue_indirect_dma source(%dma_start3A_132 : memref<128x128xf32, #tpu.memory_space<vmem>>) target(%dma_start3A_138 : memref<10128x128xf32, #tpu.memory_space<vmem_shared>>) offsets(%dma_start3A_135 : memref<128xi32, #tpu.memory_space<vmem>>) semaphore(%run_scoped3A_128 : memref<!tpu.dma_semaphore, #tpu.memory_space<semaphore_mem>>) {add = true}
        %dma_wait3A_139 = arith.constant 0 : i32
        %dma_wait3A_140 = arith.constant 0 : i32
        %dma_wait3A_141 = tpu.memref_slice %arg11[%run_scoped3A, %dma_wait3A_139, %dma_wait3A_140] : memref<2x128x128xf32, #tpu.memory_space<vmem>> -> memref<1x128x128xf32, #tpu.memory_space<vmem>>
        %dma_wait3A_142 = tpu.memref_squeeze %dma_wait3A_141 : memref<1x128x128xf32, #tpu.memory_space<vmem>> -> memref<128x128xf32, #tpu.memory_space<vmem>>
        %dma_wait3A_143 = arith.constant 0 : i32
        %dma_wait3A_144 = tpu.memref_slice %arg10[%add3A_98, %dma_wait3A_143] : memref<80x128xi32, #tpu.memory_space<vmem>> -> memref<1x128xi32, #tpu.memory_space<vmem>>
        %dma_wait3A_145 = tpu.memref_squeeze %dma_wait3A_144 : memref<1x128xi32, #tpu.memory_space<vmem>> -> memref<128xi32, #tpu.memory_space<vmem>>
        %dma_wait3A_146 = arith.constant 0 : i32
        %dma_wait3A_147 = arith.constant 0 : i32
        %dma_wait3A_148 = tpu.memref_slice %arg8[%dma_wait3A_146, %dma_wait3A_147] : memref<10128x128xf32, #tpu.memory_space<vmem_shared>> -> memref<10128x128xf32, #tpu.memory_space<vmem_shared>>
        tpu.wait_indirect_dma semaphore(%run_scoped3A_128 : memref<!tpu.dma_semaphore, #tpu.memory_space<semaphore_mem>>) src(%dma_wait3A_142 : memref<128x128xf32, #tpu.memory_space<vmem>>) dst(%dma_wait3A_148 : memref<10128x128xf32, #tpu.memory_space<vmem_shared>>)
        tpu.yield
      }) : () -> ()
      %add3A_99 = arith.constant 2 : i32
      %add3A_100 = arith.addi %add3A_86, %add3A_99 : i32
      %lt3A = arith.constant 40 : i32
      %lt3A_101 = arith.cmpi slt, %add3A_100, %lt3A : i32
      %convert_element_type3A_102 = arith.extui %lt3A_101 : i1 to i32
      %cond3A_103 = arith.constant 0 : i32
      %cond3A_104 = arith.cmpi ne, %convert_element_type3A_102, %cond3A_103 : i32
      scf.if %cond3A_104 {
        %dma_start3A_128 = arith.constant 0 : i32
        %dma_start3A_129 = arith.constant 0 : i32
        %dma_start3A_130 = arith.constant 0 : i32
        %dma_start3A_131 = tpu.memref_slice %arg11[%dma_start3A_128, %dma_start3A_129, %dma_start3A_130] : memref<2x128x128xf32, #tpu.memory_space<vmem>> -> memref<1x128x128xf32, #tpu.memory_space<vmem>>
        %dma_start3A_132 = tpu.memref_squeeze %dma_start3A_131 : memref<1x128x128xf32, #tpu.memory_space<vmem>> -> memref<128x128xf32, #tpu.memory_space<vmem>>
        %dma_start3A_133 = arith.constant 0 : i32
        %dma_start3A_134 = tpu.memref_slice %arg9[%add3A_100, %dma_start3A_133] : memref<40x128xi32, #tpu.memory_space<vmem>> -> memref<1x128xi32, #tpu.memory_space<vmem>>
        %dma_start3A_135 = tpu.memref_squeeze %dma_start3A_134 : memref<1x128xi32, #tpu.memory_space<vmem>> -> memref<128xi32, #tpu.memory_space<vmem>>
        %dma_start3A_136 = arith.constant 0 : i32
        %dma_start3A_137 = arith.constant 0 : i32
        %dma_start3A_138 = tpu.memref_slice %arg2[%dma_start3A_136, %dma_start3A_137] : memref<10000x128xf32, #tpu.memory_space<hbm>> -> memref<10000x128xf32, #tpu.memory_space<hbm>>
        tpu.enqueue_indirect_dma source(%dma_start3A_138 : memref<10000x128xf32, #tpu.memory_space<hbm>>) target(%dma_start3A_132 : memref<128x128xf32, #tpu.memory_space<vmem>>) offsets(%dma_start3A_135 : memref<128xi32, #tpu.memory_space<vmem>>) semaphore(%arg12 : memref<!tpu.dma_semaphore, #tpu.memory_space<semaphore_mem>>)
      } else {
      }
      %add3A_105 = arith.constant 1 : i32
      %add3A_106 = arith.addi %add3A_84, %add3A_105 : i32
      %dma_wait3A_107 = arith.constant 1 : i32
      %dma_wait3A_108 = arith.constant 0 : i32
      %dma_wait3A_109 = arith.constant 0 : i32
      %dma_wait3A_110 = tpu.memref_slice %arg11[%dma_wait3A_107, %dma_wait3A_108, %dma_wait3A_109] : memref<2x128x128xf32, #tpu.memory_space<vmem>> -> memref<1x128x128xf32, #tpu.memory_space<vmem>>
      %dma_wait3A_111 = tpu.memref_squeeze %dma_wait3A_110 : memref<1x128x128xf32, #tpu.memory_space<vmem>> -> memref<128x128xf32, #tpu.memory_space<vmem>>
      %dma_wait3A_112 = arith.constant 0 : i32
      %dma_wait3A_113 = tpu.memref_slice %arg9[%add3A_106, %dma_wait3A_112] : memref<40x128xi32, #tpu.memory_space<vmem>> -> memref<1x128xi32, #tpu.memory_space<vmem>>
      %dma_wait3A_114 = tpu.memref_squeeze %dma_wait3A_113 : memref<1x128xi32, #tpu.memory_space<vmem>> -> memref<128xi32, #tpu.memory_space<vmem>>
      %dma_wait3A_115 = arith.constant 0 : i32
      %dma_wait3A_116 = arith.constant 0 : i32
      %dma_wait3A_117 = tpu.memref_slice %arg2[%dma_wait3A_115, %dma_wait3A_116] : memref<10000x128xf32, #tpu.memory_space<hbm>> -> memref<10000x128xf32, #tpu.memory_space<hbm>>
      tpu.wait_indirect_dma semaphore(%arg13 : memref<!tpu.dma_semaphore, #tpu.memory_space<semaphore_mem>>) src(%dma_wait3A_117 : memref<10000x128xf32, #tpu.memory_space<hbm>>) dst(%dma_wait3A_111 : memref<128x128xf32, #tpu.memory_space<vmem>>)
      %add3A_118 = arith.constant 40 : i32
      %add3A_119 = arith.addi %add3A_118, %add3A_106 : i32
      %run_scoped3A_120 = arith.constant 1 : i32
      "tpu.region"() ({
        %run_scoped3A_128 = tpu.sem_alloc : memref<!tpu.dma_semaphore, #tpu.memory_space<semaphore_mem>>
        %dma_start3A_129 = arith.constant 0 : i32
        %dma_start3A_130 = arith.constant 0 : i32
        %dma_start3A_131 = tpu.memref_slice %arg11[%run_scoped3A_120, %dma_start3A_129, %dma_start3A_130] : memref<2x128x128xf32, #tpu.memory_space<vmem>> -> memref<1x128x128xf32, #tpu.memory_space<vmem>>
        %dma_start3A_132 = tpu.memref_squeeze %dma_start3A_131 : memref<1x128x128xf32, #tpu.memory_space<vmem>> -> memref<128x128xf32, #tpu.memory_space<vmem>>
        %dma_start3A_133 = arith.constant 0 : i32
        %dma_start3A_134 = tpu.memref_slice %arg10[%add3A_119, %dma_start3A_133] : memref<80x128xi32, #tpu.memory_space<vmem>> -> memref<1x128xi32, #tpu.memory_space<vmem>>
        %dma_start3A_135 = tpu.memref_squeeze %dma_start3A_134 : memref<1x128xi32, #tpu.memory_space<vmem>> -> memref<128xi32, #tpu.memory_space<vmem>>
        %dma_start3A_136 = arith.constant 0 : i32
        %dma_start3A_137 = arith.constant 0 : i32
        %dma_start3A_138 = tpu.memref_slice %arg8[%dma_start3A_136, %dma_start3A_137] : memref<10128x128xf32, #tpu.memory_space<vmem_shared>> -> memref<10128x128xf32, #tpu.memory_space<vmem_shared>>
        tpu.enqueue_indirect_dma source(%dma_start3A_132 : memref<128x128xf32, #tpu.memory_space<vmem>>) target(%dma_start3A_138 : memref<10128x128xf32, #tpu.memory_space<vmem_shared>>) offsets(%dma_start3A_135 : memref<128xi32, #tpu.memory_space<vmem>>) semaphore(%run_scoped3A_128 : memref<!tpu.dma_semaphore, #tpu.memory_space<semaphore_mem>>) {add = true}
        %dma_wait3A_139 = arith.constant 0 : i32
        %dma_wait3A_140 = arith.constant 0 : i32
        %dma_wait3A_141 = tpu.memref_slice %arg11[%run_scoped3A_120, %dma_wait3A_139, %dma_wait3A_140] : memref<2x128x128xf32, #tpu.memory_space<vmem>> -> memref<1x128x128xf32, #tpu.memory_space<vmem>>
        %dma_wait3A_142 = tpu.memref_squeeze %dma_wait3A_141 : memref<1x128x128xf32, #tpu.memory_space<vmem>> -> memref<128x128xf32, #tpu.memory_space<vmem>>
        %dma_wait3A_143 = arith.constant 0 : i32
        %dma_wait3A_144 = tpu.memref_slice %arg10[%add3A_119, %dma_wait3A_143] : memref<80x128xi32, #tpu.memory_space<vmem>> -> memref<1x128xi32, #tpu.memory_space<vmem>>
        %dma_wait3A_145 = tpu.memref_squeeze %dma_wait3A_144 : memref<1x128xi32, #tpu.memory_space<vmem>> -> memref<128xi32, #tpu.memory_space<vmem>>
        %dma_wait3A_146 = arith.constant 0 : i32
        %dma_wait3A_147 = arith.constant 0 : i32
        %dma_wait3A_148 = tpu.memref_slice %arg8[%dma_wait3A_146, %dma_wait3A_147] : memref<10128x128xf32, #tpu.memory_space<vmem_shared>> -> memref<10128x128xf32, #tpu.memory_space<vmem_shared>>
        tpu.wait_indirect_dma semaphore(%run_scoped3A_128 : memref<!tpu.dma_semaphore, #tpu.memory_space<semaphore_mem>>) src(%dma_wait3A_142 : memref<128x128xf32, #tpu.memory_space<vmem>>) dst(%dma_wait3A_148 : memref<10128x128xf32, #tpu.memory_space<vmem_shared>>)
        tpu.yield
      }) : () -> ()
      %add3A_121 = arith.constant 2 : i32
      %add3A_122 = arith.addi %add3A_106, %add3A_121 : i32
      %lt3A_123 = arith.constant 40 : i32
      %lt3A_124 = arith.cmpi slt, %add3A_122, %lt3A_123 : i32
      %convert_element_type3A_125 = arith.extui %lt3A_124 : i1 to i32
      %cond3A_126 = arith.constant 0 : i32
      %cond3A_127 = arith.cmpi ne, %convert_element_type3A_125, %cond3A_126 : i32
      scf.if %cond3A_127 {
        %dma_start3A_128 = arith.constant 1 : i32
        %dma_start3A_129 = arith.constant 0 : i32
        %dma_start3A_130 = arith.constant 0 : i32
        %dma_start3A_131 = tpu.memref_slice %arg11[%dma_start3A_128, %dma_start3A_129, %dma_start3A_130] : memref<2x128x128xf32, #tpu.memory_space<vmem>> -> memref<1x128x128xf32, #tpu.memory_space<vmem>>
        %dma_start3A_132 = tpu.memref_squeeze %dma_start3A_131 : memref<1x128x128xf32, #tpu.memory_space<vmem>> -> memref<128x128xf32, #tpu.memory_space<vmem>>
        %dma_start3A_133 = arith.constant 0 : i32
        %dma_start3A_134 = tpu.memref_slice %arg9[%add3A_122, %dma_start3A_133] : memref<40x128xi32, #tpu.memory_space<vmem>> -> memref<1x128xi32, #tpu.memory_space<vmem>>
        %dma_start3A_135 = tpu.memref_squeeze %dma_start3A_134 : memref<1x128xi32, #tpu.memory_space<vmem>> -> memref<128xi32, #tpu.memory_space<vmem>>
        %dma_start3A_136 = arith.constant 0 : i32
        %dma_start3A_137 = arith.constant 0 : i32
        %dma_start3A_138 = tpu.memref_slice %arg2[%dma_start3A_136, %dma_start3A_137] : memref<10000x128xf32, #tpu.memory_space<hbm>> -> memref<10000x128xf32, #tpu.memory_space<hbm>>
        tpu.enqueue_indirect_dma source(%dma_start3A_138 : memref<10000x128xf32, #tpu.memory_space<hbm>>) target(%dma_start3A_132 : memref<128x128xf32, #tpu.memory_space<vmem>>) offsets(%dma_start3A_135 : memref<128xi32, #tpu.memory_space<vmem>>) semaphore(%arg13 : memref<!tpu.dma_semaphore, #tpu.memory_space<semaphore_mem>>)
      } else {
      }
    }
    %scan3A_68 = arith.constant 20 : i32
    %barrier3A_69 = arith.constant 0 : index
    tpu.barrier barrier_id(%barrier3A_69)
    %eq3A_70 = arith.constant 0 : i32
    %eq3A_71 = arith.cmpi eq, %arg0, %eq3A_70 : i32
    %convert_element_type3A_72 = arith.extui %eq3A_71 : i1 to i32
    %cond3A_73 = arith.constant 0 : i32
    %cond3A_74 = arith.cmpi ne, %convert_element_type3A_72, %cond3A_73 : i32
    scf.if %cond3A_74 {
      "tpu.region"() ({
        %run_scoped3A = tpu.sem_alloc : memref<!tpu.dma_semaphore, #tpu.memory_space<semaphore_mem>>
        %dma_start3A_85 = arith.constant 0 : i32
        %dma_start3A_86 = tpu.memref_slice %arg6[%mul3A_0, %dma_start3A_85] : memref<10000x128xf32, #tpu.memory_space<hbm>> -> memref<624x128xf32, #tpu.memory_space<hbm>>
        %dma_start3A_87 = arith.constant 0 : i32
        %dma_start3A_88 = tpu.memref_slice %arg8[%mul3A_0, %dma_start3A_87] : memref<10128x128xf32, #tpu.memory_space<vmem_shared>> -> memref<624x128xf32, #tpu.memory_space<vmem_shared>>
        tpu.enqueue_dma source(%dma_start3A_88 : memref<624x128xf32, #tpu.memory_space<vmem_shared>>) target(%dma_start3A_86 : memref<624x128xf32, #tpu.memory_space<hbm>>) target_semaphore(%run_scoped3A : memref<!tpu.dma_semaphore, #tpu.memory_space<semaphore_mem>>)
        %dma_wait3A = arith.constant 0 : i32
        %dma_wait3A_89 = tpu.memref_slice %arg6[%mul3A_0, %dma_wait3A] : memref<10000x128xf32, #tpu.memory_space<hbm>> -> memref<624x128xf32, #tpu.memory_space<hbm>>
        %dma_wait3A_90 = arith.constant 0 : i32
        %dma_wait3A_91 = tpu.memref_slice %arg8[%mul3A_0, %dma_wait3A_90] : memref<10128x128xf32, #tpu.memory_space<vmem_shared>> -> memref<624x128xf32, #tpu.memory_space<vmem_shared>>
        tpu.wait_dma2 semaphore(%run_scoped3A : memref<!tpu.dma_semaphore, #tpu.memory_space<semaphore_mem>>) src(%dma_wait3A_91 : memref<624x128xf32, #tpu.memory_space<vmem_shared>>) dst(%dma_wait3A_89 : memref<624x128xf32, #tpu.memory_space<hbm>>)
        tpu.yield
      }) : () -> ()
      %eq3A_80 = arith.constant 0 : i32
      %eq3A_81 = arith.cmpi eq, %arg1, %eq3A_80 : i32
      %convert_element_type3A_82 = arith.extui %eq3A_81 : i1 to i32
      %cond3A_83 = arith.constant 0 : i32
      %cond3A_84 = arith.cmpi ne, %convert_element_type3A_82, %cond3A_83 : i32
      scf.if %cond3A_84 {
        "tpu.region"() ({
          %run_scoped3A = tpu.sem_alloc : memref<!tpu.dma_semaphore, #tpu.memory_space<semaphore_mem>>
          %dma_start3A_85 = arith.constant 9984 : i32
          %dma_start3A_86 = arith.constant 0 : i32
          %dma_start3A_87 = tpu.memref_slice %arg6[%dma_start3A_85, %dma_start3A_86] : memref<10000x128xf32, #tpu.memory_space<hbm>> -> memref<16x128xf32, #tpu.memory_space<hbm>>
          %dma_start3A_88 = arith.constant 9984 : i32
          %dma_start3A_89 = arith.constant 0 : i32
          %dma_start3A_90 = tpu.memref_slice %arg8[%dma_start3A_88, %dma_start3A_89] : memref<10128x128xf32, #tpu.memory_space<vmem_shared>> -> memref<16x128xf32, #tpu.memory_space<vmem_shared>>
          tpu.enqueue_dma source(%dma_start3A_90 : memref<16x128xf32, #tpu.memory_space<vmem_shared>>) target(%dma_start3A_87 : memref<16x128xf32, #tpu.memory_space<hbm>>) target_semaphore(%run_scoped3A : memref<!tpu.dma_semaphore, #tpu.memory_space<semaphore_mem>>)
          %dma_wait3A = arith.constant 9984 : i32
          %dma_wait3A_91 = arith.constant 0 : i32
          %dma_wait3A_92 = tpu.memref_slice %arg6[%dma_wait3A, %dma_wait3A_91] : memref<10000x128xf32, #tpu.memory_space<hbm>> -> memref<16x128xf32, #tpu.memory_space<hbm>>
          %dma_wait3A_93 = arith.constant 9984 : i32
          %dma_wait3A_94 = arith.constant 0 : i32
          %dma_wait3A_95 = tpu.memref_slice %arg8[%dma_wait3A_93, %dma_wait3A_94] : memref<10128x128xf32, #tpu.memory_space<vmem_shared>> -> memref<16x128xf32, #tpu.memory_space<vmem_shared>>
          tpu.wait_dma2 semaphore(%run_scoped3A : memref<!tpu.dma_semaphore, #tpu.memory_space<semaphore_mem>>) src(%dma_wait3A_95 : memref<16x128xf32, #tpu.memory_space<vmem_shared>>) dst(%dma_wait3A_92 : memref<16x128xf32, #tpu.memory_space<hbm>>)
          tpu.yield
        }) : () -> ()
      } else {
      }
    } else {
    }
    %ne3A_75 = arith.constant 0 : i32
    %ne3A_76 = arith.cmpi ne, %arg0, %ne3A_75 : i32
    %convert_element_type3A_77 = arith.extui %ne3A_76 : i1 to i32
    %cond3A_78 = arith.constant 0 : i32
    %cond3A_79 = arith.cmpi ne, %convert_element_type3A_77, %cond3A_78 : i32
    scf.if %cond3A_79 {
      "tpu.region"() ({
        %run_scoped3A = tpu.sem_alloc : memref<!tpu.dma_semaphore, #tpu.memory_space<semaphore_mem>>
        %dma_start3A_85 = arith.constant 0 : i32
        %dma_start3A_86 = tpu.memref_slice %arg7[%mul3A_0, %dma_start3A_85] : memref<10000x128xf32, #tpu.memory_space<hbm>> -> memref<624x128xf32, #tpu.memory_space<hbm>>
        %dma_start3A_87 = arith.constant 0 : i32
        %dma_start3A_88 = tpu.memref_slice %arg8[%mul3A_0, %dma_start3A_87] : memref<10128x128xf32, #tpu.memory_space<vmem_shared>> -> memref<624x128xf32, #tpu.memory_space<vmem_shared>>
        tpu.enqueue_dma source(%dma_start3A_88 : memref<624x128xf32, #tpu.memory_space<vmem_shared>>) target(%dma_start3A_86 : memref<624x128xf32, #tpu.memory_space<hbm>>) target_semaphore(%run_scoped3A : memref<!tpu.dma_semaphore, #tpu.memory_space<semaphore_mem>>)
        %dma_wait3A = arith.constant 0 : i32
        %dma_wait3A_89 = tpu.memref_slice %arg7[%mul3A_0, %dma_wait3A] : memref<10000x128xf32, #tpu.memory_space<hbm>> -> memref<624x128xf32, #tpu.memory_space<hbm>>
        %dma_wait3A_90 = arith.constant 0 : i32
        %dma_wait3A_91 = tpu.memref_slice %arg8[%mul3A_0, %dma_wait3A_90] : memref<10128x128xf32, #tpu.memory_space<vmem_shared>> -> memref<624x128xf32, #tpu.memory_space<vmem_shared>>
        tpu.wait_dma2 semaphore(%run_scoped3A : memref<!tpu.dma_semaphore, #tpu.memory_space<semaphore_mem>>) src(%dma_wait3A_91 : memref<624x128xf32, #tpu.memory_space<vmem_shared>>) dst(%dma_wait3A_89 : memref<624x128xf32, #tpu.memory_space<hbm>>)
        tpu.yield
      }) : () -> ()
      %eq3A_80 = arith.constant 0 : i32
      %eq3A_81 = arith.cmpi eq, %arg1, %eq3A_80 : i32
      %convert_element_type3A_82 = arith.extui %eq3A_81 : i1 to i32
      %cond3A_83 = arith.constant 0 : i32
      %cond3A_84 = arith.cmpi ne, %convert_element_type3A_82, %cond3A_83 : i32
      scf.if %cond3A_84 {
        "tpu.region"() ({
          %run_scoped3A = tpu.sem_alloc : memref<!tpu.dma_semaphore, #tpu.memory_space<semaphore_mem>>
          %dma_start3A_85 = arith.constant 9984 : i32
          %dma_start3A_86 = arith.constant 0 : i32
          %dma_start3A_87 = tpu.memref_slice %arg7[%dma_start3A_85, %dma_start3A_86] : memref<10000x128xf32, #tpu.memory_space<hbm>> -> memref<16x128xf32, #tpu.memory_space<hbm>>
          %dma_start3A_88 = arith.constant 9984 : i32
          %dma_start3A_89 = arith.constant 0 : i32
          %dma_start3A_90 = tpu.memref_slice %arg8[%dma_start3A_88, %dma_start3A_89] : memref<10128x128xf32, #tpu.memory_space<vmem_shared>> -> memref<16x128xf32, #tpu.memory_space<vmem_shared>>
          tpu.enqueue_dma source(%dma_start3A_90 : memref<16x128xf32, #tpu.memory_space<vmem_shared>>) target(%dma_start3A_87 : memref<16x128xf32, #tpu.memory_space<hbm>>) target_semaphore(%run_scoped3A : memref<!tpu.dma_semaphore, #tpu.memory_space<semaphore_mem>>)
          %dma_wait3A = arith.constant 9984 : i32
          %dma_wait3A_91 = arith.constant 0 : i32
          %dma_wait3A_92 = tpu.memref_slice %arg7[%dma_wait3A, %dma_wait3A_91] : memref<10000x128xf32, #tpu.memory_space<hbm>> -> memref<16x128xf32, #tpu.memory_space<hbm>>
          %dma_wait3A_93 = arith.constant 9984 : i32
          %dma_wait3A_94 = arith.constant 0 : i32
          %dma_wait3A_95 = tpu.memref_slice %arg8[%dma_wait3A_93, %dma_wait3A_94] : memref<10128x128xf32, #tpu.memory_space<vmem_shared>> -> memref<16x128xf32, #tpu.memory_space<vmem_shared>>
          tpu.wait_dma2 semaphore(%run_scoped3A : memref<!tpu.dma_semaphore, #tpu.memory_space<semaphore_mem>>) src(%dma_wait3A_95 : memref<16x128xf32, #tpu.memory_space<vmem_shared>>) dst(%dma_wait3A_92 : memref<16x128xf32, #tpu.memory_space<hbm>>)
          tpu.yield
        }) : () -> ()
      } else {
      }
    } else {
    }
    return
  }
}

module attributes {stable_mosaic.version = 14 : i64} {
  func.func @body(%arg0: memref<10000x128xf32, #tpu.memory_space<vmem>>, %arg1: memref<10000x128xf32, #tpu.memory_space<vmem>>, %arg2: memref<128x128xf32, #tpu.memory_space<vmem>>, %arg3: memref<128x128xf32, #tpu.memory_space<vmem>>, %arg4: memref<1x128xf32, #tpu.memory_space<vmem>>, %arg5: memref<1x128xf32, #tpu.memory_space<vmem>>, %arg6: memref<1x128xf32, #tpu.memory_space<vmem>>, %arg7: memref<1x128xf32, #tpu.memory_space<vmem>>, %arg8: memref<128x128xf32, #tpu.memory_space<vmem>>, %arg9: memref<1x128xf32, #tpu.memory_space<vmem>>, %arg10: memref<1x128xf32, #tpu.memory_space<vmem>>, %arg11: memref<10000x128xf32, #tpu.memory_space<vmem>>, %arg12: memref<1x128xf32, #tpu.memory_space<vmem>>) attributes {dimension_semantics = [], scalar_prefetch = 0 : i64, scratch_operands = 0 : i64, tpu.core_type = #tpu.core_type<tc>} {
    %get3A = arith.constant 0 : index
    %get3A_0 = arith.constant 0 : index
    %get3A_1 = vector.load %arg0[%get3A, %get3A_0] : memref<10000x128xf32, #tpu.memory_space<vmem>>, vector<10000x128xf32>
    %get3A_2 = arith.constant 0 : index
    %get3A_3 = arith.constant 0 : index
    %get3A_4 = vector.load %arg1[%get3A_2, %get3A_3] : memref<10000x128xf32, #tpu.memory_space<vmem>>, vector<10000x128xf32>
    %add3A = arith.addf %get3A_1, %get3A_4 : vector<10000x128xf32>
    %get3A_5 = arith.constant 0 : index
    %get3A_6 = arith.constant 0 : index
    %get3A_7 = vector.load %arg2[%get3A_5, %get3A_6] : memref<128x128xf32, #tpu.memory_space<vmem>>, vector<128x128xf32>
    %dot_general3A = arith.constant dense<0.000000e+00> : vector<10000x128xf32>
    %dot_general3A_8 = tpu.matmul %add3A, %get3A_7, %dot_general3A {dimension_numbers = #tpu.dot_dimension_numbers<[1], [0], [0], [1], [0, 0, 1, 1], [], []>, transpose_lhs_hint = false} : vector<10000x128xf32>, vector<128x128xf32>, vector<10000x128xf32> -> vector<10000x128xf32>
    %reduce_sum3A = arith.constant dense<0.000000e+00> : vector<128xf32>
    %reduce_sum3A_9 = vector.multi_reduction <add>, %dot_general3A_8, %reduce_sum3A [0] : vector<10000x128xf32> to vector<128xf32>
    %broadcast_in_dim3A = vector.shape_cast %reduce_sum3A_9 : vector<128xf32> to vector<1x128xf32>
    %mul3A = arith.constant 9.99999974E-5 : f32
    %mul3A_10 = vector.broadcast %mul3A : f32 to vector<1x128xf32>
    %mul3A_11 = arith.mulf %broadcast_in_dim3A, %mul3A_10 : vector<1x128xf32>
    %mul3A_12 = arith.mulf %dot_general3A_8, %dot_general3A_8 : vector<10000x128xf32>
    %reduce_sum3A_13 = arith.constant dense<0.000000e+00> : vector<128xf32>
    %reduce_sum3A_14 = vector.multi_reduction <add>, %mul3A_12, %reduce_sum3A_13 [0] : vector<10000x128xf32> to vector<128xf32>
    %broadcast_in_dim3A_15 = vector.shape_cast %reduce_sum3A_14 : vector<128xf32> to vector<1x128xf32>
    %mul3A_16 = arith.constant 9.99999974E-5 : f32
    %mul3A_17 = vector.broadcast %mul3A_16 : f32 to vector<1x128xf32>
    %mul3A_18 = arith.mulf %broadcast_in_dim3A_15, %mul3A_17 : vector<1x128xf32>
    %get3A_19 = arith.constant 0 : index
    %get3A_20 = arith.constant 0 : index
    %get3A_21 = vector.load %arg4[%get3A_19, %get3A_20] : memref<1x128xf32, #tpu.memory_space<vmem>>, vector<1x128xf32>
    %mul3A_22 = arith.mulf %mul3A_11, %mul3A_11 : vector<1x128xf32>
    %sub3A = arith.subf %mul3A_18, %mul3A_22 : vector<1x128xf32>
    %add3A_23 = arith.constant 9.99999974E-6 : f32
    %add3A_24 = vector.broadcast %add3A_23 : f32 to vector<1x128xf32>
    %add3A_25 = arith.addf %sub3A, %add3A_24 : vector<1x128xf32>
    %rsqrt3A = math.rsqrt %add3A_25 : vector<1x128xf32>
    %mul3A_26 = arith.mulf %get3A_21, %rsqrt3A : vector<1x128xf32>
    %mul3A_27 = vector.broadcast %mul3A_26 : vector<1x128xf32> to vector<10000x128xf32>
    %mul3A_28 = arith.mulf %dot_general3A_8, %mul3A_27 : vector<10000x128xf32>
    %get3A_29 = arith.constant 0 : index
    %get3A_30 = arith.constant 0 : index
    %get3A_31 = vector.load %arg5[%get3A_29, %get3A_30] : memref<1x128xf32, #tpu.memory_space<vmem>>, vector<1x128xf32>
    %mul3A_32 = arith.mulf %mul3A_11, %mul3A_26 : vector<1x128xf32>
    %sub3A_33 = arith.subf %get3A_31, %mul3A_32 : vector<1x128xf32>
    %add3A_34 = vector.broadcast %sub3A_33 : vector<1x128xf32> to vector<10000x128xf32>
    %add3A_35 = arith.addf %mul3A_28, %add3A_34 : vector<10000x128xf32>
    %max3A = arith.constant 0.000000e+00 : f32
    %max3A_36 = vector.broadcast %max3A : f32 to vector<10000x128xf32>
    %max3A_37 = arith.maximumf %add3A_35, %max3A_36 : vector<10000x128xf32>
    %get3A_38 = arith.constant 0 : index
    %get3A_39 = arith.constant 0 : index
    %get3A_40 = vector.load %arg3[%get3A_38, %get3A_39] : memref<128x128xf32, #tpu.memory_space<vmem>>, vector<128x128xf32>
    %dot_general3A_41 = arith.constant dense<0.000000e+00> : vector<10000x128xf32>
    %dot_general3A_42 = tpu.matmul %max3A_37, %get3A_40, %dot_general3A_41 {dimension_numbers = #tpu.dot_dimension_numbers<[1], [0], [0], [1], [0, 0, 1, 1], [], []>, transpose_lhs_hint = false} : vector<10000x128xf32>, vector<128x128xf32>, vector<10000x128xf32> -> vector<10000x128xf32>
    %reduce_sum3A_43 = arith.constant dense<0.000000e+00> : vector<128xf32>
    %reduce_sum3A_44 = vector.multi_reduction <add>, %dot_general3A_42, %reduce_sum3A_43 [0] : vector<10000x128xf32> to vector<128xf32>
    %broadcast_in_dim3A_45 = vector.shape_cast %reduce_sum3A_44 : vector<128xf32> to vector<1x128xf32>
    %mul3A_46 = arith.constant 9.99999974E-5 : f32
    %mul3A_47 = vector.broadcast %mul3A_46 : f32 to vector<1x128xf32>
    %mul3A_48 = arith.mulf %broadcast_in_dim3A_45, %mul3A_47 : vector<1x128xf32>
    %mul3A_49 = arith.mulf %dot_general3A_42, %dot_general3A_42 : vector<10000x128xf32>
    %reduce_sum3A_50 = arith.constant dense<0.000000e+00> : vector<128xf32>
    %reduce_sum3A_51 = vector.multi_reduction <add>, %mul3A_49, %reduce_sum3A_50 [0] : vector<10000x128xf32> to vector<128xf32>
    %broadcast_in_dim3A_52 = vector.shape_cast %reduce_sum3A_51 : vector<128xf32> to vector<1x128xf32>
    %mul3A_53 = arith.constant 9.99999974E-5 : f32
    %mul3A_54 = vector.broadcast %mul3A_53 : f32 to vector<1x128xf32>
    %mul3A_55 = arith.mulf %broadcast_in_dim3A_52, %mul3A_54 : vector<1x128xf32>
    %get3A_56 = arith.constant 0 : index
    %get3A_57 = arith.constant 0 : index
    %get3A_58 = vector.load %arg6[%get3A_56, %get3A_57] : memref<1x128xf32, #tpu.memory_space<vmem>>, vector<1x128xf32>
    %mul3A_59 = arith.mulf %mul3A_48, %mul3A_48 : vector<1x128xf32>
    %sub3A_60 = arith.subf %mul3A_55, %mul3A_59 : vector<1x128xf32>
    %add3A_61 = arith.constant 9.99999974E-6 : f32
    %add3A_62 = vector.broadcast %add3A_61 : f32 to vector<1x128xf32>
    %add3A_63 = arith.addf %sub3A_60, %add3A_62 : vector<1x128xf32>
    %rsqrt3A_64 = math.rsqrt %add3A_63 : vector<1x128xf32>
    %mul3A_65 = arith.mulf %get3A_58, %rsqrt3A_64 : vector<1x128xf32>
    %mul3A_66 = vector.broadcast %mul3A_65 : vector<1x128xf32> to vector<10000x128xf32>
    %mul3A_67 = arith.mulf %dot_general3A_42, %mul3A_66 : vector<10000x128xf32>
    %get3A_68 = arith.constant 0 : index
    %get3A_69 = arith.constant 0 : index
    %get3A_70 = vector.load %arg7[%get3A_68, %get3A_69] : memref<1x128xf32, #tpu.memory_space<vmem>>, vector<1x128xf32>
    %mul3A_71 = arith.mulf %mul3A_48, %mul3A_65 : vector<1x128xf32>
    %sub3A_72 = arith.subf %get3A_70, %mul3A_71 : vector<1x128xf32>
    %add3A_73 = vector.broadcast %sub3A_72 : vector<1x128xf32> to vector<10000x128xf32>
    %add3A_74 = arith.addf %mul3A_67, %add3A_73 : vector<10000x128xf32>
    %max3A_75 = arith.constant 0.000000e+00 : f32
    %max3A_76 = vector.broadcast %max3A_75 : f32 to vector<10000x128xf32>
    %max3A_77 = arith.maximumf %add3A_74, %max3A_76 : vector<10000x128xf32>
    %reduce_sum3A_78 = arith.constant dense<0.000000e+00> : vector<128xf32>
    %reduce_sum3A_79 = vector.multi_reduction <add>, %max3A_77, %reduce_sum3A_78 [0] : vector<10000x128xf32> to vector<128xf32>
    %broadcast_in_dim3A_80 = vector.shape_cast %reduce_sum3A_79 : vector<128xf32> to vector<1x128xf32>
    %get3A_81 = arith.constant 0 : index
    %get3A_82 = arith.constant 0 : index
    %get3A_83 = vector.load %arg10[%get3A_81, %get3A_82] : memref<1x128xf32, #tpu.memory_space<vmem>>, vector<1x128xf32>
    %get3A_84 = arith.constant 0 : index
    %get3A_85 = arith.constant 0 : index
    %get3A_86 = vector.load %arg8[%get3A_84, %get3A_85] : memref<128x128xf32, #tpu.memory_space<vmem>>, vector<128x128xf32>
    %dot_general3A_87 = arith.constant dense<0.000000e+00> : vector<1x128xf32>
    %dot_general3A_88 = tpu.matmul %broadcast_in_dim3A_80, %get3A_86, %dot_general3A_87 {dimension_numbers = #tpu.dot_dimension_numbers<[1], [0], [0], [1], [0, 0, 1, 1], [], []>, transpose_lhs_hint = false} : vector<1x128xf32>, vector<128x128xf32>, vector<1x128xf32> -> vector<1x128xf32>
    %add3A_89 = arith.addf %get3A_83, %dot_general3A_88 : vector<1x128xf32>
    %get3A_90 = arith.constant 0 : index
    %get3A_91 = arith.constant 0 : index
    %get3A_92 = vector.load %arg9[%get3A_90, %get3A_91] : memref<1x128xf32, #tpu.memory_space<vmem>>, vector<1x128xf32>
    %add3A_93 = arith.addf %add3A_89, %get3A_92 : vector<1x128xf32>
    %swap3A = arith.constant 0 : index
    %swap3A_94 = arith.constant 0 : index
    %swap3A_95 = vector.load %arg11[%swap3A, %swap3A_94] : memref<10000x128xf32, #tpu.memory_space<vmem>>, vector<10000x128xf32>
    tpu.vector_store %arg11[%swap3A, %swap3A_94], %max3A_77 {strides = array<i32>} : memref<10000x128xf32, #tpu.memory_space<vmem>>, vector<10000x128xf32>,
    %swap3A_96 = arith.constant 0 : index
    %swap3A_97 = arith.constant 0 : index
    %swap3A_98 = vector.load %arg12[%swap3A_96, %swap3A_97] : memref<1x128xf32, #tpu.memory_space<vmem>>, vector<1x128xf32>
    tpu.vector_store %arg12[%swap3A_96, %swap3A_97], %add3A_93 {strides = array<i32>} : memref<1x128xf32, #tpu.memory_space<vmem>>, vector<1x128xf32>,
    return
  }
}

module attributes {stable_mosaic.version = 14 : i64} {
  func.func @body(%arg0: memref<10000x128xf32, #tpu.memory_space<vmem>>, %arg1: memref<10000x128xf32, #tpu.memory_space<vmem>>, %arg2: memref<128x128xf32, #tpu.memory_space<vmem>>, %arg3: memref<128x128xf32, #tpu.memory_space<vmem>>, %arg4: memref<1x128xf32, #tpu.memory_space<vmem>>, %arg5: memref<1x128xf32, #tpu.memory_space<vmem>>, %arg6: memref<1x128xf32, #tpu.memory_space<vmem>>, %arg7: memref<1x128xf32, #tpu.memory_space<vmem>>, %arg8: memref<128x128xf32, #tpu.memory_space<vmem>>, %arg9: memref<1x128xf32, #tpu.memory_space<vmem>>, %arg10: memref<1x128xf32, #tpu.memory_space<vmem>>, %arg11: memref<1x128xf32, #tpu.memory_space<vmem>>) attributes {dimension_semantics = [], scalar_prefetch = 0 : i64, scratch_operands = 0 : i64, tpu.core_type = #tpu.core_type<tc>} {
    %get3A = arith.constant 0 : index
    %get3A_0 = arith.constant 0 : index
    %get3A_1 = vector.load %arg0[%get3A, %get3A_0] : memref<10000x128xf32, #tpu.memory_space<vmem>>, vector<10000x128xf32>
    %get3A_2 = arith.constant 0 : index
    %get3A_3 = arith.constant 0 : index
    %get3A_4 = vector.load %arg1[%get3A_2, %get3A_3] : memref<10000x128xf32, #tpu.memory_space<vmem>>, vector<10000x128xf32>
    %add3A = arith.addf %get3A_1, %get3A_4 : vector<10000x128xf32>
    %get3A_5 = arith.constant 0 : index
    %get3A_6 = arith.constant 0 : index
    %get3A_7 = vector.load %arg2[%get3A_5, %get3A_6] : memref<128x128xf32, #tpu.memory_space<vmem>>, vector<128x128xf32>
    %dot_general3A = arith.constant dense<0.000000e+00> : vector<10000x128xf32>
    %dot_general3A_8 = tpu.matmul %add3A, %get3A_7, %dot_general3A {dimension_numbers = #tpu.dot_dimension_numbers<[1], [0], [0], [1], [0, 0, 1, 1], [], []>, transpose_lhs_hint = false} : vector<10000x128xf32>, vector<128x128xf32>, vector<10000x128xf32> -> vector<10000x128xf32>
    %reduce_sum3A = arith.constant dense<0.000000e+00> : vector<128xf32>
    %reduce_sum3A_9 = vector.multi_reduction <add>, %dot_general3A_8, %reduce_sum3A [0] : vector<10000x128xf32> to vector<128xf32>
    %broadcast_in_dim3A = vector.shape_cast %reduce_sum3A_9 : vector<128xf32> to vector<1x128xf32>
    %mul3A = arith.constant 9.99999974E-5 : f32
    %mul3A_10 = vector.broadcast %mul3A : f32 to vector<1x128xf32>
    %mul3A_11 = arith.mulf %broadcast_in_dim3A, %mul3A_10 : vector<1x128xf32>
    %mul3A_12 = arith.mulf %dot_general3A_8, %dot_general3A_8 : vector<10000x128xf32>
    %reduce_sum3A_13 = arith.constant dense<0.000000e+00> : vector<128xf32>
    %reduce_sum3A_14 = vector.multi_reduction <add>, %mul3A_12, %reduce_sum3A_13 [0] : vector<10000x128xf32> to vector<128xf32>
    %broadcast_in_dim3A_15 = vector.shape_cast %reduce_sum3A_14 : vector<128xf32> to vector<1x128xf32>
    %mul3A_16 = arith.constant 9.99999974E-5 : f32
    %mul3A_17 = vector.broadcast %mul3A_16 : f32 to vector<1x128xf32>
    %mul3A_18 = arith.mulf %broadcast_in_dim3A_15, %mul3A_17 : vector<1x128xf32>
    %get3A_19 = arith.constant 0 : index
    %get3A_20 = arith.constant 0 : index
    %get3A_21 = vector.load %arg4[%get3A_19, %get3A_20] : memref<1x128xf32, #tpu.memory_space<vmem>>, vector<1x128xf32>
    %mul3A_22 = arith.mulf %mul3A_11, %mul3A_11 : vector<1x128xf32>
    %sub3A = arith.subf %mul3A_18, %mul3A_22 : vector<1x128xf32>
    %add3A_23 = arith.constant 9.99999974E-6 : f32
    %add3A_24 = vector.broadcast %add3A_23 : f32 to vector<1x128xf32>
    %add3A_25 = arith.addf %sub3A, %add3A_24 : vector<1x128xf32>
    %rsqrt3A = math.rsqrt %add3A_25 : vector<1x128xf32>
    %mul3A_26 = arith.mulf %get3A_21, %rsqrt3A : vector<1x128xf32>
    %mul3A_27 = vector.broadcast %mul3A_26 : vector<1x128xf32> to vector<10000x128xf32>
    %mul3A_28 = arith.mulf %dot_general3A_8, %mul3A_27 : vector<10000x128xf32>
    %get3A_29 = arith.constant 0 : index
    %get3A_30 = arith.constant 0 : index
    %get3A_31 = vector.load %arg5[%get3A_29, %get3A_30] : memref<1x128xf32, #tpu.memory_space<vmem>>, vector<1x128xf32>
    %mul3A_32 = arith.mulf %mul3A_11, %mul3A_26 : vector<1x128xf32>
    %sub3A_33 = arith.subf %get3A_31, %mul3A_32 : vector<1x128xf32>
    %add3A_34 = vector.broadcast %sub3A_33 : vector<1x128xf32> to vector<10000x128xf32>
    %add3A_35 = arith.addf %mul3A_28, %add3A_34 : vector<10000x128xf32>
    %max3A = arith.constant 0.000000e+00 : f32
    %max3A_36 = vector.broadcast %max3A : f32 to vector<10000x128xf32>
    %max3A_37 = arith.maximumf %add3A_35, %max3A_36 : vector<10000x128xf32>
    %get3A_38 = arith.constant 0 : index
    %get3A_39 = arith.constant 0 : index
    %get3A_40 = vector.load %arg3[%get3A_38, %get3A_39] : memref<128x128xf32, #tpu.memory_space<vmem>>, vector<128x128xf32>
    %dot_general3A_41 = arith.constant dense<0.000000e+00> : vector<10000x128xf32>
    %dot_general3A_42 = tpu.matmul %max3A_37, %get3A_40, %dot_general3A_41 {dimension_numbers = #tpu.dot_dimension_numbers<[1], [0], [0], [1], [0, 0, 1, 1], [], []>, transpose_lhs_hint = false} : vector<10000x128xf32>, vector<128x128xf32>, vector<10000x128xf32> -> vector<10000x128xf32>
    %reduce_sum3A_43 = arith.constant dense<0.000000e+00> : vector<128xf32>
    %reduce_sum3A_44 = vector.multi_reduction <add>, %dot_general3A_42, %reduce_sum3A_43 [0] : vector<10000x128xf32> to vector<128xf32>
    %broadcast_in_dim3A_45 = vector.shape_cast %reduce_sum3A_44 : vector<128xf32> to vector<1x128xf32>
    %mul3A_46 = arith.constant 9.99999974E-5 : f32
    %mul3A_47 = vector.broadcast %mul3A_46 : f32 to vector<1x128xf32>
    %mul3A_48 = arith.mulf %broadcast_in_dim3A_45, %mul3A_47 : vector<1x128xf32>
    %mul3A_49 = arith.mulf %dot_general3A_42, %dot_general3A_42 : vector<10000x128xf32>
    %reduce_sum3A_50 = arith.constant dense<0.000000e+00> : vector<128xf32>
    %reduce_sum3A_51 = vector.multi_reduction <add>, %mul3A_49, %reduce_sum3A_50 [0] : vector<10000x128xf32> to vector<128xf32>
    %broadcast_in_dim3A_52 = vector.shape_cast %reduce_sum3A_51 : vector<128xf32> to vector<1x128xf32>
    %mul3A_53 = arith.constant 9.99999974E-5 : f32
    %mul3A_54 = vector.broadcast %mul3A_53 : f32 to vector<1x128xf32>
    %mul3A_55 = arith.mulf %broadcast_in_dim3A_52, %mul3A_54 : vector<1x128xf32>
    %get3A_56 = arith.constant 0 : index
    %get3A_57 = arith.constant 0 : index
    %get3A_58 = vector.load %arg6[%get3A_56, %get3A_57] : memref<1x128xf32, #tpu.memory_space<vmem>>, vector<1x128xf32>
    %mul3A_59 = arith.mulf %mul3A_48, %mul3A_48 : vector<1x128xf32>
    %sub3A_60 = arith.subf %mul3A_55, %mul3A_59 : vector<1x128xf32>
    %add3A_61 = arith.constant 9.99999974E-6 : f32
    %add3A_62 = vector.broadcast %add3A_61 : f32 to vector<1x128xf32>
    %add3A_63 = arith.addf %sub3A_60, %add3A_62 : vector<1x128xf32>
    %rsqrt3A_64 = math.rsqrt %add3A_63 : vector<1x128xf32>
    %mul3A_65 = arith.mulf %get3A_58, %rsqrt3A_64 : vector<1x128xf32>
    %mul3A_66 = vector.broadcast %mul3A_65 : vector<1x128xf32> to vector<10000x128xf32>
    %mul3A_67 = arith.mulf %dot_general3A_42, %mul3A_66 : vector<10000x128xf32>
    %get3A_68 = arith.constant 0 : index
    %get3A_69 = arith.constant 0 : index
    %get3A_70 = vector.load %arg7[%get3A_68, %get3A_69] : memref<1x128xf32, #tpu.memory_space<vmem>>, vector<1x128xf32>
    %mul3A_71 = arith.mulf %mul3A_48, %mul3A_65 : vector<1x128xf32>
    %sub3A_72 = arith.subf %get3A_70, %mul3A_71 : vector<1x128xf32>
    %add3A_73 = vector.broadcast %sub3A_72 : vector<1x128xf32> to vector<10000x128xf32>
    %add3A_74 = arith.addf %mul3A_67, %add3A_73 : vector<10000x128xf32>
    %max3A_75 = arith.constant 0.000000e+00 : f32
    %max3A_76 = vector.broadcast %max3A_75 : f32 to vector<10000x128xf32>
    %max3A_77 = arith.maximumf %add3A_74, %max3A_76 : vector<10000x128xf32>
    %reduce_sum3A_78 = arith.constant dense<0.000000e+00> : vector<128xf32>
    %reduce_sum3A_79 = vector.multi_reduction <add>, %max3A_77, %reduce_sum3A_78 [0] : vector<10000x128xf32> to vector<128xf32>
    %broadcast_in_dim3A_80 = vector.shape_cast %reduce_sum3A_79 : vector<128xf32> to vector<1x128xf32>
    %get3A_81 = arith.constant 0 : index
    %get3A_82 = arith.constant 0 : index
    %get3A_83 = vector.load %arg10[%get3A_81, %get3A_82] : memref<1x128xf32, #tpu.memory_space<vmem>>, vector<1x128xf32>
    %get3A_84 = arith.constant 0 : index
    %get3A_85 = arith.constant 0 : index
    %get3A_86 = vector.load %arg8[%get3A_84, %get3A_85] : memref<128x128xf32, #tpu.memory_space<vmem>>, vector<128x128xf32>
    %dot_general3A_87 = arith.constant dense<0.000000e+00> : vector<1x128xf32>
    %dot_general3A_88 = tpu.matmul %broadcast_in_dim3A_80, %get3A_86, %dot_general3A_87 {dimension_numbers = #tpu.dot_dimension_numbers<[1], [0], [0], [1], [0, 0, 1, 1], [], []>, transpose_lhs_hint = false} : vector<1x128xf32>, vector<128x128xf32>, vector<1x128xf32> -> vector<1x128xf32>
    %add3A_89 = arith.addf %get3A_83, %dot_general3A_88 : vector<1x128xf32>
    %get3A_90 = arith.constant 0 : index
    %get3A_91 = arith.constant 0 : index
    %get3A_92 = vector.load %arg9[%get3A_90, %get3A_91] : memref<1x128xf32, #tpu.memory_space<vmem>>, vector<1x128xf32>
    %add3A_93 = arith.addf %add3A_89, %get3A_92 : vector<1x128xf32>
    %swap3A = arith.constant 0 : index
    %swap3A_94 = arith.constant 0 : index
    %swap3A_95 = vector.load %arg11[%swap3A, %swap3A_94] : memref<1x128xf32, #tpu.memory_space<vmem>>, vector<1x128xf32>
    tpu.vector_store %arg11[%swap3A, %swap3A_94], %add3A_93 {strides = array<i32>} : memref<1x128xf32, #tpu.memory_space<vmem>>, vector<1x128xf32>,
    return
  }
}

</mosaic_0001>

<sc_bundles>
// kernel: kernel.10.cloned.1.call-start
scs
__scs_entry_jumppad:
0x0: {  	(pc) =	sbr.rel $0x88, $3  }
0x1: {  	(tag) =	ssettag $0x0;
	lr =	simm.s32 $0x1  }
0x2: {  	[smem:$0x3F97] =	sst lr;
	_ =	strace $0xD0000000  }
0x3: {  	_ = 	snop  }
0x4: {  	_ = 	snop  }
0x5: {  	_ = 	snop  }
0x6: {  	_ = 	snop  }
0x7: {  	_ = 	snop  }
__scs_overlays_trampoline_lowered:
0x8: {  	[smem:$0x3FA6] =	sst s0  }
0x9: {  	[smem:$0x3FA7] =	sst s1  }
0xa: {  	[smem:$0x3FA8] =	sst s2  }
0xb: {  	[smem:$0x3FA9] =	sst s3  }
0xc: {  	[smem:$0x3FAA] =	sst s4  }
0xd: {  	[smem:$0x3FAB] =	sst s5  }
0xe: {  	[smem:$0x3FAC] =	sst s6  }
0xf: {  	[smem:$0x3FAD] =	sst s7  }
0x10: {  	[smem:$0x3FAE] =	sst s8  }
0x11: {  	[smem:$0x3FAF] =	sst s9;
	s0 =	simm.s32 @!p0 $0x0  }
0x12: {  	s1 =	sld [smem:$0x3F95];
	s0 =	simm.s32 @p0 $0x1  }
0x13: {  	[smem:$0x3FB0] =	sst s0;
	s0 =	simm.s32 @!p1 $0x0  }
0x14: {  	s2 =	sld [smem:$0x3F94];
	s0 =	simm.s32 @p1 $0x1  }
0x15: {  	[smem:$0x3FB1] =	sst s0;
	s0 =	simm.s32 @!p2 $0x0  }
0x16: {  	s3 =	sld [smem:$0x3FDB];
	s0 =	simm.s32 @p2 $0x1  }
0x17: {  	s4 =	simm.s32 $0x1BF5;
	[smem:$0x3FB3] =	sst s0  }
0x18: {  	s0 =	sld [smem:$0x3F96];
	_ =	swait.ge [sflag:s4], $0x0  }
0x19: {  	s7 =	sld [smem:$0x3F97]  }
0x1a: {  	s8 =	sadd.s32 $0xFFFFE003, lr  }
0x1b: {  	s9 =	sadd.s32 $0xFFFFFEF7, lr;
	s5 =	simm.s32 $0xFFFFFFFF;
	p2 =	slt.u32 s8, $0xFFFFF086  }
0x1c: {  	p1 =	slt.u32 s9, $0xF7A;
	s5 =	simm.s32 @!p2 $0x0  }
0x1d: {  	s5 =	simm.s32 @p1 $0x1;
	p0 =	seq.s32 s7, s2  }
0x1e: {  	s7 =	smul.u32 @!p0 $0xF7A, s2;
	p2 =	seq.s32 @!p0 s5, $0x0  }
0x1f: {  	s9 =	smul.u32 $0xF7A, s1;
	s8 =	simm.s32 @!p0 $0x1BF5;
	p2 =	por !p2, p0  }
0x20: {  	[sflag:s8] =	ssyncset.s32 @!p0 $0xFFFFF086;
	s6 =	sadd.s32 @!p0 s3, s7;
	s7 =	simm.s32 @!p0 $0x108  }
0x21: {  	s3 =	sadd.s32 s3, s9;
	s6 =	sadd.s32 @!p0 $0x88, s6;
	s7 =	simm.s32 @p2 $0x1082  }
0x22: {  	[simem:s7], [sflag:s8] =	dma.local @!p0 [hbm:s6], $0xF7A  }
0x23: {  	s9 =	sor.u32 $0xD0000000, s2;
	s6 =	simm.s32 $0x108;
	_ =	swait.ge @!p0 [sflag:s8], $0x0  }
0x24: {  	s3 =	sadd.s32 $0x88, s3;
	s6 =	simm.s32 @!p1 $0x1082;
	[sflag:s4] =	ssyncset.s32 $0xFFFFF086  }
0x25: {  	[simem:s6], [sflag:s4] =	dma.local [hbm:s3], $0xF7A  }
0x26: {  	[smem:$0x3F97] =	sst s1;
	(tag) =	ssettag s2;
	_ =	strace s9  }
0x27: {  	s1 =	sld [smem:$0x3FA7]  }
0x28: {  	s2 =	sld [smem:$0x3FA8]  }
0x29: {  	s4 =	sld [smem:$0x3FAA]  }
0x2a: {  	p0 =	seq.s32 s5, $0x0;
	s5 =	sld [smem:$0x3FAB]  }
0x2b: {  	s6 =	sld [smem:$0x3FAC]  }
0x2c: {  	s7 =	sld [smem:$0x3FAD]  }
0x2d: {  	s3 =	simm.s32 $0x108;
	s8 =	sld [smem:$0x3FAE]  }
0x2e: {  	s3 =	simm.s32 @!p0 $0x1082;
	s9 =	sld [smem:$0x3FAF]  }
0x2f: {  	lr =	sadd.s32 s0, s3;
	s0 =	sld [smem:$0x3FA6]  }
0x30: {  	s3 =	sld [smem:$0x3FA9]  }
0x31: {  	[smem:$0x3FB2] =	sst s10  }
0x32: {  	s10 =	sld [smem:$0x3FB0];
	_ =	sdelay $0x3  }
0x33: {  	p0 =	seq.s32 s10, $0x1;
	s10 =	sld [smem:$0x3FB2];
	_ =	sdelay $0x3  }
0x34: {  	[smem:$0x3FB2] =	sst s10  }
0x35: {  	s10 =	sld [smem:$0x3FB1];
	_ =	sdelay $0x3  }
0x36: {  	p1 =	seq.s32 s10, $0x1;
	s10 =	sld [smem:$0x3FB2];
	_ =	sdelay $0x3  }
0x37: {  	[smem:$0x3FB2] =	sst s10  }
0x38: {  	s10 =	sld [smem:$0x3FB3]  }
0x39: {  	_ = 	snop;
	(pc) =	sbr.ind lr, $3  }
0x3a: {  	_ = 	snop  }
0x3b: {  	_ = 	snop  }
0x3c: {  	p2 =	seq.s32 s10, $0x1;
	s10 =	sld [smem:$0x3FB2]  }
0x3d: {  	_ =	shalt  }
0x3e: {  	_ =	shalt  }
0x3f: {  	_ =	shalt  }
0x40: {  	_ =	shalt  }
0x41: {  	_ =	shalt  }
0x42: {  	_ =	shalt  }
0x43: {  	_ =	shalt  }
0x44: {  	_ =	shalt  }
0x45: {  	_ =	shalt  }
0x46: {  	_ =	shalt  }
0x47: {  	_ =	shalt  }
0x48: {  	_ =	shalt  }
0x49: {  	_ =	shalt  }
0x4a: {  	_ =	shalt  }
0x4b: {  	_ =	shalt  }
0x4c: {  	_ =	shalt  }
0x4d: {  	_ =	shalt  }
0x4e: {  	_ =	shalt  }
0x4f: {  	_ =	shalt  }
0x50: {  	_ =	shalt  }
0x51: {  	_ =	shalt  }
0x52: {  	_ =	shalt  }
0x53: {  	_ =	shalt  }
0x54: {  	_ =	shalt  }
0x55: {  	_ =	shalt  }
0x56: {  	_ =	shalt  }
0x57: {  	_ =	shalt  }
0x58: {  	_ =	shalt  }
0x59: {  	_ =	shalt  }
0x5a: {  	_ =	shalt  }
0x5b: {  	_ =	shalt  }
0x5c: {  	_ =	shalt  }
0x5d: {  	_ =	shalt  }
0x5e: {  	_ =	shalt  }
0x5f: {  	_ =	shalt  }
0x60: {  	_ =	shalt  }
0x61: {  	_ =	shalt  }
0x62: {  	_ =	shalt  }
0x63: {  	_ =	shalt  }
0x64: {  	_ =	shalt  }
0x65: {  	_ =	shalt  }
0x66: {  	_ =	shalt  }
0x67: {  	_ =	shalt  }
0x68: {  	_ =	shalt  }
0x69: {  	_ =	shalt  }
0x6a: {  	_ =	shalt  }
0x6b: {  	_ =	shalt  }
0x6c: {  	_ =	shalt  }
0x6d: {  	_ =	shalt  }
0x6e: {  	_ =	shalt  }
0x6f: {  	_ =	shalt  }
0x70: {  	_ =	shalt  }
0x71: {  	_ =	shalt  }
0x72: {  	_ =	shalt  }
0x73: {  	_ =	shalt  }
0x74: {  	_ =	shalt  }
0x75: {  	_ =	shalt  }
0x76: {  	_ =	shalt  }
0x77: {  	_ =	shalt  }
0x78: {  	_ =	shalt  }
0x79: {  	_ =	shalt  }
0x7a: {  	_ =	shalt  }
0x7b: {  	_ =	shalt  }
0x7c: {  	_ =	shalt  }
0x7d: {  	_ =	shalt  }
0x7e: {  	_ =	shalt  }
0x7f: {  	_ =	shalt  }
0x80: {  	_ =	shalt  }
0x81: {  	_ =	shalt  }
0x82: {  	_ =	shalt  }
0x83: {  	_ =	shalt  }
0x84: {  	_ =	shalt  }
0x85: {  	_ =	shalt  }
0x86: {  	_ =	shalt  }
0x87: {  	_ =	shalt  }
.Lfunc_end0:
.L_simem_size_0:
called_computation_lowered:
.L_overlay_start_0:
0x88: {  	s2 =	sld [smem:$0x3FD9]  }
0x89: {  	s3 =	sld [smem:$0x3FFE];
	_ =	sdelay $0x1  }
0x8a: {  	s1 =	srdreg.scid  }
0x8b: {  	s0 =	sand.u32 $0x1, s1  }
0x8c: {  	s17 =	sshll.u32 s0, $0xA;
	s2 =	sadd.s32 s3, s2  }
0x8d: {  	s2 =	sadd.s32 s2, s17  }
0x8e: {  	[smem:$0x3FBE] =	sst s2  }
0x8f: {  	_ = 	snop  }
0x90: {  	s2 =	sld [smem:$0x3FC9];
	(tm) =	ssettm $0x1  }
0x91: {  	s18 =	sld [smem:$0x3FFB];
	_ =	sdelay $0x3  }
0x92: {  	_ =	strace s18  }
0x93: {  	s3 =	sld [smem:$0x3FFC];
	_ =	sdelay $0x3  }
0x94: {  	_ =	strace s3  }
0x95: {  	s3 =	sld [smem:$0x3FFD];
	_ =	sdelay $0x3  }
0x96: {  	_ =	strace s3  }
0x97: {  	_ =	strace $0x8FFFFFFF  }
0x98: {  	s19 =	sld [smem:$0x3FDB];
	_ =	sdelay $0x1  }
0x99: {  	s4 =	simm.s32 $_scs_section_size  }
0x9a: {  	s5 =	simm.s32 $_size__tile_overlayer_lowered;
	s6 =	simm.s32 $_tile_overlayer_lowered  }
0x9b: {  	s22 =	simm.s32 $0x1BFF;
	s21 =	sshll.u32 s6, $0x1;
	s3 =	sadd.s32 s4, s19  }
0x9c: {  	s7 =	simm.s32 $0x0;
	s20 =	sshll.u32 s5, $0x1;
	s5 =	sadd.s32 s21, s3  }
0x9d: {  	[timem:s7], [sflag:s22] =	dma.local [hbm:s5], s20  }
0x9e: {  	_ =	swait.ge [sflag:s22], s20  }
0x9f: {  	s4 =	ssub.s32 $0x0, s20;
	[sflag:s22] =	ssyncset.done $0x0  }
0xa0: {  	[sflag:s22] =	ssyncadd.s32 s4;
	_ =	sdelay $0x1  }
0xa1: {  	s23 =	simm.s32 $0x1B8B  }
0xa2: {  	_ =	swait.ge [sflag:s23], $0x1  }
0xa3: {  	[sflag:s23] =	ssyncset.done $0x0  }
0xa4: {  	s25 =	simm.s32 $0x1B8E;
	s24 =	sld [smem:$0x3FFE];
	[sflag:s23] =	ssyncadd.s32 $0xFFFFFFFF  }
0xa5: {  	s26 =	simm.s32 $execute0_lowered;
	[smem:$0x3FD2] =	sst s25  }
0xa6: {  	s5 =	sshll.u32 s26, $0x1;
	_ =	strace $0x80000046;
	[dreg:$0x1] =	wrdreg $0xFFFFFFFF  }
0xa7: {  	s28 =	simm.s32 $_size_execute0_lowered;
	s3 =	sadd.s32 s3, s5;
	[dreg:$0x0] =	wrdreg $0x0  }
0xa8: {  	s5 =	sshll.u32 s28, $0x1;
	[dreg:$0x2] =	wrdreg s3  }
0xa9: {  	[dreg:$0x3] =	wrdreg s5  }
0xaa: {  	[dreg:$0x4] =	wrdreg $0xC0  }
0xab: {  	_ =	task [dreg:s7], $0x5FFFF  }
0xac: {  	[dreg:$0x1] =	wrdreg $0xFFFFFFFF  }
0xad: {  	[dreg:$0x0] =	wrdreg $0x60  }
0xae: {  	[dreg:$0x2] =	wrdreg s2  }
0xaf: {  	[dreg:$0x3] =	wrdreg s24  }
0xb0: {  	[dreg:$0x4] =	wrdreg $0x0  }
0xb1: {  	[dreg:$0x5] =	wrdreg $0x9  }
0xb2: {  	_ =	task.clear_ibuf [dreg:s7], $0x6FFFF;
	_ =	strace $0x90000046  }
0xb3: {  	s29 =	simm.s32 $0x9;
	_ =	strace $0x80000048  }
0xb4: {  	_ =	swait.ge [sflag:s29], $0x1  }
0xb5: {  	[sflag:s29] =	ssyncadd.s32 $0xFFFFFFFF  }
0xb6: {  	_ =	strace $0x90000048  }
0xb7: {  	_ =	sfence  }
0xb8: {  	s30 =	sld [smem:$0x0];
	_ =	sdelay $0x2  }
0xb9: {  	s31 =	sshll.u32 s1, $0xD;
	s1 =	sshrl.u32 s1, $0x2  }
0xba: {  	s3 =	sand.u32 $0x4000, s31;
	s1 =	sadd.s32 s1, s30  }
0xbb: {  	s0 =	sor.u32 s3, s0;
	s1 =	sshll.u32 s1, $0x11  }
0xbc: {  	s0 =	sor.u32 s1, s0  }
0xbd: {  	s0 =	sadd.s32 $0x8F2B, s0  }
0xbe: {  	[sflag:s0] =	ssyncadd.remote.s32 $0x1  }
0xbf: {  	_ =	sfence.sel $0xFFFF  }
0xc0: {  	[dreg:$0x0] =	wrdreg $0xFFFFFFFF;
	(pc) =	sbr.abs _section_cstart, $3  }
0xc1: {  	[dreg:$0x1] =	wrdreg $0xFFFFFFFF  }
0xc2: {  	_ =	task.clear_ibuf [dreg:s7], $0x2FFFF;
	_ =	strace $0x9FFFFFFF  }
0xc3: {  	(tm) =	ssettm $0x7FFFFFFF  }
tec
execute0_lowered:
.L_overlay_start_1:
0x0: {  	(tag) =	ssettag $0x1  }
0x1: {  	s0 =	rddreg [dreg:$0x0]  }
0x2: {  	s1 =	srdreg.scid;
	s6 =	rddreg [dreg:$0x1]  }
0x3: {  	s16 =	stileid.u32;
	s3 =	rddreg [dreg:$0x2]  }
0x4: {  	s18 =	simm.s32 $0x13C80;
	s19 =	simm.s32 $0x3;
	s20 =	simm.s32 $0x80  }
0x5: {  	s28 =	simm.s32 $0x16380;
	s29 =	simm.s32 $0x16400;
	s30 =	simm.s32 $0x17780  }
0x6: {  	s31 =	simm.s32 $0x17800;
	s1 =	sand.u32 $0x1, s1;
	s12 =	sadd.s32 $0x5000, s6  }
0x7: {  	s5 =	sadd.s32 $0x19000, s6;
	s15 =	sadd.s32 $0x1B800, s6;
	s13 =	smul.u32 $0x4E000, s16  }
0x8: {  	s7 =	sadd.s32 $0x42A00, s6;
	s23 =	smul.u32 $0x2700, s16;
	s24 =	sadd.s32 $0x27000, s0  }
0x9: {  	p1 =	sne.s32 s16, $0x0;
	p2 =	seq.s32 s16, $0x0;
	s4 =	sshll.u32 s1, $0x4  }
0xa: {  	s11 =	ssub.s32 $0x2, s1;
	s9 =	sor.u32 s16, s4;
	s4 =	simm.s32 $0x0  }
0xb: {  	p0 =	sne.s32 s1, $0x0;
	s2 =	sadd.s32 s0, s23;
	[smem:$0x7FF] =	sst s4  }
0xc: {  	s1 =	simm.s32 $0x0;
	_ =	strace $0x80000047;
	[dreg:$0x5] =	wrdreg s2  }
0xd: {  	s21 =	sshrl.u32 s11, $0x1;
	s25 =	sadd.s32 s7, s23;
	[dreg:$0x6] =	wrdreg s24  }
0xe: {  	s22 =	sshrl.u32 s13, $0x2;
	s26 =	sadd.s32 s15, s23;
	[dreg:$0x7] =	wrdreg s25  }
0xf: {  	s23 =	simm.s32 $0x1B880;
	s8 =	smul.u32 $0x500, s9;
	[dreg:$0x4] =	wrdreg s15  }
0x10: {  	s14 =	smul.u32 $0x2800, s9;
	[dreg:$0x8] =	wrdreg s26;
	s25 =	simm.s32 $0x1  }
.Ltmp0:
0x11: {  	s2 =	stileid.u32;
	s26 =	simm.s32 $0x2;
	(pc) =	sbr.rel .LBB2_1-.Ltmp0, $4  }
0x12: {  	s10 =	sadd.s32 s8, s6;
	s6 =	ssub.s32 s11, s21;
	s8 =	sadd.s32 s12, s8  }
0x13: {  	s11 =	sadd.s32 $0x138000, s3;
	s14 =	sshrl.u32 s14, $0x3;
	s21 =	simm.s32 $0x17880  }
0x14: {  	s9 =	sadd.s32 $0xF000, s10;
	s10 =	sadd.s32 s22, s3;
	s12 =	sadd.s32 s12, s14  }
0x15: {  	s17 =	smax.u32 s6, $0x1;
	s22 =	simm.s32 $0x13D00;
	s14 =	sadd.s32 $0x280, s12  }
.LBB2_14:
0x16: {  	s6 =	sadd.s32 $0x27000, s6;
	s12 =	sshrl.u32 s11, $0x3  }
0x17: {  	[hbm:s6], [sflag:s13] =	dma.local [spmem:s12], $0x100  }
0x18: {  	_ =	swait.ge [sflag:s19], $0x100  }
0x19: {  	[sflag:s19] =	ssyncset.done $0x0  }
0x1a: {  	[sflag:s19] =	ssyncadd.s32 $0xFFFFFF00  }
.LBB2_15:
0x1b: {  	s1 =	sadd.s32 $0x1, s1  }
0x1c: {  	p3 =	sne.s32 s1, s17  }
.Ltmp1:
0x1d: {  	_ = 	snop;
	(pc) =	sbr.rel @!p3 .LBB2_16-.Ltmp1, $1  }
0x1e: {  	_ =	sdelay $0x3  }
.LBB2_1:
0x1f: {  	[tilespmem:s18], [sflag:$0x3] =	stream.linear.gather [hbm4b:s8+s4], $0x1400, $0x38;
	[tilespmem:$0x1F880] =	vst v63  }
0x20: {  	_ =	swait.ge [sflag:s19], $0x1400  }
0x21: {  	[sflag:s19] =	ssyncset.done $0x0  }
0x22: {  	[sflag:s19] =	ssyncadd.s32 $0xFFFFEC00  }
0x23: {  	[tilespmem:s21], [sflag:$0x1] =	stream.indirect.gather [hbm4b:s0+s20], $0x80, s18, s20, $0xb8;
	[tilespmem:$0x1F880] =	vst v63  }
0x24: {  	_ = 	snop  }
0x25: {  	[tilespmem:s23], [sflag:$0x2] =	stream.indirect.gather [hbm4b:s0+s20], $0x80, s22, s20, $0xb8;
	[tilespmem:$0x1F880] =	vst v63  }
.Ltmp2:
0x26: {  	s6 =	simm.s32 $0x15080;
	(pc) =	sbr.rel @p0 .LBB2_4-.Ltmp2, $4  }
0x27: {  	[tilespmem:s6], [sflag:$0x3] =	stream.linear.gather [hbm4b:s9+s4], $0x2800, $0x38;
	[tilespmem:$0x1F880] =	vst v63  }
0x28: {  	_ =	swait.ge [sflag:s19], $0x2800  }
0x29: {  	s15 =	sshll.u32 s2, $0x6;
	[sflag:s19] =	ssyncset.done $0x0  }
0x2a: {  	s12 =	sshrl.u32 s10, $0x3;
	s13 =	sor.u32 $0x1C03, s15;
	[sflag:s19] =	ssyncadd.s32 $0xFFFFD800  }
.Ltmp3:
0x2b: {  	s16 =	sor.u32 $0x1C03, s15;
	s6 =	rddreg [dreg:$0x5];
	(pc) =	sbr.rel @p1 .LBB2_7-.Ltmp3, $4  }
0x2c: {  	[spmem:s12], [sflag:s16] =	dma.local [hbm:s6], $0x2700  }
0x2d: {  	_ =	swait.ge [sflag:s19], $0x2700  }
0x2e: {  	[sflag:s19] =	ssyncset.done $0x0  }
0x2f: {  	[sflag:s19] =	ssyncadd.s32 $0xFFFFD900  }
.Ltmp4:
0x30: {  	(pc) =	sbr.rel .LBB2_6-.Ltmp4, $3  }
0x31: {  	_ =	sdelay $0x1  }
0x32: {  	s6 =	sshrl.u32 s11, $0x3;
	s24 =	rddreg [dreg:$0x6]  }
0x33: {  	[spmem:s6], [sflag:s16] =	dma.local [hbm:s24], $0x100  }
.LBB2_4:
.Ltmp5:
0x34: {  	(pc) =	sbr.rel @p1 .LBB2_7-.Ltmp5, $4  }
0x35: {  	[spmem:s12], [sflag:s13] =	dma.local [hbm:s5], $0x2700  }
0x36: {  	_ =	swait.ge [sflag:s19], $0x2700  }
0x37: {  	[sflag:s19] =	ssyncset.done $0x0  }
0x38: {  	[sflag:s19] =	ssyncadd.s32 $0xFFFFD900  }
0x39: {  	s6 =	sshrl.u32 s11, $0x3  }
0x3a: {  	[spmem:s6], [sflag:s13] =	dma.local [hbm:s5], $0x100  }
.LBB2_6:
0x3b: {  	_ =	swait.ge [sflag:s19], $0x100  }
0x3c: {  	[sflag:s19] =	ssyncset.done $0x0  }
0x3d: {  	[sflag:s19] =	ssyncadd.s32 $0xFFFFFF00  }
.LBB2_7:
0x3e: {  	[bflag:$0x0] =	sbarrier.arrive $0xFFFF  }
0x3f: {  	_ =	swait.ge [sflag:s25], $0x4000  }
0x40: {  	[sflag:s25] =	ssyncset.done $0x0  }
0x41: {  	s6 =	simm.s32 $0x15080;
	[sflag:s25] =	ssyncadd.s32 $0xFFFFC000  }
0x42: {  	[spmem:s3] =	stream.indirect.scatter.add.f32 [tilespmem:s21], [sflag:$0x3], $0x80, s6, s20, $0xb8;
	[tilespmem:$0x1F880] =	vst v63  }
0x43: {  	_ =	swait.ge [sflag:s19], $0x4000  }
0x44: {  	[sflag:s19] =	ssyncset.done $0x0  }
0x45: {  	s16 =	simm.s32 $0x13D80;
	[sflag:s19] =	ssyncadd.s32 $0xFFFFC000  }
0x46: {  	[tilespmem:s21], [sflag:$0x1] =	stream.indirect.gather [hbm4b:s0+s20], $0x80, s16, s20, $0xb8;
	[tilespmem:$0x1F880] =	vst v63  }
0x47: {  	_ =	swait.ge [sflag:s26], $0x4000  }
0x48: {  	[sflag:s26] =	ssyncset.done $0x0  }
0x49: {  	s24 =	simm.s32 $0x15100;
	[sflag:s26] =	ssyncadd.s32 $0xFFFFC000  }
0x4a: {  	[spmem:s3] =	stream.indirect.scatter.add.f32 [tilespmem:s23], [sflag:$0x3], $0x80, s24, s20, $0xb8;
	[tilespmem:$0x1F880] =	vst v63  }
0x4b: {  	_ =	swait.ge [sflag:s19], $0x4000  }
0x4c: {  	[sflag:s19] =	ssyncset.done $0x0  }
0x4d: {  	s6 =	simm.s32 $0x13E00;
	s16 =	simm.s32 $0x400;
	[sflag:s19] =	ssyncadd.s32 $0xFFFFC000  }
.LBB2_8:
0x4e: {  	[tilespmem:s23], [sflag:$0x2] =	stream.indirect.gather [hbm4b:s0+s20], $0x80, s6, s20, $0xb8;
	[tilespmem:$0x1F880] =	vst v63  }
0x4f: {  	s6 =	smov.u32 s16  }
0x50: {  	p3 =	sne.s32 s16, $0x4800;
	s16 =	sadd.s32 $0x400, s16;
	_ =	swait.ge [sflag:s25], $0x4000  }
0x51: {  	s6 =	sshra.s32 s6, $0x2;
	[sflag:s25] =	ssyncset.done $0x0  }
0x52: {  	s24 =	sadd.s32 $0x15080, s6;
	[sflag:s25] =	ssyncadd.s32 $0xFFFFC000  }
0x53: {  	[spmem:s3] =	stream.indirect.scatter.add.f32 [tilespmem:s21], [sflag:$0x3], $0x80, s24, s20, $0xb8;
	[tilespmem:$0x1F880] =	vst v63  }
0x54: {  	_ =	swait.ge [sflag:s19], $0x4000  }
0x55: {  	[sflag:s19] =	ssyncset.done $0x0  }
0x56: {  	s24 =	sadd.s32 $0x13D80, s6;
	[sflag:s19] =	ssyncadd.s32 $0xFFFFC000  }
0x57: {  	[tilespmem:s21], [sflag:$0x1] =	stream.indirect.gather [hbm4b:s0+s20], $0x80, s24, s20, $0xb8;
	[tilespmem:$0x1F880] =	vst v63  }
0x58: {  	_ =	swait.ge [sflag:s26], $0x4000  }
0x59: {  	[sflag:s26] =	ssyncset.done $0x0  }
.Ltmp6:
0x5a: {  	s24 =	sadd.s32 $0x15100, s6;
	[sflag:s26] =	ssyncadd.s32 $0xFFFFC000;
	(pc) =	sbr.rel @p3 .LBB2_8-.Ltmp6, $4  }
0x5b: {  	[spmem:s3] =	stream.indirect.scatter.add.f32 [tilespmem:s23], [sflag:$0x3], $0x80, s24, s20, $0xb8;
	[tilespmem:$0x1F880] =	vst v63  }
0x5c: {  	_ =	swait.ge [sflag:s19], $0x4000  }
0x5d: {  	[sflag:s19] =	ssyncset.done $0x0  }
0x5e: {  	s6 =	sadd.s32 $0x13E00, s6;
	[sflag:s19] =	ssyncadd.s32 $0xFFFFC000  }
0x5f: {  	[tilespmem:s23], [sflag:$0x2] =	stream.indirect.gather [hbm4b:s0+s20], $0x80, s6, s20, $0xb8;
	[tilespmem:$0x1F880] =	vst v63  }
0x60: {  	_ =	swait.ge [sflag:s25], $0x4000  }
0x61: {  	[sflag:s25] =	ssyncset.done $0x0  }
0x62: {  	[sflag:s25] =	ssyncadd.s32 $0xFFFFC000  }
0x63: {  	[spmem:s3] =	stream.indirect.scatter.add.f32 [tilespmem:s21], [sflag:$0x3], $0x80, s28, s20, $0xb8;
	[tilespmem:$0x1F880] =	vst v63  }
0x64: {  	_ =	swait.ge [sflag:s19], $0x4000  }
0x65: {  	[sflag:s19] =	ssyncset.done $0x0  }
0x66: {  	[sflag:s19] =	ssyncadd.s32 $0xFFFFC000  }
0x67: {  	_ =	swait.ge [sflag:s26], $0x4000  }
0x68: {  	[sflag:s26] =	ssyncset.done $0x0  }
0x69: {  	[sflag:s26] =	ssyncadd.s32 $0xFFFFC000  }
0x6a: {  	[spmem:s3] =	stream.indirect.scatter.add.f32 [tilespmem:s23], [sflag:$0x3], $0x80, s29, s20, $0xb8;
	[tilespmem:$0x1F880] =	vst v63  }
0x6b: {  	_ =	swait.ge [sflag:s19], $0x4000  }
0x6c: {  	[sflag:s19] =	ssyncset.done $0x0  }
0x6d: {  	[sflag:s19] =	ssyncadd.s32 $0xFFFFC000  }
0x6e: {  	[tilespmem:s18], [sflag:$0x3] =	stream.linear.gather [hbm4b:s14+s4], $0x1400, $0x38;
	[tilespmem:$0x1F880] =	vst v63  }
0x6f: {  	_ =	swait.ge [sflag:s19], $0x1400  }
0x70: {  	[sflag:s19] =	ssyncset.done $0x0  }
0x71: {  	[sflag:s19] =	ssyncadd.s32 $0xFFFFEC00  }
0x72: {  	[tilespmem:s21], [sflag:$0x1] =	stream.indirect.gather [hbm4b:s0+s20], $0x80, s18, s20, $0xb8;
	[tilespmem:$0x1F880] =	vst v63  }
0x73: {  	_ = 	snop  }
0x74: {  	[tilespmem:s23], [sflag:$0x2] =	stream.indirect.gather [hbm4b:s0+s20], $0x80, s22, s20, $0xb8;
	[tilespmem:$0x1F880] =	vst v63  }
0x75: {  	_ =	swait.ge [sflag:s25], $0x4000  }
0x76: {  	[sflag:s25] =	ssyncset.done $0x0  }
0x77: {  	s24 =	simm.s32 $0x16480;
	[sflag:s25] =	ssyncadd.s32 $0xFFFFC000  }
0x78: {  	[spmem:s3] =	stream.indirect.scatter.add.f32 [tilespmem:s21], [sflag:$0x3], $0x80, s24, s20, $0xb8;
	[tilespmem:$0x1F880] =	vst v63  }
0x79: {  	_ =	swait.ge [sflag:s19], $0x4000  }
0x7a: {  	[sflag:s19] =	ssyncset.done $0x0  }
0x7b: {  	s16 =	simm.s32 $0x13D80;
	[sflag:s19] =	ssyncadd.s32 $0xFFFFC000  }
0x7c: {  	[tilespmem:s21], [sflag:$0x1] =	stream.indirect.gather [hbm4b:s0+s20], $0x80, s16, s20, $0xb8;
	[tilespmem:$0x1F880] =	vst v63  }
0x7d: {  	_ =	swait.ge [sflag:s26], $0x4000  }
0x7e: {  	[sflag:s26] =	ssyncset.done $0x0  }
0x7f: {  	s24 =	simm.s32 $0x16500;
	[sflag:s26] =	ssyncadd.s32 $0xFFFFC000  }
0x80: {  	[spmem:s3] =	stream.indirect.scatter.add.f32 [tilespmem:s23], [sflag:$0x3], $0x80, s24, s20, $0xb8;
	[tilespmem:$0x1F880] =	vst v63  }
0x81: {  	_ =	swait.ge [sflag:s19], $0x4000  }
0x82: {  	[sflag:s19] =	ssyncset.done $0x0  }
0x83: {  	s6 =	simm.s32 $0x13E00;
	s16 =	simm.s32 $0xFFFFB800;
	[sflag:s19] =	ssyncadd.s32 $0xFFFFC000  }
.LBB2_10:
0x84: {  	[tilespmem:s23], [sflag:$0x2] =	stream.indirect.gather [hbm4b:s0+s20], $0x80, s6, s20, $0xb8;
	[tilespmem:$0x1F880] =	vst v63  }
0x85: {  	s6 =	smov.u32 s16  }
0x86: {  	p3 =	sne.s32 s16, $0xFFFFFC00;
	s16 =	sadd.s32 $0x400, s16;
	_ =	swait.ge [sflag:s25], $0x4000  }
0x87: {  	s6 =	sshra.s32 s6, $0x2;
	[sflag:s25] =	ssyncset.done $0x0  }
0x88: {  	s24 =	sadd.s32 $0x17780, s6;
	[sflag:s25] =	ssyncadd.s32 $0xFFFFC000  }
0x89: {  	[spmem:s3] =	stream.indirect.scatter.add.f32 [tilespmem:s21], [sflag:$0x3], $0x80, s24, s20, $0xb8;
	[tilespmem:$0x1F880] =	vst v63  }
0x8a: {  	_ =	swait.ge [sflag:s19], $0x4000  }
0x8b: {  	[sflag:s19] =	ssyncset.done $0x0  }
0x8c: {  	s24 =	sadd.s32 $0x15080, s6;
	[sflag:s19] =	ssyncadd.s32 $0xFFFFC000  }
0x8d: {  	[tilespmem:s21], [sflag:$0x1] =	stream.indirect.gather [hbm4b:s0+s20], $0x80, s24, s20, $0xb8;
	[tilespmem:$0x1F880] =	vst v63  }
0x8e: {  	_ =	swait.ge [sflag:s26], $0x4000  }
0x8f: {  	[sflag:s26] =	ssyncset.done $0x0  }
.Ltmp7:
0x90: {  	s24 =	sadd.s32 $0x17800, s6;
	[sflag:s26] =	ssyncadd.s32 $0xFFFFC000;
	(pc) =	sbr.rel @p3 .LBB2_10-.Ltmp7, $4  }
0x91: {  	[spmem:s3] =	stream.indirect.scatter.add.f32 [tilespmem:s23], [sflag:$0x3], $0x80, s24, s20, $0xb8;
	[tilespmem:$0x1F880] =	vst v63  }
0x92: {  	_ =	swait.ge [sflag:s19], $0x4000  }
0x93: {  	[sflag:s19] =	ssyncset.done $0x0  }
0x94: {  	s6 =	sadd.s32 $0x15100, s6;
	[sflag:s19] =	ssyncadd.s32 $0xFFFFC000  }
0x95: {  	[tilespmem:s23], [sflag:$0x2] =	stream.indirect.gather [hbm4b:s0+s20], $0x80, s6, s20, $0xb8;
	[tilespmem:$0x1F880] =	vst v63  }
0x96: {  	_ =	swait.ge [sflag:s25], $0x4000  }
0x97: {  	[sflag:s25] =	ssyncset.done $0x0  }
0x98: {  	[sflag:s25] =	ssyncadd.s32 $0xFFFFC000  }
0x99: {  	[spmem:s3] =	stream.indirect.scatter.add.f32 [tilespmem:s21], [sflag:$0x3], $0x80, s30, s20, $0xb8;
	[tilespmem:$0x1F880] =	vst v63  }
0x9a: {  	_ =	swait.ge [sflag:s19], $0x4000  }
0x9b: {  	[sflag:s19] =	ssyncset.done $0x0  }
0x9c: {  	[sflag:s19] =	ssyncadd.s32 $0xFFFFC000  }
0x9d: {  	_ =	swait.ge [sflag:s26], $0x4000  }
0x9e: {  	[sflag:s26] =	ssyncset.done $0x0  }
0x9f: {  	[sflag:s26] =	ssyncadd.s32 $0xFFFFC000  }
0xa0: {  	[spmem:s3] =	stream.indirect.scatter.add.f32 [tilespmem:s23], [sflag:$0x3], $0x80, s31, s20, $0xb8;
	[tilespmem:$0x1F880] =	vst v63  }
.Ltmp8:
0xa1: {  	_ =	swait.ge [sflag:s19], $0x4000;
	(pc) =	sbr.rel @p0 .LBB2_13-.Ltmp8, $3  }
0xa2: {  	[sflag:s19] =	ssyncset.done $0x0  }
0xa3: {  	[sflag:s19] =	ssyncadd.s32 $0xFFFFC000  }
0xa4: {  	[bflag:$0x0] =	sbarrier.arrive $0xFFFF;
	_ =	sdelay $0x1  }
0xa5: {  	s13 =	sor.u32 $0x1C03, s15;
	s6 =	rddreg [dreg:$0x8]  }
0xa6: {  	[hbm:s6], [sflag:s13] =	dma.local [spmem:s12], $0x2700  }
.Ltmp9:
0xa7: {  	_ = 	snop;
	(pc) =	sbr.rel @!p2 .LBB2_15-.Ltmp9, $4  }
.Ltmp10:
0xa8: {  	_ = 	snop;
	(pc) =	sbr.rel @p2 .LBB2_14-.Ltmp10, $4  }
0xa9: {  	_ =	swait.ge [sflag:s19], $0x2700  }
0xaa: {  	[sflag:s19] =	ssyncset.done $0x0  }
0xab: {  	s6 =	rddreg [dreg:$0x4];
	[sflag:s19] =	ssyncadd.s32 $0xFFFFD900  }
0xac: {  	_ = 	snop  }
.LBB2_13:
0xad: {  	s6 =	rddreg [dreg:$0x7]  }
0xae: {  	[hbm:s6], [sflag:s13] =	dma.local [spmem:s12], $0x2700  }
.Ltmp11:
0xaf: {  	_ = 	snop;
	(pc) =	sbr.rel @p1 .LBB2_15-.Ltmp11, $4  }
.Ltmp12:
0xb0: {  	_ = 	snop;
	(pc) =	sbr.rel @!p1 .LBB2_14-.Ltmp12, $4  }
0xb1: {  	_ =	swait.ge [sflag:s19], $0x2700  }
0xb2: {  	[sflag:s19] =	ssyncset.done $0x0  }
0xb3: {  	s6 =	smov.u32 s7;
	[sflag:s19] =	ssyncadd.s32 $0xFFFFD900  }
0xb4: {  	_ = 	snop  }
.LBB2_16:
0xb5: {  	_ =	sfence.sel $0x180000  }
0xb6: {  	[bflag:$0x0] =	sbarrier.arrive $0xFFFF  }
0xb7: {  	_ =	strace $0x90000047  }
0xb8: {  	[bflag:$0x2] =	sbarrier.arrive $0xFFFF  }
0xb9: {  	s0 =	rddreg [dreg:$0x3]  }
0xba: {  	s0 =	sadd.s32 @!p1 $0x100000, s0  }
0xbb: {  	[sflag:s0] =	ssyncadd.tile.s32 @!p1 $0x1;
	_ =	shalt  }
.Lfunc_end2:
_tile_overlayer_lowered:
.L_overlay_start_2:
0xbc: {  	(tag) =	ssettag $0x2  }
0xbd: {  	s0 =	rddreg [dreg:$0x0];
	s2 =	stileid.u32  }
0xbe: {  	s1 =	rddreg [dreg:$0x1];
	p0 =	sne.s32 s2, $0x0  }
0xbf: {  	s3 =	rddreg [dreg:$0x2];
	[bflag:$0x3] =	sbarrier.arrive $0xFFFF;
	s2 =	simm.s32 @!p0 $0x1C03  }
0xc0: {  	[timem:s3], [sflag:s2] =	dma.local @!p0 [hbm:s0], s1  }
0xc1: {  	s0 =	simm.s32 @!p0 $0x3  }
0xc2: {  	_ =	swait.ge @!p0 [sflag:s0], s1  }
0xc3: {  	s1 =	ssub.s32 @!p0 $0x0, s1;
	[sflag:s0] =	ssyncset.done @!p0 $0x0  }
0xc4: {  	[sflag:s0] =	ssyncadd.s32 @!p0 s1  }
0xc5: {  	[bflag:$0x3] =	sbarrier.arrive $0xFFFF  }
0xc6: {  	_ =	shalt  }

// kernel: kernel.13.cloned.1.call-start
scs
__scs_entry_jumppad:
0x0: {  	(pc) =	sbr.rel $0x88, $3  }
0x1: {  	(tag) =	ssettag $0x0;
	lr =	simm.s32 $0x1  }
0x2: {  	[smem:$0x3F97] =	sst lr;
	_ =	strace $0xD0000000  }
0x3: {  	_ = 	snop  }
0x4: {  	_ = 	snop  }
0x5: {  	_ = 	snop  }
0x6: {  	_ = 	snop  }
0x7: {  	_ = 	snop  }
__scs_overlays_trampoline_lowered:
0x8: {  	[smem:$0x3FA6] =	sst s0  }
0x9: {  	[smem:$0x3FA7] =	sst s1  }
0xa: {  	[smem:$0x3FA8] =	sst s2  }
0xb: {  	[smem:$0x3FA9] =	sst s3  }
0xc: {  	[smem:$0x3FAA] =	sst s4  }
0xd: {  	[smem:$0x3FAB] =	sst s5  }
0xe: {  	[smem:$0x3FAC] =	sst s6  }
0xf: {  	[smem:$0x3FAD] =	sst s7  }
0x10: {  	[smem:$0x3FAE] =	sst s8  }
0x11: {  	[smem:$0x3FAF] =	sst s9;
	s0 =	simm.s32 @!p0 $0x0  }
0x12: {  	s1 =	sld [smem:$0x3F95];
	s0 =	simm.s32 @p0 $0x1  }
0x13: {  	[smem:$0x3FB0] =	sst s0;
	s0 =	simm.s32 @!p1 $0x0  }
0x14: {  	s2 =	sld [smem:$0x3F94];
	s0 =	simm.s32 @p1 $0x1  }
0x15: {  	[smem:$0x3FB1] =	sst s0;
	s0 =	simm.s32 @!p2 $0x0  }
0x16: {  	s3 =	sld [smem:$0x3FDB];
	s0 =	simm.s32 @p2 $0x1  }
0x17: {  	s4 =	simm.s32 $0x1BF5;
	[smem:$0x3FB3] =	sst s0  }
0x18: {  	s0 =	sld [smem:$0x3F96];
	_ =	swait.ge [sflag:s4], $0x0  }
0x19: {  	s7 =	sld [smem:$0x3F97]  }
0x1a: {  	s8 =	sadd.s32 $0xFFFFE003, lr  }
0x1b: {  	s9 =	sadd.s32 $0xFFFFFEF7, lr;
	s5 =	simm.s32 $0xFFFFFFFF;
	p2 =	slt.u32 s8, $0xFFFFF086  }
0x1c: {  	p1 =	slt.u32 s9, $0xF7A;
	s5 =	simm.s32 @!p2 $0x0  }
0x1d: {  	s5 =	simm.s32 @p1 $0x1;
	p0 =	seq.s32 s7, s2  }
0x1e: {  	s7 =	smul.u32 @!p0 $0xF7A, s2;
	p2 =	seq.s32 @!p0 s5, $0x0  }
0x1f: {  	s9 =	smul.u32 $0xF7A, s1;
	s8 =	simm.s32 @!p0 $0x1BF5;
	p2 =	por !p2, p0  }
0x20: {  	[sflag:s8] =	ssyncset.s32 @!p0 $0xFFFFF086;
	s6 =	sadd.s32 @!p0 s3, s7;
	s7 =	simm.s32 @!p0 $0x108  }
0x21: {  	s3 =	sadd.s32 s3, s9;
	s6 =	sadd.s32 @!p0 $0x88, s6;
	s7 =	simm.s32 @p2 $0x1082  }
0x22: {  	[simem:s7], [sflag:s8] =	dma.local @!p0 [hbm:s6], $0xF7A  }
0x23: {  	s9 =	sor.u32 $0xD0000000, s2;
	s6 =	simm.s32 $0x108;
	_ =	swait.ge @!p0 [sflag:s8], $0x0  }
0x24: {  	s3 =	sadd.s32 $0x88, s3;
	s6 =	simm.s32 @!p1 $0x1082;
	[sflag:s4] =	ssyncset.s32 $0xFFFFF086  }
0x25: {  	[simem:s6], [sflag:s4] =	dma.local [hbm:s3], $0xF7A  }
0x26: {  	[smem:$0x3F97] =	sst s1;
	(tag) =	ssettag s2;
	_ =	strace s9  }
0x27: {  	s1 =	sld [smem:$0x3FA7]  }
0x28: {  	s2 =	sld [smem:$0x3FA8]  }
0x29: {  	s4 =	sld [smem:$0x3FAA]  }
0x2a: {  	p0 =	seq.s32 s5, $0x0;
	s5 =	sld [smem:$0x3FAB]  }
0x2b: {  	s6 =	sld [smem:$0x3FAC]  }
0x2c: {  	s7 =	sld [smem:$0x3FAD]  }
0x2d: {  	s3 =	simm.s32 $0x108;
	s8 =	sld [smem:$0x3FAE]  }
0x2e: {  	s3 =	simm.s32 @!p0 $0x1082;
	s9 =	sld [smem:$0x3FAF]  }
0x2f: {  	lr =	sadd.s32 s0, s3;
	s0 =	sld [smem:$0x3FA6]  }
0x30: {  	s3 =	sld [smem:$0x3FA9]  }
0x31: {  	[smem:$0x3FB2] =	sst s10  }
0x32: {  	s10 =	sld [smem:$0x3FB0];
	_ =	sdelay $0x3  }
0x33: {  	p0 =	seq.s32 s10, $0x1;
	s10 =	sld [smem:$0x3FB2];
	_ =	sdelay $0x3  }
0x34: {  	[smem:$0x3FB2] =	sst s10  }
0x35: {  	s10 =	sld [smem:$0x3FB1];
	_ =	sdelay $0x3  }
0x36: {  	p1 =	seq.s32 s10, $0x1;
	s10 =	sld [smem:$0x3FB2];
	_ =	sdelay $0x3  }
0x37: {  	[smem:$0x3FB2] =	sst s10  }
0x38: {  	s10 =	sld [smem:$0x3FB3]  }
0x39: {  	_ = 	snop;
	(pc) =	sbr.ind lr, $3  }
0x3a: {  	_ = 	snop  }
0x3b: {  	_ = 	snop  }
0x3c: {  	p2 =	seq.s32 s10, $0x1;
	s10 =	sld [smem:$0x3FB2]  }
0x3d: {  	_ =	shalt  }
0x3e: {  	_ =	shalt  }
0x3f: {  	_ =	shalt  }
0x40: {  	_ =	shalt  }
0x41: {  	_ =	shalt  }
0x42: {  	_ =	shalt  }
0x43: {  	_ =	shalt  }
0x44: {  	_ =	shalt  }
0x45: {  	_ =	shalt  }
0x46: {  	_ =	shalt  }
0x47: {  	_ =	shalt  }
0x48: {  	_ =	shalt  }
0x49: {  	_ =	shalt  }
0x4a: {  	_ =	shalt  }
0x4b: {  	_ =	shalt  }
0x4c: {  	_ =	shalt  }
0x4d: {  	_ =	shalt  }
0x4e: {  	_ =	shalt  }
0x4f: {  	_ =	shalt  }
0x50: {  	_ =	shalt  }
0x51: {  	_ =	shalt  }
0x52: {  	_ =	shalt  }
0x53: {  	_ =	shalt  }
0x54: {  	_ =	shalt  }
0x55: {  	_ =	shalt  }
0x56: {  	_ =	shalt  }
0x57: {  	_ =	shalt  }
0x58: {  	_ =	shalt  }
0x59: {  	_ =	shalt  }
0x5a: {  	_ =	shalt  }
0x5b: {  	_ =	shalt  }
0x5c: {  	_ =	shalt  }
0x5d: {  	_ =	shalt  }
0x5e: {  	_ =	shalt  }
0x5f: {  	_ =	shalt  }
0x60: {  	_ =	shalt  }
0x61: {  	_ =	shalt  }
0x62: {  	_ =	shalt  }
0x63: {  	_ =	shalt  }
0x64: {  	_ =	shalt  }
0x65: {  	_ =	shalt  }
0x66: {  	_ =	shalt  }
0x67: {  	_ =	shalt  }
0x68: {  	_ =	shalt  }
0x69: {  	_ =	shalt  }
0x6a: {  	_ =	shalt  }
0x6b: {  	_ =	shalt  }
0x6c: {  	_ =	shalt  }
0x6d: {  	_ =	shalt  }
0x6e: {  	_ =	shalt  }
0x6f: {  	_ =	shalt  }
0x70: {  	_ =	shalt  }
0x71: {  	_ =	shalt  }
0x72: {  	_ =	shalt  }
0x73: {  	_ =	shalt  }
0x74: {  	_ =	shalt  }
0x75: {  	_ =	shalt  }
0x76: {  	_ =	shalt  }
0x77: {  	_ =	shalt  }
0x78: {  	_ =	shalt  }
0x79: {  	_ =	shalt  }
0x7a: {  	_ =	shalt  }
0x7b: {  	_ =	shalt  }
0x7c: {  	_ =	shalt  }
0x7d: {  	_ =	shalt  }
0x7e: {  	_ =	shalt  }
0x7f: {  	_ =	shalt  }
0x80: {  	_ =	shalt  }
0x81: {  	_ =	shalt  }
0x82: {  	_ =	shalt  }
0x83: {  	_ =	shalt  }
0x84: {  	_ =	shalt  }
0x85: {  	_ =	shalt  }
0x86: {  	_ =	shalt  }
0x87: {  	_ =	shalt  }
.Lfunc_end0:
.L_simem_size_0:
called_computation.1_lowered:
.L_overlay_start_0:
0x88: {  	s2 =	sld [smem:$0x3FD9]  }
0x89: {  	s3 =	sld [smem:$0x3FFE];
	_ =	sdelay $0x1  }
0x8a: {  	s1 =	srdreg.scid  }
0x8b: {  	s0 =	sand.u32 $0x1, s1  }
0x8c: {  	s16 =	sshll.u32 s0, $0xA;
	s2 =	sadd.s32 s3, s2  }
0x8d: {  	s2 =	sadd.s32 s2, s16  }
0x8e: {  	[smem:$0x3FBE] =	sst s2  }
0x8f: {  	_ = 	snop  }
0x90: {  	(tm) =	ssettm $0x1  }
0x91: {  	s17 =	sld [smem:$0x3FFB];
	_ =	sdelay $0x3  }
0x92: {  	_ =	strace s17  }
0x93: {  	s2 =	sld [smem:$0x3FFC];
	_ =	sdelay $0x3  }
0x94: {  	_ =	strace s2  }
0x95: {  	s2 =	sld [smem:$0x3FFD];
	_ =	sdelay $0x3  }
0x96: {  	_ =	strace s2  }
0x97: {  	_ =	strace $0x8FFFFFFF  }
0x98: {  	s18 =	sld [smem:$0x3FDB];
	_ =	sdelay $0x1  }
0x99: {  	s19 =	simm.s32 $_scs_section_size  }
0x9a: {  	s4 =	simm.s32 $_size__tile_overlayer_lowered;
	s5 =	simm.s32 $_tile_overlayer_lowered  }
0x9b: {  	s22 =	simm.s32 $0x1BFF;
	s21 =	sshll.u32 s5, $0x1;
	s2 =	sadd.s32 s19, s18  }
0x9c: {  	s6 =	simm.s32 $0x0;
	s20 =	sshll.u32 s4, $0x1;
	s4 =	sadd.s32 s21, s2  }
0x9d: {  	[timem:s6], [sflag:s22] =	dma.local [hbm:s4], s20  }
0x9e: {  	_ =	swait.ge [sflag:s22], s20  }
0x9f: {  	s3 =	ssub.s32 $0x0, s20;
	[sflag:s22] =	ssyncset.done $0x0  }
0xa0: {  	[sflag:s22] =	ssyncadd.s32 s3;
	_ =	sdelay $0x1  }
0xa1: {  	s23 =	simm.s32 $0x1B8B  }
0xa2: {  	_ =	swait.ge [sflag:s23], $0x1  }
0xa3: {  	[sflag:s23] =	ssyncset.done $0x0  }
0xa4: {  	s25 =	simm.s32 $0x1B8E;
	s24 =	sld [smem:$0x3FFE];
	[sflag:s23] =	ssyncadd.s32 $0xFFFFFFFF  }
0xa5: {  	s26 =	simm.s32 $execute0_lowered;
	[smem:$0x3FD2] =	sst s25  }
0xa6: {  	s4 =	sshll.u32 s26, $0x1;
	_ =	strace $0x80000049;
	[dreg:$0x1] =	wrdreg $0xFFFFFFFF  }
0xa7: {  	s28 =	simm.s32 $_size_execute0_lowered;
	s2 =	sadd.s32 s2, s4;
	[dreg:$0x0] =	wrdreg $0x0  }
0xa8: {  	s4 =	sshll.u32 s28, $0x1;
	[dreg:$0x2] =	wrdreg s2  }
0xa9: {  	[dreg:$0x3] =	wrdreg s4  }
0xaa: {  	[dreg:$0x4] =	wrdreg $0xC0  }
0xab: {  	_ =	task [dreg:s6], $0x5FFFF  }
0xac: {  	[dreg:$0x1] =	wrdreg $0xFFFFFFFF  }
0xad: {  	[dreg:$0x0] =	wrdreg $0x60  }
0xae: {  	[dreg:$0x2] =	wrdreg s24  }
0xaf: {  	[dreg:$0x3] =	wrdreg $0x0  }
0xb0: {  	[dreg:$0x4] =	wrdreg $0x9  }
0xb1: {  	_ =	task.clear_ibuf [dreg:s6], $0x5FFFF;
	_ =	strace $0x90000049  }
0xb2: {  	s29 =	simm.s32 $0x9;
	_ =	strace $0x8000004B  }
0xb3: {  	_ =	swait.ge [sflag:s29], $0x1  }
0xb4: {  	[sflag:s29] =	ssyncadd.s32 $0xFFFFFFFF  }
0xb5: {  	_ =	strace $0x9000004B  }
0xb6: {  	_ =	sfence  }
0xb7: {  	s30 =	sld [smem:$0x0];
	_ =	sdelay $0x2  }
0xb8: {  	s31 =	sshll.u32 s1, $0xD;
	s1 =	sshrl.u32 s1, $0x2  }
0xb9: {  	s3 =	sand.u32 $0x4000, s31;
	s1 =	sadd.s32 s1, s30  }
0xba: {  	s0 =	sor.u32 s3, s0;
	s1 =	sshll.u32 s1, $0x11  }
0xbb: {  	s0 =	sor.u32 s1, s0  }
0xbc: {  	s0 =	sadd.s32 $0x8F2B, s0  }
0xbd: {  	[sflag:s0] =	ssyncadd.remote.s32 $0x1  }
0xbe: {  	_ =	sfence.sel $0xFFFF  }
0xbf: {  	[dreg:$0x0] =	wrdreg $0xFFFFFFFF;
	(pc) =	sbr.abs _section_cstart, $3  }
0xc0: {  	[dreg:$0x1] =	wrdreg $0xFFFFFFFF  }
0xc1: {  	_ =	task.clear_ibuf [dreg:s6], $0x2FFFF;
	_ =	strace $0x9FFFFFFF  }
0xc2: {  	(tm) =	ssettm $0x7FFFFFFF  }
0xc3: {  	_ =	shalt  }
tec
execute0_lowered:
.L_overlay_start_1:
0x0: {  	(tag) =	ssettag $0x1  }
0x1: {  	s0 =	srdreg.scid;
	s6 =	rddreg [dreg:$0x0]  }
0x2: {  	s1 =	rddreg [dreg:$0x1];
	s24 =	stileid.u32;
	s3 =	simm.s32 $0x0  }
0x3: {  	s18 =	simm.s32 $0x13C80;
	s19 =	simm.s32 $0x3;
	s28 =	simm.s32 $0x16380  }
0x4: {  	s29 =	simm.s32 $0x16400;
	s30 =	simm.s32 $0x17780;
	s31 =	simm.s32 $0x17800  }
0x5: {  	s0 =	sand.u32 $0x1, s0;
	[smem:$0x7FF] =	sst s3;
	s12 =	sadd.s32 $0x5000, s6  }
0x6: {  	s5 =	sadd.s32 $0x19000, s6;
	s17 =	sadd.s32 $0x42A00, s6;
	s14 =	smul.u32 $0x4E000, s24  }
0x7: {  	s7 =	sadd.s32 $0x69C00, s6;
	s16 =	smul.u32 $0x2700, s24;
	s22 =	sadd.s32 $0x42800, s6  }
0x8: {  	p1 =	sne.s32 s24, $0x0;
	p2 =	seq.s32 s24, $0x0;
	s4 =	sshll.u32 s0, $0x4  }
0x9: {  	_ =	strace $0x8000004A;
	s11 =	ssub.s32 $0x2, s0;
	[dreg:$0x5] =	wrdreg s22  }
0xa: {  	[dreg:$0x3] =	wrdreg s17;
	p0 =	sne.s32 s0, $0x0;
	s22 =	simm.s32 $0x13D00  }
0xb: {  	s0 =	simm.s32 $0x0;
	s9 =	sor.u32 s24, s4;
	s4 =	sadd.s32 $0x1B800, s6  }
0xc: {  	s13 =	sshrl.u32 s11, $0x1;
	s20 =	sshrl.u32 s14, $0x2;
	s25 =	sadd.s32 s7, s16  }
0xd: {  	s26 =	sadd.s32 s17, s16;
	s8 =	smul.u32 $0x500, s9;
	s13 =	ssub.s32 s11, s13  }
0xe: {  	s15 =	smul.u32 $0x2800, s9;
	s11 =	sadd.s32 $0x138000, s1;
	[dreg:$0x6] =	wrdreg s25  }
0xf: {  	s2 =	sadd.s32 s4, s16;
	[dreg:$0x7] =	wrdreg s26;
	s25 =	simm.s32 $0x1  }
.Ltmp0:
0x10: {  	s26 =	simm.s32 $0x2;
	[dreg:$0x4] =	wrdreg s2;
	(pc) =	sbr.rel .LBB2_1-.Ltmp0, $4  }
0x11: {  	s17 =	smax.u32 s13, $0x1;
	s2 =	stileid.u32;
	s10 =	sadd.s32 s8, s6  }
0x12: {  	s8 =	sadd.s32 s12, s8;
	s21 =	sshrl.u32 s15, $0x3;
	s9 =	sadd.s32 $0xF000, s10  }
0x13: {  	s10 =	sadd.s32 s20, s1;
	s23 =	sadd.s32 s12, s21;
	s20 =	simm.s32 $0x80  }
0x14: {  	s21 =	simm.s32 $0x17880;
	s14 =	sadd.s32 $0x280, s23;
	s23 =	simm.s32 $0x1B880  }
.LBB2_14:
0x15: {  	s6 =	sadd.s32 $0x27000, s6;
	s12 =	sshrl.u32 s11, $0x3  }
0x16: {  	[hbm:s6], [sflag:s13] =	dma.local [spmem:s12], $0x100  }
0x17: {  	_ =	swait.ge [sflag:s19], $0x100  }
0x18: {  	[sflag:s19] =	ssyncset.done $0x0  }
0x19: {  	[sflag:s19] =	ssyncadd.s32 $0xFFFFFF00  }
.LBB2_15:
0x1a: {  	s0 =	sadd.s32 $0x1, s0  }
0x1b: {  	p3 =	sne.s32 s0, s17  }
.Ltmp1:
0x1c: {  	_ = 	snop;
	(pc) =	sbr.rel @!p3 .LBB2_16-.Ltmp1, $1  }
0x1d: {  	_ =	sdelay $0x3  }
.LBB2_1:
0x1e: {  	[tilespmem:s18], [sflag:$0x3] =	stream.linear.gather [hbm4b:s8+s3], $0x1400, $0x38;
	[tilespmem:$0x1F880] =	vst v63  }
0x1f: {  	_ =	swait.ge [sflag:s19], $0x1400  }
0x20: {  	[sflag:s19] =	ssyncset.done $0x0  }
0x21: {  	[sflag:s19] =	ssyncadd.s32 $0xFFFFEC00  }
0x22: {  	[tilespmem:s21], [sflag:$0x1] =	stream.indirect.gather [hbm4b:s4+s20], $0x80, s18, s20, $0xb8;
	[tilespmem:$0x1F880] =	vst v63  }
0x23: {  	_ = 	snop  }
0x24: {  	[tilespmem:s23], [sflag:$0x2] =	stream.indirect.gather [hbm4b:s4+s20], $0x80, s22, s20, $0xb8;
	[tilespmem:$0x1F880] =	vst v63  }
.Ltmp2:
0x25: {  	s6 =	simm.s32 $0x15080;
	(pc) =	sbr.rel @p0 .LBB2_4-.Ltmp2, $4  }
0x26: {  	[tilespmem:s6], [sflag:$0x3] =	stream.linear.gather [hbm4b:s9+s3], $0x2800, $0x38;
	[tilespmem:$0x1F880] =	vst v63  }
0x27: {  	_ =	swait.ge [sflag:s19], $0x2800  }
0x28: {  	s15 =	sshll.u32 s2, $0x6;
	[sflag:s19] =	ssyncset.done $0x0  }
0x29: {  	s12 =	sshrl.u32 s10, $0x3;
	s13 =	sor.u32 $0x1C03, s15;
	[sflag:s19] =	ssyncadd.s32 $0xFFFFD800  }
.Ltmp3:
0x2a: {  	s16 =	sor.u32 $0x1C03, s15;
	s6 =	rddreg [dreg:$0x4];
	(pc) =	sbr.rel @p1 .LBB2_7-.Ltmp3, $4  }
0x2b: {  	[spmem:s12], [sflag:s16] =	dma.local [hbm:s6], $0x2700  }
0x2c: {  	_ =	swait.ge [sflag:s19], $0x2700  }
0x2d: {  	[sflag:s19] =	ssyncset.done $0x0  }
0x2e: {  	[sflag:s19] =	ssyncadd.s32 $0xFFFFD900  }
.Ltmp4:
0x2f: {  	(pc) =	sbr.rel .LBB2_6-.Ltmp4, $3  }
0x30: {  	_ =	sdelay $0x1  }
0x31: {  	s6 =	sshrl.u32 s11, $0x3;
	s24 =	rddreg [dreg:$0x5]  }
0x32: {  	[spmem:s6], [sflag:s16] =	dma.local [hbm:s24], $0x100  }
.LBB2_4:
.Ltmp5:
0x33: {  	(pc) =	sbr.rel @p1 .LBB2_7-.Ltmp5, $4  }
0x34: {  	[spmem:s12], [sflag:s13] =	dma.local [hbm:s5], $0x2700  }
0x35: {  	_ =	swait.ge [sflag:s19], $0x2700  }
0x36: {  	[sflag:s19] =	ssyncset.done $0x0  }
0x37: {  	[sflag:s19] =	ssyncadd.s32 $0xFFFFD900  }
0x38: {  	s6 =	sshrl.u32 s11, $0x3  }
0x39: {  	[spmem:s6], [sflag:s13] =	dma.local [hbm:s5], $0x100  }
.LBB2_6:
0x3a: {  	_ =	swait.ge [sflag:s19], $0x100  }
0x3b: {  	[sflag:s19] =	ssyncset.done $0x0  }
0x3c: {  	[sflag:s19] =	ssyncadd.s32 $0xFFFFFF00  }
.LBB2_7:
0x3d: {  	[bflag:$0x0] =	sbarrier.arrive $0xFFFF  }
0x3e: {  	_ =	swait.ge [sflag:s25], $0x4000  }
0x3f: {  	[sflag:s25] =	ssyncset.done $0x0  }
0x40: {  	s6 =	simm.s32 $0x15080;
	[sflag:s25] =	ssyncadd.s32 $0xFFFFC000  }
0x41: {  	[spmem:s1] =	stream.indirect.scatter.add.f32 [tilespmem:s21], [sflag:$0x3], $0x80, s6, s20, $0xb8;
	[tilespmem:$0x1F880] =	vst v63  }
0x42: {  	_ =	swait.ge [sflag:s19], $0x4000  }
0x43: {  	[sflag:s19] =	ssyncset.done $0x0  }
0x44: {  	s16 =	simm.s32 $0x13D80;
	[sflag:s19] =	ssyncadd.s32 $0xFFFFC000  }
0x45: {  	[tilespmem:s21], [sflag:$0x1] =	stream.indirect.gather [hbm4b:s4+s20], $0x80, s16, s20, $0xb8;
	[tilespmem:$0x1F880] =	vst v63  }
0x46: {  	_ =	swait.ge [sflag:s26], $0x4000  }
0x47: {  	[sflag:s26] =	ssyncset.done $0x0  }
0x48: {  	s24 =	simm.s32 $0x15100;
	[sflag:s26] =	ssyncadd.s32 $0xFFFFC000  }
0x49: {  	[spmem:s1] =	stream.indirect.scatter.add.f32 [tilespmem:s23], [sflag:$0x3], $0x80, s24, s20, $0xb8;
	[tilespmem:$0x1F880] =	vst v63  }
0x4a: {  	_ =	swait.ge [sflag:s19], $0x4000  }
0x4b: {  	[sflag:s19] =	ssyncset.done $0x0  }
0x4c: {  	s6 =	simm.s32 $0x13E00;
	s16 =	simm.s32 $0x400;
	[sflag:s19] =	ssyncadd.s32 $0xFFFFC000  }
.LBB2_8:
0x4d: {  	[tilespmem:s23], [sflag:$0x2] =	stream.indirect.gather [hbm4b:s4+s20], $0x80, s6, s20, $0xb8;
	[tilespmem:$0x1F880] =	vst v63  }
0x4e: {  	s6 =	smov.u32 s16  }
0x4f: {  	p3 =	sne.s32 s16, $0x4800;
	s16 =	sadd.s32 $0x400, s16;
	_ =	swait.ge [sflag:s25], $0x4000  }
0x50: {  	s6 =	sshra.s32 s6, $0x2;
	[sflag:s25] =	ssyncset.done $0x0  }
0x51: {  	s24 =	sadd.s32 $0x15080, s6;
	[sflag:s25] =	ssyncadd.s32 $0xFFFFC000  }
0x52: {  	[spmem:s1] =	stream.indirect.scatter.add.f32 [tilespmem:s21], [sflag:$0x3], $0x80, s24, s20, $0xb8;
	[tilespmem:$0x1F880] =	vst v63  }
0x53: {  	_ =	swait.ge [sflag:s19], $0x4000  }
0x54: {  	[sflag:s19] =	ssyncset.done $0x0  }
0x55: {  	s24 =	sadd.s32 $0x13D80, s6;
	[sflag:s19] =	ssyncadd.s32 $0xFFFFC000  }
0x56: {  	[tilespmem:s21], [sflag:$0x1] =	stream.indirect.gather [hbm4b:s4+s20], $0x80, s24, s20, $0xb8;
	[tilespmem:$0x1F880] =	vst v63  }
0x57: {  	_ =	swait.ge [sflag:s26], $0x4000  }
0x58: {  	[sflag:s26] =	ssyncset.done $0x0  }
.Ltmp6:
0x59: {  	s24 =	sadd.s32 $0x15100, s6;
	[sflag:s26] =	ssyncadd.s32 $0xFFFFC000;
	(pc) =	sbr.rel @p3 .LBB2_8-.Ltmp6, $4  }
0x5a: {  	[spmem:s1] =	stream.indirect.scatter.add.f32 [tilespmem:s23], [sflag:$0x3], $0x80, s24, s20, $0xb8;
	[tilespmem:$0x1F880] =	vst v63  }
0x5b: {  	_ =	swait.ge [sflag:s19], $0x4000  }
0x5c: {  	[sflag:s19] =	ssyncset.done $0x0  }
0x5d: {  	s6 =	sadd.s32 $0x13E00, s6;
	[sflag:s19] =	ssyncadd.s32 $0xFFFFC000  }
0x5e: {  	[tilespmem:s23], [sflag:$0x2] =	stream.indirect.gather [hbm4b:s4+s20], $0x80, s6, s20, $0xb8;
	[tilespmem:$0x1F880] =	vst v63  }
0x5f: {  	_ =	swait.ge [sflag:s25], $0x4000  }
0x60: {  	[sflag:s25] =	ssyncset.done $0x0  }
0x61: {  	[sflag:s25] =	ssyncadd.s32 $0xFFFFC000  }
0x62: {  	[spmem:s1] =	stream.indirect.scatter.add.f32 [tilespmem:s21], [sflag:$0x3], $0x80, s28, s20, $0xb8;
	[tilespmem:$0x1F880] =	vst v63  }
0x63: {  	_ =	swait.ge [sflag:s19], $0x4000  }
0x64: {  	[sflag:s19] =	ssyncset.done $0x0  }
0x65: {  	[sflag:s19] =	ssyncadd.s32 $0xFFFFC000  }
0x66: {  	_ =	swait.ge [sflag:s26], $0x4000  }
0x67: {  	[sflag:s26] =	ssyncset.done $0x0  }
0x68: {  	[sflag:s26] =	ssyncadd.s32 $0xFFFFC000  }
0x69: {  	[spmem:s1] =	stream.indirect.scatter.add.f32 [tilespmem:s23], [sflag:$0x3], $0x80, s29, s20, $0xb8;
	[tilespmem:$0x1F880] =	vst v63  }
0x6a: {  	_ =	swait.ge [sflag:s19], $0x4000  }
0x6b: {  	[sflag:s19] =	ssyncset.done $0x0  }
0x6c: {  	[sflag:s19] =	ssyncadd.s32 $0xFFFFC000  }
0x6d: {  	[tilespmem:s18], [sflag:$0x3] =	stream.linear.gather [hbm4b:s14+s3], $0x1400, $0x38;
	[tilespmem:$0x1F880] =	vst v63  }
0x6e: {  	_ =	swait.ge [sflag:s19], $0x1400  }
0x6f: {  	[sflag:s19] =	ssyncset.done $0x0  }
0x70: {  	[sflag:s19] =	ssyncadd.s32 $0xFFFFEC00  }
0x71: {  	[tilespmem:s21], [sflag:$0x1] =	stream.indirect.gather [hbm4b:s4+s20], $0x80, s18, s20, $0xb8;
	[tilespmem:$0x1F880] =	vst v63  }
0x72: {  	_ = 	snop  }
0x73: {  	[tilespmem:s23], [sflag:$0x2] =	stream.indirect.gather [hbm4b:s4+s20], $0x80, s22, s20, $0xb8;
	[tilespmem:$0x1F880] =	vst v63  }
0x74: {  	_ =	swait.ge [sflag:s25], $0x4000  }
0x75: {  	[sflag:s25] =	ssyncset.done $0x0  }
0x76: {  	s24 =	simm.s32 $0x16480;
	[sflag:s25] =	ssyncadd.s32 $0xFFFFC000  }
0x77: {  	[spmem:s1] =	stream.indirect.scatter.add.f32 [tilespmem:s21], [sflag:$0x3], $0x80, s24, s20, $0xb8;
	[tilespmem:$0x1F880] =	vst v63  }
0x78: {  	_ =	swait.ge [sflag:s19], $0x4000  }
0x79: {  	[sflag:s19] =	ssyncset.done $0x0  }
0x7a: {  	s16 =	simm.s32 $0x13D80;
	[sflag:s19] =	ssyncadd.s32 $0xFFFFC000  }
0x7b: {  	[tilespmem:s21], [sflag:$0x1] =	stream.indirect.gather [hbm4b:s4+s20], $0x80, s16, s20, $0xb8;
	[tilespmem:$0x1F880] =	vst v63  }
0x7c: {  	_ =	swait.ge [sflag:s26], $0x4000  }
0x7d: {  	[sflag:s26] =	ssyncset.done $0x0  }
0x7e: {  	s24 =	simm.s32 $0x16500;
	[sflag:s26] =	ssyncadd.s32 $0xFFFFC000  }
0x7f: {  	[spmem:s1] =	stream.indirect.scatter.add.f32 [tilespmem:s23], [sflag:$0x3], $0x80, s24, s20, $0xb8;
	[tilespmem:$0x1F880] =	vst v63  }
0x80: {  	_ =	swait.ge [sflag:s19], $0x4000  }
0x81: {  	[sflag:s19] =	ssyncset.done $0x0  }
0x82: {  	s6 =	simm.s32 $0x13E00;
	s16 =	simm.s32 $0xFFFFB800;
	[sflag:s19] =	ssyncadd.s32 $0xFFFFC000  }
.LBB2_10:
0x83: {  	[tilespmem:s23], [sflag:$0x2] =	stream.indirect.gather [hbm4b:s4+s20], $0x80, s6, s20, $0xb8;
	[tilespmem:$0x1F880] =	vst v63  }
0x84: {  	s6 =	smov.u32 s16  }
0x85: {  	p3 =	sne.s32 s16, $0xFFFFFC00;
	s16 =	sadd.s32 $0x400, s16;
	_ =	swait.ge [sflag:s25], $0x4000  }
0x86: {  	s6 =	sshra.s32 s6, $0x2;
	[sflag:s25] =	ssyncset.done $0x0  }
0x87: {  	s24 =	sadd.s32 $0x17780, s6;
	[sflag:s25] =	ssyncadd.s32 $0xFFFFC000  }
0x88: {  	[spmem:s1] =	stream.indirect.scatter.add.f32 [tilespmem:s21], [sflag:$0x3], $0x80, s24, s20, $0xb8;
	[tilespmem:$0x1F880] =	vst v63  }
0x89: {  	_ =	swait.ge [sflag:s19], $0x4000  }
0x8a: {  	[sflag:s19] =	ssyncset.done $0x0  }
0x8b: {  	s24 =	sadd.s32 $0x15080, s6;
	[sflag:s19] =	ssyncadd.s32 $0xFFFFC000  }
0x8c: {  	[tilespmem:s21], [sflag:$0x1] =	stream.indirect.gather [hbm4b:s4+s20], $0x80, s24, s20, $0xb8;
	[tilespmem:$0x1F880] =	vst v63  }
0x8d: {  	_ =	swait.ge [sflag:s26], $0x4000  }
0x8e: {  	[sflag:s26] =	ssyncset.done $0x0  }
.Ltmp7:
0x8f: {  	s24 =	sadd.s32 $0x17800, s6;
	[sflag:s26] =	ssyncadd.s32 $0xFFFFC000;
	(pc) =	sbr.rel @p3 .LBB2_10-.Ltmp7, $4  }
0x90: {  	[spmem:s1] =	stream.indirect.scatter.add.f32 [tilespmem:s23], [sflag:$0x3], $0x80, s24, s20, $0xb8;
	[tilespmem:$0x1F880] =	vst v63  }
0x91: {  	_ =	swait.ge [sflag:s19], $0x4000  }
0x92: {  	[sflag:s19] =	ssyncset.done $0x0  }
0x93: {  	s6 =	sadd.s32 $0x15100, s6;
	[sflag:s19] =	ssyncadd.s32 $0xFFFFC000  }
0x94: {  	[tilespmem:s23], [sflag:$0x2] =	stream.indirect.gather [hbm4b:s4+s20], $0x80, s6, s20, $0xb8;
	[tilespmem:$0x1F880] =	vst v63  }
0x95: {  	_ =	swait.ge [sflag:s25], $0x4000  }
0x96: {  	[sflag:s25] =	ssyncset.done $0x0  }
0x97: {  	[sflag:s25] =	ssyncadd.s32 $0xFFFFC000  }
0x98: {  	[spmem:s1] =	stream.indirect.scatter.add.f32 [tilespmem:s21], [sflag:$0x3], $0x80, s30, s20, $0xb8;
	[tilespmem:$0x1F880] =	vst v63  }
0x99: {  	_ =	swait.ge [sflag:s19], $0x4000  }
0x9a: {  	[sflag:s19] =	ssyncset.done $0x0  }
0x9b: {  	[sflag:s19] =	ssyncadd.s32 $0xFFFFC000  }
0x9c: {  	_ =	swait.ge [sflag:s26], $0x4000  }
0x9d: {  	[sflag:s26] =	ssyncset.done $0x0  }
0x9e: {  	[sflag:s26] =	ssyncadd.s32 $0xFFFFC000  }
0x9f: {  	[spmem:s1] =	stream.indirect.scatter.add.f32 [tilespmem:s23], [sflag:$0x3], $0x80, s31, s20, $0xb8;
	[tilespmem:$0x1F880] =	vst v63  }
.Ltmp8:
0xa0: {  	_ =	swait.ge [sflag:s19], $0x4000;
	(pc) =	sbr.rel @p0 .LBB2_13-.Ltmp8, $3  }
0xa1: {  	[sflag:s19] =	ssyncset.done $0x0  }
0xa2: {  	[sflag:s19] =	ssyncadd.s32 $0xFFFFC000  }
0xa3: {  	[bflag:$0x0] =	sbarrier.arrive $0xFFFF;
	_ =	sdelay $0x1  }
0xa4: {  	s13 =	sor.u32 $0x1C03, s15;
	s6 =	rddreg [dreg:$0x7]  }
0xa5: {  	[hbm:s6], [sflag:s13] =	dma.local [spmem:s12], $0x2700  }
.Ltmp9:
0xa6: {  	_ = 	snop;
	(pc) =	sbr.rel @!p2 .LBB2_15-.Ltmp9, $4  }
.Ltmp10:
0xa7: {  	_ = 	snop;
	(pc) =	sbr.rel @p2 .LBB2_14-.Ltmp10, $4  }
0xa8: {  	_ =	swait.ge [sflag:s19], $0x2700  }
0xa9: {  	[sflag:s19] =	ssyncset.done $0x0  }
0xaa: {  	s6 =	rddreg [dreg:$0x3];
	[sflag:s19] =	ssyncadd.s32 $0xFFFFD900  }
0xab: {  	_ = 	snop  }
.LBB2_13:
0xac: {  	s6 =	rddreg [dreg:$0x6]  }
0xad: {  	[hbm:s6], [sflag:s13] =	dma.local [spmem:s12], $0x2700  }
.Ltmp11:
0xae: {  	_ = 	snop;
	(pc) =	sbr.rel @p1 .LBB2_15-.Ltmp11, $4  }
.Ltmp12:
0xaf: {  	_ = 	snop;
	(pc) =	sbr.rel @!p1 .LBB2_14-.Ltmp12, $4  }
0xb0: {  	_ =	swait.ge [sflag:s19], $0x2700  }
0xb1: {  	[sflag:s19] =	ssyncset.done $0x0  }
0xb2: {  	s6 =	smov.u32 s7;
	[sflag:s19] =	ssyncadd.s32 $0xFFFFD900  }
0xb3: {  	_ = 	snop  }
.LBB2_16:
0xb4: {  	_ =	sfence.sel $0x180000  }
0xb5: {  	[bflag:$0x0] =	sbarrier.arrive $0xFFFF  }
0xb6: {  	_ =	strace $0x9000004A  }
0xb7: {  	[bflag:$0x2] =	sbarrier.arrive $0xFFFF  }
0xb8: {  	s0 =	rddreg [dreg:$0x2]  }
0xb9: {  	s0 =	sadd.s32 @!p1 $0x100000, s0  }
0xba: {  	[sflag:s0] =	ssyncadd.tile.s32 @!p1 $0x1;
	_ =	shalt  }
.Lfunc_end2:
_tile_overlayer_lowered:
.L_overlay_start_2:
0xbb: {  	(tag) =	ssettag $0x2  }
0xbc: {  	s0 =	rddreg [dreg:$0x0];
	s2 =	stileid.u32  }
0xbd: {  	s1 =	rddreg [dreg:$0x1];
	p0 =	sne.s32 s2, $0x0  }
0xbe: {  	s3 =	rddreg [dreg:$0x2];
	[bflag:$0x3] =	sbarrier.arrive $0xFFFF;
	s2 =	simm.s32 @!p0 $0x1C03  }
0xbf: {  	[timem:s3], [sflag:s2] =	dma.local @!p0 [hbm:s0], s1  }
0xc0: {  	s0 =	simm.s32 @!p0 $0x3  }
0xc1: {  	_ =	swait.ge @!p0 [sflag:s0], s1  }
0xc2: {  	s1 =	ssub.s32 @!p0 $0x0, s1;
	[sflag:s0] =	ssyncset.done @!p0 $0x0  }
0xc3: {  	[sflag:s0] =	ssyncadd.s32 @!p0 s1  }
0xc4: {  	[bflag:$0x3] =	sbarrier.arrive $0xFFFF  }
0xc5: {  	_ =	shalt  }

// kernel: kernel.16.cloned.1.call-start
scs
__scs_entry_jumppad:
0x0: {  	(pc) =	sbr.rel $0x88, $3  }
0x1: {  	(tag) =	ssettag $0x0;
	lr =	simm.s32 $0x1  }
0x2: {  	[smem:$0x3F97] =	sst lr;
	_ =	strace $0xD0000000  }
0x3: {  	_ = 	snop  }
0x4: {  	_ = 	snop  }
0x5: {  	_ = 	snop  }
0x6: {  	_ = 	snop  }
0x7: {  	_ = 	snop  }
__scs_overlays_trampoline_lowered:
0x8: {  	[smem:$0x3FA6] =	sst s0  }
0x9: {  	[smem:$0x3FA7] =	sst s1  }
0xa: {  	[smem:$0x3FA8] =	sst s2  }
0xb: {  	[smem:$0x3FA9] =	sst s3  }
0xc: {  	[smem:$0x3FAA] =	sst s4  }
0xd: {  	[smem:$0x3FAB] =	sst s5  }
0xe: {  	[smem:$0x3FAC] =	sst s6  }
0xf: {  	[smem:$0x3FAD] =	sst s7  }
0x10: {  	[smem:$0x3FAE] =	sst s8  }
0x11: {  	[smem:$0x3FAF] =	sst s9;
	s0 =	simm.s32 @!p0 $0x0  }
0x12: {  	s1 =	sld [smem:$0x3F95];
	s0 =	simm.s32 @p0 $0x1  }
0x13: {  	[smem:$0x3FB0] =	sst s0;
	s0 =	simm.s32 @!p1 $0x0  }
0x14: {  	s2 =	sld [smem:$0x3F94];
	s0 =	simm.s32 @p1 $0x1  }
0x15: {  	[smem:$0x3FB1] =	sst s0;
	s0 =	simm.s32 @!p2 $0x0  }
0x16: {  	s3 =	sld [smem:$0x3FDB];
	s0 =	simm.s32 @p2 $0x1  }
0x17: {  	s4 =	simm.s32 $0x1BF5;
	[smem:$0x3FB3] =	sst s0  }
0x18: {  	s0 =	sld [smem:$0x3F96];
	_ =	swait.ge [sflag:s4], $0x0  }
0x19: {  	s7 =	sld [smem:$0x3F97]  }
0x1a: {  	s8 =	sadd.s32 $0xFFFFE003, lr  }
0x1b: {  	s9 =	sadd.s32 $0xFFFFFEF7, lr;
	s5 =	simm.s32 $0xFFFFFFFF;
	p2 =	slt.u32 s8, $0xFFFFF086  }
0x1c: {  	p1 =	slt.u32 s9, $0xF7A;
	s5 =	simm.s32 @!p2 $0x0  }
0x1d: {  	s5 =	simm.s32 @p1 $0x1;
	p0 =	seq.s32 s7, s2  }
0x1e: {  	s7 =	smul.u32 @!p0 $0xF7A, s2;
	p2 =	seq.s32 @!p0 s5, $0x0  }
0x1f: {  	s9 =	smul.u32 $0xF7A, s1;
	s8 =	simm.s32 @!p0 $0x1BF5;
	p2 =	por !p2, p0  }
0x20: {  	[sflag:s8] =	ssyncset.s32 @!p0 $0xFFFFF086;
	s6 =	sadd.s32 @!p0 s3, s7;
	s7 =	simm.s32 @!p0 $0x108  }
0x21: {  	s3 =	sadd.s32 s3, s9;
	s6 =	sadd.s32 @!p0 $0x88, s6;
	s7 =	simm.s32 @p2 $0x1082  }
0x22: {  	[simem:s7], [sflag:s8] =	dma.local @!p0 [hbm:s6], $0xF7A  }
0x23: {  	s9 =	sor.u32 $0xD0000000, s2;
	s6 =	simm.s32 $0x108;
	_ =	swait.ge @!p0 [sflag:s8], $0x0  }
0x24: {  	s3 =	sadd.s32 $0x88, s3;
	s6 =	simm.s32 @!p1 $0x1082;
	[sflag:s4] =	ssyncset.s32 $0xFFFFF086  }
0x25: {  	[simem:s6], [sflag:s4] =	dma.local [hbm:s3], $0xF7A  }
0x26: {  	[smem:$0x3F97] =	sst s1;
	(tag) =	ssettag s2;
	_ =	strace s9  }
0x27: {  	s1 =	sld [smem:$0x3FA7]  }
0x28: {  	s2 =	sld [smem:$0x3FA8]  }
0x29: {  	s4 =	sld [smem:$0x3FAA]  }
0x2a: {  	p0 =	seq.s32 s5, $0x0;
	s5 =	sld [smem:$0x3FAB]  }
0x2b: {  	s6 =	sld [smem:$0x3FAC]  }
0x2c: {  	s7 =	sld [smem:$0x3FAD]  }
0x2d: {  	s3 =	simm.s32 $0x108;
	s8 =	sld [smem:$0x3FAE]  }
0x2e: {  	s3 =	simm.s32 @!p0 $0x1082;
	s9 =	sld [smem:$0x3FAF]  }
0x2f: {  	lr =	sadd.s32 s0, s3;
	s0 =	sld [smem:$0x3FA6]  }
0x30: {  	s3 =	sld [smem:$0x3FA9]  }
0x31: {  	[smem:$0x3FB2] =	sst s10  }
0x32: {  	s10 =	sld [smem:$0x3FB0];
	_ =	sdelay $0x3  }
0x33: {  	p0 =	seq.s32 s10, $0x1;
	s10 =	sld [smem:$0x3FB2];
	_ =	sdelay $0x3  }
0x34: {  	[smem:$0x3FB2] =	sst s10  }
0x35: {  	s10 =	sld [smem:$0x3FB1];
	_ =	sdelay $0x3  }
0x36: {  	p1 =	seq.s32 s10, $0x1;
	s10 =	sld [smem:$0x3FB2];
	_ =	sdelay $0x3  }
0x37: {  	[smem:$0x3FB2] =	sst s10  }
0x38: {  	s10 =	sld [smem:$0x3FB3]  }
0x39: {  	_ = 	snop;
	(pc) =	sbr.ind lr, $3  }
0x3a: {  	_ = 	snop  }
0x3b: {  	_ = 	snop  }
0x3c: {  	p2 =	seq.s32 s10, $0x1;
	s10 =	sld [smem:$0x3FB2]  }
0x3d: {  	_ =	shalt  }
0x3e: {  	_ =	shalt  }
0x3f: {  	_ =	shalt  }
0x40: {  	_ =	shalt  }
0x41: {  	_ =	shalt  }
0x42: {  	_ =	shalt  }
0x43: {  	_ =	shalt  }
0x44: {  	_ =	shalt  }
0x45: {  	_ =	shalt  }
0x46: {  	_ =	shalt  }
0x47: {  	_ =	shalt  }
0x48: {  	_ =	shalt  }
0x49: {  	_ =	shalt  }
0x4a: {  	_ =	shalt  }
0x4b: {  	_ =	shalt  }
0x4c: {  	_ =	shalt  }
0x4d: {  	_ =	shalt  }
0x4e: {  	_ =	shalt  }
0x4f: {  	_ =	shalt  }
0x50: {  	_ =	shalt  }
0x51: {  	_ =	shalt  }
0x52: {  	_ =	shalt  }
0x53: {  	_ =	shalt  }
0x54: {  	_ =	shalt  }
0x55: {  	_ =	shalt  }
0x56: {  	_ =	shalt  }
0x57: {  	_ =	shalt  }
0x58: {  	_ =	shalt  }
0x59: {  	_ =	shalt  }
0x5a: {  	_ =	shalt  }
0x5b: {  	_ =	shalt  }
0x5c: {  	_ =	shalt  }
0x5d: {  	_ =	shalt  }
0x5e: {  	_ =	shalt  }
0x5f: {  	_ =	shalt  }
0x60: {  	_ =	shalt  }
0x61: {  	_ =	shalt  }
0x62: {  	_ =	shalt  }
0x63: {  	_ =	shalt  }
0x64: {  	_ =	shalt  }
0x65: {  	_ =	shalt  }
0x66: {  	_ =	shalt  }
0x67: {  	_ =	shalt  }
0x68: {  	_ =	shalt  }
0x69: {  	_ =	shalt  }
0x6a: {  	_ =	shalt  }
0x6b: {  	_ =	shalt  }
0x6c: {  	_ =	shalt  }
0x6d: {  	_ =	shalt  }
0x6e: {  	_ =	shalt  }
0x6f: {  	_ =	shalt  }
0x70: {  	_ =	shalt  }
0x71: {  	_ =	shalt  }
0x72: {  	_ =	shalt  }
0x73: {  	_ =	shalt  }
0x74: {  	_ =	shalt  }
0x75: {  	_ =	shalt  }
0x76: {  	_ =	shalt  }
0x77: {  	_ =	shalt  }
0x78: {  	_ =	shalt  }
0x79: {  	_ =	shalt  }
0x7a: {  	_ =	shalt  }
0x7b: {  	_ =	shalt  }
0x7c: {  	_ =	shalt  }
0x7d: {  	_ =	shalt  }
0x7e: {  	_ =	shalt  }
0x7f: {  	_ =	shalt  }
0x80: {  	_ =	shalt  }
0x81: {  	_ =	shalt  }
0x82: {  	_ =	shalt  }
0x83: {  	_ =	shalt  }
0x84: {  	_ =	shalt  }
0x85: {  	_ =	shalt  }
0x86: {  	_ =	shalt  }
0x87: {  	_ =	shalt  }
.Lfunc_end0:
.L_simem_size_0:
called_computation.2_lowered:
.L_overlay_start_0:
0x88: {  	s2 =	sld [smem:$0x3FD9]  }
0x89: {  	s3 =	sld [smem:$0x3FFE];
	_ =	sdelay $0x1  }
0x8a: {  	s1 =	srdreg.scid  }
0x8b: {  	s0 =	sand.u32 $0x1, s1  }
0x8c: {  	s16 =	sshll.u32 s0, $0xA;
	s2 =	sadd.s32 s3, s2  }
0x8d: {  	s2 =	sadd.s32 s2, s16  }
0x8e: {  	[smem:$0x3FBE] =	sst s2  }
0x8f: {  	_ = 	snop  }
0x90: {  	(tm) =	ssettm $0x1  }
0x91: {  	s17 =	sld [smem:$0x3FFB];
	_ =	sdelay $0x3  }
0x92: {  	_ =	strace s17  }
0x93: {  	s2 =	sld [smem:$0x3FFC];
	_ =	sdelay $0x3  }
0x94: {  	_ =	strace s2  }
0x95: {  	s2 =	sld [smem:$0x3FFD];
	_ =	sdelay $0x3  }
0x96: {  	_ =	strace s2  }
0x97: {  	_ =	strace $0x8FFFFFFF  }
0x98: {  	s18 =	sld [smem:$0x3FDB];
	_ =	sdelay $0x1  }
0x99: {  	s19 =	simm.s32 $_scs_section_size  }
0x9a: {  	s4 =	simm.s32 $_size__tile_overlayer_lowered;
	s5 =	simm.s32 $_tile_overlayer_lowered  }
0x9b: {  	s22 =	simm.s32 $0x1BFF;
	s21 =	sshll.u32 s5, $0x1;
	s2 =	sadd.s32 s19, s18  }
0x9c: {  	s6 =	simm.s32 $0x0;
	s20 =	sshll.u32 s4, $0x1;
	s4 =	sadd.s32 s21, s2  }
0x9d: {  	[timem:s6], [sflag:s22] =	dma.local [hbm:s4], s20  }
0x9e: {  	_ =	swait.ge [sflag:s22], s20  }
0x9f: {  	s3 =	ssub.s32 $0x0, s20;
	[sflag:s22] =	ssyncset.done $0x0  }
0xa0: {  	[sflag:s22] =	ssyncadd.s32 s3;
	_ =	sdelay $0x1  }
0xa1: {  	s23 =	simm.s32 $0x1B8B  }
0xa2: {  	_ =	swait.ge [sflag:s23], $0x1  }
0xa3: {  	[sflag:s23] =	ssyncset.done $0x0  }
0xa4: {  	s25 =	simm.s32 $0x1B8E;
	s24 =	sld [smem:$0x3FFE];
	[sflag:s23] =	ssyncadd.s32 $0xFFFFFFFF  }
0xa5: {  	s26 =	simm.s32 $execute0_lowered;
	[smem:$0x3FD2] =	sst s25  }
0xa6: {  	s4 =	sshll.u32 s26, $0x1;
	_ =	strace $0x8000004C;
	[dreg:$0x1] =	wrdreg $0xFFFFFFFF  }
0xa7: {  	s28 =	simm.s32 $_size_execute0_lowered;
	s2 =	sadd.s32 s2, s4;
	[dreg:$0x0] =	wrdreg $0x0  }
0xa8: {  	s4 =	sshll.u32 s28, $0x1;
	[dreg:$0x2] =	wrdreg s2  }
0xa9: {  	[dreg:$0x3] =	wrdreg s4  }
0xaa: {  	[dreg:$0x4] =	wrdreg $0xC0  }
0xab: {  	_ =	task [dreg:s6], $0x5FFFF  }
0xac: {  	[dreg:$0x1] =	wrdreg $0xFFFFFFFF  }
0xad: {  	[dreg:$0x0] =	wrdreg $0x60  }
0xae: {  	[dreg:$0x2] =	wrdreg s24  }
0xaf: {  	[dreg:$0x3] =	wrdreg $0x0  }
0xb0: {  	[dreg:$0x4] =	wrdreg $0x9  }
0xb1: {  	_ =	task.clear_ibuf [dreg:s6], $0x5FFFF;
	_ =	strace $0x9000004C  }
0xb2: {  	s29 =	simm.s32 $0x9;
	_ =	strace $0x8000004E  }
0xb3: {  	_ =	swait.ge [sflag:s29], $0x1  }
0xb4: {  	[sflag:s29] =	ssyncadd.s32 $0xFFFFFFFF  }
0xb5: {  	_ =	strace $0x9000004E  }
0xb6: {  	_ =	sfence  }
0xb7: {  	s30 =	sld [smem:$0x0];
	_ =	sdelay $0x2  }
0xb8: {  	s31 =	sshll.u32 s1, $0xD;
	s1 =	sshrl.u32 s1, $0x2  }
0xb9: {  	s3 =	sand.u32 $0x4000, s31;
	s1 =	sadd.s32 s1, s30  }
0xba: {  	s0 =	sor.u32 s3, s0;
	s1 =	sshll.u32 s1, $0x11  }
0xbb: {  	s0 =	sor.u32 s1, s0  }
0xbc: {  	s0 =	sadd.s32 $0x8F2B, s0  }
0xbd: {  	[sflag:s0] =	ssyncadd.remote.s32 $0x1  }
0xbe: {  	_ =	sfence.sel $0xFFFF  }
0xbf: {  	[dreg:$0x0] =	wrdreg $0xFFFFFFFF;
	(pc) =	sbr.abs _section_cstart, $3  }
0xc0: {  	[dreg:$0x1] =	wrdreg $0xFFFFFFFF  }
0xc1: {  	_ =	task.clear_ibuf [dreg:s6], $0x2FFFF;
	_ =	strace $0x9FFFFFFF  }
0xc2: {  	(tm) =	ssettm $0x7FFFFFFF  }
0xc3: {  	_ =	shalt  }
tec
execute0_lowered:
.L_overlay_start_1:
0x0: {  	(tag) =	ssettag $0x1  }
0x1: {  	s0 =	srdreg.scid;
	s6 =	rddreg [dreg:$0x0]  }
0x2: {  	s1 =	rddreg [dreg:$0x1];
	s24 =	stileid.u32;
	s3 =	simm.s32 $0x0  }
0x3: {  	s18 =	simm.s32 $0x13C80;
	s19 =	simm.s32 $0x3;
	s28 =	simm.s32 $0x16380  }
0x4: {  	s29 =	simm.s32 $0x16400;
	s30 =	simm.s32 $0x17780;
	s31 =	simm.s32 $0x17800  }
0x5: {  	s0 =	sand.u32 $0x1, s0;
	[smem:$0x7FF] =	sst s3;
	s12 =	sadd.s32 $0x5000, s6  }
0x6: {  	s5 =	sadd.s32 $0x19000, s6;
	s17 =	sadd.s32 $0x42A00, s6;
	s14 =	smul.u32 $0x4E000, s24  }
0x7: {  	s7 =	sadd.s32 $0x69C00, s6;
	s16 =	smul.u32 $0x2700, s24;
	s22 =	sadd.s32 $0x42800, s6  }
0x8: {  	p1 =	sne.s32 s24, $0x0;
	p2 =	seq.s32 s24, $0x0;
	s4 =	sshll.u32 s0, $0x4  }
0x9: {  	_ =	strace $0x8000004D;
	s11 =	ssub.s32 $0x2, s0;
	[dreg:$0x5] =	wrdreg s22  }
0xa: {  	[dreg:$0x3] =	wrdreg s17;
	p0 =	sne.s32 s0, $0x0;
	s22 =	simm.s32 $0x13D00  }
0xb: {  	s0 =	simm.s32 $0x0;
	s9 =	sor.u32 s24, s4;
	s4 =	sadd.s32 $0x1B800, s6  }
0xc: {  	s13 =	sshrl.u32 s11, $0x1;
	s20 =	sshrl.u32 s14, $0x2;
	s25 =	sadd.s32 s7, s16  }
0xd: {  	s26 =	sadd.s32 s17, s16;
	s8 =	smul.u32 $0x500, s9;
	s13 =	ssub.s32 s11, s13  }
0xe: {  	s15 =	smul.u32 $0x2800, s9;
	s11 =	sadd.s32 $0x138000, s1;
	[dreg:$0x6] =	wrdreg s25  }
0xf: {  	s2 =	sadd.s32 s4, s16;
	[dreg:$0x7] =	wrdreg s26;
	s25 =	simm.s32 $0x1  }
.Ltmp0:
0x10: {  	s26 =	simm.s32 $0x2;
	[dreg:$0x4] =	wrdreg s2;
	(pc) =	sbr.rel .LBB2_1-.Ltmp0, $4  }
0x11: {  	s17 =	smax.u32 s13, $0x1;
	s2 =	stileid.u32;
	s10 =	sadd.s32 s8, s6  }
0x12: {  	s8 =	sadd.s32 s12, s8;
	s21 =	sshrl.u32 s15, $0x3;
	s9 =	sadd.s32 $0xF000, s10  }
0x13: {  	s10 =	sadd.s32 s20, s1;
	s23 =	sadd.s32 s12, s21;
	s20 =	simm.s32 $0x80  }
0x14: {  	s21 =	simm.s32 $0x17880;
	s14 =	sadd.s32 $0x280, s23;
	s23 =	simm.s32 $0x1B880  }
.LBB2_14:
0x15: {  	s6 =	sadd.s32 $0x27000, s6;
	s12 =	sshrl.u32 s11, $0x3  }
0x16: {  	[hbm:s6], [sflag:s13] =	dma.local [spmem:s12], $0x100  }
0x17: {  	_ =	swait.ge [sflag:s19], $0x100  }
0x18: {  	[sflag:s19] =	ssyncset.done $0x0  }
0x19: {  	[sflag:s19] =	ssyncadd.s32 $0xFFFFFF00  }
.LBB2_15:
0x1a: {  	s0 =	sadd.s32 $0x1, s0  }
0x1b: {  	p3 =	sne.s32 s0, s17  }
.Ltmp1:
0x1c: {  	_ = 	snop;
	(pc) =	sbr.rel @!p3 .LBB2_16-.Ltmp1, $1  }
0x1d: {  	_ =	sdelay $0x3  }
.LBB2_1:
0x1e: {  	[tilespmem:s18], [sflag:$0x3] =	stream.linear.gather [hbm4b:s8+s3], $0x1400, $0x38;
	[tilespmem:$0x1F880] =	vst v63  }
0x1f: {  	_ =	swait.ge [sflag:s19], $0x1400  }
0x20: {  	[sflag:s19] =	ssyncset.done $0x0  }
0x21: {  	[sflag:s19] =	ssyncadd.s32 $0xFFFFEC00  }
0x22: {  	[tilespmem:s21], [sflag:$0x1] =	stream.indirect.gather [hbm4b:s4+s20], $0x80, s18, s20, $0xb8;
	[tilespmem:$0x1F880] =	vst v63  }
0x23: {  	_ = 	snop  }
0x24: {  	[tilespmem:s23], [sflag:$0x2] =	stream.indirect.gather [hbm4b:s4+s20], $0x80, s22, s20, $0xb8;
	[tilespmem:$0x1F880] =	vst v63  }
.Ltmp2:
0x25: {  	s6 =	simm.s32 $0x15080;
	(pc) =	sbr.rel @p0 .LBB2_4-.Ltmp2, $4  }
0x26: {  	[tilespmem:s6], [sflag:$0x3] =	stream.linear.gather [hbm4b:s9+s3], $0x2800, $0x38;
	[tilespmem:$0x1F880] =	vst v63  }
0x27: {  	_ =	swait.ge [sflag:s19], $0x2800  }
0x28: {  	s15 =	sshll.u32 s2, $0x6;
	[sflag:s19] =	ssyncset.done $0x0  }
0x29: {  	s12 =	sshrl.u32 s10, $0x3;
	s13 =	sor.u32 $0x1C03, s15;
	[sflag:s19] =	ssyncadd.s32 $0xFFFFD800  }
.Ltmp3:
0x2a: {  	s16 =	sor.u32 $0x1C03, s15;
	s6 =	rddreg [dreg:$0x4];
	(pc) =	sbr.rel @p1 .LBB2_7-.Ltmp3, $4  }
0x2b: {  	[spmem:s12], [sflag:s16] =	dma.local [hbm:s6], $0x2700  }
0x2c: {  	_ =	swait.ge [sflag:s19], $0x2700  }
0x2d: {  	[sflag:s19] =	ssyncset.done $0x0  }
0x2e: {  	[sflag:s19] =	ssyncadd.s32 $0xFFFFD900  }
.Ltmp4:
0x2f: {  	(pc) =	sbr.rel .LBB2_6-.Ltmp4, $3  }
0x30: {  	_ =	sdelay $0x1  }
0x31: {  	s6 =	sshrl.u32 s11, $0x3;
	s24 =	rddreg [dreg:$0x5]  }
0x32: {  	[spmem:s6], [sflag:s16] =	dma.local [hbm:s24], $0x100  }
.LBB2_4:
.Ltmp5:
0x33: {  	(pc) =	sbr.rel @p1 .LBB2_7-.Ltmp5, $4  }
0x34: {  	[spmem:s12], [sflag:s13] =	dma.local [hbm:s5], $0x2700  }
0x35: {  	_ =	swait.ge [sflag:s19], $0x2700  }
0x36: {  	[sflag:s19] =	ssyncset.done $0x0  }
0x37: {  	[sflag:s19] =	ssyncadd.s32 $0xFFFFD900  }
0x38: {  	s6 =	sshrl.u32 s11, $0x3  }
0x39: {  	[spmem:s6], [sflag:s13] =	dma.local [hbm:s5], $0x100  }
.LBB2_6:
0x3a: {  	_ =	swait.ge [sflag:s19], $0x100  }
0x3b: {  	[sflag:s19] =	ssyncset.done $0x0  }
0x3c: {  	[sflag:s19] =	ssyncadd.s32 $0xFFFFFF00  }
.LBB2_7:
0x3d: {  	[bflag:$0x0] =	sbarrier.arrive $0xFFFF  }
0x3e: {  	_ =	swait.ge [sflag:s25], $0x4000  }
0x3f: {  	[sflag:s25] =	ssyncset.done $0x0  }
0x40: {  	s6 =	simm.s32 $0x15080;
	[sflag:s25] =	ssyncadd.s32 $0xFFFFC000  }
0x41: {  	[spmem:s1] =	stream.indirect.scatter.add.f32 [tilespmem:s21], [sflag:$0x3], $0x80, s6, s20, $0xb8;
	[tilespmem:$0x1F880] =	vst v63  }
0x42: {  	_ =	swait.ge [sflag:s19], $0x4000  }
0x43: {  	[sflag:s19] =	ssyncset.done $0x0  }
0x44: {  	s16 =	simm.s32 $0x13D80;
	[sflag:s19] =	ssyncadd.s32 $0xFFFFC000  }
0x45: {  	[tilespmem:s21], [sflag:$0x1] =	stream.indirect.gather [hbm4b:s4+s20], $0x80, s16, s20, $0xb8;
	[tilespmem:$0x1F880] =	vst v63  }
0x46: {  	_ =	swait.ge [sflag:s26], $0x4000  }
0x47: {  	[sflag:s26] =	ssyncset.done $0x0  }
0x48: {  	s24 =	simm.s32 $0x15100;
	[sflag:s26] =	ssyncadd.s32 $0xFFFFC000  }
0x49: {  	[spmem:s1] =	stream.indirect.scatter.add.f32 [tilespmem:s23], [sflag:$0x3], $0x80, s24, s20, $0xb8;
	[tilespmem:$0x1F880] =	vst v63  }
0x4a: {  	_ =	swait.ge [sflag:s19], $0x4000  }
0x4b: {  	[sflag:s19] =	ssyncset.done $0x0  }
0x4c: {  	s6 =	simm.s32 $0x13E00;
	s16 =	simm.s32 $0x400;
	[sflag:s19] =	ssyncadd.s32 $0xFFFFC000  }
.LBB2_8:
0x4d: {  	[tilespmem:s23], [sflag:$0x2] =	stream.indirect.gather [hbm4b:s4+s20], $0x80, s6, s20, $0xb8;
	[tilespmem:$0x1F880] =	vst v63  }
0x4e: {  	s6 =	smov.u32 s16  }
0x4f: {  	p3 =	sne.s32 s16, $0x4800;
	s16 =	sadd.s32 $0x400, s16;
	_ =	swait.ge [sflag:s25], $0x4000  }
0x50: {  	s6 =	sshra.s32 s6, $0x2;
	[sflag:s25] =	ssyncset.done $0x0  }
0x51: {  	s24 =	sadd.s32 $0x15080, s6;
	[sflag:s25] =	ssyncadd.s32 $0xFFFFC000  }
0x52: {  	[spmem:s1] =	stream.indirect.scatter.add.f32 [tilespmem:s21], [sflag:$0x3], $0x80, s24, s20, $0xb8;
	[tilespmem:$0x1F880] =	vst v63  }
0x53: {  	_ =	swait.ge [sflag:s19], $0x4000  }
0x54: {  	[sflag:s19] =	ssyncset.done $0x0  }
0x55: {  	s24 =	sadd.s32 $0x13D80, s6;
	[sflag:s19] =	ssyncadd.s32 $0xFFFFC000  }
0x56: {  	[tilespmem:s21], [sflag:$0x1] =	stream.indirect.gather [hbm4b:s4+s20], $0x80, s24, s20, $0xb8;
	[tilespmem:$0x1F880] =	vst v63  }
0x57: {  	_ =	swait.ge [sflag:s26], $0x4000  }
0x58: {  	[sflag:s26] =	ssyncset.done $0x0  }
.Ltmp6:
0x59: {  	s24 =	sadd.s32 $0x15100, s6;
	[sflag:s26] =	ssyncadd.s32 $0xFFFFC000;
	(pc) =	sbr.rel @p3 .LBB2_8-.Ltmp6, $4  }
0x5a: {  	[spmem:s1] =	stream.indirect.scatter.add.f32 [tilespmem:s23], [sflag:$0x3], $0x80, s24, s20, $0xb8;
	[tilespmem:$0x1F880] =	vst v63  }
0x5b: {  	_ =	swait.ge [sflag:s19], $0x4000  }
0x5c: {  	[sflag:s19] =	ssyncset.done $0x0  }
0x5d: {  	s6 =	sadd.s32 $0x13E00, s6;
	[sflag:s19] =	ssyncadd.s32 $0xFFFFC000  }
0x5e: {  	[tilespmem:s23], [sflag:$0x2] =	stream.indirect.gather [hbm4b:s4+s20], $0x80, s6, s20, $0xb8;
	[tilespmem:$0x1F880] =	vst v63  }
0x5f: {  	_ =	swait.ge [sflag:s25], $0x4000  }
0x60: {  	[sflag:s25] =	ssyncset.done $0x0  }
0x61: {  	[sflag:s25] =	ssyncadd.s32 $0xFFFFC000  }
0x62: {  	[spmem:s1] =	stream.indirect.scatter.add.f32 [tilespmem:s21], [sflag:$0x3], $0x80, s28, s20, $0xb8;
	[tilespmem:$0x1F880] =	vst v63  }
0x63: {  	_ =	swait.ge [sflag:s19], $0x4000  }
0x64: {  	[sflag:s19] =	ssyncset.done $0x0  }
0x65: {  	[sflag:s19] =	ssyncadd.s32 $0xFFFFC000  }
0x66: {  	_ =	swait.ge [sflag:s26], $0x4000  }
0x67: {  	[sflag:s26] =	ssyncset.done $0x0  }
0x68: {  	[sflag:s26] =	ssyncadd.s32 $0xFFFFC000  }
0x69: {  	[spmem:s1] =	stream.indirect.scatter.add.f32 [tilespmem:s23], [sflag:$0x3], $0x80, s29, s20, $0xb8;
	[tilespmem:$0x1F880] =	vst v63  }
0x6a: {  	_ =	swait.ge [sflag:s19], $0x4000  }
0x6b: {  	[sflag:s19] =	ssyncset.done $0x0  }
0x6c: {  	[sflag:s19] =	ssyncadd.s32 $0xFFFFC000  }
0x6d: {  	[tilespmem:s18], [sflag:$0x3] =	stream.linear.gather [hbm4b:s14+s3], $0x1400, $0x38;
	[tilespmem:$0x1F880] =	vst v63  }
0x6e: {  	_ =	swait.ge [sflag:s19], $0x1400  }
0x6f: {  	[sflag:s19] =	ssyncset.done $0x0  }
0x70: {  	[sflag:s19] =	ssyncadd.s32 $0xFFFFEC00  }
0x71: {  	[tilespmem:s21], [sflag:$0x1] =	stream.indirect.gather [hbm4b:s4+s20], $0x80, s18, s20, $0xb8;
	[tilespmem:$0x1F880] =	vst v63  }
0x72: {  	_ = 	snop  }
0x73: {  	[tilespmem:s23], [sflag:$0x2] =	stream.indirect.gather [hbm4b:s4+s20], $0x80, s22, s20, $0xb8;
	[tilespmem:$0x1F880] =	vst v63  }
0x74: {  	_ =	swait.ge [sflag:s25], $0x4000  }
0x75: {  	[sflag:s25] =	ssyncset.done $0x0  }
0x76: {  	s24 =	simm.s32 $0x16480;
	[sflag:s25] =	ssyncadd.s32 $0xFFFFC000  }
0x77: {  	[spmem:s1] =	stream.indirect.scatter.add.f32 [tilespmem:s21], [sflag:$0x3], $0x80, s24, s20, $0xb8;
	[tilespmem:$0x1F880] =	vst v63  }
0x78: {  	_ =	swait.ge [sflag:s19], $0x4000  }
0x79: {  	[sflag:s19] =	ssyncset.done $0x0  }
0x7a: {  	s16 =	simm.s32 $0x13D80;
	[sflag:s19] =	ssyncadd.s32 $0xFFFFC000  }
0x7b: {  	[tilespmem:s21], [sflag:$0x1] =	stream.indirect.gather [hbm4b:s4+s20], $0x80, s16, s20, $0xb8;
	[tilespmem:$0x1F880] =	vst v63  }
0x7c: {  	_ =	swait.ge [sflag:s26], $0x4000  }
0x7d: {  	[sflag:s26] =	ssyncset.done $0x0  }
0x7e: {  	s24 =	simm.s32 $0x16500;
	[sflag:s26] =	ssyncadd.s32 $0xFFFFC000  }
0x7f: {  	[spmem:s1] =	stream.indirect.scatter.add.f32 [tilespmem:s23], [sflag:$0x3], $0x80, s24, s20, $0xb8;
	[tilespmem:$0x1F880] =	vst v63  }
0x80: {  	_ =	swait.ge [sflag:s19], $0x4000  }
0x81: {  	[sflag:s19] =	ssyncset.done $0x0  }
0x82: {  	s6 =	simm.s32 $0x13E00;
	s16 =	simm.s32 $0xFFFFB800;
	[sflag:s19] =	ssyncadd.s32 $0xFFFFC000  }
.LBB2_10:
0x83: {  	[tilespmem:s23], [sflag:$0x2] =	stream.indirect.gather [hbm4b:s4+s20], $0x80, s6, s20, $0xb8;
	[tilespmem:$0x1F880] =	vst v63  }
0x84: {  	s6 =	smov.u32 s16  }
0x85: {  	p3 =	sne.s32 s16, $0xFFFFFC00;
	s16 =	sadd.s32 $0x400, s16;
	_ =	swait.ge [sflag:s25], $0x4000  }
0x86: {  	s6 =	sshra.s32 s6, $0x2;
	[sflag:s25] =	ssyncset.done $0x0  }
0x87: {  	s24 =	sadd.s32 $0x17780, s6;
	[sflag:s25] =	ssyncadd.s32 $0xFFFFC000  }
0x88: {  	[spmem:s1] =	stream.indirect.scatter.add.f32 [tilespmem:s21], [sflag:$0x3], $0x80, s24, s20, $0xb8;
	[tilespmem:$0x1F880] =	vst v63  }
0x89: {  	_ =	swait.ge [sflag:s19], $0x4000  }
0x8a: {  	[sflag:s19] =	ssyncset.done $0x0  }
0x8b: {  	s24 =	sadd.s32 $0x15080, s6;
	[sflag:s19] =	ssyncadd.s32 $0xFFFFC000  }
0x8c: {  	[tilespmem:s21], [sflag:$0x1] =	stream.indirect.gather [hbm4b:s4+s20], $0x80, s24, s20, $0xb8;
	[tilespmem:$0x1F880] =	vst v63  }
0x8d: {  	_ =	swait.ge [sflag:s26], $0x4000  }
0x8e: {  	[sflag:s26] =	ssyncset.done $0x0  }
.Ltmp7:
0x8f: {  	s24 =	sadd.s32 $0x17800, s6;
	[sflag:s26] =	ssyncadd.s32 $0xFFFFC000;
	(pc) =	sbr.rel @p3 .LBB2_10-.Ltmp7, $4  }
0x90: {  	[spmem:s1] =	stream.indirect.scatter.add.f32 [tilespmem:s23], [sflag:$0x3], $0x80, s24, s20, $0xb8;
	[tilespmem:$0x1F880] =	vst v63  }
0x91: {  	_ =	swait.ge [sflag:s19], $0x4000  }
0x92: {  	[sflag:s19] =	ssyncset.done $0x0  }
0x93: {  	s6 =	sadd.s32 $0x15100, s6;
	[sflag:s19] =	ssyncadd.s32 $0xFFFFC000  }
0x94: {  	[tilespmem:s23], [sflag:$0x2] =	stream.indirect.gather [hbm4b:s4+s20], $0x80, s6, s20, $0xb8;
	[tilespmem:$0x1F880] =	vst v63  }
0x95: {  	_ =	swait.ge [sflag:s25], $0x4000  }
0x96: {  	[sflag:s25] =	ssyncset.done $0x0  }
0x97: {  	[sflag:s25] =	ssyncadd.s32 $0xFFFFC000  }
0x98: {  	[spmem:s1] =	stream.indirect.scatter.add.f32 [tilespmem:s21], [sflag:$0x3], $0x80, s30, s20, $0xb8;
	[tilespmem:$0x1F880] =	vst v63  }
0x99: {  	_ =	swait.ge [sflag:s19], $0x4000  }
0x9a: {  	[sflag:s19] =	ssyncset.done $0x0  }
0x9b: {  	[sflag:s19] =	ssyncadd.s32 $0xFFFFC000  }
0x9c: {  	_ =	swait.ge [sflag:s26], $0x4000  }
0x9d: {  	[sflag:s26] =	ssyncset.done $0x0  }
0x9e: {  	[sflag:s26] =	ssyncadd.s32 $0xFFFFC000  }
0x9f: {  	[spmem:s1] =	stream.indirect.scatter.add.f32 [tilespmem:s23], [sflag:$0x3], $0x80, s31, s20, $0xb8;
	[tilespmem:$0x1F880] =	vst v63  }
.Ltmp8:
0xa0: {  	_ =	swait.ge [sflag:s19], $0x4000;
	(pc) =	sbr.rel @p0 .LBB2_13-.Ltmp8, $3  }
0xa1: {  	[sflag:s19] =	ssyncset.done $0x0  }
0xa2: {  	[sflag:s19] =	ssyncadd.s32 $0xFFFFC000  }
0xa3: {  	[bflag:$0x0] =	sbarrier.arrive $0xFFFF;
	_ =	sdelay $0x1  }
0xa4: {  	s13 =	sor.u32 $0x1C03, s15;
	s6 =	rddreg [dreg:$0x7]  }
0xa5: {  	[hbm:s6], [sflag:s13] =	dma.local [spmem:s12], $0x2700  }
.Ltmp9:
0xa6: {  	_ = 	snop;
	(pc) =	sbr.rel @!p2 .LBB2_15-.Ltmp9, $4  }
.Ltmp10:
0xa7: {  	_ = 	snop;
	(pc) =	sbr.rel @p2 .LBB2_14-.Ltmp10, $4  }
0xa8: {  	_ =	swait.ge [sflag:s19], $0x2700  }
0xa9: {  	[sflag:s19] =	ssyncset.done $0x0  }
0xaa: {  	s6 =	rddreg [dreg:$0x3];
	[sflag:s19] =	ssyncadd.s32 $0xFFFFD900  }
0xab: {  	_ = 	snop  }
.LBB2_13:
0xac: {  	s6 =	rddreg [dreg:$0x6]  }
0xad: {  	[hbm:s6], [sflag:s13] =	dma.local [spmem:s12], $0x2700  }
.Ltmp11:
0xae: {  	_ = 	snop;
	(pc) =	sbr.rel @p1 .LBB2_15-.Ltmp11, $4  }
.Ltmp12:
0xaf: {  	_ = 	snop;
	(pc) =	sbr.rel @!p1 .LBB2_14-.Ltmp12, $4  }
0xb0: {  	_ =	swait.ge [sflag:s19], $0x2700  }
0xb1: {  	[sflag:s19] =	ssyncset.done $0x0  }
0xb2: {  	s6 =	smov.u32 s7;
	[sflag:s19] =	ssyncadd.s32 $0xFFFFD900  }
0xb3: {  	_ = 	snop  }
.LBB2_16:
0xb4: {  	_ =	sfence.sel $0x180000  }
0xb5: {  	[bflag:$0x0] =	sbarrier.arrive $0xFFFF  }
0xb6: {  	_ =	strace $0x9000004D  }
0xb7: {  	[bflag:$0x2] =	sbarrier.arrive $0xFFFF  }
0xb8: {  	s0 =	rddreg [dreg:$0x2]  }
0xb9: {  	s0 =	sadd.s32 @!p1 $0x100000, s0  }
0xba: {  	[sflag:s0] =	ssyncadd.tile.s32 @!p1 $0x1;
	_ =	shalt  }
.Lfunc_end2:
_tile_overlayer_lowered:
.L_overlay_start_2:
0xbb: {  	(tag) =	ssettag $0x2  }
0xbc: {  	s0 =	rddreg [dreg:$0x0];
	s2 =	stileid.u32  }
0xbd: {  	s1 =	rddreg [dreg:$0x1];
	p0 =	sne.s32 s2, $0x0  }
0xbe: {  	s3 =	rddreg [dreg:$0x2];
	[bflag:$0x3] =	sbarrier.arrive $0xFFFF;
	s2 =	simm.s32 @!p0 $0x1C03  }
0xbf: {  	[timem:s3], [sflag:s2] =	dma.local @!p0 [hbm:s0], s1  }
0xc0: {  	s0 =	simm.s32 @!p0 $0x3  }
0xc1: {  	_ =	swait.ge @!p0 [sflag:s0], s1  }
0xc2: {  	s1 =	ssub.s32 @!p0 $0x0, s1;
	[sflag:s0] =	ssyncset.done @!p0 $0x0  }
0xc3: {  	[sflag:s0] =	ssyncadd.s32 @!p0 s1  }
0xc4: {  	[bflag:$0x3] =	sbarrier.arrive $0xFFFF  }
0xc5: {  	_ =	shalt  }

// kernel: kernel.19.cloned.1.call-start
scs
__scs_entry_jumppad:
0x0: {  	(pc) =	sbr.rel $0x88, $3  }
0x1: {  	(tag) =	ssettag $0x0;
	lr =	simm.s32 $0x1  }
0x2: {  	[smem:$0x3F97] =	sst lr;
	_ =	strace $0xD0000000  }
0x3: {  	_ = 	snop  }
0x4: {  	_ = 	snop  }
0x5: {  	_ = 	snop  }
0x6: {  	_ = 	snop  }
0x7: {  	_ = 	snop  }
__scs_overlays_trampoline_lowered:
0x8: {  	[smem:$0x3FA6] =	sst s0  }
0x9: {  	[smem:$0x3FA7] =	sst s1  }
0xa: {  	[smem:$0x3FA8] =	sst s2  }
0xb: {  	[smem:$0x3FA9] =	sst s3  }
0xc: {  	[smem:$0x3FAA] =	sst s4  }
0xd: {  	[smem:$0x3FAB] =	sst s5  }
0xe: {  	[smem:$0x3FAC] =	sst s6  }
0xf: {  	[smem:$0x3FAD] =	sst s7  }
0x10: {  	[smem:$0x3FAE] =	sst s8  }
0x11: {  	[smem:$0x3FAF] =	sst s9;
	s0 =	simm.s32 @!p0 $0x0  }
0x12: {  	s1 =	sld [smem:$0x3F95];
	s0 =	simm.s32 @p0 $0x1  }
0x13: {  	[smem:$0x3FB0] =	sst s0;
	s0 =	simm.s32 @!p1 $0x0  }
0x14: {  	s2 =	sld [smem:$0x3F94];
	s0 =	simm.s32 @p1 $0x1  }
0x15: {  	[smem:$0x3FB1] =	sst s0;
	s0 =	simm.s32 @!p2 $0x0  }
0x16: {  	s3 =	sld [smem:$0x3FDB];
	s0 =	simm.s32 @p2 $0x1  }
0x17: {  	s4 =	simm.s32 $0x1BF5;
	[smem:$0x3FB3] =	sst s0  }
0x18: {  	s0 =	sld [smem:$0x3F96];
	_ =	swait.ge [sflag:s4], $0x0  }
0x19: {  	s7 =	sld [smem:$0x3F97]  }
0x1a: {  	s8 =	sadd.s32 $0xFFFFE003, lr  }
0x1b: {  	s9 =	sadd.s32 $0xFFFFFEF7, lr;
	s5 =	simm.s32 $0xFFFFFFFF;
	p2 =	slt.u32 s8, $0xFFFFF086  }
0x1c: {  	p1 =	slt.u32 s9, $0xF7A;
	s5 =	simm.s32 @!p2 $0x0  }
0x1d: {  	s5 =	simm.s32 @p1 $0x1;
	p0 =	seq.s32 s7, s2  }
0x1e: {  	s7 =	smul.u32 @!p0 $0xF7A, s2;
	p2 =	seq.s32 @!p0 s5, $0x0  }
0x1f: {  	s9 =	smul.u32 $0xF7A, s1;
	s8 =	simm.s32 @!p0 $0x1BF5;
	p2 =	por !p2, p0  }
0x20: {  	[sflag:s8] =	ssyncset.s32 @!p0 $0xFFFFF086;
	s6 =	sadd.s32 @!p0 s3, s7;
	s7 =	simm.s32 @!p0 $0x108  }
0x21: {  	s3 =	sadd.s32 s3, s9;
	s6 =	sadd.s32 @!p0 $0x88, s6;
	s7 =	simm.s32 @p2 $0x1082  }
0x22: {  	[simem:s7], [sflag:s8] =	dma.local @!p0 [hbm:s6], $0xF7A  }
0x23: {  	s9 =	sor.u32 $0xD0000000, s2;
	s6 =	simm.s32 $0x108;
	_ =	swait.ge @!p0 [sflag:s8], $0x0  }
0x24: {  	s3 =	sadd.s32 $0x88, s3;
	s6 =	simm.s32 @!p1 $0x1082;
	[sflag:s4] =	ssyncset.s32 $0xFFFFF086  }
0x25: {  	[simem:s6], [sflag:s4] =	dma.local [hbm:s3], $0xF7A  }
0x26: {  	[smem:$0x3F97] =	sst s1;
	(tag) =	ssettag s2;
	_ =	strace s9  }
0x27: {  	s1 =	sld [smem:$0x3FA7]  }
0x28: {  	s2 =	sld [smem:$0x3FA8]  }
0x29: {  	s4 =	sld [smem:$0x3FAA]  }
0x2a: {  	p0 =	seq.s32 s5, $0x0;
	s5 =	sld [smem:$0x3FAB]  }
0x2b: {  	s6 =	sld [smem:$0x3FAC]  }
0x2c: {  	s7 =	sld [smem:$0x3FAD]  }
0x2d: {  	s3 =	simm.s32 $0x108;
	s8 =	sld [smem:$0x3FAE]  }
0x2e: {  	s3 =	simm.s32 @!p0 $0x1082;
	s9 =	sld [smem:$0x3FAF]  }
0x2f: {  	lr =	sadd.s32 s0, s3;
	s0 =	sld [smem:$0x3FA6]  }
0x30: {  	s3 =	sld [smem:$0x3FA9]  }
0x31: {  	[smem:$0x3FB2] =	sst s10  }
0x32: {  	s10 =	sld [smem:$0x3FB0];
	_ =	sdelay $0x3  }
0x33: {  	p0 =	seq.s32 s10, $0x1;
	s10 =	sld [smem:$0x3FB2];
	_ =	sdelay $0x3  }
0x34: {  	[smem:$0x3FB2] =	sst s10  }
0x35: {  	s10 =	sld [smem:$0x3FB1];
	_ =	sdelay $0x3  }
0x36: {  	p1 =	seq.s32 s10, $0x1;
	s10 =	sld [smem:$0x3FB2];
	_ =	sdelay $0x3  }
0x37: {  	[smem:$0x3FB2] =	sst s10  }
0x38: {  	s10 =	sld [smem:$0x3FB3]  }
0x39: {  	_ = 	snop;
	(pc) =	sbr.ind lr, $3  }
0x3a: {  	_ = 	snop  }
0x3b: {  	_ = 	snop  }
0x3c: {  	p2 =	seq.s32 s10, $0x1;
	s10 =	sld [smem:$0x3FB2]  }
0x3d: {  	_ =	shalt  }
0x3e: {  	_ =	shalt  }
0x3f: {  	_ =	shalt  }
0x40: {  	_ =	shalt  }
0x41: {  	_ =	shalt  }
0x42: {  	_ =	shalt  }
0x43: {  	_ =	shalt  }
0x44: {  	_ =	shalt  }
0x45: {  	_ =	shalt  }
0x46: {  	_ =	shalt  }
0x47: {  	_ =	shalt  }
0x48: {  	_ =	shalt  }
0x49: {  	_ =	shalt  }
0x4a: {  	_ =	shalt  }
0x4b: {  	_ =	shalt  }
0x4c: {  	_ =	shalt  }
0x4d: {  	_ =	shalt  }
0x4e: {  	_ =	shalt  }
0x4f: {  	_ =	shalt  }
0x50: {  	_ =	shalt  }
0x51: {  	_ =	shalt  }
0x52: {  	_ =	shalt  }
0x53: {  	_ =	shalt  }
0x54: {  	_ =	shalt  }
0x55: {  	_ =	shalt  }
0x56: {  	_ =	shalt  }
0x57: {  	_ =	shalt  }
0x58: {  	_ =	shalt  }
0x59: {  	_ =	shalt  }
0x5a: {  	_ =	shalt  }
0x5b: {  	_ =	shalt  }
0x5c: {  	_ =	shalt  }
0x5d: {  	_ =	shalt  }
0x5e: {  	_ =	shalt  }
0x5f: {  	_ =	shalt  }
0x60: {  	_ =	shalt  }
0x61: {  	_ =	shalt  }
0x62: {  	_ =	shalt  }
0x63: {  	_ =	shalt  }
0x64: {  	_ =	shalt  }
0x65: {  	_ =	shalt  }
0x66: {  	_ =	shalt  }
0x67: {  	_ =	shalt  }
0x68: {  	_ =	shalt  }
0x69: {  	_ =	shalt  }
0x6a: {  	_ =	shalt  }
0x6b: {  	_ =	shalt  }
0x6c: {  	_ =	shalt  }
0x6d: {  	_ =	shalt  }
0x6e: {  	_ =	shalt  }
0x6f: {  	_ =	shalt  }
0x70: {  	_ =	shalt  }
0x71: {  	_ =	shalt  }
0x72: {  	_ =	shalt  }
0x73: {  	_ =	shalt  }
0x74: {  	_ =	shalt  }
0x75: {  	_ =	shalt  }
0x76: {  	_ =	shalt  }
0x77: {  	_ =	shalt  }
0x78: {  	_ =	shalt  }
0x79: {  	_ =	shalt  }
0x7a: {  	_ =	shalt  }
0x7b: {  	_ =	shalt  }
0x7c: {  	_ =	shalt  }
0x7d: {  	_ =	shalt  }
0x7e: {  	_ =	shalt  }
0x7f: {  	_ =	shalt  }
0x80: {  	_ =	shalt  }
0x81: {  	_ =	shalt  }
0x82: {  	_ =	shalt  }
0x83: {  	_ =	shalt  }
0x84: {  	_ =	shalt  }
0x85: {  	_ =	shalt  }
0x86: {  	_ =	shalt  }
0x87: {  	_ =	shalt  }
.Lfunc_end0:
.L_simem_size_0:
called_computation.3_lowered:
.L_overlay_start_0:
0x88: {  	s2 =	sld [smem:$0x3FD9]  }
0x89: {  	s3 =	sld [smem:$0x3FFE];
	_ =	sdelay $0x1  }
0x8a: {  	s1 =	srdreg.scid  }
0x8b: {  	s0 =	sand.u32 $0x1, s1  }
0x8c: {  	s16 =	sshll.u32 s0, $0xA;
	s2 =	sadd.s32 s3, s2  }
0x8d: {  	s2 =	sadd.s32 s2, s16  }
0x8e: {  	[smem:$0x3FBE] =	sst s2  }
0x8f: {  	_ = 	snop  }
0x90: {  	(tm) =	ssettm $0x1  }
0x91: {  	s17 =	sld [smem:$0x3FFB];
	_ =	sdelay $0x3  }
0x92: {  	_ =	strace s17  }
0x93: {  	s2 =	sld [smem:$0x3FFC];
	_ =	sdelay $0x3  }
0x94: {  	_ =	strace s2  }
0x95: {  	s2 =	sld [smem:$0x3FFD];
	_ =	sdelay $0x3  }
0x96: {  	_ =	strace s2  }
0x97: {  	_ =	strace $0x8FFFFFFF  }
0x98: {  	s18 =	sld [smem:$0x3FDB];
	_ =	sdelay $0x1  }
0x99: {  	s19 =	simm.s32 $_scs_section_size  }
0x9a: {  	s4 =	simm.s32 $_size__tile_overlayer_lowered;
	s5 =	simm.s32 $_tile_overlayer_lowered  }
0x9b: {  	s22 =	simm.s32 $0x1BFF;
	s21 =	sshll.u32 s5, $0x1;
	s2 =	sadd.s32 s19, s18  }
0x9c: {  	s6 =	simm.s32 $0x0;
	s20 =	sshll.u32 s4, $0x1;
	s4 =	sadd.s32 s21, s2  }
0x9d: {  	[timem:s6], [sflag:s22] =	dma.local [hbm:s4], s20  }
0x9e: {  	_ =	swait.ge [sflag:s22], s20  }
0x9f: {  	s3 =	ssub.s32 $0x0, s20;
	[sflag:s22] =	ssyncset.done $0x0  }
0xa0: {  	[sflag:s22] =	ssyncadd.s32 s3;
	_ =	sdelay $0x1  }
0xa1: {  	s23 =	simm.s32 $0x1B8B  }
0xa2: {  	_ =	swait.ge [sflag:s23], $0x1  }
0xa3: {  	[sflag:s23] =	ssyncset.done $0x0  }
0xa4: {  	s25 =	simm.s32 $0x1B8E;
	s24 =	sld [smem:$0x3FFE];
	[sflag:s23] =	ssyncadd.s32 $0xFFFFFFFF  }
0xa5: {  	s26 =	simm.s32 $execute0_lowered;
	[smem:$0x3FD2] =	sst s25  }
0xa6: {  	s4 =	sshll.u32 s26, $0x1;
	_ =	strace $0x8000004F;
	[dreg:$0x1] =	wrdreg $0xFFFFFFFF  }
0xa7: {  	s28 =	simm.s32 $_size_execute0_lowered;
	s2 =	sadd.s32 s2, s4;
	[dreg:$0x0] =	wrdreg $0x0  }
0xa8: {  	s4 =	sshll.u32 s28, $0x1;
	[dreg:$0x2] =	wrdreg s2  }
0xa9: {  	[dreg:$0x3] =	wrdreg s4  }
0xaa: {  	[dreg:$0x4] =	wrdreg $0xC0  }
0xab: {  	_ =	task [dreg:s6], $0x5FFFF  }
0xac: {  	[dreg:$0x1] =	wrdreg $0xFFFFFFFF  }
0xad: {  	[dreg:$0x0] =	wrdreg $0x60  }
0xae: {  	[dreg:$0x2] =	wrdreg s24  }
0xaf: {  	[dreg:$0x3] =	wrdreg $0x0  }
0xb0: {  	[dreg:$0x4] =	wrdreg $0x9  }
0xb1: {  	_ =	task.clear_ibuf [dreg:s6], $0x5FFFF;
	_ =	strace $0x9000004F  }
0xb2: {  	s29 =	simm.s32 $0x9;
	_ =	strace $0x80000051  }
0xb3: {  	_ =	swait.ge [sflag:s29], $0x1  }
0xb4: {  	[sflag:s29] =	ssyncadd.s32 $0xFFFFFFFF  }
0xb5: {  	_ =	strace $0x90000051  }
0xb6: {  	_ =	sfence  }
0xb7: {  	s30 =	sld [smem:$0x0];
	_ =	sdelay $0x2  }
0xb8: {  	s31 =	sshll.u32 s1, $0xD;
	s1 =	sshrl.u32 s1, $0x2  }
0xb9: {  	s3 =	sand.u32 $0x4000, s31;
	s1 =	sadd.s32 s1, s30  }
0xba: {  	s0 =	sor.u32 s3, s0;
	s1 =	sshll.u32 s1, $0x11  }
0xbb: {  	s0 =	sor.u32 s1, s0  }
0xbc: {  	s0 =	sadd.s32 $0x8F2B, s0  }
0xbd: {  	[sflag:s0] =	ssyncadd.remote.s32 $0x1  }
0xbe: {  	_ =	sfence.sel $0xFFFF  }
0xbf: {  	[dreg:$0x0] =	wrdreg $0xFFFFFFFF;
	(pc) =	sbr.abs _section_cstart, $3  }
0xc0: {  	[dreg:$0x1] =	wrdreg $0xFFFFFFFF  }
0xc1: {  	_ =	task.clear_ibuf [dreg:s6], $0x2FFFF;
	_ =	strace $0x9FFFFFFF  }
0xc2: {  	(tm) =	ssettm $0x7FFFFFFF  }
0xc3: {  	_ =	shalt  }
tec
execute0_lowered:
.L_overlay_start_1:
0x0: {  	(tag) =	ssettag $0x1  }
0x1: {  	s0 =	srdreg.scid;
	s6 =	rddreg [dreg:$0x0]  }
0x2: {  	s1 =	rddreg [dreg:$0x1];
	s24 =	stileid.u32;
	s3 =	simm.s32 $0x0  }
0x3: {  	s18 =	simm.s32 $0x13C80;
	s19 =	simm.s32 $0x3;
	s28 =	simm.s32 $0x16380  }
0x4: {  	s29 =	simm.s32 $0x16400;
	s30 =	simm.s32 $0x17780;
	s31 =	simm.s32 $0x17800  }
0x5: {  	s0 =	sand.u32 $0x1, s0;
	[smem:$0x7FF] =	sst s3;
	s12 =	sadd.s32 $0x5000, s6  }
0x6: {  	s5 =	sadd.s32 $0x19000, s6;
	s17 =	sadd.s32 $0x42A00, s6;
	s14 =	smul.u32 $0x4E000, s24  }
0x7: {  	s7 =	sadd.s32 $0x69C00, s6;
	s16 =	smul.u32 $0x2700, s24;
	s22 =	sadd.s32 $0x42800, s6  }
0x8: {  	p1 =	sne.s32 s24, $0x0;
	p2 =	seq.s32 s24, $0x0;
	s4 =	sshll.u32 s0, $0x4  }
0x9: {  	_ =	strace $0x80000050;
	s11 =	ssub.s32 $0x2, s0;
	[dreg:$0x5] =	wrdreg s22  }
0xa: {  	[dreg:$0x3] =	wrdreg s17;
	p0 =	sne.s32 s0, $0x0;
	s22 =	simm.s32 $0x13D00  }
0xb: {  	s0 =	simm.s32 $0x0;
	s9 =	sor.u32 s24, s4;
	s4 =	sadd.s32 $0x1B800, s6  }
0xc: {  	s13 =	sshrl.u32 s11, $0x1;
	s20 =	sshrl.u32 s14, $0x2;
	s25 =	sadd.s32 s7, s16  }
0xd: {  	s26 =	sadd.s32 s17, s16;
	s8 =	smul.u32 $0x500, s9;
	s13 =	ssub.s32 s11, s13  }
0xe: {  	s15 =	smul.u32 $0x2800, s9;
	s11 =	sadd.s32 $0x138000, s1;
	[dreg:$0x6] =	wrdreg s25  }
0xf: {  	s2 =	sadd.s32 s4, s16;
	[dreg:$0x7] =	wrdreg s26;
	s25 =	simm.s32 $0x1  }
.Ltmp0:
0x10: {  	s26 =	simm.s32 $0x2;
	[dreg:$0x4] =	wrdreg s2;
	(pc) =	sbr.rel .LBB2_1-.Ltmp0, $4  }
0x11: {  	s17 =	smax.u32 s13, $0x1;
	s2 =	stileid.u32;
	s10 =	sadd.s32 s8, s6  }
0x12: {  	s8 =	sadd.s32 s12, s8;
	s21 =	sshrl.u32 s15, $0x3;
	s9 =	sadd.s32 $0xF000, s10  }
0x13: {  	s10 =	sadd.s32 s20, s1;
	s23 =	sadd.s32 s12, s21;
	s20 =	simm.s32 $0x80  }
0x14: {  	s21 =	simm.s32 $0x17880;
	s14 =	sadd.s32 $0x280, s23;
	s23 =	simm.s32 $0x1B880  }
.LBB2_14:
0x15: {  	s6 =	sadd.s32 $0x27000, s6;
	s12 =	sshrl.u32 s11, $0x3  }
0x16: {  	[hbm:s6], [sflag:s13] =	dma.local [spmem:s12], $0x100  }
0x17: {  	_ =	swait.ge [sflag:s19], $0x100  }
0x18: {  	[sflag:s19] =	ssyncset.done $0x0  }
0x19: {  	[sflag:s19] =	ssyncadd.s32 $0xFFFFFF00  }
.LBB2_15:
0x1a: {  	s0 =	sadd.s32 $0x1, s0  }
0x1b: {  	p3 =	sne.s32 s0, s17  }
.Ltmp1:
0x1c: {  	_ = 	snop;
	(pc) =	sbr.rel @!p3 .LBB2_16-.Ltmp1, $1  }
0x1d: {  	_ =	sdelay $0x3  }
.LBB2_1:
0x1e: {  	[tilespmem:s18], [sflag:$0x3] =	stream.linear.gather [hbm4b:s8+s3], $0x1400, $0x38;
	[tilespmem:$0x1F880] =	vst v63  }
0x1f: {  	_ =	swait.ge [sflag:s19], $0x1400  }
0x20: {  	[sflag:s19] =	ssyncset.done $0x0  }
0x21: {  	[sflag:s19] =	ssyncadd.s32 $0xFFFFEC00  }
0x22: {  	[tilespmem:s21], [sflag:$0x1] =	stream.indirect.gather [hbm4b:s4+s20], $0x80, s18, s20, $0xb8;
	[tilespmem:$0x1F880] =	vst v63  }
0x23: {  	_ = 	snop  }
0x24: {  	[tilespmem:s23], [sflag:$0x2] =	stream.indirect.gather [hbm4b:s4+s20], $0x80, s22, s20, $0xb8;
	[tilespmem:$0x1F880] =	vst v63  }
.Ltmp2:
0x25: {  	s6 =	simm.s32 $0x15080;
	(pc) =	sbr.rel @p0 .LBB2_4-.Ltmp2, $4  }
0x26: {  	[tilespmem:s6], [sflag:$0x3] =	stream.linear.gather [hbm4b:s9+s3], $0x2800, $0x38;
	[tilespmem:$0x1F880] =	vst v63  }
0x27: {  	_ =	swait.ge [sflag:s19], $0x2800  }
0x28: {  	s15 =	sshll.u32 s2, $0x6;
	[sflag:s19] =	ssyncset.done $0x0  }
0x29: {  	s12 =	sshrl.u32 s10, $0x3;
	s13 =	sor.u32 $0x1C03, s15;
	[sflag:s19] =	ssyncadd.s32 $0xFFFFD800  }
.Ltmp3:
0x2a: {  	s16 =	sor.u32 $0x1C03, s15;
	s6 =	rddreg [dreg:$0x4];
	(pc) =	sbr.rel @p1 .LBB2_7-.Ltmp3, $4  }
0x2b: {  	[spmem:s12], [sflag:s16] =	dma.local [hbm:s6], $0x2700  }
0x2c: {  	_ =	swait.ge [sflag:s19], $0x2700  }
0x2d: {  	[sflag:s19] =	ssyncset.done $0x0  }
0x2e: {  	[sflag:s19] =	ssyncadd.s32 $0xFFFFD900  }
.Ltmp4:
0x2f: {  	(pc) =	sbr.rel .LBB2_6-.Ltmp4, $3  }
0x30: {  	_ =	sdelay $0x1  }
0x31: {  	s6 =	sshrl.u32 s11, $0x3;
	s24 =	rddreg [dreg:$0x5]  }
0x32: {  	[spmem:s6], [sflag:s16] =	dma.local [hbm:s24], $0x100  }
.LBB2_4:
.Ltmp5:
0x33: {  	(pc) =	sbr.rel @p1 .LBB2_7-.Ltmp5, $4  }
0x34: {  	[spmem:s12], [sflag:s13] =	dma.local [hbm:s5], $0x2700  }
0x35: {  	_ =	swait.ge [sflag:s19], $0x2700  }
0x36: {  	[sflag:s19] =	ssyncset.done $0x0  }
0x37: {  	[sflag:s19] =	ssyncadd.s32 $0xFFFFD900  }
0x38: {  	s6 =	sshrl.u32 s11, $0x3  }
0x39: {  	[spmem:s6], [sflag:s13] =	dma.local [hbm:s5], $0x100  }
.LBB2_6:
0x3a: {  	_ =	swait.ge [sflag:s19], $0x100  }
0x3b: {  	[sflag:s19] =	ssyncset.done $0x0  }
0x3c: {  	[sflag:s19] =	ssyncadd.s32 $0xFFFFFF00  }
.LBB2_7:
0x3d: {  	[bflag:$0x0] =	sbarrier.arrive $0xFFFF  }
0x3e: {  	_ =	swait.ge [sflag:s25], $0x4000  }
0x3f: {  	[sflag:s25] =	ssyncset.done $0x0  }
0x40: {  	s6 =	simm.s32 $0x15080;
	[sflag:s25] =	ssyncadd.s32 $0xFFFFC000  }
0x41: {  	[spmem:s1] =	stream.indirect.scatter.add.f32 [tilespmem:s21], [sflag:$0x3], $0x80, s6, s20, $0xb8;
	[tilespmem:$0x1F880] =	vst v63  }
0x42: {  	_ =	swait.ge [sflag:s19], $0x4000  }
0x43: {  	[sflag:s19] =	ssyncset.done $0x0  }
0x44: {  	s16 =	simm.s32 $0x13D80;
	[sflag:s19] =	ssyncadd.s32 $0xFFFFC000  }
0x45: {  	[tilespmem:s21], [sflag:$0x1] =	stream.indirect.gather [hbm4b:s4+s20], $0x80, s16, s20, $0xb8;
	[tilespmem:$0x1F880] =	vst v63  }
0x46: {  	_ =	swait.ge [sflag:s26], $0x4000  }
0x47: {  	[sflag:s26] =	ssyncset.done $0x0  }
0x48: {  	s24 =	simm.s32 $0x15100;
	[sflag:s26] =	ssyncadd.s32 $0xFFFFC000  }
0x49: {  	[spmem:s1] =	stream.indirect.scatter.add.f32 [tilespmem:s23], [sflag:$0x3], $0x80, s24, s20, $0xb8;
	[tilespmem:$0x1F880] =	vst v63  }
0x4a: {  	_ =	swait.ge [sflag:s19], $0x4000  }
0x4b: {  	[sflag:s19] =	ssyncset.done $0x0  }
0x4c: {  	s6 =	simm.s32 $0x13E00;
	s16 =	simm.s32 $0x400;
	[sflag:s19] =	ssyncadd.s32 $0xFFFFC000  }
.LBB2_8:
0x4d: {  	[tilespmem:s23], [sflag:$0x2] =	stream.indirect.gather [hbm4b:s4+s20], $0x80, s6, s20, $0xb8;
	[tilespmem:$0x1F880] =	vst v63  }
0x4e: {  	s6 =	smov.u32 s16  }
0x4f: {  	p3 =	sne.s32 s16, $0x4800;
	s16 =	sadd.s32 $0x400, s16;
	_ =	swait.ge [sflag:s25], $0x4000  }
0x50: {  	s6 =	sshra.s32 s6, $0x2;
	[sflag:s25] =	ssyncset.done $0x0  }
0x51: {  	s24 =	sadd.s32 $0x15080, s6;
	[sflag:s25] =	ssyncadd.s32 $0xFFFFC000  }
0x52: {  	[spmem:s1] =	stream.indirect.scatter.add.f32 [tilespmem:s21], [sflag:$0x3], $0x80, s24, s20, $0xb8;
	[tilespmem:$0x1F880] =	vst v63  }
0x53: {  	_ =	swait.ge [sflag:s19], $0x4000  }
0x54: {  	[sflag:s19] =	ssyncset.done $0x0  }
0x55: {  	s24 =	sadd.s32 $0x13D80, s6;
	[sflag:s19] =	ssyncadd.s32 $0xFFFFC000  }
0x56: {  	[tilespmem:s21], [sflag:$0x1] =	stream.indirect.gather [hbm4b:s4+s20], $0x80, s24, s20, $0xb8;
	[tilespmem:$0x1F880] =	vst v63  }
0x57: {  	_ =	swait.ge [sflag:s26], $0x4000  }
0x58: {  	[sflag:s26] =	ssyncset.done $0x0  }
.Ltmp6:
0x59: {  	s24 =	sadd.s32 $0x15100, s6;
	[sflag:s26] =	ssyncadd.s32 $0xFFFFC000;
	(pc) =	sbr.rel @p3 .LBB2_8-.Ltmp6, $4  }
0x5a: {  	[spmem:s1] =	stream.indirect.scatter.add.f32 [tilespmem:s23], [sflag:$0x3], $0x80, s24, s20, $0xb8;
	[tilespmem:$0x1F880] =	vst v63  }
0x5b: {  	_ =	swait.ge [sflag:s19], $0x4000  }
0x5c: {  	[sflag:s19] =	ssyncset.done $0x0  }
0x5d: {  	s6 =	sadd.s32 $0x13E00, s6;
	[sflag:s19] =	ssyncadd.s32 $0xFFFFC000  }
0x5e: {  	[tilespmem:s23], [sflag:$0x2] =	stream.indirect.gather [hbm4b:s4+s20], $0x80, s6, s20, $0xb8;
	[tilespmem:$0x1F880] =	vst v63  }
0x5f: {  	_ =	swait.ge [sflag:s25], $0x4000  }
0x60: {  	[sflag:s25] =	ssyncset.done $0x0  }
0x61: {  	[sflag:s25] =	ssyncadd.s32 $0xFFFFC000  }
0x62: {  	[spmem:s1] =	stream.indirect.scatter.add.f32 [tilespmem:s21], [sflag:$0x3], $0x80, s28, s20, $0xb8;
	[tilespmem:$0x1F880] =	vst v63  }
0x63: {  	_ =	swait.ge [sflag:s19], $0x4000  }
0x64: {  	[sflag:s19] =	ssyncset.done $0x0  }
0x65: {  	[sflag:s19] =	ssyncadd.s32 $0xFFFFC000  }
0x66: {  	_ =	swait.ge [sflag:s26], $0x4000  }
0x67: {  	[sflag:s26] =	ssyncset.done $0x0  }
0x68: {  	[sflag:s26] =	ssyncadd.s32 $0xFFFFC000  }
0x69: {  	[spmem:s1] =	stream.indirect.scatter.add.f32 [tilespmem:s23], [sflag:$0x3], $0x80, s29, s20, $0xb8;
	[tilespmem:$0x1F880] =	vst v63  }
0x6a: {  	_ =	swait.ge [sflag:s19], $0x4000  }
0x6b: {  	[sflag:s19] =	ssyncset.done $0x0  }
0x6c: {  	[sflag:s19] =	ssyncadd.s32 $0xFFFFC000  }
0x6d: {  	[tilespmem:s18], [sflag:$0x3] =	stream.linear.gather [hbm4b:s14+s3], $0x1400, $0x38;
	[tilespmem:$0x1F880] =	vst v63  }
0x6e: {  	_ =	swait.ge [sflag:s19], $0x1400  }
0x6f: {  	[sflag:s19] =	ssyncset.done $0x0  }
0x70: {  	[sflag:s19] =	ssyncadd.s32 $0xFFFFEC00  }
0x71: {  	[tilespmem:s21], [sflag:$0x1] =	stream.indirect.gather [hbm4b:s4+s20], $0x80, s18, s20, $0xb8;
	[tilespmem:$0x1F880] =	vst v63  }
0x72: {  	_ = 	snop  }
0x73: {  	[tilespmem:s23], [sflag:$0x2] =	stream.indirect.gather [hbm4b:s4+s20], $0x80, s22, s20, $0xb8;
	[tilespmem:$0x1F880] =	vst v63  }
0x74: {  	_ =	swait.ge [sflag:s25], $0x4000  }
0x75: {  	[sflag:s25] =	ssyncset.done $0x0  }
0x76: {  	s24 =	simm.s32 $0x16480;
	[sflag:s25] =	ssyncadd.s32 $0xFFFFC000  }
0x77: {  	[spmem:s1] =	stream.indirect.scatter.add.f32 [tilespmem:s21], [sflag:$0x3], $0x80, s24, s20, $0xb8;
	[tilespmem:$0x1F880] =	vst v63  }
0x78: {  	_ =	swait.ge [sflag:s19], $0x4000  }
0x79: {  	[sflag:s19] =	ssyncset.done $0x0  }
0x7a: {  	s16 =	simm.s32 $0x13D80;
	[sflag:s19] =	ssyncadd.s32 $0xFFFFC000  }
0x7b: {  	[tilespmem:s21], [sflag:$0x1] =	stream.indirect.gather [hbm4b:s4+s20], $0x80, s16, s20, $0xb8;
	[tilespmem:$0x1F880] =	vst v63  }
0x7c: {  	_ =	swait.ge [sflag:s26], $0x4000  }
0x7d: {  	[sflag:s26] =	ssyncset.done $0x0  }
0x7e: {  	s24 =	simm.s32 $0x16500;
	[sflag:s26] =	ssyncadd.s32 $0xFFFFC000  }
0x7f: {  	[spmem:s1] =	stream.indirect.scatter.add.f32 [tilespmem:s23], [sflag:$0x3], $0x80, s24, s20, $0xb8;
	[tilespmem:$0x1F880] =	vst v63  }
0x80: {  	_ =	swait.ge [sflag:s19], $0x4000  }
0x81: {  	[sflag:s19] =	ssyncset.done $0x0  }
0x82: {  	s6 =	simm.s32 $0x13E00;
	s16 =	simm.s32 $0xFFFFB800;
	[sflag:s19] =	ssyncadd.s32 $0xFFFFC000  }
.LBB2_10:
0x83: {  	[tilespmem:s23], [sflag:$0x2] =	stream.indirect.gather [hbm4b:s4+s20], $0x80, s6, s20, $0xb8;
	[tilespmem:$0x1F880] =	vst v63  }
0x84: {  	s6 =	smov.u32 s16  }
0x85: {  	p3 =	sne.s32 s16, $0xFFFFFC00;
	s16 =	sadd.s32 $0x400, s16;
	_ =	swait.ge [sflag:s25], $0x4000  }
0x86: {  	s6 =	sshra.s32 s6, $0x2;
	[sflag:s25] =	ssyncset.done $0x0  }
0x87: {  	s24 =	sadd.s32 $0x17780, s6;
	[sflag:s25] =	ssyncadd.s32 $0xFFFFC000  }
0x88: {  	[spmem:s1] =	stream.indirect.scatter.add.f32 [tilespmem:s21], [sflag:$0x3], $0x80, s24, s20, $0xb8;
	[tilespmem:$0x1F880] =	vst v63  }
0x89: {  	_ =	swait.ge [sflag:s19], $0x4000  }
0x8a: {  	[sflag:s19] =	ssyncset.done $0x0  }
0x8b: {  	s24 =	sadd.s32 $0x15080, s6;
	[sflag:s19] =	ssyncadd.s32 $0xFFFFC000  }
0x8c: {  	[tilespmem:s21], [sflag:$0x1] =	stream.indirect.gather [hbm4b:s4+s20], $0x80, s24, s20, $0xb8;
	[tilespmem:$0x1F880] =	vst v63  }
0x8d: {  	_ =	swait.ge [sflag:s26], $0x4000  }
0x8e: {  	[sflag:s26] =	ssyncset.done $0x0  }
.Ltmp7:
0x8f: {  	s24 =	sadd.s32 $0x17800, s6;
	[sflag:s26] =	ssyncadd.s32 $0xFFFFC000;
	(pc) =	sbr.rel @p3 .LBB2_10-.Ltmp7, $4  }
0x90: {  	[spmem:s1] =	stream.indirect.scatter.add.f32 [tilespmem:s23], [sflag:$0x3], $0x80, s24, s20, $0xb8;
	[tilespmem:$0x1F880] =	vst v63  }
0x91: {  	_ =	swait.ge [sflag:s19], $0x4000  }
0x92: {  	[sflag:s19] =	ssyncset.done $0x0  }
0x93: {  	s6 =	sadd.s32 $0x15100, s6;
	[sflag:s19] =	ssyncadd.s32 $0xFFFFC000  }
0x94: {  	[tilespmem:s23], [sflag:$0x2] =	stream.indirect.gather [hbm4b:s4+s20], $0x80, s6, s20, $0xb8;
	[tilespmem:$0x1F880] =	vst v63  }
0x95: {  	_ =	swait.ge [sflag:s25], $0x4000  }
0x96: {  	[sflag:s25] =	ssyncset.done $0x0  }
0x97: {  	[sflag:s25] =	ssyncadd.s32 $0xFFFFC000  }
0x98: {  	[spmem:s1] =	stream.indirect.scatter.add.f32 [tilespmem:s21], [sflag:$0x3], $0x80, s30, s20, $0xb8;
	[tilespmem:$0x1F880] =	vst v63  }
0x99: {  	_ =	swait.ge [sflag:s19], $0x4000  }
0x9a: {  	[sflag:s19] =	ssyncset.done $0x0  }
0x9b: {  	[sflag:s19] =	ssyncadd.s32 $0xFFFFC000  }
0x9c: {  	_ =	swait.ge [sflag:s26], $0x4000  }
0x9d: {  	[sflag:s26] =	ssyncset.done $0x0  }
0x9e: {  	[sflag:s26] =	ssyncadd.s32 $0xFFFFC000  }
0x9f: {  	[spmem:s1] =	stream.indirect.scatter.add.f32 [tilespmem:s23], [sflag:$0x3], $0x80, s31, s20, $0xb8;
	[tilespmem:$0x1F880] =	vst v63  }
.Ltmp8:
0xa0: {  	_ =	swait.ge [sflag:s19], $0x4000;
	(pc) =	sbr.rel @p0 .LBB2_13-.Ltmp8, $3  }
0xa1: {  	[sflag:s19] =	ssyncset.done $0x0  }
0xa2: {  	[sflag:s19] =	ssyncadd.s32 $0xFFFFC000  }
0xa3: {  	[bflag:$0x0] =	sbarrier.arrive $0xFFFF;
	_ =	sdelay $0x1  }
0xa4: {  	s13 =	sor.u32 $0x1C03, s15;
	s6 =	rddreg [dreg:$0x7]  }
0xa5: {  	[hbm:s6], [sflag:s13] =	dma.local [spmem:s12], $0x2700  }
.Ltmp9:
0xa6: {  	_ = 	snop;
	(pc) =	sbr.rel @!p2 .LBB2_15-.Ltmp9, $4  }
.Ltmp10:
0xa7: {  	_ = 	snop;
	(pc) =	sbr.rel @p2 .LBB2_14-.Ltmp10, $4  }
0xa8: {  	_ =	swait.ge [sflag:s19], $0x2700  }
0xa9: {  	[sflag:s19] =	ssyncset.done $0x0  }
0xaa: {  	s6 =	rddreg [dreg:$0x3];
	[sflag:s19] =	ssyncadd.s32 $0xFFFFD900  }
0xab: {  	_ = 	snop  }
.LBB2_13:
0xac: {  	s6 =	rddreg [dreg:$0x6]  }
0xad: {  	[hbm:s6], [sflag:s13] =	dma.local [spmem:s12], $0x2700  }
.Ltmp11:
0xae: {  	_ = 	snop;
	(pc) =	sbr.rel @p1 .LBB2_15-.Ltmp11, $4  }
.Ltmp12:
0xaf: {  	_ = 	snop;
	(pc) =	sbr.rel @!p1 .LBB2_14-.Ltmp12, $4  }
0xb0: {  	_ =	swait.ge [sflag:s19], $0x2700  }
0xb1: {  	[sflag:s19] =	ssyncset.done $0x0  }
0xb2: {  	s6 =	smov.u32 s7;
	[sflag:s19] =	ssyncadd.s32 $0xFFFFD900  }
0xb3: {  	_ = 	snop  }
.LBB2_16:
0xb4: {  	_ =	sfence.sel $0x180000  }
0xb5: {  	[bflag:$0x0] =	sbarrier.arrive $0xFFFF  }
0xb6: {  	_ =	strace $0x90000050  }
0xb7: {  	[bflag:$0x2] =	sbarrier.arrive $0xFFFF  }
0xb8: {  	s0 =	rddreg [dreg:$0x2]  }
0xb9: {  	s0 =	sadd.s32 @!p1 $0x100000, s0  }
0xba: {  	[sflag:s0] =	ssyncadd.tile.s32 @!p1 $0x1;
	_ =	shalt  }
.Lfunc_end2:
_tile_overlayer_lowered:
.L_overlay_start_2:
0xbb: {  	(tag) =	ssettag $0x2  }
0xbc: {  	s0 =	rddreg [dreg:$0x0];
	s2 =	stileid.u32  }
0xbd: {  	s1 =	rddreg [dreg:$0x1];
	p0 =	sne.s32 s2, $0x0  }
0xbe: {  	s3 =	rddreg [dreg:$0x2];
	[bflag:$0x3] =	sbarrier.arrive $0xFFFF;
	s2 =	simm.s32 @!p0 $0x1C03  }
0xbf: {  	[timem:s3], [sflag:s2] =	dma.local @!p0 [hbm:s0], s1  }
0xc0: {  	s0 =	simm.s32 @!p0 $0x3  }
0xc1: {  	_ =	swait.ge @!p0 [sflag:s0], s1  }
0xc2: {  	s1 =	ssub.s32 @!p0 $0x0, s1;
	[sflag:s0] =	ssyncset.done @!p0 $0x0  }
0xc3: {  	[sflag:s0] =	ssyncadd.s32 @!p0 s1  }
0xc4: {  	[bflag:$0x3] =	sbarrier.arrive $0xFFFF  }
0xc5: {  	_ =	shalt  }

</sc_bundles>
